<compile_context>
chip_gen: v7x
topology: tpu7x:2x2x1
jax: 0.10.2.dev20260603
libtpu: 0.0.44.dev20260713+nightly
codegen_flags: <defaults>
</compile_context>

<pallas_src>
import functools

import jax
import jax.numpy as jnp
from jax import lax
from jax.experimental import pallas as pl
from jax.experimental.pallas import tpu as pltpu
from jax.experimental.pallas import tpu_sc as plsc

N_NODES = 10000
D = 128

NC = 2
NS = 16
NW = NC * NS

CHUNK = 64
RB = 160
EPW = RB * CHUNK
E_PAD = NW * EPW
NPAD = 10112
ROWS_PER_TILE = NPAD // NS
NDUMMY = 96
GN = 4
IN_ = 8
UNROLL = 8
HSZ = NPAD


def _enc_body(x_ref, w_ref, b_ref, o_ref):
    o_ref[...] = (
        jnp.dot(x_ref[...], w_ref[...], preferred_element_type=jnp.float32)
        + b_ref[...]
    )


def _encoder(x, w_t, b2):
    blk = 1000
    return pl.pallas_call(
        _enc_body,
        grid=(N_NODES // blk,),
        in_specs=[
            pl.BlockSpec((blk, D), lambda i: (i, 0)),
            pl.BlockSpec((D, D), lambda i: (0, 0)),
            pl.BlockSpec((1, D), lambda i: (0, 0)),
        ],
        out_specs=pl.BlockSpec((blk, D), lambda i: (i, 0)),
        out_shape=jax.ShapeDtypeStruct((N_NODES, D), jnp.float32),
    )(x, w_t, b2)


def _sc_body(h_hbm, edge_hbm, tail_hbm, msg_out, cnt_out,
             ibuf, gbuf, hist,
             g0, g1, g2, g3, i0, i1, i2, i3, i4, i5, i6, i7,
             msg_sh):
    gsems = (g0, g1, g2, g3)
    isems = (i0, i1, i2, i3, i4, i5, i6, i7)
    c = lax.axis_index("c")
    s = lax.axis_index("s")
    wid = c * NS + s
    ebase = wid * EPW

    def stage_idx(t_chunk, slot):
        @pl.when(wid < NW - 1)
        def _():
            off = ebase + t_chunk * CHUNK
            pltpu.make_async_copy(
                edge_hbm.at[0, pl.ds(off, CHUNK)], ibuf.at[slot, 0],
                isems[slot]).start()
            pltpu.make_async_copy(
                edge_hbm.at[1, pl.ds(off, CHUNK)], ibuf.at[slot, 1],
                isems[slot]).start()

        @pl.when(wid == NW - 1)
        def _():
            off = t_chunk * CHUNK
            pltpu.make_async_copy(
                tail_hbm.at[0, pl.ds(off, CHUNK)], ibuf.at[slot, 0],
                isems[slot]).start()
            pltpu.make_async_copy(
                tail_hbm.at[1, pl.ds(off, CHUNK)], ibuf.at[slot, 1],
                isems[slot]).start()

    def wait_idx(slot):
        for half in range(2):
            pltpu.make_async_copy(
                edge_hbm.at[0, pl.ds(0, CHUNK)], ibuf.at[slot, half],
                isems[slot]).wait()

    z16 = jnp.zeros((16,), jnp.float32)

    def zero_hist(i, carry):
        hist[pl.ds(i * 16, 16)] = z16
        return carry

    lax.fori_loop(0, HSZ // 16, zero_hist, 0)

    for t in range(IN_):
        stage_idx(t, t)

    def zero_tile(i, carry):
        for j in range(D // 16):
            gbuf[0, i, pl.ds(j * 16, 16)] = z16
        return carry

    lax.fori_loop(0, 16, zero_tile, 0)
    zt = gbuf.at[0, pl.ds(0, 16)]
    base = s * ROWS_PER_TILE
    nz = ROWS_PER_TILE // 16

    def zstart(k, carry):
        pltpu.make_async_copy(
            zt, msg_sh.at[pl.ds(base + k * 16, 16)], gsems[0]).start()
        return carry

    def zwait(k, carry):
        pltpu.make_async_copy(
            zt, msg_sh.at[pl.ds(base + k * 16, 16)], gsems[0]).wait()
        return carry

    lax.fori_loop(0, nz, zstart, 0)
    lax.fori_loop(0, nz, zwait, 0)
    rem = ROWS_PER_TILE % 16
    if rem:
        pltpu.sync_copy(
            gbuf.at[0, pl.ds(0, rem)],
            msg_sh.at[pl.ds(base + ROWS_PER_TILE - rem, rem)],
        )

    for q in range(GN):
        wait_idx(q)
        pltpu.make_async_copy(
            h_hbm.at[ibuf.at[q, 0]], gbuf.at[q], gsems[q]
        ).start()
    plsc.subcore_barrier()

    one16 = jnp.full((16,), 1.0, jnp.float32)
    n_outer = RB // UNROLL

    def outer(gg, carry):
        for b in range(UNROLL):
            g = gg * UNROLL + b
            q = b % GN
            pltpu.make_async_copy(
                h_hbm.at[ibuf.at[b, 0]], gbuf.at[q], gsems[q]
            ).wait()
            pltpu.async_copy(
                gbuf.at[q], msg_sh.at[ibuf.at[b, 1]], gsems[q], add=True
            )
            for k in range(CHUNK // 16):
                dv = ibuf[b, 1, pl.ds(k * 16, 16)]
                plsc.addupdate_scatter(hist, [dv], one16)
            pltpu.make_async_copy(
                gbuf.at[q], msg_sh.at[ibuf.at[b, 1]], gsems[q]
            ).wait()

            @pl.when(g + IN_ < RB)
            def _():
                stage_idx(g + IN_, b)

            @pl.when(g + GN < RB)
            def _():
                nslot = (b + GN) % IN_
                wait_idx(nslot)
                pltpu.make_async_copy(
                    h_hbm.at[ibuf.at[nslot, 0]], gbuf.at[q], gsems[q]
                ).start()
        return carry

    lax.fori_loop(0, n_outer, outer, 0)
    plsc.subcore_barrier()

    pltpu.sync_copy(
        msg_sh.at[pl.ds(base, ROWS_PER_TILE)],
        msg_out.at[c, pl.ds(base, ROWS_PER_TILE)],
    )
    pltpu.sync_copy(hist, cnt_out.at[wid])


_sc_scatter = functools.partial(
    pl.kernel,
    out_type=(
        jax.ShapeDtypeStruct((NC, NPAD, D), jnp.float32),
        jax.ShapeDtypeStruct((NW, HSZ), jnp.float32),
    ),
    mesh=plsc.VectorSubcoreMesh(core_axis_name="c", subcore_axis_name="s"),
    compiler_params=pltpu.CompilerParams(needs_layout_passes=False),
    scratch_types=[
        pltpu.VMEM((IN_, 2, CHUNK), jnp.int32),
        pltpu.VMEM((GN, CHUNK, D), jnp.float32),
        pltpu.VMEM((HSZ,), jnp.float32),
    ] + [pltpu.SemaphoreType.DMA] * (GN + IN_) + [
        pltpu.VMEM_SHARED((NPAD, D), jnp.float32),
    ],
)(_sc_body)


def _comb_body(h_ref, m0, m1, c_ref, wt, b2, wa, ba, o_ref):
    h = h_ref[...]
    xsum = m0[...][0] + m1[...][0]
    cnt = jnp.sum(c_ref[...], axis=0)[:, None]
    msg = (
        jnp.dot(xsum, wt[...], preferred_element_type=jnp.float32)
        + cnt * b2[...]
    )
    neigh = msg / jnp.maximum(cnt, 1.0)
    h2 = h + jnp.where(cnt > 0.0, neigh, h)
    z = jnp.sum(h2 * wa[...], axis=1, keepdims=True)
    attn = jax.nn.sigmoid(z + ba[0, 0])
    o_ref[...] = h2 * attn


def _combine(h, msg_p, cnt_p, wt, b2, w_attn, b_attn2):
    blk = 2560
    return pl.pallas_call(
        _comb_body,
        grid=((N_NODES + blk - 1) // blk,),
        in_specs=[
            pl.BlockSpec((blk, D), lambda i: (i, 0)),
            pl.BlockSpec((1, blk, D), lambda i: (0, i, 0)),
            pl.BlockSpec((1, blk, D), lambda i: (1, i, 0)),
            pl.BlockSpec((NW, blk), lambda i: (0, i)),
            pl.BlockSpec((D, D), lambda i: (0, 0)),
            pl.BlockSpec((1, D), lambda i: (0, 0)),
            pl.BlockSpec((1, D), lambda i: (0, 0)),
            pl.BlockSpec((1, 1), lambda i: (0, 0)),
        ],
        out_specs=pl.BlockSpec((blk, D), lambda i: (i, 0)),
        out_shape=jax.ShapeDtypeStruct((N_NODES, D), jnp.float32),
    )(h, msg_p, msg_p, cnt_p, wt, b2, w_attn, b_attn2)


def kernel(x, edge_index, W_enc, b_enc, W_attn, b_attn):
    e32 = edge_index.astype(jnp.int32)
    n_edges = e32.shape[1]
    tail_real = n_edges - (NW - 1) * EPW
    pad = EPW - tail_real
    ar = jnp.arange(pad, dtype=jnp.int32)
    tail = jnp.concatenate(
        [e32[:, (NW - 1) * EPW:],
         jnp.stack([(ar * 131) % N_NODES, N_NODES + (ar % NDUMMY)])],
        axis=1,
    )

    wt = W_enc.T
    b2 = b_enc.reshape(1, D)
    h = _encoder(x, wt, b2)
    xsum_p, cnt_p = _sc_scatter(x, e32, tail)
    return _combine(h, xsum_p, cnt_p, wt, b2, W_attn, b_attn.reshape(1, 1))

# --- scband reference (transcript-rebuilt; emitter-appended) ---
"""Pipeline reference for scband-graph-qnn-gen165-65481071399079 (READ-ONLY COPY).

The authoritative reference and input builder live on the scoring server;
editing this copy changes nothing except your own understanding.
"""

import jax, jax.numpy as jnp
import numpy as np

N_NODES = 10000
N_EDGES = 320000
D_IN = 128
D_HID = 128


def setup_inputs(seed: int = 0) -> dict:
    key = jax.random.key(seed)
    k1, k2, k3, k4, k5, k6 = jax.random.split(key, 6)
    x = jax.random.normal(k1, (N_NODES, D_IN), dtype=jnp.float32)
    edge_index = jax.random.randint(k2, (2, N_EDGES), 0, N_NODES, dtype=jnp.int64)
    W_enc = jax.random.normal(k3, (D_HID, D_IN), dtype=jnp.float32) * (1.0 / np.sqrt(D_IN))
    b_enc = jax.random.normal(k4, (D_HID,), dtype=jnp.float32) * 0.01
    W_attn = jax.random.normal(k5, (1, D_HID), dtype=jnp.float32) * (1.0 / np.sqrt(D_HID))
    b_attn = jax.random.normal(k6, (1,), dtype=jnp.float32) * 0.01
    return {"x": x, "edge_index": edge_index, "W_enc": W_enc, "b_enc": b_enc, "W_attn": W_attn, "b_attn": b_attn}


def reference(x, edge_index, W_enc, b_enc, W_attn, b_attn):
    # encoder: Linear(in_features, hidden_dim)
    h = x @ W_enc.T + b_enc
    src = edge_index[0]
    dst = edge_index[1]
    n = x.shape[0]
    # one message-passing step: mean over neighbor embeddings
    msg_sum = jax.ops.segment_sum(h[src], dst, num_segments=n)
    cnt = jax.ops.segment_sum(jnp.ones((src.shape[0],), dtype=h.dtype), dst, num_segments=n)
    denom = jnp.maximum(cnt, 1.0)[:, None]
    neigh_mean = msg_sum / denom
    # nodes with no neighbors keep their own embedding
    new_h = jnp.where(cnt[:, None] > 0, neigh_mean, h)
    h = h + new_h
    # attention gate
    attn = jax.nn.sigmoid(h @ W_attn.T + b_attn)
    h = h * attn
    return h

if __name__ == "__main__":
    import jax
    _d = setup_inputs()
    print(jax.jit(kernel)(*tuple(_d.values())))

</pallas_src>

<mosaic_0001>
#map = affine_map<(d0, d1) -> (0, 0)>
#map1 = affine_map<(d0, d1) -> (0, 0, 0)>
module attributes {stable_mosaic.version = 14 : i64} {
  func.func @_sc_body(%arg0: i32, %arg1: i32, %arg2: memref<10000x128xf32, #tpu.memory_space<hbm>>, %arg3: memref<2x320000xi32, #tpu.memory_space<hbm>>, %arg4: memref<2x10240xi32, #tpu.memory_space<hbm>>, %arg5: memref<2x10112x128xf32, #tpu.memory_space<hbm>>, %arg6: memref<32x10112xf32, #tpu.memory_space<hbm>>, %arg7: memref<8x2x64xi32, #tpu.memory_space<vmem>>, %arg8: memref<4x64x128xf32, #tpu.memory_space<vmem>>, %arg9: memref<10112xf32, #tpu.memory_space<vmem>>, %arg10: memref<!tpu.dma_semaphore, #tpu.memory_space<semaphore_mem>>, %arg11: memref<!tpu.dma_semaphore, #tpu.memory_space<semaphore_mem>>, %arg12: memref<!tpu.dma_semaphore, #tpu.memory_space<semaphore_mem>>, %arg13: memref<!tpu.dma_semaphore, #tpu.memory_space<semaphore_mem>>, %arg14: memref<!tpu.dma_semaphore, #tpu.memory_space<semaphore_mem>>, %arg15: memref<!tpu.dma_semaphore, #tpu.memory_space<semaphore_mem>>, %arg16: memref<!tpu.dma_semaphore, #tpu.memory_space<semaphore_mem>>, %arg17: memref<!tpu.dma_semaphore, #tpu.memory_space<semaphore_mem>>, %arg18: memref<!tpu.dma_semaphore, #tpu.memory_space<semaphore_mem>>, %arg19: memref<!tpu.dma_semaphore, #tpu.memory_space<semaphore_mem>>, %arg20: memref<!tpu.dma_semaphore, #tpu.memory_space<semaphore_mem>>, %arg21: memref<!tpu.dma_semaphore, #tpu.memory_space<semaphore_mem>>, %arg22: memref<10112x128xf32, #tpu.memory_space<vmem_shared>>) attributes {dimension_semantics = [#tpu.dimension_semantics<core_parallel>, #tpu.dimension_semantics<subcore_parallel>], iteration_bounds = array<i64: 2, 16>, scalar_prefetch = 0 : i64, scratch_operands = 16 : i64, tpu.core_type = #tpu.core_type<sc_vector_subcore>, window_params = [{transform_indices = #map}, {transform_indices = #map}, {transform_indices = #map}, {transform_indices = #map1}, {transform_indices = #map}]} {
    %mul3A = arith.constant 16 : i32
    %mul3A_0 = arith.muli %arg0, %mul3A : i32
    %add3A = arith.addi %mul3A_0, %arg1 : i32
    %mul3A_1 = arith.constant 10240 : i32
    %mul3A_2 = arith.muli %add3A, %mul3A_1 : i32
    %broadcast_in_dim3A = arith.constant 0.000000e+00 : f32
    %broadcast_in_dim3A_3 = vector.broadcast %broadcast_in_dim3A : f32 to vector<16xf32>
    %scan3A = arith.constant 0 : i32
    %scan3A_4 = arith.constant 0 : i32
    %scan3A_5 = arith.constant 632 : i32
    %scan3A_6 = arith.addi %scan3A_4, %scan3A_5 : i32
    %scan3A_7 = arith.constant 1 : i32
    scf.for %scan3A_289 = %scan3A_4 to %scan3A_6 step %scan3A_7  : i32 {
      %mul3A_290 = arith.constant 16 : i32
      %mul3A_291 = arith.muli %scan3A_289, %mul3A_290 : i32
      %swap3A = arith.index_cast %mul3A_291 : i32 to index
      %swap3A_292 = tpu.vector_load %arg9[%swap3A] {strides = array<i32>} : memref<10112xf32, #tpu.memory_space<vmem>>, vector<16xf32>,
      tpu.vector_store %arg9[%swap3A], %broadcast_in_dim3A_3 {strides = array<i32>} : memref<10112xf32, #tpu.memory_space<vmem>>, vector<16xf32>,
    }
    %scan3A_8 = arith.constant 632 : i32
    %lt3A = arith.constant 31 : i32
    %lt3A_9 = arith.cmpi slt, %add3A, %lt3A : i32
    %convert_element_type3A = arith.extui %lt3A_9 : i1 to i32
    %cond3A = arith.constant 0 : i32
    %cond3A_10 = arith.cmpi ne, %convert_element_type3A, %cond3A : i32
    scf.if %cond3A_10 {
      %add3A_289 = arith.constant 0 : i32
      %add3A_290 = arith.addi %mul3A_2, %add3A_289 : i32
      %dma_start3A_291 = arith.constant 0 : i32
      %dma_start3A_292 = arith.constant 0 : i32
      %dma_start3A_293 = arith.constant 0 : i32
      %dma_start3A_294 = arith.constant 0 : i32
      %dma_start3A_295 = tpu.memref_slice %arg7[%dma_start3A_292, %dma_start3A_293, %dma_start3A_294] : memref<8x2x64xi32, #tpu.memory_space<vmem>> -> memref<1x1x64xi32, #tpu.memory_space<vmem>>
      %dma_start3A_296 = tpu.memref_squeeze %dma_start3A_295 : memref<1x1x64xi32, #tpu.memory_space<vmem>> -> memref<64xi32, #tpu.memory_space<vmem>>
      %dma_start3A_297 = tpu.memref_slice %arg3[%dma_start3A_291, %add3A_290] : memref<2x320000xi32, #tpu.memory_space<hbm>> -> memref<1x64xi32, #tpu.memory_space<hbm>>
      %dma_start3A_298 = tpu.memref_squeeze %dma_start3A_297 : memref<1x64xi32, #tpu.memory_space<hbm>> -> memref<64xi32, #tpu.memory_space<hbm>>
      %dma_start3A_299 = arith.constant 0 : i32
      %dma_start3A_300 = tpu.memref_slice %arg7[%dma_start3A_292, %dma_start3A_293, %dma_start3A_299] : memref<8x2x64xi32, #tpu.memory_space<vmem>> -> memref<1x1x64xi32, #tpu.memory_space<vmem>>
      %dma_start3A_301 = tpu.memref_squeeze %dma_start3A_300 : memref<1x1x64xi32, #tpu.memory_space<vmem>> -> memref<64xi32, #tpu.memory_space<vmem>>
      %dma_start3A_302 = tpu.memref_slice %arg3[%dma_start3A_291, %add3A_290] : memref<2x320000xi32, #tpu.memory_space<hbm>> -> memref<1x64xi32, #tpu.memory_space<hbm>>
      %dma_start3A_303 = tpu.memref_squeeze %dma_start3A_302 : memref<1x64xi32, #tpu.memory_space<hbm>> -> memref<64xi32, #tpu.memory_space<hbm>>
      tpu.enqueue_dma source(%dma_start3A_303 : memref<64xi32, #tpu.memory_space<hbm>>) target(%dma_start3A_301 : memref<64xi32, #tpu.memory_space<vmem>>) target_semaphore(%arg14 : memref<!tpu.dma_semaphore, #tpu.memory_space<semaphore_mem>>)
      %dma_start3A_304 = arith.constant 1 : i32
      %dma_start3A_305 = arith.constant 0 : i32
      %dma_start3A_306 = arith.constant 1 : i32
      %dma_start3A_307 = arith.constant 0 : i32
      %dma_start3A_308 = tpu.memref_slice %arg7[%dma_start3A_305, %dma_start3A_306, %dma_start3A_307] : memref<8x2x64xi32, #tpu.memory_space<vmem>> -> memref<1x1x64xi32, #tpu.memory_space<vmem>>
      %dma_start3A_309 = tpu.memref_squeeze %dma_start3A_308 : memref<1x1x64xi32, #tpu.memory_space<vmem>> -> memref<64xi32, #tpu.memory_space<vmem>>
      %dma_start3A_310 = tpu.memref_slice %arg3[%dma_start3A_304, %add3A_290] : memref<2x320000xi32, #tpu.memory_space<hbm>> -> memref<1x64xi32, #tpu.memory_space<hbm>>
      %dma_start3A_311 = tpu.memref_squeeze %dma_start3A_310 : memref<1x64xi32, #tpu.memory_space<hbm>> -> memref<64xi32, #tpu.memory_space<hbm>>
      %dma_start3A_312 = arith.constant 0 : i32
      %dma_start3A_313 = tpu.memref_slice %arg7[%dma_start3A_305, %dma_start3A_306, %dma_start3A_312] : memref<8x2x64xi32, #tpu.memory_space<vmem>> -> memref<1x1x64xi32, #tpu.memory_space<vmem>>
      %dma_start3A_314 = tpu.memref_squeeze %dma_start3A_313 : memref<1x1x64xi32, #tpu.memory_space<vmem>> -> memref<64xi32, #tpu.memory_space<vmem>>
      %dma_start3A_315 = tpu.memref_slice %arg3[%dma_start3A_304, %add3A_290] : memref<2x320000xi32, #tpu.memory_space<hbm>> -> memref<1x64xi32, #tpu.memory_space<hbm>>
      %dma_start3A_316 = tpu.memref_squeeze %dma_start3A_315 : memref<1x64xi32, #tpu.memory_space<hbm>> -> memref<64xi32, #tpu.memory_space<hbm>>
      tpu.enqueue_dma source(%dma_start3A_316 : memref<64xi32, #tpu.memory_space<hbm>>) target(%dma_start3A_314 : memref<64xi32, #tpu.memory_space<vmem>>) target_semaphore(%arg14 : memref<!tpu.dma_semaphore, #tpu.memory_space<semaphore_mem>>)
    } else {
    }
    %eq3A = arith.constant 31 : i32
    %eq3A_11 = arith.cmpi eq, %add3A, %eq3A : i32
    %convert_element_type3A_12 = arith.extui %eq3A_11 : i1 to i32
    %cond3A_13 = arith.constant 0 : i32
    %cond3A_14 = arith.cmpi ne, %convert_element_type3A_12, %cond3A_13 : i32
    scf.if %cond3A_14 {
      %dma_start3A_289 = arith.constant 0 : i32
      %dma_start3A_290 = arith.constant 0 : i32
      %dma_start3A_291 = arith.constant 0 : i32
      %dma_start3A_292 = arith.constant 0 : i32
      %dma_start3A_293 = tpu.memref_slice %arg7[%dma_start3A_290, %dma_start3A_291, %dma_start3A_292] : memref<8x2x64xi32, #tpu.memory_space<vmem>> -> memref<1x1x64xi32, #tpu.memory_space<vmem>>
      %dma_start3A_294 = tpu.memref_squeeze %dma_start3A_293 : memref<1x1x64xi32, #tpu.memory_space<vmem>> -> memref<64xi32, #tpu.memory_space<vmem>>
      %dma_start3A_295 = arith.constant 0 : i32
      %dma_start3A_296 = tpu.memref_slice %arg4[%dma_start3A_289, %dma_start3A_295] : memref<2x10240xi32, #tpu.memory_space<hbm>> -> memref<1x64xi32, #tpu.memory_space<hbm>>
      %dma_start3A_297 = tpu.memref_squeeze %dma_start3A_296 : memref<1x64xi32, #tpu.memory_space<hbm>> -> memref<64xi32, #tpu.memory_space<hbm>>
      %dma_start3A_298 = arith.constant 0 : i32
      %dma_start3A_299 = tpu.memref_slice %arg7[%dma_start3A_290, %dma_start3A_291, %dma_start3A_298] : memref<8x2x64xi32, #tpu.memory_space<vmem>> -> memref<1x1x64xi32, #tpu.memory_space<vmem>>
      %dma_start3A_300 = tpu.memref_squeeze %dma_start3A_299 : memref<1x1x64xi32, #tpu.memory_space<vmem>> -> memref<64xi32, #tpu.memory_space<vmem>>
      %dma_start3A_301 = arith.constant 0 : i32
      %dma_start3A_302 = tpu.memref_slice %arg4[%dma_start3A_289, %dma_start3A_301] : memref<2x10240xi32, #tpu.memory_space<hbm>> -> memref<1x64xi32, #tpu.memory_space<hbm>>
      %dma_start3A_303 = tpu.memref_squeeze %dma_start3A_302 : memref<1x64xi32, #tpu.memory_space<hbm>> -> memref<64xi32, #tpu.memory_space<hbm>>
      tpu.enqueue_dma source(%dma_start3A_303 : memref<64xi32, #tpu.memory_space<hbm>>) target(%dma_start3A_300 : memref<64xi32, #tpu.memory_space<vmem>>) target_semaphore(%arg14 : memref<!tpu.dma_semaphore, #tpu.memory_space<semaphore_mem>>)
      %dma_start3A_304 = arith.constant 1 : i32
      %dma_start3A_305 = arith.constant 0 : i32
      %dma_start3A_306 = arith.constant 1 : i32
      %dma_start3A_307 = arith.constant 0 : i32
      %dma_start3A_308 = tpu.memref_slice %arg7[%dma_start3A_305, %dma_start3A_306, %dma_start3A_307] : memref<8x2x64xi32, #tpu.memory_space<vmem>> -> memref<1x1x64xi32, #tpu.memory_space<vmem>>
      %dma_start3A_309 = tpu.memref_squeeze %dma_start3A_308 : memref<1x1x64xi32, #tpu.memory_space<vmem>> -> memref<64xi32, #tpu.memory_space<vmem>>
      %dma_start3A_310 = arith.constant 0 : i32
      %dma_start3A_311 = tpu.memref_slice %arg4[%dma_start3A_304, %dma_start3A_310] : memref<2x10240xi32, #tpu.memory_space<hbm>> -> memref<1x64xi32, #tpu.memory_space<hbm>>
      %dma_start3A_312 = tpu.memref_squeeze %dma_start3A_311 : memref<1x64xi32, #tpu.memory_space<hbm>> -> memref<64xi32, #tpu.memory_space<hbm>>
      %dma_start3A_313 = arith.constant 0 : i32
      %dma_start3A_314 = tpu.memref_slice %arg7[%dma_start3A_305, %dma_start3A_306, %dma_start3A_313] : memref<8x2x64xi32, #tpu.memory_space<vmem>> -> memref<1x1x64xi32, #tpu.memory_space<vmem>>
      %dma_start3A_315 = tpu.memref_squeeze %dma_start3A_314 : memref<1x1x64xi32, #tpu.memory_space<vmem>> -> memref<64xi32, #tpu.memory_space<vmem>>
      %dma_start3A_316 = arith.constant 0 : i32
      %dma_start3A_317 = tpu.memref_slice %arg4[%dma_start3A_304, %dma_start3A_316] : memref<2x10240xi32, #tpu.memory_space<hbm>> -> memref<1x64xi32, #tpu.memory_space<hbm>>
      %dma_start3A_318 = tpu.memref_squeeze %dma_start3A_317 : memref<1x64xi32, #tpu.memory_space<hbm>> -> memref<64xi32, #tpu.memory_space<hbm>>
      tpu.enqueue_dma source(%dma_start3A_318 : memref<64xi32, #tpu.memory_space<hbm>>) target(%dma_start3A_315 : memref<64xi32, #tpu.memory_space<vmem>>) target_semaphore(%arg14 : memref<!tpu.dma_semaphore, #tpu.memory_space<semaphore_mem>>)
    } else {
    }
    %lt3A_15 = arith.constant 31 : i32
    %lt3A_16 = arith.cmpi slt, %add3A, %lt3A_15 : i32
    %convert_element_type3A_17 = arith.extui %lt3A_16 : i1 to i32
    %cond3A_18 = arith.constant 0 : i32
    %cond3A_19 = arith.cmpi ne, %convert_element_type3A_17, %cond3A_18 : i32
    scf.if %cond3A_19 {
      %add3A_289 = arith.constant 64 : i32
      %add3A_290 = arith.addi %mul3A_2, %add3A_289 : i32
      %dma_start3A_291 = arith.constant 0 : i32
      %dma_start3A_292 = arith.constant 1 : i32
      %dma_start3A_293 = arith.constant 0 : i32
      %dma_start3A_294 = arith.constant 0 : i32
      %dma_start3A_295 = tpu.memref_slice %arg7[%dma_start3A_292, %dma_start3A_293, %dma_start3A_294] : memref<8x2x64xi32, #tpu.memory_space<vmem>> -> memref<1x1x64xi32, #tpu.memory_space<vmem>>
      %dma_start3A_296 = tpu.memref_squeeze %dma_start3A_295 : memref<1x1x64xi32, #tpu.memory_space<vmem>> -> memref<64xi32, #tpu.memory_space<vmem>>
      %dma_start3A_297 = tpu.memref_slice %arg3[%dma_start3A_291, %add3A_290] : memref<2x320000xi32, #tpu.memory_space<hbm>> -> memref<1x64xi32, #tpu.memory_space<hbm>>
      %dma_start3A_298 = tpu.memref_squeeze %dma_start3A_297 : memref<1x64xi32, #tpu.memory_space<hbm>> -> memref<64xi32, #tpu.memory_space<hbm>>
      %dma_start3A_299 = arith.constant 0 : i32
      %dma_start3A_300 = tpu.memref_slice %arg7[%dma_start3A_292, %dma_start3A_293, %dma_start3A_299] : memref<8x2x64xi32, #tpu.memory_space<vmem>> -> memref<1x1x64xi32, #tpu.memory_space<vmem>>
      %dma_start3A_301 = tpu.memref_squeeze %dma_start3A_300 : memref<1x1x64xi32, #tpu.memory_space<vmem>> -> memref<64xi32, #tpu.memory_space<vmem>>
      %dma_start3A_302 = tpu.memref_slice %arg3[%dma_start3A_291, %add3A_290] : memref<2x320000xi32, #tpu.memory_space<hbm>> -> memref<1x64xi32, #tpu.memory_space<hbm>>
      %dma_start3A_303 = tpu.memref_squeeze %dma_start3A_302 : memref<1x64xi32, #tpu.memory_space<hbm>> -> memref<64xi32, #tpu.memory_space<hbm>>
      tpu.enqueue_dma source(%dma_start3A_303 : memref<64xi32, #tpu.memory_space<hbm>>) target(%dma_start3A_301 : memref<64xi32, #tpu.memory_space<vmem>>) target_semaphore(%arg15 : memref<!tpu.dma_semaphore, #tpu.memory_space<semaphore_mem>>)
      %dma_start3A_304 = arith.constant 1 : i32
      %dma_start3A_305 = arith.constant 1 : i32
      %dma_start3A_306 = arith.constant 1 : i32
      %dma_start3A_307 = arith.constant 0 : i32
      %dma_start3A_308 = tpu.memref_slice %arg7[%dma_start3A_305, %dma_start3A_306, %dma_start3A_307] : memref<8x2x64xi32, #tpu.memory_space<vmem>> -> memref<1x1x64xi32, #tpu.memory_space<vmem>>
      %dma_start3A_309 = tpu.memref_squeeze %dma_start3A_308 : memref<1x1x64xi32, #tpu.memory_space<vmem>> -> memref<64xi32, #tpu.memory_space<vmem>>
      %dma_start3A_310 = tpu.memref_slice %arg3[%dma_start3A_304, %add3A_290] : memref<2x320000xi32, #tpu.memory_space<hbm>> -> memref<1x64xi32, #tpu.memory_space<hbm>>
      %dma_start3A_311 = tpu.memref_squeeze %dma_start3A_310 : memref<1x64xi32, #tpu.memory_space<hbm>> -> memref<64xi32, #tpu.memory_space<hbm>>
      %dma_start3A_312 = arith.constant 0 : i32
      %dma_start3A_313 = tpu.memref_slice %arg7[%dma_start3A_305, %dma_start3A_306, %dma_start3A_312] : memref<8x2x64xi32, #tpu.memory_space<vmem>> -> memref<1x1x64xi32, #tpu.memory_space<vmem>>
      %dma_start3A_314 = tpu.memref_squeeze %dma_start3A_313 : memref<1x1x64xi32, #tpu.memory_space<vmem>> -> memref<64xi32, #tpu.memory_space<vmem>>
      %dma_start3A_315 = tpu.memref_slice %arg3[%dma_start3A_304, %add3A_290] : memref<2x320000xi32, #tpu.memory_space<hbm>> -> memref<1x64xi32, #tpu.memory_space<hbm>>
      %dma_start3A_316 = tpu.memref_squeeze %dma_start3A_315 : memref<1x64xi32, #tpu.memory_space<hbm>> -> memref<64xi32, #tpu.memory_space<hbm>>
      tpu.enqueue_dma source(%dma_start3A_316 : memref<64xi32, #tpu.memory_space<hbm>>) target(%dma_start3A_314 : memref<64xi32, #tpu.memory_space<vmem>>) target_semaphore(%arg15 : memref<!tpu.dma_semaphore, #tpu.memory_space<semaphore_mem>>)
    } else {
    }
    %eq3A_20 = arith.constant 31 : i32
    %eq3A_21 = arith.cmpi eq, %add3A, %eq3A_20 : i32
    %convert_element_type3A_22 = arith.extui %eq3A_21 : i1 to i32
    %cond3A_23 = arith.constant 0 : i32
    %cond3A_24 = arith.cmpi ne, %convert_element_type3A_22, %cond3A_23 : i32
    scf.if %cond3A_24 {
      %dma_start3A_289 = arith.constant 0 : i32
      %dma_start3A_290 = arith.constant 1 : i32
      %dma_start3A_291 = arith.constant 0 : i32
      %dma_start3A_292 = arith.constant 0 : i32
      %dma_start3A_293 = tpu.memref_slice %arg7[%dma_start3A_290, %dma_start3A_291, %dma_start3A_292] : memref<8x2x64xi32, #tpu.memory_space<vmem>> -> memref<1x1x64xi32, #tpu.memory_space<vmem>>
      %dma_start3A_294 = tpu.memref_squeeze %dma_start3A_293 : memref<1x1x64xi32, #tpu.memory_space<vmem>> -> memref<64xi32, #tpu.memory_space<vmem>>
      %dma_start3A_295 = arith.constant 64 : i32
      %dma_start3A_296 = tpu.memref_slice %arg4[%dma_start3A_289, %dma_start3A_295] : memref<2x10240xi32, #tpu.memory_space<hbm>> -> memref<1x64xi32, #tpu.memory_space<hbm>>
      %dma_start3A_297 = tpu.memref_squeeze %dma_start3A_296 : memref<1x64xi32, #tpu.memory_space<hbm>> -> memref<64xi32, #tpu.memory_space<hbm>>
      %dma_start3A_298 = arith.constant 0 : i32
      %dma_start3A_299 = tpu.memref_slice %arg7[%dma_start3A_290, %dma_start3A_291, %dma_start3A_298] : memref<8x2x64xi32, #tpu.memory_space<vmem>> -> memref<1x1x64xi32, #tpu.memory_space<vmem>>
      %dma_start3A_300 = tpu.memref_squeeze %dma_start3A_299 : memref<1x1x64xi32, #tpu.memory_space<vmem>> -> memref<64xi32, #tpu.memory_space<vmem>>
      %dma_start3A_301 = arith.constant 64 : i32
      %dma_start3A_302 = tpu.memref_slice %arg4[%dma_start3A_289, %dma_start3A_301] : memref<2x10240xi32, #tpu.memory_space<hbm>> -> memref<1x64xi32, #tpu.memory_space<hbm>>
      %dma_start3A_303 = tpu.memref_squeeze %dma_start3A_302 : memref<1x64xi32, #tpu.memory_space<hbm>> -> memref<64xi32, #tpu.memory_space<hbm>>
      tpu.enqueue_dma source(%dma_start3A_303 : memref<64xi32, #tpu.memory_space<hbm>>) target(%dma_start3A_300 : memref<64xi32, #tpu.memory_space<vmem>>) target_semaphore(%arg15 : memref<!tpu.dma_semaphore, #tpu.memory_space<semaphore_mem>>)
      %dma_start3A_304 = arith.constant 1 : i32
      %dma_start3A_305 = arith.constant 1 : i32
      %dma_start3A_306 = arith.constant 1 : i32
      %dma_start3A_307 = arith.constant 0 : i32
      %dma_start3A_308 = tpu.memref_slice %arg7[%dma_start3A_305, %dma_start3A_306, %dma_start3A_307] : memref<8x2x64xi32, #tpu.memory_space<vmem>> -> memref<1x1x64xi32, #tpu.memory_space<vmem>>
      %dma_start3A_309 = tpu.memref_squeeze %dma_start3A_308 : memref<1x1x64xi32, #tpu.memory_space<vmem>> -> memref<64xi32, #tpu.memory_space<vmem>>
      %dma_start3A_310 = arith.constant 64 : i32
      %dma_start3A_311 = tpu.memref_slice %arg4[%dma_start3A_304, %dma_start3A_310] : memref<2x10240xi32, #tpu.memory_space<hbm>> -> memref<1x64xi32, #tpu.memory_space<hbm>>
      %dma_start3A_312 = tpu.memref_squeeze %dma_start3A_311 : memref<1x64xi32, #tpu.memory_space<hbm>> -> memref<64xi32, #tpu.memory_space<hbm>>
      %dma_start3A_313 = arith.constant 0 : i32
      %dma_start3A_314 = tpu.memref_slice %arg7[%dma_start3A_305, %dma_start3A_306, %dma_start3A_313] : memref<8x2x64xi32, #tpu.memory_space<vmem>> -> memref<1x1x64xi32, #tpu.memory_space<vmem>>
      %dma_start3A_315 = tpu.memref_squeeze %dma_start3A_314 : memref<1x1x64xi32, #tpu.memory_space<vmem>> -> memref<64xi32, #tpu.memory_space<vmem>>
      %dma_start3A_316 = arith.constant 64 : i32
      %dma_start3A_317 = tpu.memref_slice %arg4[%dma_start3A_304, %dma_start3A_316] : memref<2x10240xi32, #tpu.memory_space<hbm>> -> memref<1x64xi32, #tpu.memory_space<hbm>>
      %dma_start3A_318 = tpu.memref_squeeze %dma_start3A_317 : memref<1x64xi32, #tpu.memory_space<hbm>> -> memref<64xi32, #tpu.memory_space<hbm>>
      tpu.enqueue_dma source(%dma_start3A_318 : memref<64xi32, #tpu.memory_space<hbm>>) target(%dma_start3A_315 : memref<64xi32, #tpu.memory_space<vmem>>) target_semaphore(%arg15 : memref<!tpu.dma_semaphore, #tpu.memory_space<semaphore_mem>>)
    } else {
    }
    %lt3A_25 = arith.constant 31 : i32
    %lt3A_26 = arith.cmpi slt, %add3A, %lt3A_25 : i32
    %convert_element_type3A_27 = arith.extui %lt3A_26 : i1 to i32
    %cond3A_28 = arith.constant 0 : i32
    %cond3A_29 = arith.cmpi ne, %convert_element_type3A_27, %cond3A_28 : i32
    scf.if %cond3A_29 {
      %add3A_289 = arith.constant 128 : i32
      %add3A_290 = arith.addi %mul3A_2, %add3A_289 : i32
      %dma_start3A_291 = arith.constant 0 : i32
      %dma_start3A_292 = arith.constant 2 : i32
      %dma_start3A_293 = arith.constant 0 : i32
      %dma_start3A_294 = arith.constant 0 : i32
      %dma_start3A_295 = tpu.memref_slice %arg7[%dma_start3A_292, %dma_start3A_293, %dma_start3A_294] : memref<8x2x64xi32, #tpu.memory_space<vmem>> -> memref<1x1x64xi32, #tpu.memory_space<vmem>>
      %dma_start3A_296 = tpu.memref_squeeze %dma_start3A_295 : memref<1x1x64xi32, #tpu.memory_space<vmem>> -> memref<64xi32, #tpu.memory_space<vmem>>
      %dma_start3A_297 = tpu.memref_slice %arg3[%dma_start3A_291, %add3A_290] : memref<2x320000xi32, #tpu.memory_space<hbm>> -> memref<1x64xi32, #tpu.memory_space<hbm>>
      %dma_start3A_298 = tpu.memref_squeeze %dma_start3A_297 : memref<1x64xi32, #tpu.memory_space<hbm>> -> memref<64xi32, #tpu.memory_space<hbm>>
      %dma_start3A_299 = arith.constant 0 : i32
      %dma_start3A_300 = tpu.memref_slice %arg7[%dma_start3A_292, %dma_start3A_293, %dma_start3A_299] : memref<8x2x64xi32, #tpu.memory_space<vmem>> -> memref<1x1x64xi32, #tpu.memory_space<vmem>>
      %dma_start3A_301 = tpu.memref_squeeze %dma_start3A_300 : memref<1x1x64xi32, #tpu.memory_space<vmem>> -> memref<64xi32, #tpu.memory_space<vmem>>
      %dma_start3A_302 = tpu.memref_slice %arg3[%dma_start3A_291, %add3A_290] : memref<2x320000xi32, #tpu.memory_space<hbm>> -> memref<1x64xi32, #tpu.memory_space<hbm>>
      %dma_start3A_303 = tpu.memref_squeeze %dma_start3A_302 : memref<1x64xi32, #tpu.memory_space<hbm>> -> memref<64xi32, #tpu.memory_space<hbm>>
      tpu.enqueue_dma source(%dma_start3A_303 : memref<64xi32, #tpu.memory_space<hbm>>) target(%dma_start3A_301 : memref<64xi32, #tpu.memory_space<vmem>>) target_semaphore(%arg16 : memref<!tpu.dma_semaphore, #tpu.memory_space<semaphore_mem>>)
      %dma_start3A_304 = arith.constant 1 : i32
      %dma_start3A_305 = arith.constant 2 : i32
      %dma_start3A_306 = arith.constant 1 : i32
      %dma_start3A_307 = arith.constant 0 : i32
      %dma_start3A_308 = tpu.memref_slice %arg7[%dma_start3A_305, %dma_start3A_306, %dma_start3A_307] : memref<8x2x64xi32, #tpu.memory_space<vmem>> -> memref<1x1x64xi32, #tpu.memory_space<vmem>>
      %dma_start3A_309 = tpu.memref_squeeze %dma_start3A_308 : memref<1x1x64xi32, #tpu.memory_space<vmem>> -> memref<64xi32, #tpu.memory_space<vmem>>
      %dma_start3A_310 = tpu.memref_slice %arg3[%dma_start3A_304, %add3A_290] : memref<2x320000xi32, #tpu.memory_space<hbm>> -> memref<1x64xi32, #tpu.memory_space<hbm>>
      %dma_start3A_311 = tpu.memref_squeeze %dma_start3A_310 : memref<1x64xi32, #tpu.memory_space<hbm>> -> memref<64xi32, #tpu.memory_space<hbm>>
      %dma_start3A_312 = arith.constant 0 : i32
      %dma_start3A_313 = tpu.memref_slice %arg7[%dma_start3A_305, %dma_start3A_306, %dma_start3A_312] : memref<8x2x64xi32, #tpu.memory_space<vmem>> -> memref<1x1x64xi32, #tpu.memory_space<vmem>>
      %dma_start3A_314 = tpu.memref_squeeze %dma_start3A_313 : memref<1x1x64xi32, #tpu.memory_space<vmem>> -> memref<64xi32, #tpu.memory_space<vmem>>
      %dma_start3A_315 = tpu.memref_slice %arg3[%dma_start3A_304, %add3A_290] : memref<2x320000xi32, #tpu.memory_space<hbm>> -> memref<1x64xi32, #tpu.memory_space<hbm>>
      %dma_start3A_316 = tpu.memref_squeeze %dma_start3A_315 : memref<1x64xi32, #tpu.memory_space<hbm>> -> memref<64xi32, #tpu.memory_space<hbm>>
      tpu.enqueue_dma source(%dma_start3A_316 : memref<64xi32, #tpu.memory_space<hbm>>) target(%dma_start3A_314 : memref<64xi32, #tpu.memory_space<vmem>>) target_semaphore(%arg16 : memref<!tpu.dma_semaphore, #tpu.memory_space<semaphore_mem>>)
    } else {
    }
    %eq3A_30 = arith.constant 31 : i32
    %eq3A_31 = arith.cmpi eq, %add3A, %eq3A_30 : i32
    %convert_element_type3A_32 = arith.extui %eq3A_31 : i1 to i32
    %cond3A_33 = arith.constant 0 : i32
    %cond3A_34 = arith.cmpi ne, %convert_element_type3A_32, %cond3A_33 : i32
    scf.if %cond3A_34 {
      %dma_start3A_289 = arith.constant 0 : i32
      %dma_start3A_290 = arith.constant 2 : i32
      %dma_start3A_291 = arith.constant 0 : i32
      %dma_start3A_292 = arith.constant 0 : i32
      %dma_start3A_293 = tpu.memref_slice %arg7[%dma_start3A_290, %dma_start3A_291, %dma_start3A_292] : memref<8x2x64xi32, #tpu.memory_space<vmem>> -> memref<1x1x64xi32, #tpu.memory_space<vmem>>
      %dma_start3A_294 = tpu.memref_squeeze %dma_start3A_293 : memref<1x1x64xi32, #tpu.memory_space<vmem>> -> memref<64xi32, #tpu.memory_space<vmem>>
      %dma_start3A_295 = arith.constant 128 : i32
      %dma_start3A_296 = tpu.memref_slice %arg4[%dma_start3A_289, %dma_start3A_295] : memref<2x10240xi32, #tpu.memory_space<hbm>> -> memref<1x64xi32, #tpu.memory_space<hbm>>
      %dma_start3A_297 = tpu.memref_squeeze %dma_start3A_296 : memref<1x64xi32, #tpu.memory_space<hbm>> -> memref<64xi32, #tpu.memory_space<hbm>>
      %dma_start3A_298 = arith.constant 0 : i32
      %dma_start3A_299 = tpu.memref_slice %arg7[%dma_start3A_290, %dma_start3A_291, %dma_start3A_298] : memref<8x2x64xi32, #tpu.memory_space<vmem>> -> memref<1x1x64xi32, #tpu.memory_space<vmem>>
      %dma_start3A_300 = tpu.memref_squeeze %dma_start3A_299 : memref<1x1x64xi32, #tpu.memory_space<vmem>> -> memref<64xi32, #tpu.memory_space<vmem>>
      %dma_start3A_301 = arith.constant 128 : i32
      %dma_start3A_302 = tpu.memref_slice %arg4[%dma_start3A_289, %dma_start3A_301] : memref<2x10240xi32, #tpu.memory_space<hbm>> -> memref<1x64xi32, #tpu.memory_space<hbm>>
      %dma_start3A_303 = tpu.memref_squeeze %dma_start3A_302 : memref<1x64xi32, #tpu.memory_space<hbm>> -> memref<64xi32, #tpu.memory_space<hbm>>
      tpu.enqueue_dma source(%dma_start3A_303 : memref<64xi32, #tpu.memory_space<hbm>>) target(%dma_start3A_300 : memref<64xi32, #tpu.memory_space<vmem>>) target_semaphore(%arg16 : memref<!tpu.dma_semaphore, #tpu.memory_space<semaphore_mem>>)
      %dma_start3A_304 = arith.constant 1 : i32
      %dma_start3A_305 = arith.constant 2 : i32
      %dma_start3A_306 = arith.constant 1 : i32
      %dma_start3A_307 = arith.constant 0 : i32
      %dma_start3A_308 = tpu.memref_slice %arg7[%dma_start3A_305, %dma_start3A_306, %dma_start3A_307] : memref<8x2x64xi32, #tpu.memory_space<vmem>> -> memref<1x1x64xi32, #tpu.memory_space<vmem>>
      %dma_start3A_309 = tpu.memref_squeeze %dma_start3A_308 : memref<1x1x64xi32, #tpu.memory_space<vmem>> -> memref<64xi32, #tpu.memory_space<vmem>>
      %dma_start3A_310 = arith.constant 128 : i32
      %dma_start3A_311 = tpu.memref_slice %arg4[%dma_start3A_304, %dma_start3A_310] : memref<2x10240xi32, #tpu.memory_space<hbm>> -> memref<1x64xi32, #tpu.memory_space<hbm>>
      %dma_start3A_312 = tpu.memref_squeeze %dma_start3A_311 : memref<1x64xi32, #tpu.memory_space<hbm>> -> memref<64xi32, #tpu.memory_space<hbm>>
      %dma_start3A_313 = arith.constant 0 : i32
      %dma_start3A_314 = tpu.memref_slice %arg7[%dma_start3A_305, %dma_start3A_306, %dma_start3A_313] : memref<8x2x64xi32, #tpu.memory_space<vmem>> -> memref<1x1x64xi32, #tpu.memory_space<vmem>>
      %dma_start3A_315 = tpu.memref_squeeze %dma_start3A_314 : memref<1x1x64xi32, #tpu.memory_space<vmem>> -> memref<64xi32, #tpu.memory_space<vmem>>
      %dma_start3A_316 = arith.constant 128 : i32
      %dma_start3A_317 = tpu.memref_slice %arg4[%dma_start3A_304, %dma_start3A_316] : memref<2x10240xi32, #tpu.memory_space<hbm>> -> memref<1x64xi32, #tpu.memory_space<hbm>>
      %dma_start3A_318 = tpu.memref_squeeze %dma_start3A_317 : memref<1x64xi32, #tpu.memory_space<hbm>> -> memref<64xi32, #tpu.memory_space<hbm>>
      tpu.enqueue_dma source(%dma_start3A_318 : memref<64xi32, #tpu.memory_space<hbm>>) target(%dma_start3A_315 : memref<64xi32, #tpu.memory_space<vmem>>) target_semaphore(%arg16 : memref<!tpu.dma_semaphore, #tpu.memory_space<semaphore_mem>>)
    } else {
    }
    %lt3A_35 = arith.constant 31 : i32
    %lt3A_36 = arith.cmpi slt, %add3A, %lt3A_35 : i32
    %convert_element_type3A_37 = arith.extui %lt3A_36 : i1 to i32
    %cond3A_38 = arith.constant 0 : i32
    %cond3A_39 = arith.cmpi ne, %convert_element_type3A_37, %cond3A_38 : i32
    scf.if %cond3A_39 {
      %add3A_289 = arith.constant 192 : i32
      %add3A_290 = arith.addi %mul3A_2, %add3A_289 : i32
      %dma_start3A_291 = arith.constant 0 : i32
      %dma_start3A_292 = arith.constant 3 : i32
      %dma_start3A_293 = arith.constant 0 : i32
      %dma_start3A_294 = arith.constant 0 : i32
      %dma_start3A_295 = tpu.memref_slice %arg7[%dma_start3A_292, %dma_start3A_293, %dma_start3A_294] : memref<8x2x64xi32, #tpu.memory_space<vmem>> -> memref<1x1x64xi32, #tpu.memory_space<vmem>>
      %dma_start3A_296 = tpu.memref_squeeze %dma_start3A_295 : memref<1x1x64xi32, #tpu.memory_space<vmem>> -> memref<64xi32, #tpu.memory_space<vmem>>
      %dma_start3A_297 = tpu.memref_slice %arg3[%dma_start3A_291, %add3A_290] : memref<2x320000xi32, #tpu.memory_space<hbm>> -> memref<1x64xi32, #tpu.memory_space<hbm>>
      %dma_start3A_298 = tpu.memref_squeeze %dma_start3A_297 : memref<1x64xi32, #tpu.memory_space<hbm>> -> memref<64xi32, #tpu.memory_space<hbm>>
      %dma_start3A_299 = arith.constant 0 : i32
      %dma_start3A_300 = tpu.memref_slice %arg7[%dma_start3A_292, %dma_start3A_293, %dma_start3A_299] : memref<8x2x64xi32, #tpu.memory_space<vmem>> -> memref<1x1x64xi32, #tpu.memory_space<vmem>>
      %dma_start3A_301 = tpu.memref_squeeze %dma_start3A_300 : memref<1x1x64xi32, #tpu.memory_space<vmem>> -> memref<64xi32, #tpu.memory_space<vmem>>
      %dma_start3A_302 = tpu.memref_slice %arg3[%dma_start3A_291, %add3A_290] : memref<2x320000xi32, #tpu.memory_space<hbm>> -> memref<1x64xi32, #tpu.memory_space<hbm>>
      %dma_start3A_303 = tpu.memref_squeeze %dma_start3A_302 : memref<1x64xi32, #tpu.memory_space<hbm>> -> memref<64xi32, #tpu.memory_space<hbm>>
      tpu.enqueue_dma source(%dma_start3A_303 : memref<64xi32, #tpu.memory_space<hbm>>) target(%dma_start3A_301 : memref<64xi32, #tpu.memory_space<vmem>>) target_semaphore(%arg17 : memref<!tpu.dma_semaphore, #tpu.memory_space<semaphore_mem>>)
      %dma_start3A_304 = arith.constant 1 : i32
      %dma_start3A_305 = arith.constant 3 : i32
      %dma_start3A_306 = arith.constant 1 : i32
      %dma_start3A_307 = arith.constant 0 : i32
      %dma_start3A_308 = tpu.memref_slice %arg7[%dma_start3A_305, %dma_start3A_306, %dma_start3A_307] : memref<8x2x64xi32, #tpu.memory_space<vmem>> -> memref<1x1x64xi32, #tpu.memory_space<vmem>>
      %dma_start3A_309 = tpu.memref_squeeze %dma_start3A_308 : memref<1x1x64xi32, #tpu.memory_space<vmem>> -> memref<64xi32, #tpu.memory_space<vmem>>
      %dma_start3A_310 = tpu.memref_slice %arg3[%dma_start3A_304, %add3A_290] : memref<2x320000xi32, #tpu.memory_space<hbm>> -> memref<1x64xi32, #tpu.memory_space<hbm>>
      %dma_start3A_311 = tpu.memref_squeeze %dma_start3A_310 : memref<1x64xi32, #tpu.memory_space<hbm>> -> memref<64xi32, #tpu.memory_space<hbm>>
      %dma_start3A_312 = arith.constant 0 : i32
      %dma_start3A_313 = tpu.memref_slice %arg7[%dma_start3A_305, %dma_start3A_306, %dma_start3A_312] : memref<8x2x64xi32, #tpu.memory_space<vmem>> -> memref<1x1x64xi32, #tpu.memory_space<vmem>>
      %dma_start3A_314 = tpu.memref_squeeze %dma_start3A_313 : memref<1x1x64xi32, #tpu.memory_space<vmem>> -> memref<64xi32, #tpu.memory_space<vmem>>
      %dma_start3A_315 = tpu.memref_slice %arg3[%dma_start3A_304, %add3A_290] : memref<2x320000xi32, #tpu.memory_space<hbm>> -> memref<1x64xi32, #tpu.memory_space<hbm>>
      %dma_start3A_316 = tpu.memref_squeeze %dma_start3A_315 : memref<1x64xi32, #tpu.memory_space<hbm>> -> memref<64xi32, #tpu.memory_space<hbm>>
      tpu.enqueue_dma source(%dma_start3A_316 : memref<64xi32, #tpu.memory_space<hbm>>) target(%dma_start3A_314 : memref<64xi32, #tpu.memory_space<vmem>>) target_semaphore(%arg17 : memref<!tpu.dma_semaphore, #tpu.memory_space<semaphore_mem>>)
    } else {
    }
    %eq3A_40 = arith.constant 31 : i32
    %eq3A_41 = arith.cmpi eq, %add3A, %eq3A_40 : i32
    %convert_element_type3A_42 = arith.extui %eq3A_41 : i1 to i32
    %cond3A_43 = arith.constant 0 : i32
    %cond3A_44 = arith.cmpi ne, %convert_element_type3A_42, %cond3A_43 : i32
    scf.if %cond3A_44 {
      %dma_start3A_289 = arith.constant 0 : i32
      %dma_start3A_290 = arith.constant 3 : i32
      %dma_start3A_291 = arith.constant 0 : i32
      %dma_start3A_292 = arith.constant 0 : i32
      %dma_start3A_293 = tpu.memref_slice %arg7[%dma_start3A_290, %dma_start3A_291, %dma_start3A_292] : memref<8x2x64xi32, #tpu.memory_space<vmem>> -> memref<1x1x64xi32, #tpu.memory_space<vmem>>
      %dma_start3A_294 = tpu.memref_squeeze %dma_start3A_293 : memref<1x1x64xi32, #tpu.memory_space<vmem>> -> memref<64xi32, #tpu.memory_space<vmem>>
      %dma_start3A_295 = arith.constant 192 : i32
      %dma_start3A_296 = tpu.memref_slice %arg4[%dma_start3A_289, %dma_start3A_295] : memref<2x10240xi32, #tpu.memory_space<hbm>> -> memref<1x64xi32, #tpu.memory_space<hbm>>
      %dma_start3A_297 = tpu.memref_squeeze %dma_start3A_296 : memref<1x64xi32, #tpu.memory_space<hbm>> -> memref<64xi32, #tpu.memory_space<hbm>>
      %dma_start3A_298 = arith.constant 0 : i32
      %dma_start3A_299 = tpu.memref_slice %arg7[%dma_start3A_290, %dma_start3A_291, %dma_start3A_298] : memref<8x2x64xi32, #tpu.memory_space<vmem>> -> memref<1x1x64xi32, #tpu.memory_space<vmem>>
      %dma_start3A_300 = tpu.memref_squeeze %dma_start3A_299 : memref<1x1x64xi32, #tpu.memory_space<vmem>> -> memref<64xi32, #tpu.memory_space<vmem>>
      %dma_start3A_301 = arith.constant 192 : i32
      %dma_start3A_302 = tpu.memref_slice %arg4[%dma_start3A_289, %dma_start3A_301] : memref<2x10240xi32, #tpu.memory_space<hbm>> -> memref<1x64xi32, #tpu.memory_space<hbm>>
      %dma_start3A_303 = tpu.memref_squeeze %dma_start3A_302 : memref<1x64xi32, #tpu.memory_space<hbm>> -> memref<64xi32, #tpu.memory_space<hbm>>
      tpu.enqueue_dma source(%dma_start3A_303 : memref<64xi32, #tpu.memory_space<hbm>>) target(%dma_start3A_300 : memref<64xi32, #tpu.memory_space<vmem>>) target_semaphore(%arg17 : memref<!tpu.dma_semaphore, #tpu.memory_space<semaphore_mem>>)
      %dma_start3A_304 = arith.constant 1 : i32
      %dma_start3A_305 = arith.constant 3 : i32
      %dma_start3A_306 = arith.constant 1 : i32
      %dma_start3A_307 = arith.constant 0 : i32
      %dma_start3A_308 = tpu.memref_slice %arg7[%dma_start3A_305, %dma_start3A_306, %dma_start3A_307] : memref<8x2x64xi32, #tpu.memory_space<vmem>> -> memref<1x1x64xi32, #tpu.memory_space<vmem>>
      %dma_start3A_309 = tpu.memref_squeeze %dma_start3A_308 : memref<1x1x64xi32, #tpu.memory_space<vmem>> -> memref<64xi32, #tpu.memory_space<vmem>>
      %dma_start3A_310 = arith.constant 192 : i32
      %dma_start3A_311 = tpu.memref_slice %arg4[%dma_start3A_304, %dma_start3A_310] : memref<2x10240xi32, #tpu.memory_space<hbm>> -> memref<1x64xi32, #tpu.memory_space<hbm>>
      %dma_start3A_312 = tpu.memref_squeeze %dma_start3A_311 : memref<1x64xi32, #tpu.memory_space<hbm>> -> memref<64xi32, #tpu.memory_space<hbm>>
      %dma_start3A_313 = arith.constant 0 : i32
      %dma_start3A_314 = tpu.memref_slice %arg7[%dma_start3A_305, %dma_start3A_306, %dma_start3A_313] : memref<8x2x64xi32, #tpu.memory_space<vmem>> -> memref<1x1x64xi32, #tpu.memory_space<vmem>>
      %dma_start3A_315 = tpu.memref_squeeze %dma_start3A_314 : memref<1x1x64xi32, #tpu.memory_space<vmem>> -> memref<64xi32, #tpu.memory_space<vmem>>
      %dma_start3A_316 = arith.constant 192 : i32
      %dma_start3A_317 = tpu.memref_slice %arg4[%dma_start3A_304, %dma_start3A_316] : memref<2x10240xi32, #tpu.memory_space<hbm>> -> memref<1x64xi32, #tpu.memory_space<hbm>>
      %dma_start3A_318 = tpu.memref_squeeze %dma_start3A_317 : memref<1x64xi32, #tpu.memory_space<hbm>> -> memref<64xi32, #tpu.memory_space<hbm>>
      tpu.enqueue_dma source(%dma_start3A_318 : memref<64xi32, #tpu.memory_space<hbm>>) target(%dma_start3A_315 : memref<64xi32, #tpu.memory_space<vmem>>) target_semaphore(%arg17 : memref<!tpu.dma_semaphore, #tpu.memory_space<semaphore_mem>>)
    } else {
    }
    %lt3A_45 = arith.constant 31 : i32
    %lt3A_46 = arith.cmpi slt, %add3A, %lt3A_45 : i32
    %convert_element_type3A_47 = arith.extui %lt3A_46 : i1 to i32
    %cond3A_48 = arith.constant 0 : i32
    %cond3A_49 = arith.cmpi ne, %convert_element_type3A_47, %cond3A_48 : i32
    scf.if %cond3A_49 {
      %add3A_289 = arith.constant 256 : i32
      %add3A_290 = arith.addi %mul3A_2, %add3A_289 : i32
      %dma_start3A_291 = arith.constant 0 : i32
      %dma_start3A_292 = arith.constant 4 : i32
      %dma_start3A_293 = arith.constant 0 : i32
      %dma_start3A_294 = arith.constant 0 : i32
      %dma_start3A_295 = tpu.memref_slice %arg7[%dma_start3A_292, %dma_start3A_293, %dma_start3A_294] : memref<8x2x64xi32, #tpu.memory_space<vmem>> -> memref<1x1x64xi32, #tpu.memory_space<vmem>>
      %dma_start3A_296 = tpu.memref_squeeze %dma_start3A_295 : memref<1x1x64xi32, #tpu.memory_space<vmem>> -> memref<64xi32, #tpu.memory_space<vmem>>
      %dma_start3A_297 = tpu.memref_slice %arg3[%dma_start3A_291, %add3A_290] : memref<2x320000xi32, #tpu.memory_space<hbm>> -> memref<1x64xi32, #tpu.memory_space<hbm>>
      %dma_start3A_298 = tpu.memref_squeeze %dma_start3A_297 : memref<1x64xi32, #tpu.memory_space<hbm>> -> memref<64xi32, #tpu.memory_space<hbm>>
      %dma_start3A_299 = arith.constant 0 : i32
      %dma_start3A_300 = tpu.memref_slice %arg7[%dma_start3A_292, %dma_start3A_293, %dma_start3A_299] : memref<8x2x64xi32, #tpu.memory_space<vmem>> -> memref<1x1x64xi32, #tpu.memory_space<vmem>>
      %dma_start3A_301 = tpu.memref_squeeze %dma_start3A_300 : memref<1x1x64xi32, #tpu.memory_space<vmem>> -> memref<64xi32, #tpu.memory_space<vmem>>
      %dma_start3A_302 = tpu.memref_slice %arg3[%dma_start3A_291, %add3A_290] : memref<2x320000xi32, #tpu.memory_space<hbm>> -> memref<1x64xi32, #tpu.memory_space<hbm>>
      %dma_start3A_303 = tpu.memref_squeeze %dma_start3A_302 : memref<1x64xi32, #tpu.memory_space<hbm>> -> memref<64xi32, #tpu.memory_space<hbm>>
      tpu.enqueue_dma source(%dma_start3A_303 : memref<64xi32, #tpu.memory_space<hbm>>) target(%dma_start3A_301 : memref<64xi32, #tpu.memory_space<vmem>>) target_semaphore(%arg18 : memref<!tpu.dma_semaphore, #tpu.memory_space<semaphore_mem>>)
      %dma_start3A_304 = arith.constant 1 : i32
      %dma_start3A_305 = arith.constant 4 : i32
      %dma_start3A_306 = arith.constant 1 : i32
      %dma_start3A_307 = arith.constant 0 : i32
      %dma_start3A_308 = tpu.memref_slice %arg7[%dma_start3A_305, %dma_start3A_306, %dma_start3A_307] : memref<8x2x64xi32, #tpu.memory_space<vmem>> -> memref<1x1x64xi32, #tpu.memory_space<vmem>>
      %dma_start3A_309 = tpu.memref_squeeze %dma_start3A_308 : memref<1x1x64xi32, #tpu.memory_space<vmem>> -> memref<64xi32, #tpu.memory_space<vmem>>
      %dma_start3A_310 = tpu.memref_slice %arg3[%dma_start3A_304, %add3A_290] : memref<2x320000xi32, #tpu.memory_space<hbm>> -> memref<1x64xi32, #tpu.memory_space<hbm>>
      %dma_start3A_311 = tpu.memref_squeeze %dma_start3A_310 : memref<1x64xi32, #tpu.memory_space<hbm>> -> memref<64xi32, #tpu.memory_space<hbm>>
      %dma_start3A_312 = arith.constant 0 : i32
      %dma_start3A_313 = tpu.memref_slice %arg7[%dma_start3A_305, %dma_start3A_306, %dma_start3A_312] : memref<8x2x64xi32, #tpu.memory_space<vmem>> -> memref<1x1x64xi32, #tpu.memory_space<vmem>>
      %dma_start3A_314 = tpu.memref_squeeze %dma_start3A_313 : memref<1x1x64xi32, #tpu.memory_space<vmem>> -> memref<64xi32, #tpu.memory_space<vmem>>
      %dma_start3A_315 = tpu.memref_slice %arg3[%dma_start3A_304, %add3A_290] : memref<2x320000xi32, #tpu.memory_space<hbm>> -> memref<1x64xi32, #tpu.memory_space<hbm>>
      %dma_start3A_316 = tpu.memref_squeeze %dma_start3A_315 : memref<1x64xi32, #tpu.memory_space<hbm>> -> memref<64xi32, #tpu.memory_space<hbm>>
      tpu.enqueue_dma source(%dma_start3A_316 : memref<64xi32, #tpu.memory_space<hbm>>) target(%dma_start3A_314 : memref<64xi32, #tpu.memory_space<vmem>>) target_semaphore(%arg18 : memref<!tpu.dma_semaphore, #tpu.memory_space<semaphore_mem>>)
    } else {
    }
    %eq3A_50 = arith.constant 31 : i32
    %eq3A_51 = arith.cmpi eq, %add3A, %eq3A_50 : i32
    %convert_element_type3A_52 = arith.extui %eq3A_51 : i1 to i32
    %cond3A_53 = arith.constant 0 : i32
    %cond3A_54 = arith.cmpi ne, %convert_element_type3A_52, %cond3A_53 : i32
    scf.if %cond3A_54 {
      %dma_start3A_289 = arith.constant 0 : i32
      %dma_start3A_290 = arith.constant 4 : i32
      %dma_start3A_291 = arith.constant 0 : i32
      %dma_start3A_292 = arith.constant 0 : i32
      %dma_start3A_293 = tpu.memref_slice %arg7[%dma_start3A_290, %dma_start3A_291, %dma_start3A_292] : memref<8x2x64xi32, #tpu.memory_space<vmem>> -> memref<1x1x64xi32, #tpu.memory_space<vmem>>
      %dma_start3A_294 = tpu.memref_squeeze %dma_start3A_293 : memref<1x1x64xi32, #tpu.memory_space<vmem>> -> memref<64xi32, #tpu.memory_space<vmem>>
      %dma_start3A_295 = arith.constant 256 : i32
      %dma_start3A_296 = tpu.memref_slice %arg4[%dma_start3A_289, %dma_start3A_295] : memref<2x10240xi32, #tpu.memory_space<hbm>> -> memref<1x64xi32, #tpu.memory_space<hbm>>
      %dma_start3A_297 = tpu.memref_squeeze %dma_start3A_296 : memref<1x64xi32, #tpu.memory_space<hbm>> -> memref<64xi32, #tpu.memory_space<hbm>>
      %dma_start3A_298 = arith.constant 0 : i32
      %dma_start3A_299 = tpu.memref_slice %arg7[%dma_start3A_290, %dma_start3A_291, %dma_start3A_298] : memref<8x2x64xi32, #tpu.memory_space<vmem>> -> memref<1x1x64xi32, #tpu.memory_space<vmem>>
      %dma_start3A_300 = tpu.memref_squeeze %dma_start3A_299 : memref<1x1x64xi32, #tpu.memory_space<vmem>> -> memref<64xi32, #tpu.memory_space<vmem>>
      %dma_start3A_301 = arith.constant 256 : i32
      %dma_start3A_302 = tpu.memref_slice %arg4[%dma_start3A_289, %dma_start3A_301] : memref<2x10240xi32, #tpu.memory_space<hbm>> -> memref<1x64xi32, #tpu.memory_space<hbm>>
      %dma_start3A_303 = tpu.memref_squeeze %dma_start3A_302 : memref<1x64xi32, #tpu.memory_space<hbm>> -> memref<64xi32, #tpu.memory_space<hbm>>
      tpu.enqueue_dma source(%dma_start3A_303 : memref<64xi32, #tpu.memory_space<hbm>>) target(%dma_start3A_300 : memref<64xi32, #tpu.memory_space<vmem>>) target_semaphore(%arg18 : memref<!tpu.dma_semaphore, #tpu.memory_space<semaphore_mem>>)
      %dma_start3A_304 = arith.constant 1 : i32
      %dma_start3A_305 = arith.constant 4 : i32
      %dma_start3A_306 = arith.constant 1 : i32
      %dma_start3A_307 = arith.constant 0 : i32
      %dma_start3A_308 = tpu.memref_slice %arg7[%dma_start3A_305, %dma_start3A_306, %dma_start3A_307] : memref<8x2x64xi32, #tpu.memory_space<vmem>> -> memref<1x1x64xi32, #tpu.memory_space<vmem>>
      %dma_start3A_309 = tpu.memref_squeeze %dma_start3A_308 : memref<1x1x64xi32, #tpu.memory_space<vmem>> -> memref<64xi32, #tpu.memory_space<vmem>>
      %dma_start3A_310 = arith.constant 256 : i32
      %dma_start3A_311 = tpu.memref_slice %arg4[%dma_start3A_304, %dma_start3A_310] : memref<2x10240xi32, #tpu.memory_space<hbm>> -> memref<1x64xi32, #tpu.memory_space<hbm>>
      %dma_start3A_312 = tpu.memref_squeeze %dma_start3A_311 : memref<1x64xi32, #tpu.memory_space<hbm>> -> memref<64xi32, #tpu.memory_space<hbm>>
      %dma_start3A_313 = arith.constant 0 : i32
      %dma_start3A_314 = tpu.memref_slice %arg7[%dma_start3A_305, %dma_start3A_306, %dma_start3A_313] : memref<8x2x64xi32, #tpu.memory_space<vmem>> -> memref<1x1x64xi32, #tpu.memory_space<vmem>>
      %dma_start3A_315 = tpu.memref_squeeze %dma_start3A_314 : memref<1x1x64xi32, #tpu.memory_space<vmem>> -> memref<64xi32, #tpu.memory_space<vmem>>
      %dma_start3A_316 = arith.constant 256 : i32
      %dma_start3A_317 = tpu.memref_slice %arg4[%dma_start3A_304, %dma_start3A_316] : memref<2x10240xi32, #tpu.memory_space<hbm>> -> memref<1x64xi32, #tpu.memory_space<hbm>>
      %dma_start3A_318 = tpu.memref_squeeze %dma_start3A_317 : memref<1x64xi32, #tpu.memory_space<hbm>> -> memref<64xi32, #tpu.memory_space<hbm>>
      tpu.enqueue_dma source(%dma_start3A_318 : memref<64xi32, #tpu.memory_space<hbm>>) target(%dma_start3A_315 : memref<64xi32, #tpu.memory_space<vmem>>) target_semaphore(%arg18 : memref<!tpu.dma_semaphore, #tpu.memory_space<semaphore_mem>>)
    } else {
    }
    %lt3A_55 = arith.constant 31 : i32
    %lt3A_56 = arith.cmpi slt, %add3A, %lt3A_55 : i32
    %convert_element_type3A_57 = arith.extui %lt3A_56 : i1 to i32
    %cond3A_58 = arith.constant 0 : i32
    %cond3A_59 = arith.cmpi ne, %convert_element_type3A_57, %cond3A_58 : i32
    scf.if %cond3A_59 {
      %add3A_289 = arith.constant 320 : i32
      %add3A_290 = arith.addi %mul3A_2, %add3A_289 : i32
      %dma_start3A_291 = arith.constant 0 : i32
      %dma_start3A_292 = arith.constant 5 : i32
      %dma_start3A_293 = arith.constant 0 : i32
      %dma_start3A_294 = arith.constant 0 : i32
      %dma_start3A_295 = tpu.memref_slice %arg7[%dma_start3A_292, %dma_start3A_293, %dma_start3A_294] : memref<8x2x64xi32, #tpu.memory_space<vmem>> -> memref<1x1x64xi32, #tpu.memory_space<vmem>>
      %dma_start3A_296 = tpu.memref_squeeze %dma_start3A_295 : memref<1x1x64xi32, #tpu.memory_space<vmem>> -> memref<64xi32, #tpu.memory_space<vmem>>
      %dma_start3A_297 = tpu.memref_slice %arg3[%dma_start3A_291, %add3A_290] : memref<2x320000xi32, #tpu.memory_space<hbm>> -> memref<1x64xi32, #tpu.memory_space<hbm>>
      %dma_start3A_298 = tpu.memref_squeeze %dma_start3A_297 : memref<1x64xi32, #tpu.memory_space<hbm>> -> memref<64xi32, #tpu.memory_space<hbm>>
      %dma_start3A_299 = arith.constant 0 : i32
      %dma_start3A_300 = tpu.memref_slice %arg7[%dma_start3A_292, %dma_start3A_293, %dma_start3A_299] : memref<8x2x64xi32, #tpu.memory_space<vmem>> -> memref<1x1x64xi32, #tpu.memory_space<vmem>>
      %dma_start3A_301 = tpu.memref_squeeze %dma_start3A_300 : memref<1x1x64xi32, #tpu.memory_space<vmem>> -> memref<64xi32, #tpu.memory_space<vmem>>
      %dma_start3A_302 = tpu.memref_slice %arg3[%dma_start3A_291, %add3A_290] : memref<2x320000xi32, #tpu.memory_space<hbm>> -> memref<1x64xi32, #tpu.memory_space<hbm>>
      %dma_start3A_303 = tpu.memref_squeeze %dma_start3A_302 : memref<1x64xi32, #tpu.memory_space<hbm>> -> memref<64xi32, #tpu.memory_space<hbm>>
      tpu.enqueue_dma source(%dma_start3A_303 : memref<64xi32, #tpu.memory_space<hbm>>) target(%dma_start3A_301 : memref<64xi32, #tpu.memory_space<vmem>>) target_semaphore(%arg19 : memref<!tpu.dma_semaphore, #tpu.memory_space<semaphore_mem>>)
      %dma_start3A_304 = arith.constant 1 : i32
      %dma_start3A_305 = arith.constant 5 : i32
      %dma_start3A_306 = arith.constant 1 : i32
      %dma_start3A_307 = arith.constant 0 : i32
      %dma_start3A_308 = tpu.memref_slice %arg7[%dma_start3A_305, %dma_start3A_306, %dma_start3A_307] : memref<8x2x64xi32, #tpu.memory_space<vmem>> -> memref<1x1x64xi32, #tpu.memory_space<vmem>>
      %dma_start3A_309 = tpu.memref_squeeze %dma_start3A_308 : memref<1x1x64xi32, #tpu.memory_space<vmem>> -> memref<64xi32, #tpu.memory_space<vmem>>
      %dma_start3A_310 = tpu.memref_slice %arg3[%dma_start3A_304, %add3A_290] : memref<2x320000xi32, #tpu.memory_space<hbm>> -> memref<1x64xi32, #tpu.memory_space<hbm>>
      %dma_start3A_311 = tpu.memref_squeeze %dma_start3A_310 : memref<1x64xi32, #tpu.memory_space<hbm>> -> memref<64xi32, #tpu.memory_space<hbm>>
      %dma_start3A_312 = arith.constant 0 : i32
      %dma_start3A_313 = tpu.memref_slice %arg7[%dma_start3A_305, %dma_start3A_306, %dma_start3A_312] : memref<8x2x64xi32, #tpu.memory_space<vmem>> -> memref<1x1x64xi32, #tpu.memory_space<vmem>>
      %dma_start3A_314 = tpu.memref_squeeze %dma_start3A_313 : memref<1x1x64xi32, #tpu.memory_space<vmem>> -> memref<64xi32, #tpu.memory_space<vmem>>
      %dma_start3A_315 = tpu.memref_slice %arg3[%dma_start3A_304, %add3A_290] : memref<2x320000xi32, #tpu.memory_space<hbm>> -> memref<1x64xi32, #tpu.memory_space<hbm>>
      %dma_start3A_316 = tpu.memref_squeeze %dma_start3A_315 : memref<1x64xi32, #tpu.memory_space<hbm>> -> memref<64xi32, #tpu.memory_space<hbm>>
      tpu.enqueue_dma source(%dma_start3A_316 : memref<64xi32, #tpu.memory_space<hbm>>) target(%dma_start3A_314 : memref<64xi32, #tpu.memory_space<vmem>>) target_semaphore(%arg19 : memref<!tpu.dma_semaphore, #tpu.memory_space<semaphore_mem>>)
    } else {
    }
    %eq3A_60 = arith.constant 31 : i32
    %eq3A_61 = arith.cmpi eq, %add3A, %eq3A_60 : i32
    %convert_element_type3A_62 = arith.extui %eq3A_61 : i1 to i32
    %cond3A_63 = arith.constant 0 : i32
    %cond3A_64 = arith.cmpi ne, %convert_element_type3A_62, %cond3A_63 : i32
    scf.if %cond3A_64 {
      %dma_start3A_289 = arith.constant 0 : i32
      %dma_start3A_290 = arith.constant 5 : i32
      %dma_start3A_291 = arith.constant 0 : i32
      %dma_start3A_292 = arith.constant 0 : i32
      %dma_start3A_293 = tpu.memref_slice %arg7[%dma_start3A_290, %dma_start3A_291, %dma_start3A_292] : memref<8x2x64xi32, #tpu.memory_space<vmem>> -> memref<1x1x64xi32, #tpu.memory_space<vmem>>
      %dma_start3A_294 = tpu.memref_squeeze %dma_start3A_293 : memref<1x1x64xi32, #tpu.memory_space<vmem>> -> memref<64xi32, #tpu.memory_space<vmem>>
      %dma_start3A_295 = arith.constant 320 : i32
      %dma_start3A_296 = tpu.memref_slice %arg4[%dma_start3A_289, %dma_start3A_295] : memref<2x10240xi32, #tpu.memory_space<hbm>> -> memref<1x64xi32, #tpu.memory_space<hbm>>
      %dma_start3A_297 = tpu.memref_squeeze %dma_start3A_296 : memref<1x64xi32, #tpu.memory_space<hbm>> -> memref<64xi32, #tpu.memory_space<hbm>>
      %dma_start3A_298 = arith.constant 0 : i32
      %dma_start3A_299 = tpu.memref_slice %arg7[%dma_start3A_290, %dma_start3A_291, %dma_start3A_298] : memref<8x2x64xi32, #tpu.memory_space<vmem>> -> memref<1x1x64xi32, #tpu.memory_space<vmem>>
      %dma_start3A_300 = tpu.memref_squeeze %dma_start3A_299 : memref<1x1x64xi32, #tpu.memory_space<vmem>> -> memref<64xi32, #tpu.memory_space<vmem>>
      %dma_start3A_301 = arith.constant 320 : i32
      %dma_start3A_302 = tpu.memref_slice %arg4[%dma_start3A_289, %dma_start3A_301] : memref<2x10240xi32, #tpu.memory_space<hbm>> -> memref<1x64xi32, #tpu.memory_space<hbm>>
      %dma_start3A_303 = tpu.memref_squeeze %dma_start3A_302 : memref<1x64xi32, #tpu.memory_space<hbm>> -> memref<64xi32, #tpu.memory_space<hbm>>
      tpu.enqueue_dma source(%dma_start3A_303 : memref<64xi32, #tpu.memory_space<hbm>>) target(%dma_start3A_300 : memref<64xi32, #tpu.memory_space<vmem>>) target_semaphore(%arg19 : memref<!tpu.dma_semaphore, #tpu.memory_space<semaphore_mem>>)
      %dma_start3A_304 = arith.constant 1 : i32
      %dma_start3A_305 = arith.constant 5 : i32
      %dma_start3A_306 = arith.constant 1 : i32
      %dma_start3A_307 = arith.constant 0 : i32
      %dma_start3A_308 = tpu.memref_slice %arg7[%dma_start3A_305, %dma_start3A_306, %dma_start3A_307] : memref<8x2x64xi32, #tpu.memory_space<vmem>> -> memref<1x1x64xi32, #tpu.memory_space<vmem>>
      %dma_start3A_309 = tpu.memref_squeeze %dma_start3A_308 : memref<1x1x64xi32, #tpu.memory_space<vmem>> -> memref<64xi32, #tpu.memory_space<vmem>>
      %dma_start3A_310 = arith.constant 320 : i32
      %dma_start3A_311 = tpu.memref_slice %arg4[%dma_start3A_304, %dma_start3A_310] : memref<2x10240xi32, #tpu.memory_space<hbm>> -> memref<1x64xi32, #tpu.memory_space<hbm>>
      %dma_start3A_312 = tpu.memref_squeeze %dma_start3A_311 : memref<1x64xi32, #tpu.memory_space<hbm>> -> memref<64xi32, #tpu.memory_space<hbm>>
      %dma_start3A_313 = arith.constant 0 : i32
      %dma_start3A_314 = tpu.memref_slice %arg7[%dma_start3A_305, %dma_start3A_306, %dma_start3A_313] : memref<8x2x64xi32, #tpu.memory_space<vmem>> -> memref<1x1x64xi32, #tpu.memory_space<vmem>>
      %dma_start3A_315 = tpu.memref_squeeze %dma_start3A_314 : memref<1x1x64xi32, #tpu.memory_space<vmem>> -> memref<64xi32, #tpu.memory_space<vmem>>
      %dma_start3A_316 = arith.constant 320 : i32
      %dma_start3A_317 = tpu.memref_slice %arg4[%dma_start3A_304, %dma_start3A_316] : memref<2x10240xi32, #tpu.memory_space<hbm>> -> memref<1x64xi32, #tpu.memory_space<hbm>>
      %dma_start3A_318 = tpu.memref_squeeze %dma_start3A_317 : memref<1x64xi32, #tpu.memory_space<hbm>> -> memref<64xi32, #tpu.memory_space<hbm>>
      tpu.enqueue_dma source(%dma_start3A_318 : memref<64xi32, #tpu.memory_space<hbm>>) target(%dma_start3A_315 : memref<64xi32, #tpu.memory_space<vmem>>) target_semaphore(%arg19 : memref<!tpu.dma_semaphore, #tpu.memory_space<semaphore_mem>>)
    } else {
    }
    %lt3A_65 = arith.constant 31 : i32
    %lt3A_66 = arith.cmpi slt, %add3A, %lt3A_65 : i32
    %convert_element_type3A_67 = arith.extui %lt3A_66 : i1 to i32
    %cond3A_68 = arith.constant 0 : i32
    %cond3A_69 = arith.cmpi ne, %convert_element_type3A_67, %cond3A_68 : i32
    scf.if %cond3A_69 {
      %add3A_289 = arith.constant 384 : i32
      %add3A_290 = arith.addi %mul3A_2, %add3A_289 : i32
      %dma_start3A_291 = arith.constant 0 : i32
      %dma_start3A_292 = arith.constant 6 : i32
      %dma_start3A_293 = arith.constant 0 : i32
      %dma_start3A_294 = arith.constant 0 : i32
      %dma_start3A_295 = tpu.memref_slice %arg7[%dma_start3A_292, %dma_start3A_293, %dma_start3A_294] : memref<8x2x64xi32, #tpu.memory_space<vmem>> -> memref<1x1x64xi32, #tpu.memory_space<vmem>>
      %dma_start3A_296 = tpu.memref_squeeze %dma_start3A_295 : memref<1x1x64xi32, #tpu.memory_space<vmem>> -> memref<64xi32, #tpu.memory_space<vmem>>
      %dma_start3A_297 = tpu.memref_slice %arg3[%dma_start3A_291, %add3A_290] : memref<2x320000xi32, #tpu.memory_space<hbm>> -> memref<1x64xi32, #tpu.memory_space<hbm>>
      %dma_start3A_298 = tpu.memref_squeeze %dma_start3A_297 : memref<1x64xi32, #tpu.memory_space<hbm>> -> memref<64xi32, #tpu.memory_space<hbm>>
      %dma_start3A_299 = arith.constant 0 : i32
      %dma_start3A_300 = tpu.memref_slice %arg7[%dma_start3A_292, %dma_start3A_293, %dma_start3A_299] : memref<8x2x64xi32, #tpu.memory_space<vmem>> -> memref<1x1x64xi32, #tpu.memory_space<vmem>>
      %dma_start3A_301 = tpu.memref_squeeze %dma_start3A_300 : memref<1x1x64xi32, #tpu.memory_space<vmem>> -> memref<64xi32, #tpu.memory_space<vmem>>
      %dma_start3A_302 = tpu.memref_slice %arg3[%dma_start3A_291, %add3A_290] : memref<2x320000xi32, #tpu.memory_space<hbm>> -> memref<1x64xi32, #tpu.memory_space<hbm>>
      %dma_start3A_303 = tpu.memref_squeeze %dma_start3A_302 : memref<1x64xi32, #tpu.memory_space<hbm>> -> memref<64xi32, #tpu.memory_space<hbm>>
      tpu.enqueue_dma source(%dma_start3A_303 : memref<64xi32, #tpu.memory_space<hbm>>) target(%dma_start3A_301 : memref<64xi32, #tpu.memory_space<vmem>>) target_semaphore(%arg20 : memref<!tpu.dma_semaphore, #tpu.memory_space<semaphore_mem>>)
      %dma_start3A_304 = arith.constant 1 : i32
      %dma_start3A_305 = arith.constant 6 : i32
      %dma_start3A_306 = arith.constant 1 : i32
      %dma_start3A_307 = arith.constant 0 : i32
      %dma_start3A_308 = tpu.memref_slice %arg7[%dma_start3A_305, %dma_start3A_306, %dma_start3A_307] : memref<8x2x64xi32, #tpu.memory_space<vmem>> -> memref<1x1x64xi32, #tpu.memory_space<vmem>>
      %dma_start3A_309 = tpu.memref_squeeze %dma_start3A_308 : memref<1x1x64xi32, #tpu.memory_space<vmem>> -> memref<64xi32, #tpu.memory_space<vmem>>
      %dma_start3A_310 = tpu.memref_slice %arg3[%dma_start3A_304, %add3A_290] : memref<2x320000xi32, #tpu.memory_space<hbm>> -> memref<1x64xi32, #tpu.memory_space<hbm>>
      %dma_start3A_311 = tpu.memref_squeeze %dma_start3A_310 : memref<1x64xi32, #tpu.memory_space<hbm>> -> memref<64xi32, #tpu.memory_space<hbm>>
      %dma_start3A_312 = arith.constant 0 : i32
      %dma_start3A_313 = tpu.memref_slice %arg7[%dma_start3A_305, %dma_start3A_306, %dma_start3A_312] : memref<8x2x64xi32, #tpu.memory_space<vmem>> -> memref<1x1x64xi32, #tpu.memory_space<vmem>>
      %dma_start3A_314 = tpu.memref_squeeze %dma_start3A_313 : memref<1x1x64xi32, #tpu.memory_space<vmem>> -> memref<64xi32, #tpu.memory_space<vmem>>
      %dma_start3A_315 = tpu.memref_slice %arg3[%dma_start3A_304, %add3A_290] : memref<2x320000xi32, #tpu.memory_space<hbm>> -> memref<1x64xi32, #tpu.memory_space<hbm>>
      %dma_start3A_316 = tpu.memref_squeeze %dma_start3A_315 : memref<1x64xi32, #tpu.memory_space<hbm>> -> memref<64xi32, #tpu.memory_space<hbm>>
      tpu.enqueue_dma source(%dma_start3A_316 : memref<64xi32, #tpu.memory_space<hbm>>) target(%dma_start3A_314 : memref<64xi32, #tpu.memory_space<vmem>>) target_semaphore(%arg20 : memref<!tpu.dma_semaphore, #tpu.memory_space<semaphore_mem>>)
    } else {
    }
    %eq3A_70 = arith.constant 31 : i32
    %eq3A_71 = arith.cmpi eq, %add3A, %eq3A_70 : i32
    %convert_element_type3A_72 = arith.extui %eq3A_71 : i1 to i32
    %cond3A_73 = arith.constant 0 : i32
    %cond3A_74 = arith.cmpi ne, %convert_element_type3A_72, %cond3A_73 : i32
    scf.if %cond3A_74 {
      %dma_start3A_289 = arith.constant 0 : i32
      %dma_start3A_290 = arith.constant 6 : i32
      %dma_start3A_291 = arith.constant 0 : i32
      %dma_start3A_292 = arith.constant 0 : i32
      %dma_start3A_293 = tpu.memref_slice %arg7[%dma_start3A_290, %dma_start3A_291, %dma_start3A_292] : memref<8x2x64xi32, #tpu.memory_space<vmem>> -> memref<1x1x64xi32, #tpu.memory_space<vmem>>
      %dma_start3A_294 = tpu.memref_squeeze %dma_start3A_293 : memref<1x1x64xi32, #tpu.memory_space<vmem>> -> memref<64xi32, #tpu.memory_space<vmem>>
      %dma_start3A_295 = arith.constant 384 : i32
      %dma_start3A_296 = tpu.memref_slice %arg4[%dma_start3A_289, %dma_start3A_295] : memref<2x10240xi32, #tpu.memory_space<hbm>> -> memref<1x64xi32, #tpu.memory_space<hbm>>
      %dma_start3A_297 = tpu.memref_squeeze %dma_start3A_296 : memref<1x64xi32, #tpu.memory_space<hbm>> -> memref<64xi32, #tpu.memory_space<hbm>>
      %dma_start3A_298 = arith.constant 0 : i32
      %dma_start3A_299 = tpu.memref_slice %arg7[%dma_start3A_290, %dma_start3A_291, %dma_start3A_298] : memref<8x2x64xi32, #tpu.memory_space<vmem>> -> memref<1x1x64xi32, #tpu.memory_space<vmem>>
      %dma_start3A_300 = tpu.memref_squeeze %dma_start3A_299 : memref<1x1x64xi32, #tpu.memory_space<vmem>> -> memref<64xi32, #tpu.memory_space<vmem>>
      %dma_start3A_301 = arith.constant 384 : i32
      %dma_start3A_302 = tpu.memref_slice %arg4[%dma_start3A_289, %dma_start3A_301] : memref<2x10240xi32, #tpu.memory_space<hbm>> -> memref<1x64xi32, #tpu.memory_space<hbm>>
      %dma_start3A_303 = tpu.memref_squeeze %dma_start3A_302 : memref<1x64xi32, #tpu.memory_space<hbm>> -> memref<64xi32, #tpu.memory_space<hbm>>
      tpu.enqueue_dma source(%dma_start3A_303 : memref<64xi32, #tpu.memory_space<hbm>>) target(%dma_start3A_300 : memref<64xi32, #tpu.memory_space<vmem>>) target_semaphore(%arg20 : memref<!tpu.dma_semaphore, #tpu.memory_space<semaphore_mem>>)
      %dma_start3A_304 = arith.constant 1 : i32
      %dma_start3A_305 = arith.constant 6 : i32
      %dma_start3A_306 = arith.constant 1 : i32
      %dma_start3A_307 = arith.constant 0 : i32
      %dma_start3A_308 = tpu.memref_slice %arg7[%dma_start3A_305, %dma_start3A_306, %dma_start3A_307] : memref<8x2x64xi32, #tpu.memory_space<vmem>> -> memref<1x1x64xi32, #tpu.memory_space<vmem>>
      %dma_start3A_309 = tpu.memref_squeeze %dma_start3A_308 : memref<1x1x64xi32, #tpu.memory_space<vmem>> -> memref<64xi32, #tpu.memory_space<vmem>>
      %dma_start3A_310 = arith.constant 384 : i32
      %dma_start3A_311 = tpu.memref_slice %arg4[%dma_start3A_304, %dma_start3A_310] : memref<2x10240xi32, #tpu.memory_space<hbm>> -> memref<1x64xi32, #tpu.memory_space<hbm>>
      %dma_start3A_312 = tpu.memref_squeeze %dma_start3A_311 : memref<1x64xi32, #tpu.memory_space<hbm>> -> memref<64xi32, #tpu.memory_space<hbm>>
      %dma_start3A_313 = arith.constant 0 : i32
      %dma_start3A_314 = tpu.memref_slice %arg7[%dma_start3A_305, %dma_start3A_306, %dma_start3A_313] : memref<8x2x64xi32, #tpu.memory_space<vmem>> -> memref<1x1x64xi32, #tpu.memory_space<vmem>>
      %dma_start3A_315 = tpu.memref_squeeze %dma_start3A_314 : memref<1x1x64xi32, #tpu.memory_space<vmem>> -> memref<64xi32, #tpu.memory_space<vmem>>
      %dma_start3A_316 = arith.constant 384 : i32
      %dma_start3A_317 = tpu.memref_slice %arg4[%dma_start3A_304, %dma_start3A_316] : memref<2x10240xi32, #tpu.memory_space<hbm>> -> memref<1x64xi32, #tpu.memory_space<hbm>>
      %dma_start3A_318 = tpu.memref_squeeze %dma_start3A_317 : memref<1x64xi32, #tpu.memory_space<hbm>> -> memref<64xi32, #tpu.memory_space<hbm>>
      tpu.enqueue_dma source(%dma_start3A_318 : memref<64xi32, #tpu.memory_space<hbm>>) target(%dma_start3A_315 : memref<64xi32, #tpu.memory_space<vmem>>) target_semaphore(%arg20 : memref<!tpu.dma_semaphore, #tpu.memory_space<semaphore_mem>>)
    } else {
    }
    %lt3A_75 = arith.constant 31 : i32
    %lt3A_76 = arith.cmpi slt, %add3A, %lt3A_75 : i32
    %convert_element_type3A_77 = arith.extui %lt3A_76 : i1 to i32
    %cond3A_78 = arith.constant 0 : i32
    %cond3A_79 = arith.cmpi ne, %convert_element_type3A_77, %cond3A_78 : i32
    scf.if %cond3A_79 {
      %add3A_289 = arith.constant 448 : i32
      %add3A_290 = arith.addi %mul3A_2, %add3A_289 : i32
      %dma_start3A_291 = arith.constant 0 : i32
      %dma_start3A_292 = arith.constant 7 : i32
      %dma_start3A_293 = arith.constant 0 : i32
      %dma_start3A_294 = arith.constant 0 : i32
      %dma_start3A_295 = tpu.memref_slice %arg7[%dma_start3A_292, %dma_start3A_293, %dma_start3A_294] : memref<8x2x64xi32, #tpu.memory_space<vmem>> -> memref<1x1x64xi32, #tpu.memory_space<vmem>>
      %dma_start3A_296 = tpu.memref_squeeze %dma_start3A_295 : memref<1x1x64xi32, #tpu.memory_space<vmem>> -> memref<64xi32, #tpu.memory_space<vmem>>
      %dma_start3A_297 = tpu.memref_slice %arg3[%dma_start3A_291, %add3A_290] : memref<2x320000xi32, #tpu.memory_space<hbm>> -> memref<1x64xi32, #tpu.memory_space<hbm>>
      %dma_start3A_298 = tpu.memref_squeeze %dma_start3A_297 : memref<1x64xi32, #tpu.memory_space<hbm>> -> memref<64xi32, #tpu.memory_space<hbm>>
      %dma_start3A_299 = arith.constant 0 : i32
      %dma_start3A_300 = tpu.memref_slice %arg7[%dma_start3A_292, %dma_start3A_293, %dma_start3A_299] : memref<8x2x64xi32, #tpu.memory_space<vmem>> -> memref<1x1x64xi32, #tpu.memory_space<vmem>>
      %dma_start3A_301 = tpu.memref_squeeze %dma_start3A_300 : memref<1x1x64xi32, #tpu.memory_space<vmem>> -> memref<64xi32, #tpu.memory_space<vmem>>
      %dma_start3A_302 = tpu.memref_slice %arg3[%dma_start3A_291, %add3A_290] : memref<2x320000xi32, #tpu.memory_space<hbm>> -> memref<1x64xi32, #tpu.memory_space<hbm>>
      %dma_start3A_303 = tpu.memref_squeeze %dma_start3A_302 : memref<1x64xi32, #tpu.memory_space<hbm>> -> memref<64xi32, #tpu.memory_space<hbm>>
      tpu.enqueue_dma source(%dma_start3A_303 : memref<64xi32, #tpu.memory_space<hbm>>) target(%dma_start3A_301 : memref<64xi32, #tpu.memory_space<vmem>>) target_semaphore(%arg21 : memref<!tpu.dma_semaphore, #tpu.memory_space<semaphore_mem>>)
      %dma_start3A_304 = arith.constant 1 : i32
      %dma_start3A_305 = arith.constant 7 : i32
      %dma_start3A_306 = arith.constant 1 : i32
      %dma_start3A_307 = arith.constant 0 : i32
      %dma_start3A_308 = tpu.memref_slice %arg7[%dma_start3A_305, %dma_start3A_306, %dma_start3A_307] : memref<8x2x64xi32, #tpu.memory_space<vmem>> -> memref<1x1x64xi32, #tpu.memory_space<vmem>>
      %dma_start3A_309 = tpu.memref_squeeze %dma_start3A_308 : memref<1x1x64xi32, #tpu.memory_space<vmem>> -> memref<64xi32, #tpu.memory_space<vmem>>
      %dma_start3A_310 = tpu.memref_slice %arg3[%dma_start3A_304, %add3A_290] : memref<2x320000xi32, #tpu.memory_space<hbm>> -> memref<1x64xi32, #tpu.memory_space<hbm>>
      %dma_start3A_311 = tpu.memref_squeeze %dma_start3A_310 : memref<1x64xi32, #tpu.memory_space<hbm>> -> memref<64xi32, #tpu.memory_space<hbm>>
      %dma_start3A_312 = arith.constant 0 : i32
      %dma_start3A_313 = tpu.memref_slice %arg7[%dma_start3A_305, %dma_start3A_306, %dma_start3A_312] : memref<8x2x64xi32, #tpu.memory_space<vmem>> -> memref<1x1x64xi32, #tpu.memory_space<vmem>>
      %dma_start3A_314 = tpu.memref_squeeze %dma_start3A_313 : memref<1x1x64xi32, #tpu.memory_space<vmem>> -> memref<64xi32, #tpu.memory_space<vmem>>
      %dma_start3A_315 = tpu.memref_slice %arg3[%dma_start3A_304, %add3A_290] : memref<2x320000xi32, #tpu.memory_space<hbm>> -> memref<1x64xi32, #tpu.memory_space<hbm>>
      %dma_start3A_316 = tpu.memref_squeeze %dma_start3A_315 : memref<1x64xi32, #tpu.memory_space<hbm>> -> memref<64xi32, #tpu.memory_space<hbm>>
      tpu.enqueue_dma source(%dma_start3A_316 : memref<64xi32, #tpu.memory_space<hbm>>) target(%dma_start3A_314 : memref<64xi32, #tpu.memory_space<vmem>>) target_semaphore(%arg21 : memref<!tpu.dma_semaphore, #tpu.memory_space<semaphore_mem>>)
    } else {
    }
    %eq3A_80 = arith.constant 31 : i32
    %eq3A_81 = arith.cmpi eq, %add3A, %eq3A_80 : i32
    %convert_element_type3A_82 = arith.extui %eq3A_81 : i1 to i32
    %cond3A_83 = arith.constant 0 : i32
    %cond3A_84 = arith.cmpi ne, %convert_element_type3A_82, %cond3A_83 : i32
    scf.if %cond3A_84 {
      %dma_start3A_289 = arith.constant 0 : i32
      %dma_start3A_290 = arith.constant 7 : i32
      %dma_start3A_291 = arith.constant 0 : i32
      %dma_start3A_292 = arith.constant 0 : i32
      %dma_start3A_293 = tpu.memref_slice %arg7[%dma_start3A_290, %dma_start3A_291, %dma_start3A_292] : memref<8x2x64xi32, #tpu.memory_space<vmem>> -> memref<1x1x64xi32, #tpu.memory_space<vmem>>
      %dma_start3A_294 = tpu.memref_squeeze %dma_start3A_293 : memref<1x1x64xi32, #tpu.memory_space<vmem>> -> memref<64xi32, #tpu.memory_space<vmem>>
      %dma_start3A_295 = arith.constant 448 : i32
      %dma_start3A_296 = tpu.memref_slice %arg4[%dma_start3A_289, %dma_start3A_295] : memref<2x10240xi32, #tpu.memory_space<hbm>> -> memref<1x64xi32, #tpu.memory_space<hbm>>
      %dma_start3A_297 = tpu.memref_squeeze %dma_start3A_296 : memref<1x64xi32, #tpu.memory_space<hbm>> -> memref<64xi32, #tpu.memory_space<hbm>>
      %dma_start3A_298 = arith.constant 0 : i32
      %dma_start3A_299 = tpu.memref_slice %arg7[%dma_start3A_290, %dma_start3A_291, %dma_start3A_298] : memref<8x2x64xi32, #tpu.memory_space<vmem>> -> memref<1x1x64xi32, #tpu.memory_space<vmem>>
      %dma_start3A_300 = tpu.memref_squeeze %dma_start3A_299 : memref<1x1x64xi32, #tpu.memory_space<vmem>> -> memref<64xi32, #tpu.memory_space<vmem>>
      %dma_start3A_301 = arith.constant 448 : i32
      %dma_start3A_302 = tpu.memref_slice %arg4[%dma_start3A_289, %dma_start3A_301] : memref<2x10240xi32, #tpu.memory_space<hbm>> -> memref<1x64xi32, #tpu.memory_space<hbm>>
      %dma_start3A_303 = tpu.memref_squeeze %dma_start3A_302 : memref<1x64xi32, #tpu.memory_space<hbm>> -> memref<64xi32, #tpu.memory_space<hbm>>
      tpu.enqueue_dma source(%dma_start3A_303 : memref<64xi32, #tpu.memory_space<hbm>>) target(%dma_start3A_300 : memref<64xi32, #tpu.memory_space<vmem>>) target_semaphore(%arg21 : memref<!tpu.dma_semaphore, #tpu.memory_space<semaphore_mem>>)
      %dma_start3A_304 = arith.constant 1 : i32
      %dma_start3A_305 = arith.constant 7 : i32
      %dma_start3A_306 = arith.constant 1 : i32
      %dma_start3A_307 = arith.constant 0 : i32
      %dma_start3A_308 = tpu.memref_slice %arg7[%dma_start3A_305, %dma_start3A_306, %dma_start3A_307] : memref<8x2x64xi32, #tpu.memory_space<vmem>> -> memref<1x1x64xi32, #tpu.memory_space<vmem>>
      %dma_start3A_309 = tpu.memref_squeeze %dma_start3A_308 : memref<1x1x64xi32, #tpu.memory_space<vmem>> -> memref<64xi32, #tpu.memory_space<vmem>>
      %dma_start3A_310 = arith.constant 448 : i32
      %dma_start3A_311 = tpu.memref_slice %arg4[%dma_start3A_304, %dma_start3A_310] : memref<2x10240xi32, #tpu.memory_space<hbm>> -> memref<1x64xi32, #tpu.memory_space<hbm>>
      %dma_start3A_312 = tpu.memref_squeeze %dma_start3A_311 : memref<1x64xi32, #tpu.memory_space<hbm>> -> memref<64xi32, #tpu.memory_space<hbm>>
      %dma_start3A_313 = arith.constant 0 : i32
      %dma_start3A_314 = tpu.memref_slice %arg7[%dma_start3A_305, %dma_start3A_306, %dma_start3A_313] : memref<8x2x64xi32, #tpu.memory_space<vmem>> -> memref<1x1x64xi32, #tpu.memory_space<vmem>>
      %dma_start3A_315 = tpu.memref_squeeze %dma_start3A_314 : memref<1x1x64xi32, #tpu.memory_space<vmem>> -> memref<64xi32, #tpu.memory_space<vmem>>
      %dma_start3A_316 = arith.constant 448 : i32
      %dma_start3A_317 = tpu.memref_slice %arg4[%dma_start3A_304, %dma_start3A_316] : memref<2x10240xi32, #tpu.memory_space<hbm>> -> memref<1x64xi32, #tpu.memory_space<hbm>>
      %dma_start3A_318 = tpu.memref_squeeze %dma_start3A_317 : memref<1x64xi32, #tpu.memory_space<hbm>> -> memref<64xi32, #tpu.memory_space<hbm>>
      tpu.enqueue_dma source(%dma_start3A_318 : memref<64xi32, #tpu.memory_space<hbm>>) target(%dma_start3A_315 : memref<64xi32, #tpu.memory_space<vmem>>) target_semaphore(%arg21 : memref<!tpu.dma_semaphore, #tpu.memory_space<semaphore_mem>>)
    } else {
    }
    %scan3A_85 = arith.constant 0 : i32
    %scan3A_86 = arith.constant 0 : i32
    %scan3A_87 = arith.constant 16 : i32
    %scan3A_88 = arith.addi %scan3A_86, %scan3A_87 : i32
    %scan3A_89 = arith.constant 1 : i32
    scf.for %scan3A_289 = %scan3A_86 to %scan3A_88 step %scan3A_89  : i32 {
      %swap3A = arith.constant 0 : i32
      %swap3A_290 = arith.index_cast %swap3A : i32 to index
      %swap3A_291 = arith.index_cast %scan3A_289 : i32 to index
      %swap3A_292 = arith.constant 0 : index
      %swap3A_293 = tpu.vector_load %arg8[%swap3A_290, %swap3A_291, %swap3A_292] {strides = array<i32>} : memref<4x64x128xf32, #tpu.memory_space<vmem>>, vector<16xf32>,
      tpu.vector_store %arg8[%swap3A_290, %swap3A_291, %swap3A_292], %broadcast_in_dim3A_3 {strides = array<i32>} : memref<4x64x128xf32, #tpu.memory_space<vmem>>, vector<16xf32>,
      %swap3A_294 = arith.constant 0 : i32
      %swap3A_295 = arith.index_cast %swap3A_294 : i32 to index
      %swap3A_296 = arith.index_cast %scan3A_289 : i32 to index
      %swap3A_297 = arith.constant 16 : index
      %swap3A_298 = tpu.vector_load %arg8[%swap3A_295, %swap3A_296, %swap3A_297] {strides = array<i32>} : memref<4x64x128xf32, #tpu.memory_space<vmem>>, vector<16xf32>,
      tpu.vector_store %arg8[%swap3A_295, %swap3A_296, %swap3A_297], %broadcast_in_dim3A_3 {strides = array<i32>} : memref<4x64x128xf32, #tpu.memory_space<vmem>>, vector<16xf32>,
      %swap3A_299 = arith.constant 0 : i32
      %swap3A_300 = arith.index_cast %swap3A_299 : i32 to index
      %swap3A_301 = arith.index_cast %scan3A_289 : i32 to index
      %swap3A_302 = arith.constant 32 : index
      %swap3A_303 = tpu.vector_load %arg8[%swap3A_300, %swap3A_301, %swap3A_302] {strides = array<i32>} : memref<4x64x128xf32, #tpu.memory_space<vmem>>, vector<16xf32>,
      tpu.vector_store %arg8[%swap3A_300, %swap3A_301, %swap3A_302], %broadcast_in_dim3A_3 {strides = array<i32>} : memref<4x64x128xf32, #tpu.memory_space<vmem>>, vector<16xf32>,
      %swap3A_304 = arith.constant 0 : i32
      %swap3A_305 = arith.index_cast %swap3A_304 : i32 to index
      %swap3A_306 = arith.index_cast %scan3A_289 : i32 to index
      %swap3A_307 = arith.constant 48 : index
      %swap3A_308 = tpu.vector_load %arg8[%swap3A_305, %swap3A_306, %swap3A_307] {strides = array<i32>} : memref<4x64x128xf32, #tpu.memory_space<vmem>>, vector<16xf32>,
      tpu.vector_store %arg8[%swap3A_305, %swap3A_306, %swap3A_307], %broadcast_in_dim3A_3 {strides = array<i32>} : memref<4x64x128xf32, #tpu.memory_space<vmem>>, vector<16xf32>,
      %swap3A_309 = arith.constant 0 : i32
      %swap3A_310 = arith.index_cast %swap3A_309 : i32 to index
      %swap3A_311 = arith.index_cast %scan3A_289 : i32 to index
      %swap3A_312 = arith.constant 64 : index
      %swap3A_313 = tpu.vector_load %arg8[%swap3A_310, %swap3A_311, %swap3A_312] {strides = array<i32>} : memref<4x64x128xf32, #tpu.memory_space<vmem>>, vector<16xf32>,
      tpu.vector_store %arg8[%swap3A_310, %swap3A_311, %swap3A_312], %broadcast_in_dim3A_3 {strides = array<i32>} : memref<4x64x128xf32, #tpu.memory_space<vmem>>, vector<16xf32>,
      %swap3A_314 = arith.constant 0 : i32
      %swap3A_315 = arith.index_cast %swap3A_314 : i32 to index
      %swap3A_316 = arith.index_cast %scan3A_289 : i32 to index
      %swap3A_317 = arith.constant 80 : index
      %swap3A_318 = tpu.vector_load %arg8[%swap3A_315, %swap3A_316, %swap3A_317] {strides = array<i32>} : memref<4x64x128xf32, #tpu.memory_space<vmem>>, vector<16xf32>,
      tpu.vector_store %arg8[%swap3A_315, %swap3A_316, %swap3A_317], %broadcast_in_dim3A_3 {strides = array<i32>} : memref<4x64x128xf32, #tpu.memory_space<vmem>>, vector<16xf32>,
      %swap3A_319 = arith.constant 0 : i32
      %swap3A_320 = arith.index_cast %swap3A_319 : i32 to index
      %swap3A_321 = arith.index_cast %scan3A_289 : i32 to index
      %swap3A_322 = arith.constant 96 : index
      %swap3A_323 = tpu.vector_load %arg8[%swap3A_320, %swap3A_321, %swap3A_322] {strides = array<i32>} : memref<4x64x128xf32, #tpu.memory_space<vmem>>, vector<16xf32>,
      tpu.vector_store %arg8[%swap3A_320, %swap3A_321, %swap3A_322], %broadcast_in_dim3A_3 {strides = array<i32>} : memref<4x64x128xf32, #tpu.memory_space<vmem>>, vector<16xf32>,
      %swap3A_324 = arith.constant 0 : i32
      %swap3A_325 = arith.index_cast %swap3A_324 : i32 to index
      %swap3A_326 = arith.index_cast %scan3A_289 : i32 to index
      %swap3A_327 = arith.constant 112 : index
      %swap3A_328 = tpu.vector_load %arg8[%swap3A_325, %swap3A_326, %swap3A_327] {strides = array<i32>} : memref<4x64x128xf32, #tpu.memory_space<vmem>>, vector<16xf32>,
      tpu.vector_store %arg8[%swap3A_325, %swap3A_326, %swap3A_327], %broadcast_in_dim3A_3 {strides = array<i32>} : memref<4x64x128xf32, #tpu.memory_space<vmem>>, vector<16xf32>,
    }
    %scan3A_90 = arith.constant 16 : i32
    %mul3A_91 = arith.constant 632 : i32
    %mul3A_92 = arith.muli %arg1, %mul3A_91 : i32
    %scan3A_93 = arith.constant 0 : i32
    %scan3A_94 = arith.constant 0 : i32
    %scan3A_95 = arith.constant 0 : i32
    %scan3A_96 = arith.constant 39 : i32
    %scan3A_97 = arith.addi %scan3A_95, %scan3A_96 : i32
    %scan3A_98 = arith.constant 1 : i32
    scf.for %scan3A_289 = %scan3A_95 to %scan3A_97 step %scan3A_98  : i32 {
      %mul3A_290 = arith.constant 16 : i32
      %mul3A_291 = arith.muli %scan3A_289, %mul3A_290 : i32
      %add3A_292 = arith.addi %mul3A_92, %mul3A_291 : i32
      %dma_start3A_293 = arith.constant 0 : i32
      %dma_start3A_294 = arith.constant 0 : i32
      %dma_start3A_295 = tpu.memref_slice %arg8[%scan3A_94, %dma_start3A_293, %dma_start3A_294] : memref<4x64x128xf32, #tpu.memory_space<vmem>> -> memref<1x16x128xf32, #tpu.memory_space<vmem>>
      %dma_start3A_296 = tpu.memref_squeeze %dma_start3A_295 : memref<1x16x128xf32, #tpu.memory_space<vmem>> -> memref<16x128xf32, #tpu.memory_space<vmem>>
      %dma_start3A_297 = arith.constant 0 : i32
      %dma_start3A_298 = tpu.memref_slice %arg22[%add3A_292, %dma_start3A_297] : memref<10112x128xf32, #tpu.memory_space<vmem_shared>> -> memref<16x128xf32, #tpu.memory_space<vmem_shared>>
      %dma_start3A_299 = arith.constant 0 : i32
      %dma_start3A_300 = tpu.memref_slice %arg22[%add3A_292, %dma_start3A_299] : memref<10112x128xf32, #tpu.memory_space<vmem_shared>> -> memref<16x128xf32, #tpu.memory_space<vmem_shared>>
      %dma_start3A_301 = arith.constant 0 : i32
      %dma_start3A_302 = arith.constant 0 : i32
      %dma_start3A_303 = tpu.memref_slice %arg8[%scan3A_94, %dma_start3A_301, %dma_start3A_302] : memref<4x64x128xf32, #tpu.memory_space<vmem>> -> memref<1x16x128xf32, #tpu.memory_space<vmem>>
      %dma_start3A_304 = tpu.memref_squeeze %dma_start3A_303 : memref<1x16x128xf32, #tpu.memory_space<vmem>> -> memref<16x128xf32, #tpu.memory_space<vmem>>
      tpu.enqueue_dma source(%dma_start3A_304 : memref<16x128xf32, #tpu.memory_space<vmem>>) target(%dma_start3A_300 : memref<16x128xf32, #tpu.memory_space<vmem_shared>>) target_semaphore(%arg10 : memref<!tpu.dma_semaphore, #tpu.memory_space<semaphore_mem>>)
    }
    %scan3A_99 = arith.constant 39 : i32
    %scan3A_100 = arith.constant 0 : i32
    %scan3A_101 = arith.constant 0 : i32
    %scan3A_102 = arith.constant 0 : i32
    %scan3A_103 = arith.constant 39 : i32
    %scan3A_104 = arith.addi %scan3A_102, %scan3A_103 : i32
    %scan3A_105 = arith.constant 1 : i32
    scf.for %scan3A_289 = %scan3A_102 to %scan3A_104 step %scan3A_105  : i32 {
      %mul3A_290 = arith.constant 16 : i32
      %mul3A_291 = arith.muli %scan3A_289, %mul3A_290 : i32
      %add3A_292 = arith.addi %mul3A_92, %mul3A_291 : i32
      %dma_wait3A_293 = arith.constant 0 : i32
      %dma_wait3A_294 = arith.constant 0 : i32
      %dma_wait3A_295 = tpu.memref_slice %arg8[%scan3A_101, %dma_wait3A_293, %dma_wait3A_294] : memref<4x64x128xf32, #tpu.memory_space<vmem>> -> memref<1x16x128xf32, #tpu.memory_space<vmem>>
      %dma_wait3A_296 = tpu.memref_squeeze %dma_wait3A_295 : memref<1x16x128xf32, #tpu.memory_space<vmem>> -> memref<16x128xf32, #tpu.memory_space<vmem>>
      %dma_wait3A_297 = arith.constant 0 : i32
      %dma_wait3A_298 = tpu.memref_slice %arg22[%add3A_292, %dma_wait3A_297] : memref<10112x128xf32, #tpu.memory_space<vmem_shared>> -> memref<16x128xf32, #tpu.memory_space<vmem_shared>>
      %dma_wait3A_299 = arith.constant 0 : i32
      %dma_wait3A_300 = tpu.memref_slice %arg22[%add3A_292, %dma_wait3A_299] : memref<10112x128xf32, #tpu.memory_space<vmem_shared>> -> memref<16x128xf32, #tpu.memory_space<vmem_shared>>
      %dma_wait3A_301 = arith.constant 0 : i32
      %dma_wait3A_302 = arith.constant 0 : i32
      %dma_wait3A_303 = tpu.memref_slice %arg8[%scan3A_101, %dma_wait3A_301, %dma_wait3A_302] : memref<4x64x128xf32, #tpu.memory_space<vmem>> -> memref<1x16x128xf32, #tpu.memory_space<vmem>>
      %dma_wait3A_304 = tpu.memref_squeeze %dma_wait3A_303 : memref<1x16x128xf32, #tpu.memory_space<vmem>> -> memref<16x128xf32, #tpu.memory_space<vmem>>
      tpu.wait_dma2 semaphore(%arg10 : memref<!tpu.dma_semaphore, #tpu.memory_space<semaphore_mem>>) src(%dma_wait3A_304 : memref<16x128xf32, #tpu.memory_space<vmem>>) dst(%dma_wait3A_300 : memref<16x128xf32, #tpu.memory_space<vmem_shared>>)
    }
    %scan3A_106 = arith.constant 39 : i32
    %add3A_107 = arith.constant 632 : i32
    %add3A_108 = arith.addi %mul3A_92, %add3A_107 : i32
    %sub3A = arith.constant 8 : i32
    %sub3A_109 = arith.subi %add3A_108, %sub3A : i32
    %run_scoped3A = arith.constant 0 : i32
    "tpu.region"() ({
      %run_scoped3A_289 = tpu.sem_alloc : memref<!tpu.dma_semaphore, #tpu.memory_space<semaphore_mem>>
      %dma_start3A_290 = arith.constant 0 : i32
      %dma_start3A_291 = arith.constant 0 : i32
      %dma_start3A_292 = tpu.memref_slice %arg8[%run_scoped3A, %dma_start3A_290, %dma_start3A_291] : memref<4x64x128xf32, #tpu.memory_space<vmem>> -> memref<1x8x128xf32, #tpu.memory_space<vmem>>
      %dma_start3A_293 = tpu.memref_squeeze %dma_start3A_292 : memref<1x8x128xf32, #tpu.memory_space<vmem>> -> memref<8x128xf32, #tpu.memory_space<vmem>>
      %dma_start3A_294 = arith.constant 0 : i32
      %dma_start3A_295 = tpu.memref_slice %arg22[%sub3A_109, %dma_start3A_294] : memref<10112x128xf32, #tpu.memory_space<vmem_shared>> -> memref<8x128xf32, #tpu.memory_space<vmem_shared>>
      %dma_start3A_296 = arith.constant 0 : i32
      %dma_start3A_297 = tpu.memref_slice %arg22[%sub3A_109, %dma_start3A_296] : memref<10112x128xf32, #tpu.memory_space<vmem_shared>> -> memref<8x128xf32, #tpu.memory_space<vmem_shared>>
      %dma_start3A_298 = arith.constant 0 : i32
      %dma_start3A_299 = arith.constant 0 : i32
      %dma_start3A_300 = tpu.memref_slice %arg8[%run_scoped3A, %dma_start3A_298, %dma_start3A_299] : memref<4x64x128xf32, #tpu.memory_space<vmem>> -> memref<1x8x128xf32, #tpu.memory_space<vmem>>
      %dma_start3A_301 = tpu.memref_squeeze %dma_start3A_300 : memref<1x8x128xf32, #tpu.memory_space<vmem>> -> memref<8x128xf32, #tpu.memory_space<vmem>>
      tpu.enqueue_dma source(%dma_start3A_301 : memref<8x128xf32, #tpu.memory_space<vmem>>) target(%dma_start3A_297 : memref<8x128xf32, #tpu.memory_space<vmem_shared>>) target_semaphore(%run_scoped3A_289 : memref<!tpu.dma_semaphore, #tpu.memory_space<semaphore_mem>>)
      %dma_wait3A_302 = arith.constant 0 : i32
      %dma_wait3A_303 = arith.constant 0 : i32
      %dma_wait3A_304 = tpu.memref_slice %arg8[%run_scoped3A, %dma_wait3A_302, %dma_wait3A_303] : memref<4x64x128xf32, #tpu.memory_space<vmem>> -> memref<1x8x128xf32, #tpu.memory_space<vmem>>
      %dma_wait3A_305 = tpu.memref_squeeze %dma_wait3A_304 : memref<1x8x128xf32, #tpu.memory_space<vmem>> -> memref<8x128xf32, #tpu.memory_space<vmem>>
      %dma_wait3A_306 = arith.constant 0 : i32
      %dma_wait3A_307 = tpu.memref_slice %arg22[%sub3A_109, %dma_wait3A_306] : memref<10112x128xf32, #tpu.memory_space<vmem_shared>> -> memref<8x128xf32, #tpu.memory_space<vmem_shared>>
      %dma_wait3A_308 = arith.constant 0 : i32
      %dma_wait3A_309 = tpu.memref_slice %arg22[%sub3A_109, %dma_wait3A_308] : memref<10112x128xf32, #tpu.memory_space<vmem_shared>> -> memref<8x128xf32, #tpu.memory_space<vmem_shared>>
      %dma_wait3A_310 = arith.constant 0 : i32
      %dma_wait3A_311 = arith.constant 0 : i32
      %dma_wait3A_312 = tpu.memref_slice %arg8[%run_scoped3A, %dma_wait3A_310, %dma_wait3A_311] : memref<4x64x128xf32, #tpu.memory_space<vmem>> -> memref<1x8x128xf32, #tpu.memory_space<vmem>>
      %dma_wait3A_313 = tpu.memref_squeeze %dma_wait3A_312 : memref<1x8x128xf32, #tpu.memory_space<vmem>> -> memref<8x128xf32, #tpu.memory_space<vmem>>
      tpu.wait_dma2 semaphore(%run_scoped3A_289 : memref<!tpu.dma_semaphore, #tpu.memory_space<semaphore_mem>>) src(%dma_wait3A_313 : memref<8x128xf32, #tpu.memory_space<vmem>>) dst(%dma_wait3A_309 : memref<8x128xf32, #tpu.memory_space<vmem_shared>>)
      tpu.yield
    }) : () -> ()
    %dma_wait3A = arith.constant 0 : i32
    %dma_wait3A_110 = arith.constant 0 : i32
    %dma_wait3A_111 = arith.constant 0 : i32
    %dma_wait3A_112 = arith.constant 0 : i32
    %dma_wait3A_113 = tpu.memref_slice %arg7[%dma_wait3A_110, %dma_wait3A_111, %dma_wait3A_112] : memref<8x2x64xi32, #tpu.memory_space<vmem>> -> memref<1x1x64xi32, #tpu.memory_space<vmem>>
    %dma_wait3A_114 = tpu.memref_squeeze %dma_wait3A_113 : memref<1x1x64xi32, #tpu.memory_space<vmem>> -> memref<64xi32, #tpu.memory_space<vmem>>
    %dma_wait3A_115 = arith.constant 0 : i32
    %dma_wait3A_116 = tpu.memref_slice %arg3[%dma_wait3A, %dma_wait3A_115] : memref<2x320000xi32, #tpu.memory_space<hbm>> -> memref<1x64xi32, #tpu.memory_space<hbm>>
    %dma_wait3A_117 = tpu.memref_squeeze %dma_wait3A_116 : memref<1x64xi32, #tpu.memory_space<hbm>> -> memref<64xi32, #tpu.memory_space<hbm>>
    %dma_wait3A_118 = arith.constant 0 : i32
    %dma_wait3A_119 = tpu.memref_slice %arg7[%dma_wait3A_110, %dma_wait3A_111, %dma_wait3A_118] : memref<8x2x64xi32, #tpu.memory_space<vmem>> -> memref<1x1x64xi32, #tpu.memory_space<vmem>>
    %dma_wait3A_120 = tpu.memref_squeeze %dma_wait3A_119 : memref<1x1x64xi32, #tpu.memory_space<vmem>> -> memref<64xi32, #tpu.memory_space<vmem>>
    %dma_wait3A_121 = arith.constant 0 : i32
    %dma_wait3A_122 = tpu.memref_slice %arg3[%dma_wait3A, %dma_wait3A_121] : memref<2x320000xi32, #tpu.memory_space<hbm>> -> memref<1x64xi32, #tpu.memory_space<hbm>>
    %dma_wait3A_123 = tpu.memref_squeeze %dma_wait3A_122 : memref<1x64xi32, #tpu.memory_space<hbm>> -> memref<64xi32, #tpu.memory_space<hbm>>
    tpu.wait_dma2 semaphore(%arg14 : memref<!tpu.dma_semaphore, #tpu.memory_space<semaphore_mem>>) src(%dma_wait3A_123 : memref<64xi32, #tpu.memory_space<hbm>>) dst(%dma_wait3A_120 : memref<64xi32, #tpu.memory_space<vmem>>)
    %dma_wait3A_124 = arith.constant 0 : i32
    %dma_wait3A_125 = arith.constant 0 : i32
    %dma_wait3A_126 = arith.constant 1 : i32
    %dma_wait3A_127 = arith.constant 0 : i32
    %dma_wait3A_128 = tpu.memref_slice %arg7[%dma_wait3A_125, %dma_wait3A_126, %dma_wait3A_127] : memref<8x2x64xi32, #tpu.memory_space<vmem>> -> memref<1x1x64xi32, #tpu.memory_space<vmem>>
    %dma_wait3A_129 = tpu.memref_squeeze %dma_wait3A_128 : memref<1x1x64xi32, #tpu.memory_space<vmem>> -> memref<64xi32, #tpu.memory_space<vmem>>
    %dma_wait3A_130 = arith.constant 0 : i32
    %dma_wait3A_131 = tpu.memref_slice %arg3[%dma_wait3A_124, %dma_wait3A_130] : memref<2x320000xi32, #tpu.memory_space<hbm>> -> memref<1x64xi32, #tpu.memory_space<hbm>>
    %dma_wait3A_132 = tpu.memref_squeeze %dma_wait3A_131 : memref<1x64xi32, #tpu.memory_space<hbm>> -> memref<64xi32, #tpu.memory_space<hbm>>
    %dma_wait3A_133 = arith.constant 0 : i32
    %dma_wait3A_134 = tpu.memref_slice %arg7[%dma_wait3A_125, %dma_wait3A_126, %dma_wait3A_133] : memref<8x2x64xi32, #tpu.memory_space<vmem>> -> memref<1x1x64xi32, #tpu.memory_space<vmem>>
    %dma_wait3A_135 = tpu.memref_squeeze %dma_wait3A_134 : memref<1x1x64xi32, #tpu.memory_space<vmem>> -> memref<64xi32, #tpu.memory_space<vmem>>
    %dma_wait3A_136 = arith.constant 0 : i32
    %dma_wait3A_137 = tpu.memref_slice %arg3[%dma_wait3A_124, %dma_wait3A_136] : memref<2x320000xi32, #tpu.memory_space<hbm>> -> memref<1x64xi32, #tpu.memory_space<hbm>>
    %dma_wait3A_138 = tpu.memref_squeeze %dma_wait3A_137 : memref<1x64xi32, #tpu.memory_space<hbm>> -> memref<64xi32, #tpu.memory_space<hbm>>
    tpu.wait_dma2 semaphore(%arg14 : memref<!tpu.dma_semaphore, #tpu.memory_space<semaphore_mem>>) src(%dma_wait3A_138 : memref<64xi32, #tpu.memory_space<hbm>>) dst(%dma_wait3A_135 : memref<64xi32, #tpu.memory_space<vmem>>)
    %dma_start3A = arith.constant 0 : i32
    %dma_start3A_139 = arith.constant 0 : i32
    %dma_start3A_140 = arith.constant 0 : i32
    %dma_start3A_141 = arith.constant 0 : i32
    %dma_start3A_142 = arith.constant 0 : i32
    %dma_start3A_143 = tpu.memref_slice %arg8[%dma_start3A_140, %dma_start3A_141, %dma_start3A_142] : memref<4x64x128xf32, #tpu.memory_space<vmem>> -> memref<1x64x128xf32, #tpu.memory_space<vmem>>
    %dma_start3A_144 = tpu.memref_squeeze %dma_start3A_143 : memref<1x64x128xf32, #tpu.memory_space<vmem>> -> memref<64x128xf32, #tpu.memory_space<vmem>>
    %dma_start3A_145 = arith.constant 0 : i32
    %dma_start3A_146 = tpu.memref_slice %arg7[%dma_start3A, %dma_start3A_139, %dma_start3A_145] : memref<8x2x64xi32, #tpu.memory_space<vmem>> -> memref<1x1x64xi32, #tpu.memory_space<vmem>>
    %dma_start3A_147 = tpu.memref_squeeze %dma_start3A_146 : memref<1x1x64xi32, #tpu.memory_space<vmem>> -> memref<64xi32, #tpu.memory_space<vmem>>
    %dma_start3A_148 = arith.constant 0 : i32
    %dma_start3A_149 = arith.constant 0 : i32
    %dma_start3A_150 = tpu.memref_slice %arg2[%dma_start3A_148, %dma_start3A_149] : memref<10000x128xf32, #tpu.memory_space<hbm>> -> memref<10000x128xf32, #tpu.memory_space<hbm>>
    tpu.enqueue_indirect_dma source(%dma_start3A_150 : memref<10000x128xf32, #tpu.memory_space<hbm>>) target(%dma_start3A_144 : memref<64x128xf32, #tpu.memory_space<vmem>>) offsets(%dma_start3A_147 : memref<64xi32, #tpu.memory_space<vmem>>) semaphore(%arg10 : memref<!tpu.dma_semaphore, #tpu.memory_space<semaphore_mem>>)
    %dma_wait3A_151 = arith.constant 0 : i32
    %dma_wait3A_152 = arith.constant 1 : i32
    %dma_wait3A_153 = arith.constant 0 : i32
    %dma_wait3A_154 = arith.constant 0 : i32
    %dma_wait3A_155 = tpu.memref_slice %arg7[%dma_wait3A_152, %dma_wait3A_153, %dma_wait3A_154] : memref<8x2x64xi32, #tpu.memory_space<vmem>> -> memref<1x1x64xi32, #tpu.memory_space<vmem>>
    %dma_wait3A_156 = tpu.memref_squeeze %dma_wait3A_155 : memref<1x1x64xi32, #tpu.memory_space<vmem>> -> memref<64xi32, #tpu.memory_space<vmem>>
    %dma_wait3A_157 = arith.constant 0 : i32
    %dma_wait3A_158 = tpu.memref_slice %arg3[%dma_wait3A_151, %dma_wait3A_157] : memref<2x320000xi32, #tpu.memory_space<hbm>> -> memref<1x64xi32, #tpu.memory_space<hbm>>
    %dma_wait3A_159 = tpu.memref_squeeze %dma_wait3A_158 : memref<1x64xi32, #tpu.memory_space<hbm>> -> memref<64xi32, #tpu.memory_space<hbm>>
    %dma_wait3A_160 = arith.constant 0 : i32
    %dma_wait3A_161 = tpu.memref_slice %arg7[%dma_wait3A_152, %dma_wait3A_153, %dma_wait3A_160] : memref<8x2x64xi32, #tpu.memory_space<vmem>> -> memref<1x1x64xi32, #tpu.memory_space<vmem>>
    %dma_wait3A_162 = tpu.memref_squeeze %dma_wait3A_161 : memref<1x1x64xi32, #tpu.memory_space<vmem>> -> memref<64xi32, #tpu.memory_space<vmem>>
    %dma_wait3A_163 = arith.constant 0 : i32
    %dma_wait3A_164 = tpu.memref_slice %arg3[%dma_wait3A_151, %dma_wait3A_163] : memref<2x320000xi32, #tpu.memory_space<hbm>> -> memref<1x64xi32, #tpu.memory_space<hbm>>
    %dma_wait3A_165 = tpu.memref_squeeze %dma_wait3A_164 : memref<1x64xi32, #tpu.memory_space<hbm>> -> memref<64xi32, #tpu.memory_space<hbm>>
    tpu.wait_dma2 semaphore(%arg15 : memref<!tpu.dma_semaphore, #tpu.memory_space<semaphore_mem>>) src(%dma_wait3A_165 : memref<64xi32, #tpu.memory_space<hbm>>) dst(%dma_wait3A_162 : memref<64xi32, #tpu.memory_space<vmem>>)
    %dma_wait3A_166 = arith.constant 0 : i32
    %dma_wait3A_167 = arith.constant 1 : i32
    %dma_wait3A_168 = arith.constant 1 : i32
    %dma_wait3A_169 = arith.constant 0 : i32
    %dma_wait3A_170 = tpu.memref_slice %arg7[%dma_wait3A_167, %dma_wait3A_168, %dma_wait3A_169] : memref<8x2x64xi32, #tpu.memory_space<vmem>> -> memref<1x1x64xi32, #tpu.memory_space<vmem>>
    %dma_wait3A_171 = tpu.memref_squeeze %dma_wait3A_170 : memref<1x1x64xi32, #tpu.memory_space<vmem>> -> memref<64xi32, #tpu.memory_space<vmem>>
    %dma_wait3A_172 = arith.constant 0 : i32
    %dma_wait3A_173 = tpu.memref_slice %arg3[%dma_wait3A_166, %dma_wait3A_172] : memref<2x320000xi32, #tpu.memory_space<hbm>> -> memref<1x64xi32, #tpu.memory_space<hbm>>
    %dma_wait3A_174 = tpu.memref_squeeze %dma_wait3A_173 : memref<1x64xi32, #tpu.memory_space<hbm>> -> memref<64xi32, #tpu.memory_space<hbm>>
    %dma_wait3A_175 = arith.constant 0 : i32
    %dma_wait3A_176 = tpu.memref_slice %arg7[%dma_wait3A_167, %dma_wait3A_168, %dma_wait3A_175] : memref<8x2x64xi32, #tpu.memory_space<vmem>> -> memref<1x1x64xi32, #tpu.memory_space<vmem>>
    %dma_wait3A_177 = tpu.memref_squeeze %dma_wait3A_176 : memref<1x1x64xi32, #tpu.memory_space<vmem>> -> memref<64xi32, #tpu.memory_space<vmem>>
    %dma_wait3A_178 = arith.constant 0 : i32
    %dma_wait3A_179 = tpu.memref_slice %arg3[%dma_wait3A_166, %dma_wait3A_178] : memref<2x320000xi32, #tpu.memory_space<hbm>> -> memref<1x64xi32, #tpu.memory_space<hbm>>
    %dma_wait3A_180 = tpu.memref_squeeze %dma_wait3A_179 : memref<1x64xi32, #tpu.memory_space<hbm>> -> memref<64xi32, #tpu.memory_space<hbm>>
    tpu.wait_dma2 semaphore(%arg15 : memref<!tpu.dma_semaphore, #tpu.memory_space<semaphore_mem>>) src(%dma_wait3A_180 : memref<64xi32, #tpu.memory_space<hbm>>) dst(%dma_wait3A_177 : memref<64xi32, #tpu.memory_space<vmem>>)
    %dma_start3A_181 = arith.constant 1 : i32
    %dma_start3A_182 = arith.constant 0 : i32
    %dma_start3A_183 = arith.constant 1 : i32
    %dma_start3A_184 = arith.constant 0 : i32
    %dma_start3A_185 = arith.constant 0 : i32
    %dma_start3A_186 = tpu.memref_slice %arg8[%dma_start3A_183, %dma_start3A_184, %dma_start3A_185] : memref<4x64x128xf32, #tpu.memory_space<vmem>> -> memref<1x64x128xf32, #tpu.memory_space<vmem>>
    %dma_start3A_187 = tpu.memref_squeeze %dma_start3A_186 : memref<1x64x128xf32, #tpu.memory_space<vmem>> -> memref<64x128xf32, #tpu.memory_space<vmem>>
    %dma_start3A_188 = arith.constant 0 : i32
    %dma_start3A_189 = tpu.memref_slice %arg7[%dma_start3A_181, %dma_start3A_182, %dma_start3A_188] : memref<8x2x64xi32, #tpu.memory_space<vmem>> -> memref<1x1x64xi32, #tpu.memory_space<vmem>>
    %dma_start3A_190 = tpu.memref_squeeze %dma_start3A_189 : memref<1x1x64xi32, #tpu.memory_space<vmem>> -> memref<64xi32, #tpu.memory_space<vmem>>
    %dma_start3A_191 = arith.constant 0 : i32
    %dma_start3A_192 = arith.constant 0 : i32
    %dma_start3A_193 = tpu.memref_slice %arg2[%dma_start3A_191, %dma_start3A_192] : memref<10000x128xf32, #tpu.memory_space<hbm>> -> memref<10000x128xf32, #tpu.memory_space<hbm>>
    tpu.enqueue_indirect_dma source(%dma_start3A_193 : memref<10000x128xf32, #tpu.memory_space<hbm>>) target(%dma_start3A_187 : memref<64x128xf32, #tpu.memory_space<vmem>>) offsets(%dma_start3A_190 : memref<64xi32, #tpu.memory_space<vmem>>) semaphore(%arg11 : memref<!tpu.dma_semaphore, #tpu.memory_space<semaphore_mem>>)
    %dma_wait3A_194 = arith.constant 0 : i32
    %dma_wait3A_195 = arith.constant 2 : i32
    %dma_wait3A_196 = arith.constant 0 : i32
    %dma_wait3A_197 = arith.constant 0 : i32
    %dma_wait3A_198 = tpu.memref_slice %arg7[%dma_wait3A_195, %dma_wait3A_196, %dma_wait3A_197] : memref<8x2x64xi32, #tpu.memory_space<vmem>> -> memref<1x1x64xi32, #tpu.memory_space<vmem>>
    %dma_wait3A_199 = tpu.memref_squeeze %dma_wait3A_198 : memref<1x1x64xi32, #tpu.memory_space<vmem>> -> memref<64xi32, #tpu.memory_space<vmem>>
    %dma_wait3A_200 = arith.constant 0 : i32
    %dma_wait3A_201 = tpu.memref_slice %arg3[%dma_wait3A_194, %dma_wait3A_200] : memref<2x320000xi32, #tpu.memory_space<hbm>> -> memref<1x64xi32, #tpu.memory_space<hbm>>
    %dma_wait3A_202 = tpu.memref_squeeze %dma_wait3A_201 : memref<1x64xi32, #tpu.memory_space<hbm>> -> memref<64xi32, #tpu.memory_space<hbm>>
    %dma_wait3A_203 = arith.constant 0 : i32
    %dma_wait3A_204 = tpu.memref_slice %arg7[%dma_wait3A_195, %dma_wait3A_196, %dma_wait3A_203] : memref<8x2x64xi32, #tpu.memory_space<vmem>> -> memref<1x1x64xi32, #tpu.memory_space<vmem>>
    %dma_wait3A_205 = tpu.memref_squeeze %dma_wait3A_204 : memref<1x1x64xi32, #tpu.memory_space<vmem>> -> memref<64xi32, #tpu.memory_space<vmem>>
    %dma_wait3A_206 = arith.constant 0 : i32
    %dma_wait3A_207 = tpu.memref_slice %arg3[%dma_wait3A_194, %dma_wait3A_206] : memref<2x320000xi32, #tpu.memory_space<hbm>> -> memref<1x64xi32, #tpu.memory_space<hbm>>
    %dma_wait3A_208 = tpu.memref_squeeze %dma_wait3A_207 : memref<1x64xi32, #tpu.memory_space<hbm>> -> memref<64xi32, #tpu.memory_space<hbm>>
    tpu.wait_dma2 semaphore(%arg16 : memref<!tpu.dma_semaphore, #tpu.memory_space<semaphore_mem>>) src(%dma_wait3A_208 : memref<64xi32, #tpu.memory_space<hbm>>) dst(%dma_wait3A_205 : memref<64xi32, #tpu.memory_space<vmem>>)
    %dma_wait3A_209 = arith.constant 0 : i32
    %dma_wait3A_210 = arith.constant 2 : i32
    %dma_wait3A_211 = arith.constant 1 : i32
    %dma_wait3A_212 = arith.constant 0 : i32
    %dma_wait3A_213 = tpu.memref_slice %arg7[%dma_wait3A_210, %dma_wait3A_211, %dma_wait3A_212] : memref<8x2x64xi32, #tpu.memory_space<vmem>> -> memref<1x1x64xi32, #tpu.memory_space<vmem>>
    %dma_wait3A_214 = tpu.memref_squeeze %dma_wait3A_213 : memref<1x1x64xi32, #tpu.memory_space<vmem>> -> memref<64xi32, #tpu.memory_space<vmem>>
    %dma_wait3A_215 = arith.constant 0 : i32
    %dma_wait3A_216 = tpu.memref_slice %arg3[%dma_wait3A_209, %dma_wait3A_215] : memref<2x320000xi32, #tpu.memory_space<hbm>> -> memref<1x64xi32, #tpu.memory_space<hbm>>
    %dma_wait3A_217 = tpu.memref_squeeze %dma_wait3A_216 : memref<1x64xi32, #tpu.memory_space<hbm>> -> memref<64xi32, #tpu.memory_space<hbm>>
    %dma_wait3A_218 = arith.constant 0 : i32
    %dma_wait3A_219 = tpu.memref_slice %arg7[%dma_wait3A_210, %dma_wait3A_211, %dma_wait3A_218] : memref<8x2x64xi32, #tpu.memory_space<vmem>> -> memref<1x1x64xi32, #tpu.memory_space<vmem>>
    %dma_wait3A_220 = tpu.memref_squeeze %dma_wait3A_219 : memref<1x1x64xi32, #tpu.memory_space<vmem>> -> memref<64xi32, #tpu.memory_space<vmem>>
    %dma_wait3A_221 = arith.constant 0 : i32
    %dma_wait3A_222 = tpu.memref_slice %arg3[%dma_wait3A_209, %dma_wait3A_221] : memref<2x320000xi32, #tpu.memory_space<hbm>> -> memref<1x64xi32, #tpu.memory_space<hbm>>
    %dma_wait3A_223 = tpu.memref_squeeze %dma_wait3A_222 : memref<1x64xi32, #tpu.memory_space<hbm>> -> memref<64xi32, #tpu.memory_space<hbm>>
    tpu.wait_dma2 semaphore(%arg16 : memref<!tpu.dma_semaphore, #tpu.memory_space<semaphore_mem>>) src(%dma_wait3A_223 : memref<64xi32, #tpu.memory_space<hbm>>) dst(%dma_wait3A_220 : memref<64xi32, #tpu.memory_space<vmem>>)
    %dma_start3A_224 = arith.constant 2 : i32
    %dma_start3A_225 = arith.constant 0 : i32
    %dma_start3A_226 = arith.constant 2 : i32
    %dma_start3A_227 = arith.constant 0 : i32
    %dma_start3A_228 = arith.constant 0 : i32
    %dma_start3A_229 = tpu.memref_slice %arg8[%dma_start3A_226, %dma_start3A_227, %dma_start3A_228] : memref<4x64x128xf32, #tpu.memory_space<vmem>> -> memref<1x64x128xf32, #tpu.memory_space<vmem>>
    %dma_start3A_230 = tpu.memref_squeeze %dma_start3A_229 : memref<1x64x128xf32, #tpu.memory_space<vmem>> -> memref<64x128xf32, #tpu.memory_space<vmem>>
    %dma_start3A_231 = arith.constant 0 : i32
    %dma_start3A_232 = tpu.memref_slice %arg7[%dma_start3A_224, %dma_start3A_225, %dma_start3A_231] : memref<8x2x64xi32, #tpu.memory_space<vmem>> -> memref<1x1x64xi32, #tpu.memory_space<vmem>>
    %dma_start3A_233 = tpu.memref_squeeze %dma_start3A_232 : memref<1x1x64xi32, #tpu.memory_space<vmem>> -> memref<64xi32, #tpu.memory_space<vmem>>
    %dma_start3A_234 = arith.constant 0 : i32
    %dma_start3A_235 = arith.constant 0 : i32
    %dma_start3A_236 = tpu.memref_slice %arg2[%dma_start3A_234, %dma_start3A_235] : memref<10000x128xf32, #tpu.memory_space<hbm>> -> memref<10000x128xf32, #tpu.memory_space<hbm>>
    tpu.enqueue_indirect_dma source(%dma_start3A_236 : memref<10000x128xf32, #tpu.memory_space<hbm>>) target(%dma_start3A_230 : memref<64x128xf32, #tpu.memory_space<vmem>>) offsets(%dma_start3A_233 : memref<64xi32, #tpu.memory_space<vmem>>) semaphore(%arg12 : memref<!tpu.dma_semaphore, #tpu.memory_space<semaphore_mem>>)
    %dma_wait3A_237 = arith.constant 0 : i32
    %dma_wait3A_238 = arith.constant 3 : i32
    %dma_wait3A_239 = arith.constant 0 : i32
    %dma_wait3A_240 = arith.constant 0 : i32
    %dma_wait3A_241 = tpu.memref_slice %arg7[%dma_wait3A_238, %dma_wait3A_239, %dma_wait3A_240] : memref<8x2x64xi32, #tpu.memory_space<vmem>> -> memref<1x1x64xi32, #tpu.memory_space<vmem>>
    %dma_wait3A_242 = tpu.memref_squeeze %dma_wait3A_241 : memref<1x1x64xi32, #tpu.memory_space<vmem>> -> memref<64xi32, #tpu.memory_space<vmem>>
    %dma_wait3A_243 = arith.constant 0 : i32
    %dma_wait3A_244 = tpu.memref_slice %arg3[%dma_wait3A_237, %dma_wait3A_243] : memref<2x320000xi32, #tpu.memory_space<hbm>> -> memref<1x64xi32, #tpu.memory_space<hbm>>
    %dma_wait3A_245 = tpu.memref_squeeze %dma_wait3A_244 : memref<1x64xi32, #tpu.memory_space<hbm>> -> memref<64xi32, #tpu.memory_space<hbm>>
    %dma_wait3A_246 = arith.constant 0 : i32
    %dma_wait3A_247 = tpu.memref_slice %arg7[%dma_wait3A_238, %dma_wait3A_239, %dma_wait3A_246] : memref<8x2x64xi32, #tpu.memory_space<vmem>> -> memref<1x1x64xi32, #tpu.memory_space<vmem>>
    %dma_wait3A_248 = tpu.memref_squeeze %dma_wait3A_247 : memref<1x1x64xi32, #tpu.memory_space<vmem>> -> memref<64xi32, #tpu.memory_space<vmem>>
    %dma_wait3A_249 = arith.constant 0 : i32
    %dma_wait3A_250 = tpu.memref_slice %arg3[%dma_wait3A_237, %dma_wait3A_249] : memref<2x320000xi32, #tpu.memory_space<hbm>> -> memref<1x64xi32, #tpu.memory_space<hbm>>
    %dma_wait3A_251 = tpu.memref_squeeze %dma_wait3A_250 : memref<1x64xi32, #tpu.memory_space<hbm>> -> memref<64xi32, #tpu.memory_space<hbm>>
    tpu.wait_dma2 semaphore(%arg17 : memref<!tpu.dma_semaphore, #tpu.memory_space<semaphore_mem>>) src(%dma_wait3A_251 : memref<64xi32, #tpu.memory_space<hbm>>) dst(%dma_wait3A_248 : memref<64xi32, #tpu.memory_space<vmem>>)
    %dma_wait3A_252 = arith.constant 0 : i32
    %dma_wait3A_253 = arith.constant 3 : i32
    %dma_wait3A_254 = arith.constant 1 : i32
    %dma_wait3A_255 = arith.constant 0 : i32
    %dma_wait3A_256 = tpu.memref_slice %arg7[%dma_wait3A_253, %dma_wait3A_254, %dma_wait3A_255] : memref<8x2x64xi32, #tpu.memory_space<vmem>> -> memref<1x1x64xi32, #tpu.memory_space<vmem>>
    %dma_wait3A_257 = tpu.memref_squeeze %dma_wait3A_256 : memref<1x1x64xi32, #tpu.memory_space<vmem>> -> memref<64xi32, #tpu.memory_space<vmem>>
    %dma_wait3A_258 = arith.constant 0 : i32
    %dma_wait3A_259 = tpu.memref_slice %arg3[%dma_wait3A_252, %dma_wait3A_258] : memref<2x320000xi32, #tpu.memory_space<hbm>> -> memref<1x64xi32, #tpu.memory_space<hbm>>
    %dma_wait3A_260 = tpu.memref_squeeze %dma_wait3A_259 : memref<1x64xi32, #tpu.memory_space<hbm>> -> memref<64xi32, #tpu.memory_space<hbm>>
    %dma_wait3A_261 = arith.constant 0 : i32
    %dma_wait3A_262 = tpu.memref_slice %arg7[%dma_wait3A_253, %dma_wait3A_254, %dma_wait3A_261] : memref<8x2x64xi32, #tpu.memory_space<vmem>> -> memref<1x1x64xi32, #tpu.memory_space<vmem>>
    %dma_wait3A_263 = tpu.memref_squeeze %dma_wait3A_262 : memref<1x1x64xi32, #tpu.memory_space<vmem>> -> memref<64xi32, #tpu.memory_space<vmem>>
    %dma_wait3A_264 = arith.constant 0 : i32
    %dma_wait3A_265 = tpu.memref_slice %arg3[%dma_wait3A_252, %dma_wait3A_264] : memref<2x320000xi32, #tpu.memory_space<hbm>> -> memref<1x64xi32, #tpu.memory_space<hbm>>
    %dma_wait3A_266 = tpu.memref_squeeze %dma_wait3A_265 : memref<1x64xi32, #tpu.memory_space<hbm>> -> memref<64xi32, #tpu.memory_space<hbm>>
    tpu.wait_dma2 semaphore(%arg17 : memref<!tpu.dma_semaphore, #tpu.memory_space<semaphore_mem>>) src(%dma_wait3A_266 : memref<64xi32, #tpu.memory_space<hbm>>) dst(%dma_wait3A_263 : memref<64xi32, #tpu.memory_space<vmem>>)
    %dma_start3A_267 = arith.constant 3 : i32
    %dma_start3A_268 = arith.constant 0 : i32
    %dma_start3A_269 = arith.constant 3 : i32
    %dma_start3A_270 = arith.constant 0 : i32
    %dma_start3A_271 = arith.constant 0 : i32
    %dma_start3A_272 = tpu.memref_slice %arg8[%dma_start3A_269, %dma_start3A_270, %dma_start3A_271] : memref<4x64x128xf32, #tpu.memory_space<vmem>> -> memref<1x64x128xf32, #tpu.memory_space<vmem>>
    %dma_start3A_273 = tpu.memref_squeeze %dma_start3A_272 : memref<1x64x128xf32, #tpu.memory_space<vmem>> -> memref<64x128xf32, #tpu.memory_space<vmem>>
    %dma_start3A_274 = arith.constant 0 : i32
    %dma_start3A_275 = tpu.memref_slice %arg7[%dma_start3A_267, %dma_start3A_268, %dma_start3A_274] : memref<8x2x64xi32, #tpu.memory_space<vmem>> -> memref<1x1x64xi32, #tpu.memory_space<vmem>>
    %dma_start3A_276 = tpu.memref_squeeze %dma_start3A_275 : memref<1x1x64xi32, #tpu.memory_space<vmem>> -> memref<64xi32, #tpu.memory_space<vmem>>
    %dma_start3A_277 = arith.constant 0 : i32
    %dma_start3A_278 = arith.constant 0 : i32
    %dma_start3A_279 = tpu.memref_slice %arg2[%dma_start3A_277, %dma_start3A_278] : memref<10000x128xf32, #tpu.memory_space<hbm>> -> memref<10000x128xf32, #tpu.memory_space<hbm>>
    tpu.enqueue_indirect_dma source(%dma_start3A_279 : memref<10000x128xf32, #tpu.memory_space<hbm>>) target(%dma_start3A_273 : memref<64x128xf32, #tpu.memory_space<vmem>>) offsets(%dma_start3A_276 : memref<64xi32, #tpu.memory_space<vmem>>) semaphore(%arg13 : memref<!tpu.dma_semaphore, #tpu.memory_space<semaphore_mem>>)
    %barrier3A = arith.constant 0 : index
    tpu.barrier barrier_id(%barrier3A)
    %broadcast_in_dim3A_280 = arith.constant 1.000000e+00 : f32
    %broadcast_in_dim3A_281 = vector.broadcast %broadcast_in_dim3A_280 : f32 to vector<16xf32>
    %scan3A_282 = arith.constant 0 : i32
    %scan3A_283 = arith.constant 0 : i32
    %scan3A_284 = arith.constant 20 : i32
    %scan3A_285 = arith.addi %scan3A_283, %scan3A_284 : i32
    %scan3A_286 = arith.constant 1 : i32
    scf.for %scan3A_289 = %scan3A_283 to %scan3A_285 step %scan3A_286  : i32 {
      %mul3A_290 = arith.constant 8 : i32
      %mul3A_291 = arith.muli %scan3A_289, %mul3A_290 : i32
      %add3A_292 = arith.constant 0 : i32
      %add3A_293 = arith.addi %mul3A_291, %add3A_292 : i32
      %dma_wait3A_294 = arith.constant 0 : i32
      %dma_wait3A_295 = arith.constant 0 : i32
      %dma_wait3A_296 = arith.constant 0 : i32
      %dma_wait3A_297 = arith.constant 0 : i32
      %dma_wait3A_298 = arith.constant 0 : i32
      %dma_wait3A_299 = tpu.memref_slice %arg8[%dma_wait3A_296, %dma_wait3A_297, %dma_wait3A_298] : memref<4x64x128xf32, #tpu.memory_space<vmem>> -> memref<1x64x128xf32, #tpu.memory_space<vmem>>
      %dma_wait3A_300 = tpu.memref_squeeze %dma_wait3A_299 : memref<1x64x128xf32, #tpu.memory_space<vmem>> -> memref<64x128xf32, #tpu.memory_space<vmem>>
      %dma_wait3A_301 = arith.constant 0 : i32
      %dma_wait3A_302 = tpu.memref_slice %arg7[%dma_wait3A_294, %dma_wait3A_295, %dma_wait3A_301] : memref<8x2x64xi32, #tpu.memory_space<vmem>> -> memref<1x1x64xi32, #tpu.memory_space<vmem>>
      %dma_wait3A_303 = tpu.memref_squeeze %dma_wait3A_302 : memref<1x1x64xi32, #tpu.memory_space<vmem>> -> memref<64xi32, #tpu.memory_space<vmem>>
      %dma_wait3A_304 = arith.constant 0 : i32
      %dma_wait3A_305 = arith.constant 0 : i32
      %dma_wait3A_306 = tpu.memref_slice %arg2[%dma_wait3A_304, %dma_wait3A_305] : memref<10000x128xf32, #tpu.memory_space<hbm>> -> memref<10000x128xf32, #tpu.memory_space<hbm>>
      tpu.wait_indirect_dma semaphore(%arg10 : memref<!tpu.dma_semaphore, #tpu.memory_space<semaphore_mem>>) src(%dma_wait3A_306 : memref<10000x128xf32, #tpu.memory_space<hbm>>) dst(%dma_wait3A_300 : memref<64x128xf32, #tpu.memory_space<vmem>>)
      %dma_start3A_307 = arith.constant 0 : i32
      %dma_start3A_308 = arith.constant 0 : i32
      %dma_start3A_309 = arith.constant 1 : i32
      %dma_start3A_310 = arith.constant 0 : i32
      %dma_start3A_311 = arith.constant 0 : i32
      %dma_start3A_312 = tpu.memref_slice %arg8[%dma_start3A_307, %dma_start3A_310, %dma_start3A_311] : memref<4x64x128xf32, #tpu.memory_space<vmem>> -> memref<1x64x128xf32, #tpu.memory_space<vmem>>
      %dma_start3A_313 = tpu.memref_squeeze %dma_start3A_312 : memref<1x64x128xf32, #tpu.memory_space<vmem>> -> memref<64x128xf32, #tpu.memory_space<vmem>>
      %dma_start3A_314 = arith.constant 0 : i32
      %dma_start3A_315 = tpu.memref_slice %arg7[%dma_start3A_308, %dma_start3A_309, %dma_start3A_314] : memref<8x2x64xi32, #tpu.memory_space<vmem>> -> memref<1x1x64xi32, #tpu.memory_space<vmem>>
      %dma_start3A_316 = tpu.memref_squeeze %dma_start3A_315 : memref<1x1x64xi32, #tpu.memory_space<vmem>> -> memref<64xi32, #tpu.memory_space<vmem>>
      %dma_start3A_317 = arith.constant 0 : i32
      %dma_start3A_318 = arith.constant 0 : i32
      %dma_start3A_319 = tpu.memref_slice %arg22[%dma_start3A_317, %dma_start3A_318] : memref<10112x128xf32, #tpu.memory_space<vmem_shared>> -> memref<10112x128xf32, #tpu.memory_space<vmem_shared>>
      tpu.enqueue_indirect_dma source(%dma_start3A_313 : memref<64x128xf32, #tpu.memory_space<vmem>>) target(%dma_start3A_319 : memref<10112x128xf32, #tpu.memory_space<vmem_shared>>) offsets(%dma_start3A_316 : memref<64xi32, #tpu.memory_space<vmem>>) semaphore(%arg10 : memref<!tpu.dma_semaphore, #tpu.memory_space<semaphore_mem>>) {add = true}
      %get3A = arith.constant 0 : i32
      %get3A_320 = arith.constant 1 : i32
      %get3A_321 = arith.index_cast %get3A : i32 to index
      %get3A_322 = arith.index_cast %get3A_320 : i32 to index
      %get3A_323 = arith.constant 0 : index
      %get3A_324 = tpu.vector_load %arg7[%get3A_321, %get3A_322, %get3A_323] {strides = array<i32>} : memref<8x2x64xi32, #tpu.memory_space<vmem>>, vector<16xi32>,
      tpu.vector_store_idx %arg9[%get3A_324], %broadcast_in_dim3A_281 {add = true} : memref<10112xf32, #tpu.memory_space<vmem>>[vector<16xi32>], vector<16xf32>,
      %get3A_325 = arith.constant 0 : i32
      %get3A_326 = arith.constant 1 : i32
      %get3A_327 = arith.index_cast %get3A_325 : i32 to index
      %get3A_328 = arith.index_cast %get3A_326 : i32 to index
      %get3A_329 = arith.constant 16 : index
      %get3A_330 = tpu.vector_load %arg7[%get3A_327, %get3A_328, %get3A_329] {strides = array<i32>} : memref<8x2x64xi32, #tpu.memory_space<vmem>>, vector<16xi32>,
      tpu.vector_store_idx %arg9[%get3A_330], %broadcast_in_dim3A_281 {add = true} : memref<10112xf32, #tpu.memory_space<vmem>>[vector<16xi32>], vector<16xf32>,
      %get3A_331 = arith.constant 0 : i32
      %get3A_332 = arith.constant 1 : i32
      %get3A_333 = arith.index_cast %get3A_331 : i32 to index
      %get3A_334 = arith.index_cast %get3A_332 : i32 to index
      %get3A_335 = arith.constant 32 : index
      %get3A_336 = tpu.vector_load %arg7[%get3A_333, %get3A_334, %get3A_335] {strides = array<i32>} : memref<8x2x64xi32, #tpu.memory_space<vmem>>, vector<16xi32>,
      tpu.vector_store_idx %arg9[%get3A_336], %broadcast_in_dim3A_281 {add = true} : memref<10112xf32, #tpu.memory_space<vmem>>[vector<16xi32>], vector<16xf32>,
      %get3A_337 = arith.constant 0 : i32
      %get3A_338 = arith.constant 1 : i32
      %get3A_339 = arith.index_cast %get3A_337 : i32 to index
      %get3A_340 = arith.index_cast %get3A_338 : i32 to index
      %get3A_341 = arith.constant 48 : index
      %get3A_342 = tpu.vector_load %arg7[%get3A_339, %get3A_340, %get3A_341] {strides = array<i32>} : memref<8x2x64xi32, #tpu.memory_space<vmem>>, vector<16xi32>,
      tpu.vector_store_idx %arg9[%get3A_342], %broadcast_in_dim3A_281 {add = true} : memref<10112xf32, #tpu.memory_space<vmem>>[vector<16xi32>], vector<16xf32>,
      %dma_wait3A_343 = arith.constant 0 : i32
      %dma_wait3A_344 = arith.constant 0 : i32
      %dma_wait3A_345 = arith.constant 1 : i32
      %dma_wait3A_346 = arith.constant 0 : i32
      %dma_wait3A_347 = arith.constant 0 : i32
      %dma_wait3A_348 = tpu.memref_slice %arg8[%dma_wait3A_343, %dma_wait3A_346, %dma_wait3A_347] : memref<4x64x128xf32, #tpu.memory_space<vmem>> -> memref<1x64x128xf32, #tpu.memory_space<vmem>>
      %dma_wait3A_349 = tpu.memref_squeeze %dma_wait3A_348 : memref<1x64x128xf32, #tpu.memory_space<vmem>> -> memref<64x128xf32, #tpu.memory_space<vmem>>
      %dma_wait3A_350 = arith.constant 0 : i32
      %dma_wait3A_351 = tpu.memref_slice %arg7[%dma_wait3A_344, %dma_wait3A_345, %dma_wait3A_350] : memref<8x2x64xi32, #tpu.memory_space<vmem>> -> memref<1x1x64xi32, #tpu.memory_space<vmem>>
      %dma_wait3A_352 = tpu.memref_squeeze %dma_wait3A_351 : memref<1x1x64xi32, #tpu.memory_space<vmem>> -> memref<64xi32, #tpu.memory_space<vmem>>
      %dma_wait3A_353 = arith.constant 0 : i32
      %dma_wait3A_354 = arith.constant 0 : i32
      %dma_wait3A_355 = tpu.memref_slice %arg22[%dma_wait3A_353, %dma_wait3A_354] : memref<10112x128xf32, #tpu.memory_space<vmem_shared>> -> memref<10112x128xf32, #tpu.memory_space<vmem_shared>>
      tpu.wait_indirect_dma semaphore(%arg10 : memref<!tpu.dma_semaphore, #tpu.memory_space<semaphore_mem>>) src(%dma_wait3A_349 : memref<64x128xf32, #tpu.memory_space<vmem>>) dst(%dma_wait3A_355 : memref<10112x128xf32, #tpu.memory_space<vmem_shared>>)
      %add3A_356 = arith.constant 8 : i32
      %add3A_357 = arith.addi %add3A_293, %add3A_356 : i32
      %lt3A_358 = arith.constant 160 : i32
      %lt3A_359 = arith.cmpi slt, %add3A_357, %lt3A_358 : i32
      %convert_element_type3A_360 = arith.extui %lt3A_359 : i1 to i32
      %cond3A_361 = arith.constant 0 : i32
      %cond3A_362 = arith.cmpi ne, %convert_element_type3A_360, %cond3A_361 : i32
      scf.if %cond3A_362 {
        %add3A_937 = arith.constant 8 : i32
        %add3A_938 = arith.addi %add3A_293, %add3A_937 : i32
        %lt3A_939 = arith.constant 31 : i32
        %lt3A_940 = arith.cmpi slt, %add3A, %lt3A_939 : i32
        %convert_element_type3A_941 = arith.extui %lt3A_940 : i1 to i32
        %cond3A_942 = arith.constant 0 : i32
        %cond3A_943 = arith.cmpi ne, %convert_element_type3A_941, %cond3A_942 : i32
        scf.if %cond3A_943 {
          %mul3A_949 = arith.constant 64 : i32
          %mul3A_950 = arith.muli %add3A_938, %mul3A_949 : i32
          %add3A_951 = arith.addi %mul3A_2, %mul3A_950 : i32
          %dma_start3A_952 = arith.constant 0 : i32
          %dma_start3A_953 = arith.constant 0 : i32
          %dma_start3A_954 = arith.constant 0 : i32
          %dma_start3A_955 = arith.constant 0 : i32
          %dma_start3A_956 = tpu.memref_slice %arg7[%dma_start3A_953, %dma_start3A_954, %dma_start3A_955] : memref<8x2x64xi32, #tpu.memory_space<vmem>> -> memref<1x1x64xi32, #tpu.memory_space<vmem>>
          %dma_start3A_957 = tpu.memref_squeeze %dma_start3A_956 : memref<1x1x64xi32, #tpu.memory_space<vmem>> -> memref<64xi32, #tpu.memory_space<vmem>>
          %dma_start3A_958 = tpu.memref_slice %arg3[%dma_start3A_952, %add3A_951] : memref<2x320000xi32, #tpu.memory_space<hbm>> -> memref<1x64xi32, #tpu.memory_space<hbm>>
          %dma_start3A_959 = tpu.memref_squeeze %dma_start3A_958 : memref<1x64xi32, #tpu.memory_space<hbm>> -> memref<64xi32, #tpu.memory_space<hbm>>
          %dma_start3A_960 = arith.constant 0 : i32
          %dma_start3A_961 = tpu.memref_slice %arg7[%dma_start3A_953, %dma_start3A_954, %dma_start3A_960] : memref<8x2x64xi32, #tpu.memory_space<vmem>> -> memref<1x1x64xi32, #tpu.memory_space<vmem>>
          %dma_start3A_962 = tpu.memref_squeeze %dma_start3A_961 : memref<1x1x64xi32, #tpu.memory_space<vmem>> -> memref<64xi32, #tpu.memory_space<vmem>>
          %dma_start3A_963 = tpu.memref_slice %arg3[%dma_start3A_952, %add3A_951] : memref<2x320000xi32, #tpu.memory_space<hbm>> -> memref<1x64xi32, #tpu.memory_space<hbm>>
          %dma_start3A_964 = tpu.memref_squeeze %dma_start3A_963 : memref<1x64xi32, #tpu.memory_space<hbm>> -> memref<64xi32, #tpu.memory_space<hbm>>
          tpu.enqueue_dma source(%dma_start3A_964 : memref<64xi32, #tpu.memory_space<hbm>>) target(%dma_start3A_962 : memref<64xi32, #tpu.memory_space<vmem>>) target_semaphore(%arg14 : memref<!tpu.dma_semaphore, #tpu.memory_space<semaphore_mem>>)
          %dma_start3A_965 = arith.constant 1 : i32
          %dma_start3A_966 = arith.constant 0 : i32
          %dma_start3A_967 = arith.constant 1 : i32
          %dma_start3A_968 = arith.constant 0 : i32
          %dma_start3A_969 = tpu.memref_slice %arg7[%dma_start3A_966, %dma_start3A_967, %dma_start3A_968] : memref<8x2x64xi32, #tpu.memory_space<vmem>> -> memref<1x1x64xi32, #tpu.memory_space<vmem>>
          %dma_start3A_970 = tpu.memref_squeeze %dma_start3A_969 : memref<1x1x64xi32, #tpu.memory_space<vmem>> -> memref<64xi32, #tpu.memory_space<vmem>>
          %dma_start3A_971 = tpu.memref_slice %arg3[%dma_start3A_965, %add3A_951] : memref<2x320000xi32, #tpu.memory_space<hbm>> -> memref<1x64xi32, #tpu.memory_space<hbm>>
          %dma_start3A_972 = tpu.memref_squeeze %dma_start3A_971 : memref<1x64xi32, #tpu.memory_space<hbm>> -> memref<64xi32, #tpu.memory_space<hbm>>
          %dma_start3A_973 = arith.constant 0 : i32
          %dma_start3A_974 = tpu.memref_slice %arg7[%dma_start3A_966, %dma_start3A_967, %dma_start3A_973] : memref<8x2x64xi32, #tpu.memory_space<vmem>> -> memref<1x1x64xi32, #tpu.memory_space<vmem>>
          %dma_start3A_975 = tpu.memref_squeeze %dma_start3A_974 : memref<1x1x64xi32, #tpu.memory_space<vmem>> -> memref<64xi32, #tpu.memory_space<vmem>>
          %dma_start3A_976 = tpu.memref_slice %arg3[%dma_start3A_965, %add3A_951] : memref<2x320000xi32, #tpu.memory_space<hbm>> -> memref<1x64xi32, #tpu.memory_space<hbm>>
          %dma_start3A_977 = tpu.memref_squeeze %dma_start3A_976 : memref<1x64xi32, #tpu.memory_space<hbm>> -> memref<64xi32, #tpu.memory_space<hbm>>
          tpu.enqueue_dma source(%dma_start3A_977 : memref<64xi32, #tpu.memory_space<hbm>>) target(%dma_start3A_975 : memref<64xi32, #tpu.memory_space<vmem>>) target_semaphore(%arg14 : memref<!tpu.dma_semaphore, #tpu.memory_space<semaphore_mem>>)
        } else {
        }
        %eq3A_944 = arith.constant 31 : i32
        %eq3A_945 = arith.cmpi eq, %add3A, %eq3A_944 : i32
        %convert_element_type3A_946 = arith.extui %eq3A_945 : i1 to i32
        %cond3A_947 = arith.constant 0 : i32
        %cond3A_948 = arith.cmpi ne, %convert_element_type3A_946, %cond3A_947 : i32
        scf.if %cond3A_948 {
          %mul3A_949 = arith.constant 64 : i32
          %mul3A_950 = arith.muli %add3A_938, %mul3A_949 : i32
          %dma_start3A_951 = arith.constant 0 : i32
          %dma_start3A_952 = arith.constant 0 : i32
          %dma_start3A_953 = arith.constant 0 : i32
          %dma_start3A_954 = arith.constant 0 : i32
          %dma_start3A_955 = tpu.memref_slice %arg7[%dma_start3A_952, %dma_start3A_953, %dma_start3A_954] : memref<8x2x64xi32, #tpu.memory_space<vmem>> -> memref<1x1x64xi32, #tpu.memory_space<vmem>>
          %dma_start3A_956 = tpu.memref_squeeze %dma_start3A_955 : memref<1x1x64xi32, #tpu.memory_space<vmem>> -> memref<64xi32, #tpu.memory_space<vmem>>
          %dma_start3A_957 = tpu.memref_slice %arg4[%dma_start3A_951, %mul3A_950] : memref<2x10240xi32, #tpu.memory_space<hbm>> -> memref<1x64xi32, #tpu.memory_space<hbm>>
          %dma_start3A_958 = tpu.memref_squeeze %dma_start3A_957 : memref<1x64xi32, #tpu.memory_space<hbm>> -> memref<64xi32, #tpu.memory_space<hbm>>
          %dma_start3A_959 = arith.constant 0 : i32
          %dma_start3A_960 = tpu.memref_slice %arg7[%dma_start3A_952, %dma_start3A_953, %dma_start3A_959] : memref<8x2x64xi32, #tpu.memory_space<vmem>> -> memref<1x1x64xi32, #tpu.memory_space<vmem>>
          %dma_start3A_961 = tpu.memref_squeeze %dma_start3A_960 : memref<1x1x64xi32, #tpu.memory_space<vmem>> -> memref<64xi32, #tpu.memory_space<vmem>>
          %dma_start3A_962 = tpu.memref_slice %arg4[%dma_start3A_951, %mul3A_950] : memref<2x10240xi32, #tpu.memory_space<hbm>> -> memref<1x64xi32, #tpu.memory_space<hbm>>
          %dma_start3A_963 = tpu.memref_squeeze %dma_start3A_962 : memref<1x64xi32, #tpu.memory_space<hbm>> -> memref<64xi32, #tpu.memory_space<hbm>>
          tpu.enqueue_dma source(%dma_start3A_963 : memref<64xi32, #tpu.memory_space<hbm>>) target(%dma_start3A_961 : memref<64xi32, #tpu.memory_space<vmem>>) target_semaphore(%arg14 : memref<!tpu.dma_semaphore, #tpu.memory_space<semaphore_mem>>)
          %dma_start3A_964 = arith.constant 1 : i32
          %dma_start3A_965 = arith.constant 0 : i32
          %dma_start3A_966 = arith.constant 1 : i32
          %dma_start3A_967 = arith.constant 0 : i32
          %dma_start3A_968 = tpu.memref_slice %arg7[%dma_start3A_965, %dma_start3A_966, %dma_start3A_967] : memref<8x2x64xi32, #tpu.memory_space<vmem>> -> memref<1x1x64xi32, #tpu.memory_space<vmem>>
          %dma_start3A_969 = tpu.memref_squeeze %dma_start3A_968 : memref<1x1x64xi32, #tpu.memory_space<vmem>> -> memref<64xi32, #tpu.memory_space<vmem>>
          %dma_start3A_970 = tpu.memref_slice %arg4[%dma_start3A_964, %mul3A_950] : memref<2x10240xi32, #tpu.memory_space<hbm>> -> memref<1x64xi32, #tpu.memory_space<hbm>>
          %dma_start3A_971 = tpu.memref_squeeze %dma_start3A_970 : memref<1x64xi32, #tpu.memory_space<hbm>> -> memref<64xi32, #tpu.memory_space<hbm>>
          %dma_start3A_972 = arith.constant 0 : i32
          %dma_start3A_973 = tpu.memref_slice %arg7[%dma_start3A_965, %dma_start3A_966, %dma_start3A_972] : memref<8x2x64xi32, #tpu.memory_space<vmem>> -> memref<1x1x64xi32, #tpu.memory_space<vmem>>
          %dma_start3A_974 = tpu.memref_squeeze %dma_start3A_973 : memref<1x1x64xi32, #tpu.memory_space<vmem>> -> memref<64xi32, #tpu.memory_space<vmem>>
          %dma_start3A_975 = tpu.memref_slice %arg4[%dma_start3A_964, %mul3A_950] : memref<2x10240xi32, #tpu.memory_space<hbm>> -> memref<1x64xi32, #tpu.memory_space<hbm>>
          %dma_start3A_976 = tpu.memref_squeeze %dma_start3A_975 : memref<1x64xi32, #tpu.memory_space<hbm>> -> memref<64xi32, #tpu.memory_space<hbm>>
          tpu.enqueue_dma source(%dma_start3A_976 : memref<64xi32, #tpu.memory_space<hbm>>) target(%dma_start3A_974 : memref<64xi32, #tpu.memory_space<vmem>>) target_semaphore(%arg14 : memref<!tpu.dma_semaphore, #tpu.memory_space<semaphore_mem>>)
        } else {
        }
      } else {
      }
      %add3A_363 = arith.constant 4 : i32
      %add3A_364 = arith.addi %add3A_293, %add3A_363 : i32
      %lt3A_365 = arith.constant 160 : i32
      %lt3A_366 = arith.cmpi slt, %add3A_364, %lt3A_365 : i32
      %convert_element_type3A_367 = arith.extui %lt3A_366 : i1 to i32
      %cond3A_368 = arith.constant 0 : i32
      %cond3A_369 = arith.cmpi ne, %convert_element_type3A_367, %cond3A_368 : i32
      scf.if %cond3A_369 {
        %dma_wait3A_937 = arith.constant 0 : i32
        %dma_wait3A_938 = arith.constant 4 : i32
        %dma_wait3A_939 = arith.constant 0 : i32
        %dma_wait3A_940 = arith.constant 0 : i32
        %dma_wait3A_941 = tpu.memref_slice %arg7[%dma_wait3A_938, %dma_wait3A_939, %dma_wait3A_940] : memref<8x2x64xi32, #tpu.memory_space<vmem>> -> memref<1x1x64xi32, #tpu.memory_space<vmem>>
        %dma_wait3A_942 = tpu.memref_squeeze %dma_wait3A_941 : memref<1x1x64xi32, #tpu.memory_space<vmem>> -> memref<64xi32, #tpu.memory_space<vmem>>
        %dma_wait3A_943 = arith.constant 0 : i32
        %dma_wait3A_944 = tpu.memref_slice %arg3[%dma_wait3A_937, %dma_wait3A_943] : memref<2x320000xi32, #tpu.memory_space<hbm>> -> memref<1x64xi32, #tpu.memory_space<hbm>>
        %dma_wait3A_945 = tpu.memref_squeeze %dma_wait3A_944 : memref<1x64xi32, #tpu.memory_space<hbm>> -> memref<64xi32, #tpu.memory_space<hbm>>
        %dma_wait3A_946 = arith.constant 0 : i32
        %dma_wait3A_947 = tpu.memref_slice %arg7[%dma_wait3A_938, %dma_wait3A_939, %dma_wait3A_946] : memref<8x2x64xi32, #tpu.memory_space<vmem>> -> memref<1x1x64xi32, #tpu.memory_space<vmem>>
        %dma_wait3A_948 = tpu.memref_squeeze %dma_wait3A_947 : memref<1x1x64xi32, #tpu.memory_space<vmem>> -> memref<64xi32, #tpu.memory_space<vmem>>
        %dma_wait3A_949 = arith.constant 0 : i32
        %dma_wait3A_950 = tpu.memref_slice %arg3[%dma_wait3A_937, %dma_wait3A_949] : memref<2x320000xi32, #tpu.memory_space<hbm>> -> memref<1x64xi32, #tpu.memory_space<hbm>>
        %dma_wait3A_951 = tpu.memref_squeeze %dma_wait3A_950 : memref<1x64xi32, #tpu.memory_space<hbm>> -> memref<64xi32, #tpu.memory_space<hbm>>
        tpu.wait_dma2 semaphore(%arg18 : memref<!tpu.dma_semaphore, #tpu.memory_space<semaphore_mem>>) src(%dma_wait3A_951 : memref<64xi32, #tpu.memory_space<hbm>>) dst(%dma_wait3A_948 : memref<64xi32, #tpu.memory_space<vmem>>)
        %dma_wait3A_952 = arith.constant 0 : i32
        %dma_wait3A_953 = arith.constant 4 : i32
        %dma_wait3A_954 = arith.constant 1 : i32
        %dma_wait3A_955 = arith.constant 0 : i32
        %dma_wait3A_956 = tpu.memref_slice %arg7[%dma_wait3A_953, %dma_wait3A_954, %dma_wait3A_955] : memref<8x2x64xi32, #tpu.memory_space<vmem>> -> memref<1x1x64xi32, #tpu.memory_space<vmem>>
        %dma_wait3A_957 = tpu.memref_squeeze %dma_wait3A_956 : memref<1x1x64xi32, #tpu.memory_space<vmem>> -> memref<64xi32, #tpu.memory_space<vmem>>
        %dma_wait3A_958 = arith.constant 0 : i32
        %dma_wait3A_959 = tpu.memref_slice %arg3[%dma_wait3A_952, %dma_wait3A_958] : memref<2x320000xi32, #tpu.memory_space<hbm>> -> memref<1x64xi32, #tpu.memory_space<hbm>>
        %dma_wait3A_960 = tpu.memref_squeeze %dma_wait3A_959 : memref<1x64xi32, #tpu.memory_space<hbm>> -> memref<64xi32, #tpu.memory_space<hbm>>
        %dma_wait3A_961 = arith.constant 0 : i32
        %dma_wait3A_962 = tpu.memref_slice %arg7[%dma_wait3A_953, %dma_wait3A_954, %dma_wait3A_961] : memref<8x2x64xi32, #tpu.memory_space<vmem>> -> memref<1x1x64xi32, #tpu.memory_space<vmem>>
        %dma_wait3A_963 = tpu.memref_squeeze %dma_wait3A_962 : memref<1x1x64xi32, #tpu.memory_space<vmem>> -> memref<64xi32, #tpu.memory_space<vmem>>
        %dma_wait3A_964 = arith.constant 0 : i32
        %dma_wait3A_965 = tpu.memref_slice %arg3[%dma_wait3A_952, %dma_wait3A_964] : memref<2x320000xi32, #tpu.memory_space<hbm>> -> memref<1x64xi32, #tpu.memory_space<hbm>>
        %dma_wait3A_966 = tpu.memref_squeeze %dma_wait3A_965 : memref<1x64xi32, #tpu.memory_space<hbm>> -> memref<64xi32, #tpu.memory_space<hbm>>
        tpu.wait_dma2 semaphore(%arg18 : memref<!tpu.dma_semaphore, #tpu.memory_space<semaphore_mem>>) src(%dma_wait3A_966 : memref<64xi32, #tpu.memory_space<hbm>>) dst(%dma_wait3A_963 : memref<64xi32, #tpu.memory_space<vmem>>)
        %dma_start3A_967 = arith.constant 4 : i32
        %dma_start3A_968 = arith.constant 0 : i32
        %dma_start3A_969 = arith.constant 0 : i32
        %dma_start3A_970 = arith.constant 0 : i32
        %dma_start3A_971 = arith.constant 0 : i32
        %dma_start3A_972 = tpu.memref_slice %arg8[%dma_start3A_969, %dma_start3A_970, %dma_start3A_971] : memref<4x64x128xf32, #tpu.memory_space<vmem>> -> memref<1x64x128xf32, #tpu.memory_space<vmem>>
        %dma_start3A_973 = tpu.memref_squeeze %dma_start3A_972 : memref<1x64x128xf32, #tpu.memory_space<vmem>> -> memref<64x128xf32, #tpu.memory_space<vmem>>
        %dma_start3A_974 = arith.constant 0 : i32
        %dma_start3A_975 = tpu.memref_slice %arg7[%dma_start3A_967, %dma_start3A_968, %dma_start3A_974] : memref<8x2x64xi32, #tpu.memory_space<vmem>> -> memref<1x1x64xi32, #tpu.memory_space<vmem>>
        %dma_start3A_976 = tpu.memref_squeeze %dma_start3A_975 : memref<1x1x64xi32, #tpu.memory_space<vmem>> -> memref<64xi32, #tpu.memory_space<vmem>>
        %dma_start3A_977 = arith.constant 0 : i32
        %dma_start3A_978 = arith.constant 0 : i32
        %dma_start3A_979 = tpu.memref_slice %arg2[%dma_start3A_977, %dma_start3A_978] : memref<10000x128xf32, #tpu.memory_space<hbm>> -> memref<10000x128xf32, #tpu.memory_space<hbm>>
        tpu.enqueue_indirect_dma source(%dma_start3A_979 : memref<10000x128xf32, #tpu.memory_space<hbm>>) target(%dma_start3A_973 : memref<64x128xf32, #tpu.memory_space<vmem>>) offsets(%dma_start3A_976 : memref<64xi32, #tpu.memory_space<vmem>>) semaphore(%arg10 : memref<!tpu.dma_semaphore, #tpu.memory_space<semaphore_mem>>)
      } else {
      }
      %mul3A_370 = arith.constant 8 : i32
      %mul3A_371 = arith.muli %scan3A_289, %mul3A_370 : i32
      %add3A_372 = arith.constant 1 : i32
      %add3A_373 = arith.addi %mul3A_371, %add3A_372 : i32
      %dma_wait3A_374 = arith.constant 1 : i32
      %dma_wait3A_375 = arith.constant 0 : i32
      %dma_wait3A_376 = arith.constant 1 : i32
      %dma_wait3A_377 = arith.constant 0 : i32
      %dma_wait3A_378 = arith.constant 0 : i32
      %dma_wait3A_379 = tpu.memref_slice %arg8[%dma_wait3A_376, %dma_wait3A_377, %dma_wait3A_378] : memref<4x64x128xf32, #tpu.memory_space<vmem>> -> memref<1x64x128xf32, #tpu.memory_space<vmem>>
      %dma_wait3A_380 = tpu.memref_squeeze %dma_wait3A_379 : memref<1x64x128xf32, #tpu.memory_space<vmem>> -> memref<64x128xf32, #tpu.memory_space<vmem>>
      %dma_wait3A_381 = arith.constant 0 : i32
      %dma_wait3A_382 = tpu.memref_slice %arg7[%dma_wait3A_374, %dma_wait3A_375, %dma_wait3A_381] : memref<8x2x64xi32, #tpu.memory_space<vmem>> -> memref<1x1x64xi32, #tpu.memory_space<vmem>>
      %dma_wait3A_383 = tpu.memref_squeeze %dma_wait3A_382 : memref<1x1x64xi32, #tpu.memory_space<vmem>> -> memref<64xi32, #tpu.memory_space<vmem>>
      %dma_wait3A_384 = arith.constant 0 : i32
      %dma_wait3A_385 = arith.constant 0 : i32
      %dma_wait3A_386 = tpu.memref_slice %arg2[%dma_wait3A_384, %dma_wait3A_385] : memref<10000x128xf32, #tpu.memory_space<hbm>> -> memref<10000x128xf32, #tpu.memory_space<hbm>>
      tpu.wait_indirect_dma semaphore(%arg11 : memref<!tpu.dma_semaphore, #tpu.memory_space<semaphore_mem>>) src(%dma_wait3A_386 : memref<10000x128xf32, #tpu.memory_space<hbm>>) dst(%dma_wait3A_380 : memref<64x128xf32, #tpu.memory_space<vmem>>)
      %dma_start3A_387 = arith.constant 1 : i32
      %dma_start3A_388 = arith.constant 1 : i32
      %dma_start3A_389 = arith.constant 1 : i32
      %dma_start3A_390 = arith.constant 0 : i32
      %dma_start3A_391 = arith.constant 0 : i32
      %dma_start3A_392 = tpu.memref_slice %arg8[%dma_start3A_387, %dma_start3A_390, %dma_start3A_391] : memref<4x64x128xf32, #tpu.memory_space<vmem>> -> memref<1x64x128xf32, #tpu.memory_space<vmem>>
      %dma_start3A_393 = tpu.memref_squeeze %dma_start3A_392 : memref<1x64x128xf32, #tpu.memory_space<vmem>> -> memref<64x128xf32, #tpu.memory_space<vmem>>
      %dma_start3A_394 = arith.constant 0 : i32
      %dma_start3A_395 = tpu.memref_slice %arg7[%dma_start3A_388, %dma_start3A_389, %dma_start3A_394] : memref<8x2x64xi32, #tpu.memory_space<vmem>> -> memref<1x1x64xi32, #tpu.memory_space<vmem>>
      %dma_start3A_396 = tpu.memref_squeeze %dma_start3A_395 : memref<1x1x64xi32, #tpu.memory_space<vmem>> -> memref<64xi32, #tpu.memory_space<vmem>>
      %dma_start3A_397 = arith.constant 0 : i32
      %dma_start3A_398 = arith.constant 0 : i32
      %dma_start3A_399 = tpu.memref_slice %arg22[%dma_start3A_397, %dma_start3A_398] : memref<10112x128xf32, #tpu.memory_space<vmem_shared>> -> memref<10112x128xf32, #tpu.memory_space<vmem_shared>>
      tpu.enqueue_indirect_dma source(%dma_start3A_393 : memref<64x128xf32, #tpu.memory_space<vmem>>) target(%dma_start3A_399 : memref<10112x128xf32, #tpu.memory_space<vmem_shared>>) offsets(%dma_start3A_396 : memref<64xi32, #tpu.memory_space<vmem>>) semaphore(%arg11 : memref<!tpu.dma_semaphore, #tpu.memory_space<semaphore_mem>>) {add = true}
      %get3A_400 = arith.constant 1 : i32
      %get3A_401 = arith.constant 1 : i32
      %get3A_402 = arith.index_cast %get3A_400 : i32 to index
      %get3A_403 = arith.index_cast %get3A_401 : i32 to index
      %get3A_404 = arith.constant 0 : index
      %get3A_405 = tpu.vector_load %arg7[%get3A_402, %get3A_403, %get3A_404] {strides = array<i32>} : memref<8x2x64xi32, #tpu.memory_space<vmem>>, vector<16xi32>,
      tpu.vector_store_idx %arg9[%get3A_405], %broadcast_in_dim3A_281 {add = true} : memref<10112xf32, #tpu.memory_space<vmem>>[vector<16xi32>], vector<16xf32>,
      %get3A_406 = arith.constant 1 : i32
      %get3A_407 = arith.constant 1 : i32
      %get3A_408 = arith.index_cast %get3A_406 : i32 to index
      %get3A_409 = arith.index_cast %get3A_407 : i32 to index
      %get3A_410 = arith.constant 16 : index
      %get3A_411 = tpu.vector_load %arg7[%get3A_408, %get3A_409, %get3A_410] {strides = array<i32>} : memref<8x2x64xi32, #tpu.memory_space<vmem>>, vector<16xi32>,
      tpu.vector_store_idx %arg9[%get3A_411], %broadcast_in_dim3A_281 {add = true} : memref<10112xf32, #tpu.memory_space<vmem>>[vector<16xi32>], vector<16xf32>,
      %get3A_412 = arith.constant 1 : i32
      %get3A_413 = arith.constant 1 : i32
      %get3A_414 = arith.index_cast %get3A_412 : i32 to index
      %get3A_415 = arith.index_cast %get3A_413 : i32 to index
      %get3A_416 = arith.constant 32 : index
      %get3A_417 = tpu.vector_load %arg7[%get3A_414, %get3A_415, %get3A_416] {strides = array<i32>} : memref<8x2x64xi32, #tpu.memory_space<vmem>>, vector<16xi32>,
      tpu.vector_store_idx %arg9[%get3A_417], %broadcast_in_dim3A_281 {add = true} : memref<10112xf32, #tpu.memory_space<vmem>>[vector<16xi32>], vector<16xf32>,
      %get3A_418 = arith.constant 1 : i32
      %get3A_419 = arith.constant 1 : i32
      %get3A_420 = arith.index_cast %get3A_418 : i32 to index
      %get3A_421 = arith.index_cast %get3A_419 : i32 to index
      %get3A_422 = arith.constant 48 : index
      %get3A_423 = tpu.vector_load %arg7[%get3A_420, %get3A_421, %get3A_422] {strides = array<i32>} : memref<8x2x64xi32, #tpu.memory_space<vmem>>, vector<16xi32>,
      tpu.vector_store_idx %arg9[%get3A_423], %broadcast_in_dim3A_281 {add = true} : memref<10112xf32, #tpu.memory_space<vmem>>[vector<16xi32>], vector<16xf32>,
      %dma_wait3A_424 = arith.constant 1 : i32
      %dma_wait3A_425 = arith.constant 1 : i32
      %dma_wait3A_426 = arith.constant 1 : i32
      %dma_wait3A_427 = arith.constant 0 : i32
      %dma_wait3A_428 = arith.constant 0 : i32
      %dma_wait3A_429 = tpu.memref_slice %arg8[%dma_wait3A_424, %dma_wait3A_427, %dma_wait3A_428] : memref<4x64x128xf32, #tpu.memory_space<vmem>> -> memref<1x64x128xf32, #tpu.memory_space<vmem>>
      %dma_wait3A_430 = tpu.memref_squeeze %dma_wait3A_429 : memref<1x64x128xf32, #tpu.memory_space<vmem>> -> memref<64x128xf32, #tpu.memory_space<vmem>>
      %dma_wait3A_431 = arith.constant 0 : i32
      %dma_wait3A_432 = tpu.memref_slice %arg7[%dma_wait3A_425, %dma_wait3A_426, %dma_wait3A_431] : memref<8x2x64xi32, #tpu.memory_space<vmem>> -> memref<1x1x64xi32, #tpu.memory_space<vmem>>
      %dma_wait3A_433 = tpu.memref_squeeze %dma_wait3A_432 : memref<1x1x64xi32, #tpu.memory_space<vmem>> -> memref<64xi32, #tpu.memory_space<vmem>>
      %dma_wait3A_434 = arith.constant 0 : i32
      %dma_wait3A_435 = arith.constant 0 : i32
      %dma_wait3A_436 = tpu.memref_slice %arg22[%dma_wait3A_434, %dma_wait3A_435] : memref<10112x128xf32, #tpu.memory_space<vmem_shared>> -> memref<10112x128xf32, #tpu.memory_space<vmem_shared>>
      tpu.wait_indirect_dma semaphore(%arg11 : memref<!tpu.dma_semaphore, #tpu.memory_space<semaphore_mem>>) src(%dma_wait3A_430 : memref<64x128xf32, #tpu.memory_space<vmem>>) dst(%dma_wait3A_436 : memref<10112x128xf32, #tpu.memory_space<vmem_shared>>)
      %add3A_437 = arith.constant 8 : i32
      %add3A_438 = arith.addi %add3A_373, %add3A_437 : i32
      %lt3A_439 = arith.constant 160 : i32
      %lt3A_440 = arith.cmpi slt, %add3A_438, %lt3A_439 : i32
      %convert_element_type3A_441 = arith.extui %lt3A_440 : i1 to i32
      %cond3A_442 = arith.constant 0 : i32
      %cond3A_443 = arith.cmpi ne, %convert_element_type3A_441, %cond3A_442 : i32
      scf.if %cond3A_443 {
        %add3A_937 = arith.constant 8 : i32
        %add3A_938 = arith.addi %add3A_373, %add3A_937 : i32
        %lt3A_939 = arith.constant 31 : i32
        %lt3A_940 = arith.cmpi slt, %add3A, %lt3A_939 : i32
        %convert_element_type3A_941 = arith.extui %lt3A_940 : i1 to i32
        %cond3A_942 = arith.constant 0 : i32
        %cond3A_943 = arith.cmpi ne, %convert_element_type3A_941, %cond3A_942 : i32
        scf.if %cond3A_943 {
          %mul3A_949 = arith.constant 64 : i32
          %mul3A_950 = arith.muli %add3A_938, %mul3A_949 : i32
          %add3A_951 = arith.addi %mul3A_2, %mul3A_950 : i32
          %dma_start3A_952 = arith.constant 0 : i32
          %dma_start3A_953 = arith.constant 1 : i32
          %dma_start3A_954 = arith.constant 0 : i32
          %dma_start3A_955 = arith.constant 0 : i32
          %dma_start3A_956 = tpu.memref_slice %arg7[%dma_start3A_953, %dma_start3A_954, %dma_start3A_955] : memref<8x2x64xi32, #tpu.memory_space<vmem>> -> memref<1x1x64xi32, #tpu.memory_space<vmem>>
          %dma_start3A_957 = tpu.memref_squeeze %dma_start3A_956 : memref<1x1x64xi32, #tpu.memory_space<vmem>> -> memref<64xi32, #tpu.memory_space<vmem>>
          %dma_start3A_958 = tpu.memref_slice %arg3[%dma_start3A_952, %add3A_951] : memref<2x320000xi32, #tpu.memory_space<hbm>> -> memref<1x64xi32, #tpu.memory_space<hbm>>
          %dma_start3A_959 = tpu.memref_squeeze %dma_start3A_958 : memref<1x64xi32, #tpu.memory_space<hbm>> -> memref<64xi32, #tpu.memory_space<hbm>>
          %dma_start3A_960 = arith.constant 0 : i32
          %dma_start3A_961 = tpu.memref_slice %arg7[%dma_start3A_953, %dma_start3A_954, %dma_start3A_960] : memref<8x2x64xi32, #tpu.memory_space<vmem>> -> memref<1x1x64xi32, #tpu.memory_space<vmem>>
          %dma_start3A_962 = tpu.memref_squeeze %dma_start3A_961 : memref<1x1x64xi32, #tpu.memory_space<vmem>> -> memref<64xi32, #tpu.memory_space<vmem>>
          %dma_start3A_963 = tpu.memref_slice %arg3[%dma_start3A_952, %add3A_951] : memref<2x320000xi32, #tpu.memory_space<hbm>> -> memref<1x64xi32, #tpu.memory_space<hbm>>
          %dma_start3A_964 = tpu.memref_squeeze %dma_start3A_963 : memref<1x64xi32, #tpu.memory_space<hbm>> -> memref<64xi32, #tpu.memory_space<hbm>>
          tpu.enqueue_dma source(%dma_start3A_964 : memref<64xi32, #tpu.memory_space<hbm>>) target(%dma_start3A_962 : memref<64xi32, #tpu.memory_space<vmem>>) target_semaphore(%arg15 : memref<!tpu.dma_semaphore, #tpu.memory_space<semaphore_mem>>)
          %dma_start3A_965 = arith.constant 1 : i32
          %dma_start3A_966 = arith.constant 1 : i32
          %dma_start3A_967 = arith.constant 1 : i32
          %dma_start3A_968 = arith.constant 0 : i32
          %dma_start3A_969 = tpu.memref_slice %arg7[%dma_start3A_966, %dma_start3A_967, %dma_start3A_968] : memref<8x2x64xi32, #tpu.memory_space<vmem>> -> memref<1x1x64xi32, #tpu.memory_space<vmem>>
          %dma_start3A_970 = tpu.memref_squeeze %dma_start3A_969 : memref<1x1x64xi32, #tpu.memory_space<vmem>> -> memref<64xi32, #tpu.memory_space<vmem>>
          %dma_start3A_971 = tpu.memref_slice %arg3[%dma_start3A_965, %add3A_951] : memref<2x320000xi32, #tpu.memory_space<hbm>> -> memref<1x64xi32, #tpu.memory_space<hbm>>
          %dma_start3A_972 = tpu.memref_squeeze %dma_start3A_971 : memref<1x64xi32, #tpu.memory_space<hbm>> -> memref<64xi32, #tpu.memory_space<hbm>>
          %dma_start3A_973 = arith.constant 0 : i32
          %dma_start3A_974 = tpu.memref_slice %arg7[%dma_start3A_966, %dma_start3A_967, %dma_start3A_973] : memref<8x2x64xi32, #tpu.memory_space<vmem>> -> memref<1x1x64xi32, #tpu.memory_space<vmem>>
          %dma_start3A_975 = tpu.memref_squeeze %dma_start3A_974 : memref<1x1x64xi32, #tpu.memory_space<vmem>> -> memref<64xi32, #tpu.memory_space<vmem>>
          %dma_start3A_976 = tpu.memref_slice %arg3[%dma_start3A_965, %add3A_951] : memref<2x320000xi32, #tpu.memory_space<hbm>> -> memref<1x64xi32, #tpu.memory_space<hbm>>
          %dma_start3A_977 = tpu.memref_squeeze %dma_start3A_976 : memref<1x64xi32, #tpu.memory_space<hbm>> -> memref<64xi32, #tpu.memory_space<hbm>>
          tpu.enqueue_dma source(%dma_start3A_977 : memref<64xi32, #tpu.memory_space<hbm>>) target(%dma_start3A_975 : memref<64xi32, #tpu.memory_space<vmem>>) target_semaphore(%arg15 : memref<!tpu.dma_semaphore, #tpu.memory_space<semaphore_mem>>)
        } else {
        }
        %eq3A_944 = arith.constant 31 : i32
        %eq3A_945 = arith.cmpi eq, %add3A, %eq3A_944 : i32
        %convert_element_type3A_946 = arith.extui %eq3A_945 : i1 to i32
        %cond3A_947 = arith.constant 0 : i32
        %cond3A_948 = arith.cmpi ne, %convert_element_type3A_946, %cond3A_947 : i32
        scf.if %cond3A_948 {
          %mul3A_949 = arith.constant 64 : i32
          %mul3A_950 = arith.muli %add3A_938, %mul3A_949 : i32
          %dma_start3A_951 = arith.constant 0 : i32
          %dma_start3A_952 = arith.constant 1 : i32
          %dma_start3A_953 = arith.constant 0 : i32
          %dma_start3A_954 = arith.constant 0 : i32
          %dma_start3A_955 = tpu.memref_slice %arg7[%dma_start3A_952, %dma_start3A_953, %dma_start3A_954] : memref<8x2x64xi32, #tpu.memory_space<vmem>> -> memref<1x1x64xi32, #tpu.memory_space<vmem>>
          %dma_start3A_956 = tpu.memref_squeeze %dma_start3A_955 : memref<1x1x64xi32, #tpu.memory_space<vmem>> -> memref<64xi32, #tpu.memory_space<vmem>>
          %dma_start3A_957 = tpu.memref_slice %arg4[%dma_start3A_951, %mul3A_950] : memref<2x10240xi32, #tpu.memory_space<hbm>> -> memref<1x64xi32, #tpu.memory_space<hbm>>
          %dma_start3A_958 = tpu.memref_squeeze %dma_start3A_957 : memref<1x64xi32, #tpu.memory_space<hbm>> -> memref<64xi32, #tpu.memory_space<hbm>>
          %dma_start3A_959 = arith.constant 0 : i32
          %dma_start3A_960 = tpu.memref_slice %arg7[%dma_start3A_952, %dma_start3A_953, %dma_start3A_959] : memref<8x2x64xi32, #tpu.memory_space<vmem>> -> memref<1x1x64xi32, #tpu.memory_space<vmem>>
          %dma_start3A_961 = tpu.memref_squeeze %dma_start3A_960 : memref<1x1x64xi32, #tpu.memory_space<vmem>> -> memref<64xi32, #tpu.memory_space<vmem>>
          %dma_start3A_962 = tpu.memref_slice %arg4[%dma_start3A_951, %mul3A_950] : memref<2x10240xi32, #tpu.memory_space<hbm>> -> memref<1x64xi32, #tpu.memory_space<hbm>>
          %dma_start3A_963 = tpu.memref_squeeze %dma_start3A_962 : memref<1x64xi32, #tpu.memory_space<hbm>> -> memref<64xi32, #tpu.memory_space<hbm>>
          tpu.enqueue_dma source(%dma_start3A_963 : memref<64xi32, #tpu.memory_space<hbm>>) target(%dma_start3A_961 : memref<64xi32, #tpu.memory_space<vmem>>) target_semaphore(%arg15 : memref<!tpu.dma_semaphore, #tpu.memory_space<semaphore_mem>>)
          %dma_start3A_964 = arith.constant 1 : i32
          %dma_start3A_965 = arith.constant 1 : i32
          %dma_start3A_966 = arith.constant 1 : i32
          %dma_start3A_967 = arith.constant 0 : i32
          %dma_start3A_968 = tpu.memref_slice %arg7[%dma_start3A_965, %dma_start3A_966, %dma_start3A_967] : memref<8x2x64xi32, #tpu.memory_space<vmem>> -> memref<1x1x64xi32, #tpu.memory_space<vmem>>
          %dma_start3A_969 = tpu.memref_squeeze %dma_start3A_968 : memref<1x1x64xi32, #tpu.memory_space<vmem>> -> memref<64xi32, #tpu.memory_space<vmem>>
          %dma_start3A_970 = tpu.memref_slice %arg4[%dma_start3A_964, %mul3A_950] : memref<2x10240xi32, #tpu.memory_space<hbm>> -> memref<1x64xi32, #tpu.memory_space<hbm>>
          %dma_start3A_971 = tpu.memref_squeeze %dma_start3A_970 : memref<1x64xi32, #tpu.memory_space<hbm>> -> memref<64xi32, #tpu.memory_space<hbm>>
          %dma_start3A_972 = arith.constant 0 : i32
          %dma_start3A_973 = tpu.memref_slice %arg7[%dma_start3A_965, %dma_start3A_966, %dma_start3A_972] : memref<8x2x64xi32, #tpu.memory_space<vmem>> -> memref<1x1x64xi32, #tpu.memory_space<vmem>>
          %dma_start3A_974 = tpu.memref_squeeze %dma_start3A_973 : memref<1x1x64xi32, #tpu.memory_space<vmem>> -> memref<64xi32, #tpu.memory_space<vmem>>
          %dma_start3A_975 = tpu.memref_slice %arg4[%dma_start3A_964, %mul3A_950] : memref<2x10240xi32, #tpu.memory_space<hbm>> -> memref<1x64xi32, #tpu.memory_space<hbm>>
          %dma_start3A_976 = tpu.memref_squeeze %dma_start3A_975 : memref<1x64xi32, #tpu.memory_space<hbm>> -> memref<64xi32, #tpu.memory_space<hbm>>
          tpu.enqueue_dma source(%dma_start3A_976 : memref<64xi32, #tpu.memory_space<hbm>>) target(%dma_start3A_974 : memref<64xi32, #tpu.memory_space<vmem>>) target_semaphore(%arg15 : memref<!tpu.dma_semaphore, #tpu.memory_space<semaphore_mem>>)
        } else {
        }
      } else {
      }
      %add3A_444 = arith.constant 4 : i32
      %add3A_445 = arith.addi %add3A_373, %add3A_444 : i32
      %lt3A_446 = arith.constant 160 : i32
      %lt3A_447 = arith.cmpi slt, %add3A_445, %lt3A_446 : i32
      %convert_element_type3A_448 = arith.extui %lt3A_447 : i1 to i32
      %cond3A_449 = arith.constant 0 : i32
      %cond3A_450 = arith.cmpi ne, %convert_element_type3A_448, %cond3A_449 : i32
      scf.if %cond3A_450 {
        %dma_wait3A_937 = arith.constant 0 : i32
        %dma_wait3A_938 = arith.constant 5 : i32
        %dma_wait3A_939 = arith.constant 0 : i32
        %dma_wait3A_940 = arith.constant 0 : i32
        %dma_wait3A_941 = tpu.memref_slice %arg7[%dma_wait3A_938, %dma_wait3A_939, %dma_wait3A_940] : memref<8x2x64xi32, #tpu.memory_space<vmem>> -> memref<1x1x64xi32, #tpu.memory_space<vmem>>
        %dma_wait3A_942 = tpu.memref_squeeze %dma_wait3A_941 : memref<1x1x64xi32, #tpu.memory_space<vmem>> -> memref<64xi32, #tpu.memory_space<vmem>>
        %dma_wait3A_943 = arith.constant 0 : i32
        %dma_wait3A_944 = tpu.memref_slice %arg3[%dma_wait3A_937, %dma_wait3A_943] : memref<2x320000xi32, #tpu.memory_space<hbm>> -> memref<1x64xi32, #tpu.memory_space<hbm>>
        %dma_wait3A_945 = tpu.memref_squeeze %dma_wait3A_944 : memref<1x64xi32, #tpu.memory_space<hbm>> -> memref<64xi32, #tpu.memory_space<hbm>>
        %dma_wait3A_946 = arith.constant 0 : i32
        %dma_wait3A_947 = tpu.memref_slice %arg7[%dma_wait3A_938, %dma_wait3A_939, %dma_wait3A_946] : memref<8x2x64xi32, #tpu.memory_space<vmem>> -> memref<1x1x64xi32, #tpu.memory_space<vmem>>
        %dma_wait3A_948 = tpu.memref_squeeze %dma_wait3A_947 : memref<1x1x64xi32, #tpu.memory_space<vmem>> -> memref<64xi32, #tpu.memory_space<vmem>>
        %dma_wait3A_949 = arith.constant 0 : i32
        %dma_wait3A_950 = tpu.memref_slice %arg3[%dma_wait3A_937, %dma_wait3A_949] : memref<2x320000xi32, #tpu.memory_space<hbm>> -> memref<1x64xi32, #tpu.memory_space<hbm>>
        %dma_wait3A_951 = tpu.memref_squeeze %dma_wait3A_950 : memref<1x64xi32, #tpu.memory_space<hbm>> -> memref<64xi32, #tpu.memory_space<hbm>>
        tpu.wait_dma2 semaphore(%arg19 : memref<!tpu.dma_semaphore, #tpu.memory_space<semaphore_mem>>) src(%dma_wait3A_951 : memref<64xi32, #tpu.memory_space<hbm>>) dst(%dma_wait3A_948 : memref<64xi32, #tpu.memory_space<vmem>>)
        %dma_wait3A_952 = arith.constant 0 : i32
        %dma_wait3A_953 = arith.constant 5 : i32
        %dma_wait3A_954 = arith.constant 1 : i32
        %dma_wait3A_955 = arith.constant 0 : i32
        %dma_wait3A_956 = tpu.memref_slice %arg7[%dma_wait3A_953, %dma_wait3A_954, %dma_wait3A_955] : memref<8x2x64xi32, #tpu.memory_space<vmem>> -> memref<1x1x64xi32, #tpu.memory_space<vmem>>
        %dma_wait3A_957 = tpu.memref_squeeze %dma_wait3A_956 : memref<1x1x64xi32, #tpu.memory_space<vmem>> -> memref<64xi32, #tpu.memory_space<vmem>>
        %dma_wait3A_958 = arith.constant 0 : i32
        %dma_wait3A_959 = tpu.memref_slice %arg3[%dma_wait3A_952, %dma_wait3A_958] : memref<2x320000xi32, #tpu.memory_space<hbm>> -> memref<1x64xi32, #tpu.memory_space<hbm>>
        %dma_wait3A_960 = tpu.memref_squeeze %dma_wait3A_959 : memref<1x64xi32, #tpu.memory_space<hbm>> -> memref<64xi32, #tpu.memory_space<hbm>>
        %dma_wait3A_961 = arith.constant 0 : i32
        %dma_wait3A_962 = tpu.memref_slice %arg7[%dma_wait3A_953, %dma_wait3A_954, %dma_wait3A_961] : memref<8x2x64xi32, #tpu.memory_space<vmem>> -> memref<1x1x64xi32, #tpu.memory_space<vmem>>
        %dma_wait3A_963 = tpu.memref_squeeze %dma_wait3A_962 : memref<1x1x64xi32, #tpu.memory_space<vmem>> -> memref<64xi32, #tpu.memory_space<vmem>>
        %dma_wait3A_964 = arith.constant 0 : i32
        %dma_wait3A_965 = tpu.memref_slice %arg3[%dma_wait3A_952, %dma_wait3A_964] : memref<2x320000xi32, #tpu.memory_space<hbm>> -> memref<1x64xi32, #tpu.memory_space<hbm>>
        %dma_wait3A_966 = tpu.memref_squeeze %dma_wait3A_965 : memref<1x64xi32, #tpu.memory_space<hbm>> -> memref<64xi32, #tpu.memory_space<hbm>>
        tpu.wait_dma2 semaphore(%arg19 : memref<!tpu.dma_semaphore, #tpu.memory_space<semaphore_mem>>) src(%dma_wait3A_966 : memref<64xi32, #tpu.memory_space<hbm>>) dst(%dma_wait3A_963 : memref<64xi32, #tpu.memory_space<vmem>>)
        %dma_start3A_967 = arith.constant 5 : i32
        %dma_start3A_968 = arith.constant 0 : i32
        %dma_start3A_969 = arith.constant 1 : i32
        %dma_start3A_970 = arith.constant 0 : i32
        %dma_start3A_971 = arith.constant 0 : i32
        %dma_start3A_972 = tpu.memref_slice %arg8[%dma_start3A_969, %dma_start3A_970, %dma_start3A_971] : memref<4x64x128xf32, #tpu.memory_space<vmem>> -> memref<1x64x128xf32, #tpu.memory_space<vmem>>
        %dma_start3A_973 = tpu.memref_squeeze %dma_start3A_972 : memref<1x64x128xf32, #tpu.memory_space<vmem>> -> memref<64x128xf32, #tpu.memory_space<vmem>>
        %dma_start3A_974 = arith.constant 0 : i32
        %dma_start3A_975 = tpu.memref_slice %arg7[%dma_start3A_967, %dma_start3A_968, %dma_start3A_974] : memref<8x2x64xi32, #tpu.memory_space<vmem>> -> memref<1x1x64xi32, #tpu.memory_space<vmem>>
        %dma_start3A_976 = tpu.memref_squeeze %dma_start3A_975 : memref<1x1x64xi32, #tpu.memory_space<vmem>> -> memref<64xi32, #tpu.memory_space<vmem>>
        %dma_start3A_977 = arith.constant 0 : i32
        %dma_start3A_978 = arith.constant 0 : i32
        %dma_start3A_979 = tpu.memref_slice %arg2[%dma_start3A_977, %dma_start3A_978] : memref<10000x128xf32, #tpu.memory_space<hbm>> -> memref<10000x128xf32, #tpu.memory_space<hbm>>
        tpu.enqueue_indirect_dma source(%dma_start3A_979 : memref<10000x128xf32, #tpu.memory_space<hbm>>) target(%dma_start3A_973 : memref<64x128xf32, #tpu.memory_space<vmem>>) offsets(%dma_start3A_976 : memref<64xi32, #tpu.memory_space<vmem>>) semaphore(%arg11 : memref<!tpu.dma_semaphore, #tpu.memory_space<semaphore_mem>>)
      } else {
      }
      %mul3A_451 = arith.constant 8 : i32
      %mul3A_452 = arith.muli %scan3A_289, %mul3A_451 : i32
      %add3A_453 = arith.constant 2 : i32
      %add3A_454 = arith.addi %mul3A_452, %add3A_453 : i32
      %dma_wait3A_455 = arith.constant 2 : i32
      %dma_wait3A_456 = arith.constant 0 : i32
      %dma_wait3A_457 = arith.constant 2 : i32
      %dma_wait3A_458 = arith.constant 0 : i32
      %dma_wait3A_459 = arith.constant 0 : i32
      %dma_wait3A_460 = tpu.memref_slice %arg8[%dma_wait3A_457, %dma_wait3A_458, %dma_wait3A_459] : memref<4x64x128xf32, #tpu.memory_space<vmem>> -> memref<1x64x128xf32, #tpu.memory_space<vmem>>
      %dma_wait3A_461 = tpu.memref_squeeze %dma_wait3A_460 : memref<1x64x128xf32, #tpu.memory_space<vmem>> -> memref<64x128xf32, #tpu.memory_space<vmem>>
      %dma_wait3A_462 = arith.constant 0 : i32
      %dma_wait3A_463 = tpu.memref_slice %arg7[%dma_wait3A_455, %dma_wait3A_456, %dma_wait3A_462] : memref<8x2x64xi32, #tpu.memory_space<vmem>> -> memref<1x1x64xi32, #tpu.memory_space<vmem>>
      %dma_wait3A_464 = tpu.memref_squeeze %dma_wait3A_463 : memref<1x1x64xi32, #tpu.memory_space<vmem>> -> memref<64xi32, #tpu.memory_space<vmem>>
      %dma_wait3A_465 = arith.constant 0 : i32
      %dma_wait3A_466 = arith.constant 0 : i32
      %dma_wait3A_467 = tpu.memref_slice %arg2[%dma_wait3A_465, %dma_wait3A_466] : memref<10000x128xf32, #tpu.memory_space<hbm>> -> memref<10000x128xf32, #tpu.memory_space<hbm>>
      tpu.wait_indirect_dma semaphore(%arg12 : memref<!tpu.dma_semaphore, #tpu.memory_space<semaphore_mem>>) src(%dma_wait3A_467 : memref<10000x128xf32, #tpu.memory_space<hbm>>) dst(%dma_wait3A_461 : memref<64x128xf32, #tpu.memory_space<vmem>>)
      %dma_start3A_468 = arith.constant 2 : i32
      %dma_start3A_469 = arith.constant 2 : i32
      %dma_start3A_470 = arith.constant 1 : i32
      %dma_start3A_471 = arith.constant 0 : i32
      %dma_start3A_472 = arith.constant 0 : i32
      %dma_start3A_473 = tpu.memref_slice %arg8[%dma_start3A_468, %dma_start3A_471, %dma_start3A_472] : memref<4x64x128xf32, #tpu.memory_space<vmem>> -> memref<1x64x128xf32, #tpu.memory_space<vmem>>
      %dma_start3A_474 = tpu.memref_squeeze %dma_start3A_473 : memref<1x64x128xf32, #tpu.memory_space<vmem>> -> memref<64x128xf32, #tpu.memory_space<vmem>>
      %dma_start3A_475 = arith.constant 0 : i32
      %dma_start3A_476 = tpu.memref_slice %arg7[%dma_start3A_469, %dma_start3A_470, %dma_start3A_475] : memref<8x2x64xi32, #tpu.memory_space<vmem>> -> memref<1x1x64xi32, #tpu.memory_space<vmem>>
      %dma_start3A_477 = tpu.memref_squeeze %dma_start3A_476 : memref<1x1x64xi32, #tpu.memory_space<vmem>> -> memref<64xi32, #tpu.memory_space<vmem>>
      %dma_start3A_478 = arith.constant 0 : i32
      %dma_start3A_479 = arith.constant 0 : i32
      %dma_start3A_480 = tpu.memref_slice %arg22[%dma_start3A_478, %dma_start3A_479] : memref<10112x128xf32, #tpu.memory_space<vmem_shared>> -> memref<10112x128xf32, #tpu.memory_space<vmem_shared>>
      tpu.enqueue_indirect_dma source(%dma_start3A_474 : memref<64x128xf32, #tpu.memory_space<vmem>>) target(%dma_start3A_480 : memref<10112x128xf32, #tpu.memory_space<vmem_shared>>) offsets(%dma_start3A_477 : memref<64xi32, #tpu.memory_space<vmem>>) semaphore(%arg12 : memref<!tpu.dma_semaphore, #tpu.memory_space<semaphore_mem>>) {add = true}
      %get3A_481 = arith.constant 2 : i32
      %get3A_482 = arith.constant 1 : i32
      %get3A_483 = arith.index_cast %get3A_481 : i32 to index
      %get3A_484 = arith.index_cast %get3A_482 : i32 to index
      %get3A_485 = arith.constant 0 : index
      %get3A_486 = tpu.vector_load %arg7[%get3A_483, %get3A_484, %get3A_485] {strides = array<i32>} : memref<8x2x64xi32, #tpu.memory_space<vmem>>, vector<16xi32>,
      tpu.vector_store_idx %arg9[%get3A_486], %broadcast_in_dim3A_281 {add = true} : memref<10112xf32, #tpu.memory_space<vmem>>[vector<16xi32>], vector<16xf32>,
      %get3A_487 = arith.constant 2 : i32
      %get3A_488 = arith.constant 1 : i32
      %get3A_489 = arith.index_cast %get3A_487 : i32 to index
      %get3A_490 = arith.index_cast %get3A_488 : i32 to index
      %get3A_491 = arith.constant 16 : index
      %get3A_492 = tpu.vector_load %arg7[%get3A_489, %get3A_490, %get3A_491] {strides = array<i32>} : memref<8x2x64xi32, #tpu.memory_space<vmem>>, vector<16xi32>,
      tpu.vector_store_idx %arg9[%get3A_492], %broadcast_in_dim3A_281 {add = true} : memref<10112xf32, #tpu.memory_space<vmem>>[vector<16xi32>], vector<16xf32>,
      %get3A_493 = arith.constant 2 : i32
      %get3A_494 = arith.constant 1 : i32
      %get3A_495 = arith.index_cast %get3A_493 : i32 to index
      %get3A_496 = arith.index_cast %get3A_494 : i32 to index
      %get3A_497 = arith.constant 32 : index
      %get3A_498 = tpu.vector_load %arg7[%get3A_495, %get3A_496, %get3A_497] {strides = array<i32>} : memref<8x2x64xi32, #tpu.memory_space<vmem>>, vector<16xi32>,
      tpu.vector_store_idx %arg9[%get3A_498], %broadcast_in_dim3A_281 {add = true} : memref<10112xf32, #tpu.memory_space<vmem>>[vector<16xi32>], vector<16xf32>,
      %get3A_499 = arith.constant 2 : i32
      %get3A_500 = arith.constant 1 : i32
      %get3A_501 = arith.index_cast %get3A_499 : i32 to index
      %get3A_502 = arith.index_cast %get3A_500 : i32 to index
      %get3A_503 = arith.constant 48 : index
      %get3A_504 = tpu.vector_load %arg7[%get3A_501, %get3A_502, %get3A_503] {strides = array<i32>} : memref<8x2x64xi32, #tpu.memory_space<vmem>>, vector<16xi32>,
      tpu.vector_store_idx %arg9[%get3A_504], %broadcast_in_dim3A_281 {add = true} : memref<10112xf32, #tpu.memory_space<vmem>>[vector<16xi32>], vector<16xf32>,
      %dma_wait3A_505 = arith.constant 2 : i32
      %dma_wait3A_506 = arith.constant 2 : i32
      %dma_wait3A_507 = arith.constant 1 : i32
      %dma_wait3A_508 = arith.constant 0 : i32
      %dma_wait3A_509 = arith.constant 0 : i32
      %dma_wait3A_510 = tpu.memref_slice %arg8[%dma_wait3A_505, %dma_wait3A_508, %dma_wait3A_509] : memref<4x64x128xf32, #tpu.memory_space<vmem>> -> memref<1x64x128xf32, #tpu.memory_space<vmem>>
      %dma_wait3A_511 = tpu.memref_squeeze %dma_wait3A_510 : memref<1x64x128xf32, #tpu.memory_space<vmem>> -> memref<64x128xf32, #tpu.memory_space<vmem>>
      %dma_wait3A_512 = arith.constant 0 : i32
      %dma_wait3A_513 = tpu.memref_slice %arg7[%dma_wait3A_506, %dma_wait3A_507, %dma_wait3A_512] : memref<8x2x64xi32, #tpu.memory_space<vmem>> -> memref<1x1x64xi32, #tpu.memory_space<vmem>>
      %dma_wait3A_514 = tpu.memref_squeeze %dma_wait3A_513 : memref<1x1x64xi32, #tpu.memory_space<vmem>> -> memref<64xi32, #tpu.memory_space<vmem>>
      %dma_wait3A_515 = arith.constant 0 : i32
      %dma_wait3A_516 = arith.constant 0 : i32
      %dma_wait3A_517 = tpu.memref_slice %arg22[%dma_wait3A_515, %dma_wait3A_516] : memref<10112x128xf32, #tpu.memory_space<vmem_shared>> -> memref<10112x128xf32, #tpu.memory_space<vmem_shared>>
      tpu.wait_indirect_dma semaphore(%arg12 : memref<!tpu.dma_semaphore, #tpu.memory_space<semaphore_mem>>) src(%dma_wait3A_511 : memref<64x128xf32, #tpu.memory_space<vmem>>) dst(%dma_wait3A_517 : memref<10112x128xf32, #tpu.memory_space<vmem_shared>>)
      %add3A_518 = arith.constant 8 : i32
      %add3A_519 = arith.addi %add3A_454, %add3A_518 : i32
      %lt3A_520 = arith.constant 160 : i32
      %lt3A_521 = arith.cmpi slt, %add3A_519, %lt3A_520 : i32
      %convert_element_type3A_522 = arith.extui %lt3A_521 : i1 to i32
      %cond3A_523 = arith.constant 0 : i32
      %cond3A_524 = arith.cmpi ne, %convert_element_type3A_522, %cond3A_523 : i32
      scf.if %cond3A_524 {
        %add3A_937 = arith.constant 8 : i32
        %add3A_938 = arith.addi %add3A_454, %add3A_937 : i32
        %lt3A_939 = arith.constant 31 : i32
        %lt3A_940 = arith.cmpi slt, %add3A, %lt3A_939 : i32
        %convert_element_type3A_941 = arith.extui %lt3A_940 : i1 to i32
        %cond3A_942 = arith.constant 0 : i32
        %cond3A_943 = arith.cmpi ne, %convert_element_type3A_941, %cond3A_942 : i32
        scf.if %cond3A_943 {
          %mul3A_949 = arith.constant 64 : i32
          %mul3A_950 = arith.muli %add3A_938, %mul3A_949 : i32
          %add3A_951 = arith.addi %mul3A_2, %mul3A_950 : i32
          %dma_start3A_952 = arith.constant 0 : i32
          %dma_start3A_953 = arith.constant 2 : i32
          %dma_start3A_954 = arith.constant 0 : i32
          %dma_start3A_955 = arith.constant 0 : i32
          %dma_start3A_956 = tpu.memref_slice %arg7[%dma_start3A_953, %dma_start3A_954, %dma_start3A_955] : memref<8x2x64xi32, #tpu.memory_space<vmem>> -> memref<1x1x64xi32, #tpu.memory_space<vmem>>
          %dma_start3A_957 = tpu.memref_squeeze %dma_start3A_956 : memref<1x1x64xi32, #tpu.memory_space<vmem>> -> memref<64xi32, #tpu.memory_space<vmem>>
          %dma_start3A_958 = tpu.memref_slice %arg3[%dma_start3A_952, %add3A_951] : memref<2x320000xi32, #tpu.memory_space<hbm>> -> memref<1x64xi32, #tpu.memory_space<hbm>>
          %dma_start3A_959 = tpu.memref_squeeze %dma_start3A_958 : memref<1x64xi32, #tpu.memory_space<hbm>> -> memref<64xi32, #tpu.memory_space<hbm>>
          %dma_start3A_960 = arith.constant 0 : i32
          %dma_start3A_961 = tpu.memref_slice %arg7[%dma_start3A_953, %dma_start3A_954, %dma_start3A_960] : memref<8x2x64xi32, #tpu.memory_space<vmem>> -> memref<1x1x64xi32, #tpu.memory_space<vmem>>
          %dma_start3A_962 = tpu.memref_squeeze %dma_start3A_961 : memref<1x1x64xi32, #tpu.memory_space<vmem>> -> memref<64xi32, #tpu.memory_space<vmem>>
          %dma_start3A_963 = tpu.memref_slice %arg3[%dma_start3A_952, %add3A_951] : memref<2x320000xi32, #tpu.memory_space<hbm>> -> memref<1x64xi32, #tpu.memory_space<hbm>>
          %dma_start3A_964 = tpu.memref_squeeze %dma_start3A_963 : memref<1x64xi32, #tpu.memory_space<hbm>> -> memref<64xi32, #tpu.memory_space<hbm>>
          tpu.enqueue_dma source(%dma_start3A_964 : memref<64xi32, #tpu.memory_space<hbm>>) target(%dma_start3A_962 : memref<64xi32, #tpu.memory_space<vmem>>) target_semaphore(%arg16 : memref<!tpu.dma_semaphore, #tpu.memory_space<semaphore_mem>>)
          %dma_start3A_965 = arith.constant 1 : i32
          %dma_start3A_966 = arith.constant 2 : i32
          %dma_start3A_967 = arith.constant 1 : i32
          %dma_start3A_968 = arith.constant 0 : i32
          %dma_start3A_969 = tpu.memref_slice %arg7[%dma_start3A_966, %dma_start3A_967, %dma_start3A_968] : memref<8x2x64xi32, #tpu.memory_space<vmem>> -> memref<1x1x64xi32, #tpu.memory_space<vmem>>
          %dma_start3A_970 = tpu.memref_squeeze %dma_start3A_969 : memref<1x1x64xi32, #tpu.memory_space<vmem>> -> memref<64xi32, #tpu.memory_space<vmem>>
          %dma_start3A_971 = tpu.memref_slice %arg3[%dma_start3A_965, %add3A_951] : memref<2x320000xi32, #tpu.memory_space<hbm>> -> memref<1x64xi32, #tpu.memory_space<hbm>>
          %dma_start3A_972 = tpu.memref_squeeze %dma_start3A_971 : memref<1x64xi32, #tpu.memory_space<hbm>> -> memref<64xi32, #tpu.memory_space<hbm>>
          %dma_start3A_973 = arith.constant 0 : i32
          %dma_start3A_974 = tpu.memref_slice %arg7[%dma_start3A_966, %dma_start3A_967, %dma_start3A_973] : memref<8x2x64xi32, #tpu.memory_space<vmem>> -> memref<1x1x64xi32, #tpu.memory_space<vmem>>
          %dma_start3A_975 = tpu.memref_squeeze %dma_start3A_974 : memref<1x1x64xi32, #tpu.memory_space<vmem>> -> memref<64xi32, #tpu.memory_space<vmem>>
          %dma_start3A_976 = tpu.memref_slice %arg3[%dma_start3A_965, %add3A_951] : memref<2x320000xi32, #tpu.memory_space<hbm>> -> memref<1x64xi32, #tpu.memory_space<hbm>>
          %dma_start3A_977 = tpu.memref_squeeze %dma_start3A_976 : memref<1x64xi32, #tpu.memory_space<hbm>> -> memref<64xi32, #tpu.memory_space<hbm>>
          tpu.enqueue_dma source(%dma_start3A_977 : memref<64xi32, #tpu.memory_space<hbm>>) target(%dma_start3A_975 : memref<64xi32, #tpu.memory_space<vmem>>) target_semaphore(%arg16 : memref<!tpu.dma_semaphore, #tpu.memory_space<semaphore_mem>>)
        } else {
        }
        %eq3A_944 = arith.constant 31 : i32
        %eq3A_945 = arith.cmpi eq, %add3A, %eq3A_944 : i32
        %convert_element_type3A_946 = arith.extui %eq3A_945 : i1 to i32
        %cond3A_947 = arith.constant 0 : i32
        %cond3A_948 = arith.cmpi ne, %convert_element_type3A_946, %cond3A_947 : i32
        scf.if %cond3A_948 {
          %mul3A_949 = arith.constant 64 : i32
          %mul3A_950 = arith.muli %add3A_938, %mul3A_949 : i32
          %dma_start3A_951 = arith.constant 0 : i32
          %dma_start3A_952 = arith.constant 2 : i32
          %dma_start3A_953 = arith.constant 0 : i32
          %dma_start3A_954 = arith.constant 0 : i32
          %dma_start3A_955 = tpu.memref_slice %arg7[%dma_start3A_952, %dma_start3A_953, %dma_start3A_954] : memref<8x2x64xi32, #tpu.memory_space<vmem>> -> memref<1x1x64xi32, #tpu.memory_space<vmem>>
          %dma_start3A_956 = tpu.memref_squeeze %dma_start3A_955 : memref<1x1x64xi32, #tpu.memory_space<vmem>> -> memref<64xi32, #tpu.memory_space<vmem>>
          %dma_start3A_957 = tpu.memref_slice %arg4[%dma_start3A_951, %mul3A_950] : memref<2x10240xi32, #tpu.memory_space<hbm>> -> memref<1x64xi32, #tpu.memory_space<hbm>>
          %dma_start3A_958 = tpu.memref_squeeze %dma_start3A_957 : memref<1x64xi32, #tpu.memory_space<hbm>> -> memref<64xi32, #tpu.memory_space<hbm>>
          %dma_start3A_959 = arith.constant 0 : i32
          %dma_start3A_960 = tpu.memref_slice %arg7[%dma_start3A_952, %dma_start3A_953, %dma_start3A_959] : memref<8x2x64xi32, #tpu.memory_space<vmem>> -> memref<1x1x64xi32, #tpu.memory_space<vmem>>
          %dma_start3A_961 = tpu.memref_squeeze %dma_start3A_960 : memref<1x1x64xi32, #tpu.memory_space<vmem>> -> memref<64xi32, #tpu.memory_space<vmem>>
          %dma_start3A_962 = tpu.memref_slice %arg4[%dma_start3A_951, %mul3A_950] : memref<2x10240xi32, #tpu.memory_space<hbm>> -> memref<1x64xi32, #tpu.memory_space<hbm>>
          %dma_start3A_963 = tpu.memref_squeeze %dma_start3A_962 : memref<1x64xi32, #tpu.memory_space<hbm>> -> memref<64xi32, #tpu.memory_space<hbm>>
          tpu.enqueue_dma source(%dma_start3A_963 : memref<64xi32, #tpu.memory_space<hbm>>) target(%dma_start3A_961 : memref<64xi32, #tpu.memory_space<vmem>>) target_semaphore(%arg16 : memref<!tpu.dma_semaphore, #tpu.memory_space<semaphore_mem>>)
          %dma_start3A_964 = arith.constant 1 : i32
          %dma_start3A_965 = arith.constant 2 : i32
          %dma_start3A_966 = arith.constant 1 : i32
          %dma_start3A_967 = arith.constant 0 : i32
          %dma_start3A_968 = tpu.memref_slice %arg7[%dma_start3A_965, %dma_start3A_966, %dma_start3A_967] : memref<8x2x64xi32, #tpu.memory_space<vmem>> -> memref<1x1x64xi32, #tpu.memory_space<vmem>>
          %dma_start3A_969 = tpu.memref_squeeze %dma_start3A_968 : memref<1x1x64xi32, #tpu.memory_space<vmem>> -> memref<64xi32, #tpu.memory_space<vmem>>
          %dma_start3A_970 = tpu.memref_slice %arg4[%dma_start3A_964, %mul3A_950] : memref<2x10240xi32, #tpu.memory_space<hbm>> -> memref<1x64xi32, #tpu.memory_space<hbm>>
          %dma_start3A_971 = tpu.memref_squeeze %dma_start3A_970 : memref<1x64xi32, #tpu.memory_space<hbm>> -> memref<64xi32, #tpu.memory_space<hbm>>
          %dma_start3A_972 = arith.constant 0 : i32
          %dma_start3A_973 = tpu.memref_slice %arg7[%dma_start3A_965, %dma_start3A_966, %dma_start3A_972] : memref<8x2x64xi32, #tpu.memory_space<vmem>> -> memref<1x1x64xi32, #tpu.memory_space<vmem>>
          %dma_start3A_974 = tpu.memref_squeeze %dma_start3A_973 : memref<1x1x64xi32, #tpu.memory_space<vmem>> -> memref<64xi32, #tpu.memory_space<vmem>>
          %dma_start3A_975 = tpu.memref_slice %arg4[%dma_start3A_964, %mul3A_950] : memref<2x10240xi32, #tpu.memory_space<hbm>> -> memref<1x64xi32, #tpu.memory_space<hbm>>
          %dma_start3A_976 = tpu.memref_squeeze %dma_start3A_975 : memref<1x64xi32, #tpu.memory_space<hbm>> -> memref<64xi32, #tpu.memory_space<hbm>>
          tpu.enqueue_dma source(%dma_start3A_976 : memref<64xi32, #tpu.memory_space<hbm>>) target(%dma_start3A_974 : memref<64xi32, #tpu.memory_space<vmem>>) target_semaphore(%arg16 : memref<!tpu.dma_semaphore, #tpu.memory_space<semaphore_mem>>)
        } else {
        }
      } else {
      }
      %add3A_525 = arith.constant 4 : i32
      %add3A_526 = arith.addi %add3A_454, %add3A_525 : i32
      %lt3A_527 = arith.constant 160 : i32
      %lt3A_528 = arith.cmpi slt, %add3A_526, %lt3A_527 : i32
      %convert_element_type3A_529 = arith.extui %lt3A_528 : i1 to i32
      %cond3A_530 = arith.constant 0 : i32
      %cond3A_531 = arith.cmpi ne, %convert_element_type3A_529, %cond3A_530 : i32
      scf.if %cond3A_531 {
        %dma_wait3A_937 = arith.constant 0 : i32
        %dma_wait3A_938 = arith.constant 6 : i32
        %dma_wait3A_939 = arith.constant 0 : i32
        %dma_wait3A_940 = arith.constant 0 : i32
        %dma_wait3A_941 = tpu.memref_slice %arg7[%dma_wait3A_938, %dma_wait3A_939, %dma_wait3A_940] : memref<8x2x64xi32, #tpu.memory_space<vmem>> -> memref<1x1x64xi32, #tpu.memory_space<vmem>>
        %dma_wait3A_942 = tpu.memref_squeeze %dma_wait3A_941 : memref<1x1x64xi32, #tpu.memory_space<vmem>> -> memref<64xi32, #tpu.memory_space<vmem>>
        %dma_wait3A_943 = arith.constant 0 : i32
        %dma_wait3A_944 = tpu.memref_slice %arg3[%dma_wait3A_937, %dma_wait3A_943] : memref<2x320000xi32, #tpu.memory_space<hbm>> -> memref<1x64xi32, #tpu.memory_space<hbm>>
        %dma_wait3A_945 = tpu.memref_squeeze %dma_wait3A_944 : memref<1x64xi32, #tpu.memory_space<hbm>> -> memref<64xi32, #tpu.memory_space<hbm>>
        %dma_wait3A_946 = arith.constant 0 : i32
        %dma_wait3A_947 = tpu.memref_slice %arg7[%dma_wait3A_938, %dma_wait3A_939, %dma_wait3A_946] : memref<8x2x64xi32, #tpu.memory_space<vmem>> -> memref<1x1x64xi32, #tpu.memory_space<vmem>>
        %dma_wait3A_948 = tpu.memref_squeeze %dma_wait3A_947 : memref<1x1x64xi32, #tpu.memory_space<vmem>> -> memref<64xi32, #tpu.memory_space<vmem>>
        %dma_wait3A_949 = arith.constant 0 : i32
        %dma_wait3A_950 = tpu.memref_slice %arg3[%dma_wait3A_937, %dma_wait3A_949] : memref<2x320000xi32, #tpu.memory_space<hbm>> -> memref<1x64xi32, #tpu.memory_space<hbm>>
        %dma_wait3A_951 = tpu.memref_squeeze %dma_wait3A_950 : memref<1x64xi32, #tpu.memory_space<hbm>> -> memref<64xi32, #tpu.memory_space<hbm>>
        tpu.wait_dma2 semaphore(%arg20 : memref<!tpu.dma_semaphore, #tpu.memory_space<semaphore_mem>>) src(%dma_wait3A_951 : memref<64xi32, #tpu.memory_space<hbm>>) dst(%dma_wait3A_948 : memref<64xi32, #tpu.memory_space<vmem>>)
        %dma_wait3A_952 = arith.constant 0 : i32
        %dma_wait3A_953 = arith.constant 6 : i32
        %dma_wait3A_954 = arith.constant 1 : i32
        %dma_wait3A_955 = arith.constant 0 : i32
        %dma_wait3A_956 = tpu.memref_slice %arg7[%dma_wait3A_953, %dma_wait3A_954, %dma_wait3A_955] : memref<8x2x64xi32, #tpu.memory_space<vmem>> -> memref<1x1x64xi32, #tpu.memory_space<vmem>>
        %dma_wait3A_957 = tpu.memref_squeeze %dma_wait3A_956 : memref<1x1x64xi32, #tpu.memory_space<vmem>> -> memref<64xi32, #tpu.memory_space<vmem>>
        %dma_wait3A_958 = arith.constant 0 : i32
        %dma_wait3A_959 = tpu.memref_slice %arg3[%dma_wait3A_952, %dma_wait3A_958] : memref<2x320000xi32, #tpu.memory_space<hbm>> -> memref<1x64xi32, #tpu.memory_space<hbm>>
        %dma_wait3A_960 = tpu.memref_squeeze %dma_wait3A_959 : memref<1x64xi32, #tpu.memory_space<hbm>> -> memref<64xi32, #tpu.memory_space<hbm>>
        %dma_wait3A_961 = arith.constant 0 : i32
        %dma_wait3A_962 = tpu.memref_slice %arg7[%dma_wait3A_953, %dma_wait3A_954, %dma_wait3A_961] : memref<8x2x64xi32, #tpu.memory_space<vmem>> -> memref<1x1x64xi32, #tpu.memory_space<vmem>>
        %dma_wait3A_963 = tpu.memref_squeeze %dma_wait3A_962 : memref<1x1x64xi32, #tpu.memory_space<vmem>> -> memref<64xi32, #tpu.memory_space<vmem>>
        %dma_wait3A_964 = arith.constant 0 : i32
        %dma_wait3A_965 = tpu.memref_slice %arg3[%dma_wait3A_952, %dma_wait3A_964] : memref<2x320000xi32, #tpu.memory_space<hbm>> -> memref<1x64xi32, #tpu.memory_space<hbm>>
        %dma_wait3A_966 = tpu.memref_squeeze %dma_wait3A_965 : memref<1x64xi32, #tpu.memory_space<hbm>> -> memref<64xi32, #tpu.memory_space<hbm>>
        tpu.wait_dma2 semaphore(%arg20 : memref<!tpu.dma_semaphore, #tpu.memory_space<semaphore_mem>>) src(%dma_wait3A_966 : memref<64xi32, #tpu.memory_space<hbm>>) dst(%dma_wait3A_963 : memref<64xi32, #tpu.memory_space<vmem>>)
        %dma_start3A_967 = arith.constant 6 : i32
        %dma_start3A_968 = arith.constant 0 : i32
        %dma_start3A_969 = arith.constant 2 : i32
        %dma_start3A_970 = arith.constant 0 : i32
        %dma_start3A_971 = arith.constant 0 : i32
        %dma_start3A_972 = tpu.memref_slice %arg8[%dma_start3A_969, %dma_start3A_970, %dma_start3A_971] : memref<4x64x128xf32, #tpu.memory_space<vmem>> -> memref<1x64x128xf32, #tpu.memory_space<vmem>>
        %dma_start3A_973 = tpu.memref_squeeze %dma_start3A_972 : memref<1x64x128xf32, #tpu.memory_space<vmem>> -> memref<64x128xf32, #tpu.memory_space<vmem>>
        %dma_start3A_974 = arith.constant 0 : i32
        %dma_start3A_975 = tpu.memref_slice %arg7[%dma_start3A_967, %dma_start3A_968, %dma_start3A_974] : memref<8x2x64xi32, #tpu.memory_space<vmem>> -> memref<1x1x64xi32, #tpu.memory_space<vmem>>
        %dma_start3A_976 = tpu.memref_squeeze %dma_start3A_975 : memref<1x1x64xi32, #tpu.memory_space<vmem>> -> memref<64xi32, #tpu.memory_space<vmem>>
        %dma_start3A_977 = arith.constant 0 : i32
        %dma_start3A_978 = arith.constant 0 : i32
        %dma_start3A_979 = tpu.memref_slice %arg2[%dma_start3A_977, %dma_start3A_978] : memref<10000x128xf32, #tpu.memory_space<hbm>> -> memref<10000x128xf32, #tpu.memory_space<hbm>>
        tpu.enqueue_indirect_dma source(%dma_start3A_979 : memref<10000x128xf32, #tpu.memory_space<hbm>>) target(%dma_start3A_973 : memref<64x128xf32, #tpu.memory_space<vmem>>) offsets(%dma_start3A_976 : memref<64xi32, #tpu.memory_space<vmem>>) semaphore(%arg12 : memref<!tpu.dma_semaphore, #tpu.memory_space<semaphore_mem>>)
      } else {
      }
      %mul3A_532 = arith.constant 8 : i32
      %mul3A_533 = arith.muli %scan3A_289, %mul3A_532 : i32
      %add3A_534 = arith.constant 3 : i32
      %add3A_535 = arith.addi %mul3A_533, %add3A_534 : i32
      %dma_wait3A_536 = arith.constant 3 : i32
      %dma_wait3A_537 = arith.constant 0 : i32
      %dma_wait3A_538 = arith.constant 3 : i32
      %dma_wait3A_539 = arith.constant 0 : i32
      %dma_wait3A_540 = arith.constant 0 : i32
      %dma_wait3A_541 = tpu.memref_slice %arg8[%dma_wait3A_538, %dma_wait3A_539, %dma_wait3A_540] : memref<4x64x128xf32, #tpu.memory_space<vmem>> -> memref<1x64x128xf32, #tpu.memory_space<vmem>>
      %dma_wait3A_542 = tpu.memref_squeeze %dma_wait3A_541 : memref<1x64x128xf32, #tpu.memory_space<vmem>> -> memref<64x128xf32, #tpu.memory_space<vmem>>
      %dma_wait3A_543 = arith.constant 0 : i32
      %dma_wait3A_544 = tpu.memref_slice %arg7[%dma_wait3A_536, %dma_wait3A_537, %dma_wait3A_543] : memref<8x2x64xi32, #tpu.memory_space<vmem>> -> memref<1x1x64xi32, #tpu.memory_space<vmem>>
      %dma_wait3A_545 = tpu.memref_squeeze %dma_wait3A_544 : memref<1x1x64xi32, #tpu.memory_space<vmem>> -> memref<64xi32, #tpu.memory_space<vmem>>
      %dma_wait3A_546 = arith.constant 0 : i32
      %dma_wait3A_547 = arith.constant 0 : i32
      %dma_wait3A_548 = tpu.memref_slice %arg2[%dma_wait3A_546, %dma_wait3A_547] : memref<10000x128xf32, #tpu.memory_space<hbm>> -> memref<10000x128xf32, #tpu.memory_space<hbm>>
      tpu.wait_indirect_dma semaphore(%arg13 : memref<!tpu.dma_semaphore, #tpu.memory_space<semaphore_mem>>) src(%dma_wait3A_548 : memref<10000x128xf32, #tpu.memory_space<hbm>>) dst(%dma_wait3A_542 : memref<64x128xf32, #tpu.memory_space<vmem>>)
      %dma_start3A_549 = arith.constant 3 : i32
      %dma_start3A_550 = arith.constant 3 : i32
      %dma_start3A_551 = arith.constant 1 : i32
      %dma_start3A_552 = arith.constant 0 : i32
      %dma_start3A_553 = arith.constant 0 : i32
      %dma_start3A_554 = tpu.memref_slice %arg8[%dma_start3A_549, %dma_start3A_552, %dma_start3A_553] : memref<4x64x128xf32, #tpu.memory_space<vmem>> -> memref<1x64x128xf32, #tpu.memory_space<vmem>>
      %dma_start3A_555 = tpu.memref_squeeze %dma_start3A_554 : memref<1x64x128xf32, #tpu.memory_space<vmem>> -> memref<64x128xf32, #tpu.memory_space<vmem>>
      %dma_start3A_556 = arith.constant 0 : i32
      %dma_start3A_557 = tpu.memref_slice %arg7[%dma_start3A_550, %dma_start3A_551, %dma_start3A_556] : memref<8x2x64xi32, #tpu.memory_space<vmem>> -> memref<1x1x64xi32, #tpu.memory_space<vmem>>
      %dma_start3A_558 = tpu.memref_squeeze %dma_start3A_557 : memref<1x1x64xi32, #tpu.memory_space<vmem>> -> memref<64xi32, #tpu.memory_space<vmem>>
      %dma_start3A_559 = arith.constant 0 : i32
      %dma_start3A_560 = arith.constant 0 : i32
      %dma_start3A_561 = tpu.memref_slice %arg22[%dma_start3A_559, %dma_start3A_560] : memref<10112x128xf32, #tpu.memory_space<vmem_shared>> -> memref<10112x128xf32, #tpu.memory_space<vmem_shared>>
      tpu.enqueue_indirect_dma source(%dma_start3A_555 : memref<64x128xf32, #tpu.memory_space<vmem>>) target(%dma_start3A_561 : memref<10112x128xf32, #tpu.memory_space<vmem_shared>>) offsets(%dma_start3A_558 : memref<64xi32, #tpu.memory_space<vmem>>) semaphore(%arg13 : memref<!tpu.dma_semaphore, #tpu.memory_space<semaphore_mem>>) {add = true}
      %get3A_562 = arith.constant 3 : i32
      %get3A_563 = arith.constant 1 : i32
      %get3A_564 = arith.index_cast %get3A_562 : i32 to index
      %get3A_565 = arith.index_cast %get3A_563 : i32 to index
      %get3A_566 = arith.constant 0 : index
      %get3A_567 = tpu.vector_load %arg7[%get3A_564, %get3A_565, %get3A_566] {strides = array<i32>} : memref<8x2x64xi32, #tpu.memory_space<vmem>>, vector<16xi32>,
      tpu.vector_store_idx %arg9[%get3A_567], %broadcast_in_dim3A_281 {add = true} : memref<10112xf32, #tpu.memory_space<vmem>>[vector<16xi32>], vector<16xf32>,
      %get3A_568 = arith.constant 3 : i32
      %get3A_569 = arith.constant 1 : i32
      %get3A_570 = arith.index_cast %get3A_568 : i32 to index
      %get3A_571 = arith.index_cast %get3A_569 : i32 to index
      %get3A_572 = arith.constant 16 : index
      %get3A_573 = tpu.vector_load %arg7[%get3A_570, %get3A_571, %get3A_572] {strides = array<i32>} : memref<8x2x64xi32, #tpu.memory_space<vmem>>, vector<16xi32>,
      tpu.vector_store_idx %arg9[%get3A_573], %broadcast_in_dim3A_281 {add = true} : memref<10112xf32, #tpu.memory_space<vmem>>[vector<16xi32>], vector<16xf32>,
      %get3A_574 = arith.constant 3 : i32
      %get3A_575 = arith.constant 1 : i32
      %get3A_576 = arith.index_cast %get3A_574 : i32 to index
      %get3A_577 = arith.index_cast %get3A_575 : i32 to index
      %get3A_578 = arith.constant 32 : index
      %get3A_579 = tpu.vector_load %arg7[%get3A_576, %get3A_577, %get3A_578] {strides = array<i32>} : memref<8x2x64xi32, #tpu.memory_space<vmem>>, vector<16xi32>,
      tpu.vector_store_idx %arg9[%get3A_579], %broadcast_in_dim3A_281 {add = true} : memref<10112xf32, #tpu.memory_space<vmem>>[vector<16xi32>], vector<16xf32>,
      %get3A_580 = arith.constant 3 : i32
      %get3A_581 = arith.constant 1 : i32
      %get3A_582 = arith.index_cast %get3A_580 : i32 to index
      %get3A_583 = arith.index_cast %get3A_581 : i32 to index
      %get3A_584 = arith.constant 48 : index
      %get3A_585 = tpu.vector_load %arg7[%get3A_582, %get3A_583, %get3A_584] {strides = array<i32>} : memref<8x2x64xi32, #tpu.memory_space<vmem>>, vector<16xi32>,
      tpu.vector_store_idx %arg9[%get3A_585], %broadcast_in_dim3A_281 {add = true} : memref<10112xf32, #tpu.memory_space<vmem>>[vector<16xi32>], vector<16xf32>,
      %dma_wait3A_586 = arith.constant 3 : i32
      %dma_wait3A_587 = arith.constant 3 : i32
      %dma_wait3A_588 = arith.constant 1 : i32
      %dma_wait3A_589 = arith.constant 0 : i32
      %dma_wait3A_590 = arith.constant 0 : i32
      %dma_wait3A_591 = tpu.memref_slice %arg8[%dma_wait3A_586, %dma_wait3A_589, %dma_wait3A_590] : memref<4x64x128xf32, #tpu.memory_space<vmem>> -> memref<1x64x128xf32, #tpu.memory_space<vmem>>
      %dma_wait3A_592 = tpu.memref_squeeze %dma_wait3A_591 : memref<1x64x128xf32, #tpu.memory_space<vmem>> -> memref<64x128xf32, #tpu.memory_space<vmem>>
      %dma_wait3A_593 = arith.constant 0 : i32
      %dma_wait3A_594 = tpu.memref_slice %arg7[%dma_wait3A_587, %dma_wait3A_588, %dma_wait3A_593] : memref<8x2x64xi32, #tpu.memory_space<vmem>> -> memref<1x1x64xi32, #tpu.memory_space<vmem>>
      %dma_wait3A_595 = tpu.memref_squeeze %dma_wait3A_594 : memref<1x1x64xi32, #tpu.memory_space<vmem>> -> memref<64xi32, #tpu.memory_space<vmem>>
      %dma_wait3A_596 = arith.constant 0 : i32
      %dma_wait3A_597 = arith.constant 0 : i32
      %dma_wait3A_598 = tpu.memref_slice %arg22[%dma_wait3A_596, %dma_wait3A_597] : memref<10112x128xf32, #tpu.memory_space<vmem_shared>> -> memref<10112x128xf32, #tpu.memory_space<vmem_shared>>
      tpu.wait_indirect_dma semaphore(%arg13 : memref<!tpu.dma_semaphore, #tpu.memory_space<semaphore_mem>>) src(%dma_wait3A_592 : memref<64x128xf32, #tpu.memory_space<vmem>>) dst(%dma_wait3A_598 : memref<10112x128xf32, #tpu.memory_space<vmem_shared>>)
      %add3A_599 = arith.constant 8 : i32
      %add3A_600 = arith.addi %add3A_535, %add3A_599 : i32
      %lt3A_601 = arith.constant 160 : i32
      %lt3A_602 = arith.cmpi slt, %add3A_600, %lt3A_601 : i32
      %convert_element_type3A_603 = arith.extui %lt3A_602 : i1 to i32
      %cond3A_604 = arith.constant 0 : i32
      %cond3A_605 = arith.cmpi ne, %convert_element_type3A_603, %cond3A_604 : i32
      scf.if %cond3A_605 {
        %add3A_937 = arith.constant 8 : i32
        %add3A_938 = arith.addi %add3A_535, %add3A_937 : i32
        %lt3A_939 = arith.constant 31 : i32
        %lt3A_940 = arith.cmpi slt, %add3A, %lt3A_939 : i32
        %convert_element_type3A_941 = arith.extui %lt3A_940 : i1 to i32
        %cond3A_942 = arith.constant 0 : i32
        %cond3A_943 = arith.cmpi ne, %convert_element_type3A_941, %cond3A_942 : i32
        scf.if %cond3A_943 {
          %mul3A_949 = arith.constant 64 : i32
          %mul3A_950 = arith.muli %add3A_938, %mul3A_949 : i32
          %add3A_951 = arith.addi %mul3A_2, %mul3A_950 : i32
          %dma_start3A_952 = arith.constant 0 : i32
          %dma_start3A_953 = arith.constant 3 : i32
          %dma_start3A_954 = arith.constant 0 : i32
          %dma_start3A_955 = arith.constant 0 : i32
          %dma_start3A_956 = tpu.memref_slice %arg7[%dma_start3A_953, %dma_start3A_954, %dma_start3A_955] : memref<8x2x64xi32, #tpu.memory_space<vmem>> -> memref<1x1x64xi32, #tpu.memory_space<vmem>>
          %dma_start3A_957 = tpu.memref_squeeze %dma_start3A_956 : memref<1x1x64xi32, #tpu.memory_space<vmem>> -> memref<64xi32, #tpu.memory_space<vmem>>
          %dma_start3A_958 = tpu.memref_slice %arg3[%dma_start3A_952, %add3A_951] : memref<2x320000xi32, #tpu.memory_space<hbm>> -> memref<1x64xi32, #tpu.memory_space<hbm>>
          %dma_start3A_959 = tpu.memref_squeeze %dma_start3A_958 : memref<1x64xi32, #tpu.memory_space<hbm>> -> memref<64xi32, #tpu.memory_space<hbm>>
          %dma_start3A_960 = arith.constant 0 : i32
          %dma_start3A_961 = tpu.memref_slice %arg7[%dma_start3A_953, %dma_start3A_954, %dma_start3A_960] : memref<8x2x64xi32, #tpu.memory_space<vmem>> -> memref<1x1x64xi32, #tpu.memory_space<vmem>>
          %dma_start3A_962 = tpu.memref_squeeze %dma_start3A_961 : memref<1x1x64xi32, #tpu.memory_space<vmem>> -> memref<64xi32, #tpu.memory_space<vmem>>
          %dma_start3A_963 = tpu.memref_slice %arg3[%dma_start3A_952, %add3A_951] : memref<2x320000xi32, #tpu.memory_space<hbm>> -> memref<1x64xi32, #tpu.memory_space<hbm>>
          %dma_start3A_964 = tpu.memref_squeeze %dma_start3A_963 : memref<1x64xi32, #tpu.memory_space<hbm>> -> memref<64xi32, #tpu.memory_space<hbm>>
          tpu.enqueue_dma source(%dma_start3A_964 : memref<64xi32, #tpu.memory_space<hbm>>) target(%dma_start3A_962 : memref<64xi32, #tpu.memory_space<vmem>>) target_semaphore(%arg17 : memref<!tpu.dma_semaphore, #tpu.memory_space<semaphore_mem>>)
          %dma_start3A_965 = arith.constant 1 : i32
          %dma_start3A_966 = arith.constant 3 : i32
          %dma_start3A_967 = arith.constant 1 : i32
          %dma_start3A_968 = arith.constant 0 : i32
          %dma_start3A_969 = tpu.memref_slice %arg7[%dma_start3A_966, %dma_start3A_967, %dma_start3A_968] : memref<8x2x64xi32, #tpu.memory_space<vmem>> -> memref<1x1x64xi32, #tpu.memory_space<vmem>>
          %dma_start3A_970 = tpu.memref_squeeze %dma_start3A_969 : memref<1x1x64xi32, #tpu.memory_space<vmem>> -> memref<64xi32, #tpu.memory_space<vmem>>
          %dma_start3A_971 = tpu.memref_slice %arg3[%dma_start3A_965, %add3A_951] : memref<2x320000xi32, #tpu.memory_space<hbm>> -> memref<1x64xi32, #tpu.memory_space<hbm>>
          %dma_start3A_972 = tpu.memref_squeeze %dma_start3A_971 : memref<1x64xi32, #tpu.memory_space<hbm>> -> memref<64xi32, #tpu.memory_space<hbm>>
          %dma_start3A_973 = arith.constant 0 : i32
          %dma_start3A_974 = tpu.memref_slice %arg7[%dma_start3A_966, %dma_start3A_967, %dma_start3A_973] : memref<8x2x64xi32, #tpu.memory_space<vmem>> -> memref<1x1x64xi32, #tpu.memory_space<vmem>>
          %dma_start3A_975 = tpu.memref_squeeze %dma_start3A_974 : memref<1x1x64xi32, #tpu.memory_space<vmem>> -> memref<64xi32, #tpu.memory_space<vmem>>
          %dma_start3A_976 = tpu.memref_slice %arg3[%dma_start3A_965, %add3A_951] : memref<2x320000xi32, #tpu.memory_space<hbm>> -> memref<1x64xi32, #tpu.memory_space<hbm>>
          %dma_start3A_977 = tpu.memref_squeeze %dma_start3A_976 : memref<1x64xi32, #tpu.memory_space<hbm>> -> memref<64xi32, #tpu.memory_space<hbm>>
          tpu.enqueue_dma source(%dma_start3A_977 : memref<64xi32, #tpu.memory_space<hbm>>) target(%dma_start3A_975 : memref<64xi32, #tpu.memory_space<vmem>>) target_semaphore(%arg17 : memref<!tpu.dma_semaphore, #tpu.memory_space<semaphore_mem>>)
        } else {
        }
        %eq3A_944 = arith.constant 31 : i32
        %eq3A_945 = arith.cmpi eq, %add3A, %eq3A_944 : i32
        %convert_element_type3A_946 = arith.extui %eq3A_945 : i1 to i32
        %cond3A_947 = arith.constant 0 : i32
        %cond3A_948 = arith.cmpi ne, %convert_element_type3A_946, %cond3A_947 : i32
        scf.if %cond3A_948 {
          %mul3A_949 = arith.constant 64 : i32
          %mul3A_950 = arith.muli %add3A_938, %mul3A_949 : i32
          %dma_start3A_951 = arith.constant 0 : i32
          %dma_start3A_952 = arith.constant 3 : i32
          %dma_start3A_953 = arith.constant 0 : i32
          %dma_start3A_954 = arith.constant 0 : i32
          %dma_start3A_955 = tpu.memref_slice %arg7[%dma_start3A_952, %dma_start3A_953, %dma_start3A_954] : memref<8x2x64xi32, #tpu.memory_space<vmem>> -> memref<1x1x64xi32, #tpu.memory_space<vmem>>
          %dma_start3A_956 = tpu.memref_squeeze %dma_start3A_955 : memref<1x1x64xi32, #tpu.memory_space<vmem>> -> memref<64xi32, #tpu.memory_space<vmem>>
          %dma_start3A_957 = tpu.memref_slice %arg4[%dma_start3A_951, %mul3A_950] : memref<2x10240xi32, #tpu.memory_space<hbm>> -> memref<1x64xi32, #tpu.memory_space<hbm>>
          %dma_start3A_958 = tpu.memref_squeeze %dma_start3A_957 : memref<1x64xi32, #tpu.memory_space<hbm>> -> memref<64xi32, #tpu.memory_space<hbm>>
          %dma_start3A_959 = arith.constant 0 : i32
          %dma_start3A_960 = tpu.memref_slice %arg7[%dma_start3A_952, %dma_start3A_953, %dma_start3A_959] : memref<8x2x64xi32, #tpu.memory_space<vmem>> -> memref<1x1x64xi32, #tpu.memory_space<vmem>>
          %dma_start3A_961 = tpu.memref_squeeze %dma_start3A_960 : memref<1x1x64xi32, #tpu.memory_space<vmem>> -> memref<64xi32, #tpu.memory_space<vmem>>
          %dma_start3A_962 = tpu.memref_slice %arg4[%dma_start3A_951, %mul3A_950] : memref<2x10240xi32, #tpu.memory_space<hbm>> -> memref<1x64xi32, #tpu.memory_space<hbm>>
          %dma_start3A_963 = tpu.memref_squeeze %dma_start3A_962 : memref<1x64xi32, #tpu.memory_space<hbm>> -> memref<64xi32, #tpu.memory_space<hbm>>
          tpu.enqueue_dma source(%dma_start3A_963 : memref<64xi32, #tpu.memory_space<hbm>>) target(%dma_start3A_961 : memref<64xi32, #tpu.memory_space<vmem>>) target_semaphore(%arg17 : memref<!tpu.dma_semaphore, #tpu.memory_space<semaphore_mem>>)
          %dma_start3A_964 = arith.constant 1 : i32
          %dma_start3A_965 = arith.constant 3 : i32
          %dma_start3A_966 = arith.constant 1 : i32
          %dma_start3A_967 = arith.constant 0 : i32
          %dma_start3A_968 = tpu.memref_slice %arg7[%dma_start3A_965, %dma_start3A_966, %dma_start3A_967] : memref<8x2x64xi32, #tpu.memory_space<vmem>> -> memref<1x1x64xi32, #tpu.memory_space<vmem>>
          %dma_start3A_969 = tpu.memref_squeeze %dma_start3A_968 : memref<1x1x64xi32, #tpu.memory_space<vmem>> -> memref<64xi32, #tpu.memory_space<vmem>>
          %dma_start3A_970 = tpu.memref_slice %arg4[%dma_start3A_964, %mul3A_950] : memref<2x10240xi32, #tpu.memory_space<hbm>> -> memref<1x64xi32, #tpu.memory_space<hbm>>
          %dma_start3A_971 = tpu.memref_squeeze %dma_start3A_970 : memref<1x64xi32, #tpu.memory_space<hbm>> -> memref<64xi32, #tpu.memory_space<hbm>>
          %dma_start3A_972 = arith.constant 0 : i32
          %dma_start3A_973 = tpu.memref_slice %arg7[%dma_start3A_965, %dma_start3A_966, %dma_start3A_972] : memref<8x2x64xi32, #tpu.memory_space<vmem>> -> memref<1x1x64xi32, #tpu.memory_space<vmem>>
          %dma_start3A_974 = tpu.memref_squeeze %dma_start3A_973 : memref<1x1x64xi32, #tpu.memory_space<vmem>> -> memref<64xi32, #tpu.memory_space<vmem>>
          %dma_start3A_975 = tpu.memref_slice %arg4[%dma_start3A_964, %mul3A_950] : memref<2x10240xi32, #tpu.memory_space<hbm>> -> memref<1x64xi32, #tpu.memory_space<hbm>>
          %dma_start3A_976 = tpu.memref_squeeze %dma_start3A_975 : memref<1x64xi32, #tpu.memory_space<hbm>> -> memref<64xi32, #tpu.memory_space<hbm>>
          tpu.enqueue_dma source(%dma_start3A_976 : memref<64xi32, #tpu.memory_space<hbm>>) target(%dma_start3A_974 : memref<64xi32, #tpu.memory_space<vmem>>) target_semaphore(%arg17 : memref<!tpu.dma_semaphore, #tpu.memory_space<semaphore_mem>>)
        } else {
        }
      } else {
      }
      %add3A_606 = arith.constant 4 : i32
      %add3A_607 = arith.addi %add3A_535, %add3A_606 : i32
      %lt3A_608 = arith.constant 160 : i32
      %lt3A_609 = arith.cmpi slt, %add3A_607, %lt3A_608 : i32
      %convert_element_type3A_610 = arith.extui %lt3A_609 : i1 to i32
      %cond3A_611 = arith.constant 0 : i32
      %cond3A_612 = arith.cmpi ne, %convert_element_type3A_610, %cond3A_611 : i32
      scf.if %cond3A_612 {
        %dma_wait3A_937 = arith.constant 0 : i32
        %dma_wait3A_938 = arith.constant 7 : i32
        %dma_wait3A_939 = arith.constant 0 : i32
        %dma_wait3A_940 = arith.constant 0 : i32
        %dma_wait3A_941 = tpu.memref_slice %arg7[%dma_wait3A_938, %dma_wait3A_939, %dma_wait3A_940] : memref<8x2x64xi32, #tpu.memory_space<vmem>> -> memref<1x1x64xi32, #tpu.memory_space<vmem>>
        %dma_wait3A_942 = tpu.memref_squeeze %dma_wait3A_941 : memref<1x1x64xi32, #tpu.memory_space<vmem>> -> memref<64xi32, #tpu.memory_space<vmem>>
        %dma_wait3A_943 = arith.constant 0 : i32
        %dma_wait3A_944 = tpu.memref_slice %arg3[%dma_wait3A_937, %dma_wait3A_943] : memref<2x320000xi32, #tpu.memory_space<hbm>> -> memref<1x64xi32, #tpu.memory_space<hbm>>
        %dma_wait3A_945 = tpu.memref_squeeze %dma_wait3A_944 : memref<1x64xi32, #tpu.memory_space<hbm>> -> memref<64xi32, #tpu.memory_space<hbm>>
        %dma_wait3A_946 = arith.constant 0 : i32
        %dma_wait3A_947 = tpu.memref_slice %arg7[%dma_wait3A_938, %dma_wait3A_939, %dma_wait3A_946] : memref<8x2x64xi32, #tpu.memory_space<vmem>> -> memref<1x1x64xi32, #tpu.memory_space<vmem>>
        %dma_wait3A_948 = tpu.memref_squeeze %dma_wait3A_947 : memref<1x1x64xi32, #tpu.memory_space<vmem>> -> memref<64xi32, #tpu.memory_space<vmem>>
        %dma_wait3A_949 = arith.constant 0 : i32
        %dma_wait3A_950 = tpu.memref_slice %arg3[%dma_wait3A_937, %dma_wait3A_949] : memref<2x320000xi32, #tpu.memory_space<hbm>> -> memref<1x64xi32, #tpu.memory_space<hbm>>
        %dma_wait3A_951 = tpu.memref_squeeze %dma_wait3A_950 : memref<1x64xi32, #tpu.memory_space<hbm>> -> memref<64xi32, #tpu.memory_space<hbm>>
        tpu.wait_dma2 semaphore(%arg21 : memref<!tpu.dma_semaphore, #tpu.memory_space<semaphore_mem>>) src(%dma_wait3A_951 : memref<64xi32, #tpu.memory_space<hbm>>) dst(%dma_wait3A_948 : memref<64xi32, #tpu.memory_space<vmem>>)
        %dma_wait3A_952 = arith.constant 0 : i32
        %dma_wait3A_953 = arith.constant 7 : i32
        %dma_wait3A_954 = arith.constant 1 : i32
        %dma_wait3A_955 = arith.constant 0 : i32
        %dma_wait3A_956 = tpu.memref_slice %arg7[%dma_wait3A_953, %dma_wait3A_954, %dma_wait3A_955] : memref<8x2x64xi32, #tpu.memory_space<vmem>> -> memref<1x1x64xi32, #tpu.memory_space<vmem>>
        %dma_wait3A_957 = tpu.memref_squeeze %dma_wait3A_956 : memref<1x1x64xi32, #tpu.memory_space<vmem>> -> memref<64xi32, #tpu.memory_space<vmem>>
        %dma_wait3A_958 = arith.constant 0 : i32
        %dma_wait3A_959 = tpu.memref_slice %arg3[%dma_wait3A_952, %dma_wait3A_958] : memref<2x320000xi32, #tpu.memory_space<hbm>> -> memref<1x64xi32, #tpu.memory_space<hbm>>
        %dma_wait3A_960 = tpu.memref_squeeze %dma_wait3A_959 : memref<1x64xi32, #tpu.memory_space<hbm>> -> memref<64xi32, #tpu.memory_space<hbm>>
        %dma_wait3A_961 = arith.constant 0 : i32
        %dma_wait3A_962 = tpu.memref_slice %arg7[%dma_wait3A_953, %dma_wait3A_954, %dma_wait3A_961] : memref<8x2x64xi32, #tpu.memory_space<vmem>> -> memref<1x1x64xi32, #tpu.memory_space<vmem>>
        %dma_wait3A_963 = tpu.memref_squeeze %dma_wait3A_962 : memref<1x1x64xi32, #tpu.memory_space<vmem>> -> memref<64xi32, #tpu.memory_space<vmem>>
        %dma_wait3A_964 = arith.constant 0 : i32
        %dma_wait3A_965 = tpu.memref_slice %arg3[%dma_wait3A_952, %dma_wait3A_964] : memref<2x320000xi32, #tpu.memory_space<hbm>> -> memref<1x64xi32, #tpu.memory_space<hbm>>
        %dma_wait3A_966 = tpu.memref_squeeze %dma_wait3A_965 : memref<1x64xi32, #tpu.memory_space<hbm>> -> memref<64xi32, #tpu.memory_space<hbm>>
        tpu.wait_dma2 semaphore(%arg21 : memref<!tpu.dma_semaphore, #tpu.memory_space<semaphore_mem>>) src(%dma_wait3A_966 : memref<64xi32, #tpu.memory_space<hbm>>) dst(%dma_wait3A_963 : memref<64xi32, #tpu.memory_space<vmem>>)
        %dma_start3A_967 = arith.constant 7 : i32
        %dma_start3A_968 = arith.constant 0 : i32
        %dma_start3A_969 = arith.constant 3 : i32
        %dma_start3A_970 = arith.constant 0 : i32
        %dma_start3A_971 = arith.constant 0 : i32
        %dma_start3A_972 = tpu.memref_slice %arg8[%dma_start3A_969, %dma_start3A_970, %dma_start3A_971] : memref<4x64x128xf32, #tpu.memory_space<vmem>> -> memref<1x64x128xf32, #tpu.memory_space<vmem>>
        %dma_start3A_973 = tpu.memref_squeeze %dma_start3A_972 : memref<1x64x128xf32, #tpu.memory_space<vmem>> -> memref<64x128xf32, #tpu.memory_space<vmem>>
        %dma_start3A_974 = arith.constant 0 : i32
        %dma_start3A_975 = tpu.memref_slice %arg7[%dma_start3A_967, %dma_start3A_968, %dma_start3A_974] : memref<8x2x64xi32, #tpu.memory_space<vmem>> -> memref<1x1x64xi32, #tpu.memory_space<vmem>>
        %dma_start3A_976 = tpu.memref_squeeze %dma_start3A_975 : memref<1x1x64xi32, #tpu.memory_space<vmem>> -> memref<64xi32, #tpu.memory_space<vmem>>
        %dma_start3A_977 = arith.constant 0 : i32
        %dma_start3A_978 = arith.constant 0 : i32
        %dma_start3A_979 = tpu.memref_slice %arg2[%dma_start3A_977, %dma_start3A_978] : memref<10000x128xf32, #tpu.memory_space<hbm>> -> memref<10000x128xf32, #tpu.memory_space<hbm>>
        tpu.enqueue_indirect_dma source(%dma_start3A_979 : memref<10000x128xf32, #tpu.memory_space<hbm>>) target(%dma_start3A_973 : memref<64x128xf32, #tpu.memory_space<vmem>>) offsets(%dma_start3A_976 : memref<64xi32, #tpu.memory_space<vmem>>) semaphore(%arg13 : memref<!tpu.dma_semaphore, #tpu.memory_space<semaphore_mem>>)
      } else {
      }
      %mul3A_613 = arith.constant 8 : i32
      %mul3A_614 = arith.muli %scan3A_289, %mul3A_613 : i32
      %add3A_615 = arith.constant 4 : i32
      %add3A_616 = arith.addi %mul3A_614, %add3A_615 : i32
      %dma_wait3A_617 = arith.constant 4 : i32
      %dma_wait3A_618 = arith.constant 0 : i32
      %dma_wait3A_619 = arith.constant 0 : i32
      %dma_wait3A_620 = arith.constant 0 : i32
      %dma_wait3A_621 = arith.constant 0 : i32
      %dma_wait3A_622 = tpu.memref_slice %arg8[%dma_wait3A_619, %dma_wait3A_620, %dma_wait3A_621] : memref<4x64x128xf32, #tpu.memory_space<vmem>> -> memref<1x64x128xf32, #tpu.memory_space<vmem>>
      %dma_wait3A_623 = tpu.memref_squeeze %dma_wait3A_622 : memref<1x64x128xf32, #tpu.memory_space<vmem>> -> memref<64x128xf32, #tpu.memory_space<vmem>>
      %dma_wait3A_624 = arith.constant 0 : i32
      %dma_wait3A_625 = tpu.memref_slice %arg7[%dma_wait3A_617, %dma_wait3A_618, %dma_wait3A_624] : memref<8x2x64xi32, #tpu.memory_space<vmem>> -> memref<1x1x64xi32, #tpu.memory_space<vmem>>
      %dma_wait3A_626 = tpu.memref_squeeze %dma_wait3A_625 : memref<1x1x64xi32, #tpu.memory_space<vmem>> -> memref<64xi32, #tpu.memory_space<vmem>>
      %dma_wait3A_627 = arith.constant 0 : i32
      %dma_wait3A_628 = arith.constant 0 : i32
      %dma_wait3A_629 = tpu.memref_slice %arg2[%dma_wait3A_627, %dma_wait3A_628] : memref<10000x128xf32, #tpu.memory_space<hbm>> -> memref<10000x128xf32, #tpu.memory_space<hbm>>
      tpu.wait_indirect_dma semaphore(%arg10 : memref<!tpu.dma_semaphore, #tpu.memory_space<semaphore_mem>>) src(%dma_wait3A_629 : memref<10000x128xf32, #tpu.memory_space<hbm>>) dst(%dma_wait3A_623 : memref<64x128xf32, #tpu.memory_space<vmem>>)
      %dma_start3A_630 = arith.constant 0 : i32
      %dma_start3A_631 = arith.constant 4 : i32
      %dma_start3A_632 = arith.constant 1 : i32
      %dma_start3A_633 = arith.constant 0 : i32
      %dma_start3A_634 = arith.constant 0 : i32
      %dma_start3A_635 = tpu.memref_slice %arg8[%dma_start3A_630, %dma_start3A_633, %dma_start3A_634] : memref<4x64x128xf32, #tpu.memory_space<vmem>> -> memref<1x64x128xf32, #tpu.memory_space<vmem>>
      %dma_start3A_636 = tpu.memref_squeeze %dma_start3A_635 : memref<1x64x128xf32, #tpu.memory_space<vmem>> -> memref<64x128xf32, #tpu.memory_space<vmem>>
      %dma_start3A_637 = arith.constant 0 : i32
      %dma_start3A_638 = tpu.memref_slice %arg7[%dma_start3A_631, %dma_start3A_632, %dma_start3A_637] : memref<8x2x64xi32, #tpu.memory_space<vmem>> -> memref<1x1x64xi32, #tpu.memory_space<vmem>>
      %dma_start3A_639 = tpu.memref_squeeze %dma_start3A_638 : memref<1x1x64xi32, #tpu.memory_space<vmem>> -> memref<64xi32, #tpu.memory_space<vmem>>
      %dma_start3A_640 = arith.constant 0 : i32
      %dma_start3A_641 = arith.constant 0 : i32
      %dma_start3A_642 = tpu.memref_slice %arg22[%dma_start3A_640, %dma_start3A_641] : memref<10112x128xf32, #tpu.memory_space<vmem_shared>> -> memref<10112x128xf32, #tpu.memory_space<vmem_shared>>
      tpu.enqueue_indirect_dma source(%dma_start3A_636 : memref<64x128xf32, #tpu.memory_space<vmem>>) target(%dma_start3A_642 : memref<10112x128xf32, #tpu.memory_space<vmem_shared>>) offsets(%dma_start3A_639 : memref<64xi32, #tpu.memory_space<vmem>>) semaphore(%arg10 : memref<!tpu.dma_semaphore, #tpu.memory_space<semaphore_mem>>) {add = true}
      %get3A_643 = arith.constant 4 : i32
      %get3A_644 = arith.constant 1 : i32
      %get3A_645 = arith.index_cast %get3A_643 : i32 to index
      %get3A_646 = arith.index_cast %get3A_644 : i32 to index
      %get3A_647 = arith.constant 0 : index
      %get3A_648 = tpu.vector_load %arg7[%get3A_645, %get3A_646, %get3A_647] {strides = array<i32>} : memref<8x2x64xi32, #tpu.memory_space<vmem>>, vector<16xi32>,
      tpu.vector_store_idx %arg9[%get3A_648], %broadcast_in_dim3A_281 {add = true} : memref<10112xf32, #tpu.memory_space<vmem>>[vector<16xi32>], vector<16xf32>,
      %get3A_649 = arith.constant 4 : i32
      %get3A_650 = arith.constant 1 : i32
      %get3A_651 = arith.index_cast %get3A_649 : i32 to index
      %get3A_652 = arith.index_cast %get3A_650 : i32 to index
      %get3A_653 = arith.constant 16 : index
      %get3A_654 = tpu.vector_load %arg7[%get3A_651, %get3A_652, %get3A_653] {strides = array<i32>} : memref<8x2x64xi32, #tpu.memory_space<vmem>>, vector<16xi32>,
      tpu.vector_store_idx %arg9[%get3A_654], %broadcast_in_dim3A_281 {add = true} : memref<10112xf32, #tpu.memory_space<vmem>>[vector<16xi32>], vector<16xf32>,
      %get3A_655 = arith.constant 4 : i32
      %get3A_656 = arith.constant 1 : i32
      %get3A_657 = arith.index_cast %get3A_655 : i32 to index
      %get3A_658 = arith.index_cast %get3A_656 : i32 to index
      %get3A_659 = arith.constant 32 : index
      %get3A_660 = tpu.vector_load %arg7[%get3A_657, %get3A_658, %get3A_659] {strides = array<i32>} : memref<8x2x64xi32, #tpu.memory_space<vmem>>, vector<16xi32>,
      tpu.vector_store_idx %arg9[%get3A_660], %broadcast_in_dim3A_281 {add = true} : memref<10112xf32, #tpu.memory_space<vmem>>[vector<16xi32>], vector<16xf32>,
      %get3A_661 = arith.constant 4 : i32
      %get3A_662 = arith.constant 1 : i32
      %get3A_663 = arith.index_cast %get3A_661 : i32 to index
      %get3A_664 = arith.index_cast %get3A_662 : i32 to index
      %get3A_665 = arith.constant 48 : index
      %get3A_666 = tpu.vector_load %arg7[%get3A_663, %get3A_664, %get3A_665] {strides = array<i32>} : memref<8x2x64xi32, #tpu.memory_space<vmem>>, vector<16xi32>,
      tpu.vector_store_idx %arg9[%get3A_666], %broadcast_in_dim3A_281 {add = true} : memref<10112xf32, #tpu.memory_space<vmem>>[vector<16xi32>], vector<16xf32>,
      %dma_wait3A_667 = arith.constant 0 : i32
      %dma_wait3A_668 = arith.constant 4 : i32
      %dma_wait3A_669 = arith.constant 1 : i32
      %dma_wait3A_670 = arith.constant 0 : i32
      %dma_wait3A_671 = arith.constant 0 : i32
      %dma_wait3A_672 = tpu.memref_slice %arg8[%dma_wait3A_667, %dma_wait3A_670, %dma_wait3A_671] : memref<4x64x128xf32, #tpu.memory_space<vmem>> -> memref<1x64x128xf32, #tpu.memory_space<vmem>>
      %dma_wait3A_673 = tpu.memref_squeeze %dma_wait3A_672 : memref<1x64x128xf32, #tpu.memory_space<vmem>> -> memref<64x128xf32, #tpu.memory_space<vmem>>
      %dma_wait3A_674 = arith.constant 0 : i32
      %dma_wait3A_675 = tpu.memref_slice %arg7[%dma_wait3A_668, %dma_wait3A_669, %dma_wait3A_674] : memref<8x2x64xi32, #tpu.memory_space<vmem>> -> memref<1x1x64xi32, #tpu.memory_space<vmem>>
      %dma_wait3A_676 = tpu.memref_squeeze %dma_wait3A_675 : memref<1x1x64xi32, #tpu.memory_space<vmem>> -> memref<64xi32, #tpu.memory_space<vmem>>
      %dma_wait3A_677 = arith.constant 0 : i32
      %dma_wait3A_678 = arith.constant 0 : i32
      %dma_wait3A_679 = tpu.memref_slice %arg22[%dma_wait3A_677, %dma_wait3A_678] : memref<10112x128xf32, #tpu.memory_space<vmem_shared>> -> memref<10112x128xf32, #tpu.memory_space<vmem_shared>>
      tpu.wait_indirect_dma semaphore(%arg10 : memref<!tpu.dma_semaphore, #tpu.memory_space<semaphore_mem>>) src(%dma_wait3A_673 : memref<64x128xf32, #tpu.memory_space<vmem>>) dst(%dma_wait3A_679 : memref<10112x128xf32, #tpu.memory_space<vmem_shared>>)
      %add3A_680 = arith.constant 8 : i32
      %add3A_681 = arith.addi %add3A_616, %add3A_680 : i32
      %lt3A_682 = arith.constant 160 : i32
      %lt3A_683 = arith.cmpi slt, %add3A_681, %lt3A_682 : i32
      %convert_element_type3A_684 = arith.extui %lt3A_683 : i1 to i32
      %cond3A_685 = arith.constant 0 : i32
      %cond3A_686 = arith.cmpi ne, %convert_element_type3A_684, %cond3A_685 : i32
      scf.if %cond3A_686 {
        %add3A_937 = arith.constant 8 : i32
        %add3A_938 = arith.addi %add3A_616, %add3A_937 : i32
        %lt3A_939 = arith.constant 31 : i32
        %lt3A_940 = arith.cmpi slt, %add3A, %lt3A_939 : i32
        %convert_element_type3A_941 = arith.extui %lt3A_940 : i1 to i32
        %cond3A_942 = arith.constant 0 : i32
        %cond3A_943 = arith.cmpi ne, %convert_element_type3A_941, %cond3A_942 : i32
        scf.if %cond3A_943 {
          %mul3A_949 = arith.constant 64 : i32
          %mul3A_950 = arith.muli %add3A_938, %mul3A_949 : i32
          %add3A_951 = arith.addi %mul3A_2, %mul3A_950 : i32
          %dma_start3A_952 = arith.constant 0 : i32
          %dma_start3A_953 = arith.constant 4 : i32
          %dma_start3A_954 = arith.constant 0 : i32
          %dma_start3A_955 = arith.constant 0 : i32
          %dma_start3A_956 = tpu.memref_slice %arg7[%dma_start3A_953, %dma_start3A_954, %dma_start3A_955] : memref<8x2x64xi32, #tpu.memory_space<vmem>> -> memref<1x1x64xi32, #tpu.memory_space<vmem>>
          %dma_start3A_957 = tpu.memref_squeeze %dma_start3A_956 : memref<1x1x64xi32, #tpu.memory_space<vmem>> -> memref<64xi32, #tpu.memory_space<vmem>>
          %dma_start3A_958 = tpu.memref_slice %arg3[%dma_start3A_952, %add3A_951] : memref<2x320000xi32, #tpu.memory_space<hbm>> -> memref<1x64xi32, #tpu.memory_space<hbm>>
          %dma_start3A_959 = tpu.memref_squeeze %dma_start3A_958 : memref<1x64xi32, #tpu.memory_space<hbm>> -> memref<64xi32, #tpu.memory_space<hbm>>
          %dma_start3A_960 = arith.constant 0 : i32
          %dma_start3A_961 = tpu.memref_slice %arg7[%dma_start3A_953, %dma_start3A_954, %dma_start3A_960] : memref<8x2x64xi32, #tpu.memory_space<vmem>> -> memref<1x1x64xi32, #tpu.memory_space<vmem>>
          %dma_start3A_962 = tpu.memref_squeeze %dma_start3A_961 : memref<1x1x64xi32, #tpu.memory_space<vmem>> -> memref<64xi32, #tpu.memory_space<vmem>>
          %dma_start3A_963 = tpu.memref_slice %arg3[%dma_start3A_952, %add3A_951] : memref<2x320000xi32, #tpu.memory_space<hbm>> -> memref<1x64xi32, #tpu.memory_space<hbm>>
          %dma_start3A_964 = tpu.memref_squeeze %dma_start3A_963 : memref<1x64xi32, #tpu.memory_space<hbm>> -> memref<64xi32, #tpu.memory_space<hbm>>
          tpu.enqueue_dma source(%dma_start3A_964 : memref<64xi32, #tpu.memory_space<hbm>>) target(%dma_start3A_962 : memref<64xi32, #tpu.memory_space<vmem>>) target_semaphore(%arg18 : memref<!tpu.dma_semaphore, #tpu.memory_space<semaphore_mem>>)
          %dma_start3A_965 = arith.constant 1 : i32
          %dma_start3A_966 = arith.constant 4 : i32
          %dma_start3A_967 = arith.constant 1 : i32
          %dma_start3A_968 = arith.constant 0 : i32
          %dma_start3A_969 = tpu.memref_slice %arg7[%dma_start3A_966, %dma_start3A_967, %dma_start3A_968] : memref<8x2x64xi32, #tpu.memory_space<vmem>> -> memref<1x1x64xi32, #tpu.memory_space<vmem>>
          %dma_start3A_970 = tpu.memref_squeeze %dma_start3A_969 : memref<1x1x64xi32, #tpu.memory_space<vmem>> -> memref<64xi32, #tpu.memory_space<vmem>>
          %dma_start3A_971 = tpu.memref_slice %arg3[%dma_start3A_965, %add3A_951] : memref<2x320000xi32, #tpu.memory_space<hbm>> -> memref<1x64xi32, #tpu.memory_space<hbm>>
          %dma_start3A_972 = tpu.memref_squeeze %dma_start3A_971 : memref<1x64xi32, #tpu.memory_space<hbm>> -> memref<64xi32, #tpu.memory_space<hbm>>
          %dma_start3A_973 = arith.constant 0 : i32
          %dma_start3A_974 = tpu.memref_slice %arg7[%dma_start3A_966, %dma_start3A_967, %dma_start3A_973] : memref<8x2x64xi32, #tpu.memory_space<vmem>> -> memref<1x1x64xi32, #tpu.memory_space<vmem>>
          %dma_start3A_975 = tpu.memref_squeeze %dma_start3A_974 : memref<1x1x64xi32, #tpu.memory_space<vmem>> -> memref<64xi32, #tpu.memory_space<vmem>>
          %dma_start3A_976 = tpu.memref_slice %arg3[%dma_start3A_965, %add3A_951] : memref<2x320000xi32, #tpu.memory_space<hbm>> -> memref<1x64xi32, #tpu.memory_space<hbm>>
          %dma_start3A_977 = tpu.memref_squeeze %dma_start3A_976 : memref<1x64xi32, #tpu.memory_space<hbm>> -> memref<64xi32, #tpu.memory_space<hbm>>
          tpu.enqueue_dma source(%dma_start3A_977 : memref<64xi32, #tpu.memory_space<hbm>>) target(%dma_start3A_975 : memref<64xi32, #tpu.memory_space<vmem>>) target_semaphore(%arg18 : memref<!tpu.dma_semaphore, #tpu.memory_space<semaphore_mem>>)
        } else {
        }
        %eq3A_944 = arith.constant 31 : i32
        %eq3A_945 = arith.cmpi eq, %add3A, %eq3A_944 : i32
        %convert_element_type3A_946 = arith.extui %eq3A_945 : i1 to i32
        %cond3A_947 = arith.constant 0 : i32
        %cond3A_948 = arith.cmpi ne, %convert_element_type3A_946, %cond3A_947 : i32
        scf.if %cond3A_948 {
          %mul3A_949 = arith.constant 64 : i32
          %mul3A_950 = arith.muli %add3A_938, %mul3A_949 : i32
          %dma_start3A_951 = arith.constant 0 : i32
          %dma_start3A_952 = arith.constant 4 : i32
          %dma_start3A_953 = arith.constant 0 : i32
          %dma_start3A_954 = arith.constant 0 : i32
          %dma_start3A_955 = tpu.memref_slice %arg7[%dma_start3A_952, %dma_start3A_953, %dma_start3A_954] : memref<8x2x64xi32, #tpu.memory_space<vmem>> -> memref<1x1x64xi32, #tpu.memory_space<vmem>>
          %dma_start3A_956 = tpu.memref_squeeze %dma_start3A_955 : memref<1x1x64xi32, #tpu.memory_space<vmem>> -> memref<64xi32, #tpu.memory_space<vmem>>
          %dma_start3A_957 = tpu.memref_slice %arg4[%dma_start3A_951, %mul3A_950] : memref<2x10240xi32, #tpu.memory_space<hbm>> -> memref<1x64xi32, #tpu.memory_space<hbm>>
          %dma_start3A_958 = tpu.memref_squeeze %dma_start3A_957 : memref<1x64xi32, #tpu.memory_space<hbm>> -> memref<64xi32, #tpu.memory_space<hbm>>
          %dma_start3A_959 = arith.constant 0 : i32
          %dma_start3A_960 = tpu.memref_slice %arg7[%dma_start3A_952, %dma_start3A_953, %dma_start3A_959] : memref<8x2x64xi32, #tpu.memory_space<vmem>> -> memref<1x1x64xi32, #tpu.memory_space<vmem>>
          %dma_start3A_961 = tpu.memref_squeeze %dma_start3A_960 : memref<1x1x64xi32, #tpu.memory_space<vmem>> -> memref<64xi32, #tpu.memory_space<vmem>>
          %dma_start3A_962 = tpu.memref_slice %arg4[%dma_start3A_951, %mul3A_950] : memref<2x10240xi32, #tpu.memory_space<hbm>> -> memref<1x64xi32, #tpu.memory_space<hbm>>
          %dma_start3A_963 = tpu.memref_squeeze %dma_start3A_962 : memref<1x64xi32, #tpu.memory_space<hbm>> -> memref<64xi32, #tpu.memory_space<hbm>>
          tpu.enqueue_dma source(%dma_start3A_963 : memref<64xi32, #tpu.memory_space<hbm>>) target(%dma_start3A_961 : memref<64xi32, #tpu.memory_space<vmem>>) target_semaphore(%arg18 : memref<!tpu.dma_semaphore, #tpu.memory_space<semaphore_mem>>)
          %dma_start3A_964 = arith.constant 1 : i32
          %dma_start3A_965 = arith.constant 4 : i32
          %dma_start3A_966 = arith.constant 1 : i32
          %dma_start3A_967 = arith.constant 0 : i32
          %dma_start3A_968 = tpu.memref_slice %arg7[%dma_start3A_965, %dma_start3A_966, %dma_start3A_967] : memref<8x2x64xi32, #tpu.memory_space<vmem>> -> memref<1x1x64xi32, #tpu.memory_space<vmem>>
          %dma_start3A_969 = tpu.memref_squeeze %dma_start3A_968 : memref<1x1x64xi32, #tpu.memory_space<vmem>> -> memref<64xi32, #tpu.memory_space<vmem>>
          %dma_start3A_970 = tpu.memref_slice %arg4[%dma_start3A_964, %mul3A_950] : memref<2x10240xi32, #tpu.memory_space<hbm>> -> memref<1x64xi32, #tpu.memory_space<hbm>>
          %dma_start3A_971 = tpu.memref_squeeze %dma_start3A_970 : memref<1x64xi32, #tpu.memory_space<hbm>> -> memref<64xi32, #tpu.memory_space<hbm>>
          %dma_start3A_972 = arith.constant 0 : i32
          %dma_start3A_973 = tpu.memref_slice %arg7[%dma_start3A_965, %dma_start3A_966, %dma_start3A_972] : memref<8x2x64xi32, #tpu.memory_space<vmem>> -> memref<1x1x64xi32, #tpu.memory_space<vmem>>
          %dma_start3A_974 = tpu.memref_squeeze %dma_start3A_973 : memref<1x1x64xi32, #tpu.memory_space<vmem>> -> memref<64xi32, #tpu.memory_space<vmem>>
          %dma_start3A_975 = tpu.memref_slice %arg4[%dma_start3A_964, %mul3A_950] : memref<2x10240xi32, #tpu.memory_space<hbm>> -> memref<1x64xi32, #tpu.memory_space<hbm>>
          %dma_start3A_976 = tpu.memref_squeeze %dma_start3A_975 : memref<1x64xi32, #tpu.memory_space<hbm>> -> memref<64xi32, #tpu.memory_space<hbm>>
          tpu.enqueue_dma source(%dma_start3A_976 : memref<64xi32, #tpu.memory_space<hbm>>) target(%dma_start3A_974 : memref<64xi32, #tpu.memory_space<vmem>>) target_semaphore(%arg18 : memref<!tpu.dma_semaphore, #tpu.memory_space<semaphore_mem>>)
        } else {
        }
      } else {
      }
      %add3A_687 = arith.constant 4 : i32
      %add3A_688 = arith.addi %add3A_616, %add3A_687 : i32
      %lt3A_689 = arith.constant 160 : i32
      %lt3A_690 = arith.cmpi slt, %add3A_688, %lt3A_689 : i32
      %convert_element_type3A_691 = arith.extui %lt3A_690 : i1 to i32
      %cond3A_692 = arith.constant 0 : i32
      %cond3A_693 = arith.cmpi ne, %convert_element_type3A_691, %cond3A_692 : i32
      scf.if %cond3A_693 {
        %dma_wait3A_937 = arith.constant 0 : i32
        %dma_wait3A_938 = arith.constant 0 : i32
        %dma_wait3A_939 = arith.constant 0 : i32
        %dma_wait3A_940 = arith.constant 0 : i32
        %dma_wait3A_941 = tpu.memref_slice %arg7[%dma_wait3A_938, %dma_wait3A_939, %dma_wait3A_940] : memref<8x2x64xi32, #tpu.memory_space<vmem>> -> memref<1x1x64xi32, #tpu.memory_space<vmem>>
        %dma_wait3A_942 = tpu.memref_squeeze %dma_wait3A_941 : memref<1x1x64xi32, #tpu.memory_space<vmem>> -> memref<64xi32, #tpu.memory_space<vmem>>
        %dma_wait3A_943 = arith.constant 0 : i32
        %dma_wait3A_944 = tpu.memref_slice %arg3[%dma_wait3A_937, %dma_wait3A_943] : memref<2x320000xi32, #tpu.memory_space<hbm>> -> memref<1x64xi32, #tpu.memory_space<hbm>>
        %dma_wait3A_945 = tpu.memref_squeeze %dma_wait3A_944 : memref<1x64xi32, #tpu.memory_space<hbm>> -> memref<64xi32, #tpu.memory_space<hbm>>
        %dma_wait3A_946 = arith.constant 0 : i32
        %dma_wait3A_947 = tpu.memref_slice %arg7[%dma_wait3A_938, %dma_wait3A_939, %dma_wait3A_946] : memref<8x2x64xi32, #tpu.memory_space<vmem>> -> memref<1x1x64xi32, #tpu.memory_space<vmem>>
        %dma_wait3A_948 = tpu.memref_squeeze %dma_wait3A_947 : memref<1x1x64xi32, #tpu.memory_space<vmem>> -> memref<64xi32, #tpu.memory_space<vmem>>
        %dma_wait3A_949 = arith.constant 0 : i32
        %dma_wait3A_950 = tpu.memref_slice %arg3[%dma_wait3A_937, %dma_wait3A_949] : memref<2x320000xi32, #tpu.memory_space<hbm>> -> memref<1x64xi32, #tpu.memory_space<hbm>>
        %dma_wait3A_951 = tpu.memref_squeeze %dma_wait3A_950 : memref<1x64xi32, #tpu.memory_space<hbm>> -> memref<64xi32, #tpu.memory_space<hbm>>
        tpu.wait_dma2 semaphore(%arg14 : memref<!tpu.dma_semaphore, #tpu.memory_space<semaphore_mem>>) src(%dma_wait3A_951 : memref<64xi32, #tpu.memory_space<hbm>>) dst(%dma_wait3A_948 : memref<64xi32, #tpu.memory_space<vmem>>)
        %dma_wait3A_952 = arith.constant 0 : i32
        %dma_wait3A_953 = arith.constant 0 : i32
        %dma_wait3A_954 = arith.constant 1 : i32
        %dma_wait3A_955 = arith.constant 0 : i32
        %dma_wait3A_956 = tpu.memref_slice %arg7[%dma_wait3A_953, %dma_wait3A_954, %dma_wait3A_955] : memref<8x2x64xi32, #tpu.memory_space<vmem>> -> memref<1x1x64xi32, #tpu.memory_space<vmem>>
        %dma_wait3A_957 = tpu.memref_squeeze %dma_wait3A_956 : memref<1x1x64xi32, #tpu.memory_space<vmem>> -> memref<64xi32, #tpu.memory_space<vmem>>
        %dma_wait3A_958 = arith.constant 0 : i32
        %dma_wait3A_959 = tpu.memref_slice %arg3[%dma_wait3A_952, %dma_wait3A_958] : memref<2x320000xi32, #tpu.memory_space<hbm>> -> memref<1x64xi32, #tpu.memory_space<hbm>>
        %dma_wait3A_960 = tpu.memref_squeeze %dma_wait3A_959 : memref<1x64xi32, #tpu.memory_space<hbm>> -> memref<64xi32, #tpu.memory_space<hbm>>
        %dma_wait3A_961 = arith.constant 0 : i32
        %dma_wait3A_962 = tpu.memref_slice %arg7[%dma_wait3A_953, %dma_wait3A_954, %dma_wait3A_961] : memref<8x2x64xi32, #tpu.memory_space<vmem>> -> memref<1x1x64xi32, #tpu.memory_space<vmem>>
        %dma_wait3A_963 = tpu.memref_squeeze %dma_wait3A_962 : memref<1x1x64xi32, #tpu.memory_space<vmem>> -> memref<64xi32, #tpu.memory_space<vmem>>
        %dma_wait3A_964 = arith.constant 0 : i32
        %dma_wait3A_965 = tpu.memref_slice %arg3[%dma_wait3A_952, %dma_wait3A_964] : memref<2x320000xi32, #tpu.memory_space<hbm>> -> memref<1x64xi32, #tpu.memory_space<hbm>>
        %dma_wait3A_966 = tpu.memref_squeeze %dma_wait3A_965 : memref<1x64xi32, #tpu.memory_space<hbm>> -> memref<64xi32, #tpu.memory_space<hbm>>
        tpu.wait_dma2 semaphore(%arg14 : memref<!tpu.dma_semaphore, #tpu.memory_space<semaphore_mem>>) src(%dma_wait3A_966 : memref<64xi32, #tpu.memory_space<hbm>>) dst(%dma_wait3A_963 : memref<64xi32, #tpu.memory_space<vmem>>)
        %dma_start3A_967 = arith.constant 0 : i32
        %dma_start3A_968 = arith.constant 0 : i32
        %dma_start3A_969 = arith.constant 0 : i32
        %dma_start3A_970 = arith.constant 0 : i32
        %dma_start3A_971 = arith.constant 0 : i32
        %dma_start3A_972 = tpu.memref_slice %arg8[%dma_start3A_969, %dma_start3A_970, %dma_start3A_971] : memref<4x64x128xf32, #tpu.memory_space<vmem>> -> memref<1x64x128xf32, #tpu.memory_space<vmem>>
        %dma_start3A_973 = tpu.memref_squeeze %dma_start3A_972 : memref<1x64x128xf32, #tpu.memory_space<vmem>> -> memref<64x128xf32, #tpu.memory_space<vmem>>
        %dma_start3A_974 = arith.constant 0 : i32
        %dma_start3A_975 = tpu.memref_slice %arg7[%dma_start3A_967, %dma_start3A_968, %dma_start3A_974] : memref<8x2x64xi32, #tpu.memory_space<vmem>> -> memref<1x1x64xi32, #tpu.memory_space<vmem>>
        %dma_start3A_976 = tpu.memref_squeeze %dma_start3A_975 : memref<1x1x64xi32, #tpu.memory_space<vmem>> -> memref<64xi32, #tpu.memory_space<vmem>>
        %dma_start3A_977 = arith.constant 0 : i32
        %dma_start3A_978 = arith.constant 0 : i32
        %dma_start3A_979 = tpu.memref_slice %arg2[%dma_start3A_977, %dma_start3A_978] : memref<10000x128xf32, #tpu.memory_space<hbm>> -> memref<10000x128xf32, #tpu.memory_space<hbm>>
        tpu.enqueue_indirect_dma source(%dma_start3A_979 : memref<10000x128xf32, #tpu.memory_space<hbm>>) target(%dma_start3A_973 : memref<64x128xf32, #tpu.memory_space<vmem>>) offsets(%dma_start3A_976 : memref<64xi32, #tpu.memory_space<vmem>>) semaphore(%arg10 : memref<!tpu.dma_semaphore, #tpu.memory_space<semaphore_mem>>)
      } else {
      }
      %mul3A_694 = arith.constant 8 : i32
      %mul3A_695 = arith.muli %scan3A_289, %mul3A_694 : i32
      %add3A_696 = arith.constant 5 : i32
      %add3A_697 = arith.addi %mul3A_695, %add3A_696 : i32
      %dma_wait3A_698 = arith.constant 5 : i32
      %dma_wait3A_699 = arith.constant 0 : i32
      %dma_wait3A_700 = arith.constant 1 : i32
      %dma_wait3A_701 = arith.constant 0 : i32
      %dma_wait3A_702 = arith.constant 0 : i32
      %dma_wait3A_703 = tpu.memref_slice %arg8[%dma_wait3A_700, %dma_wait3A_701, %dma_wait3A_702] : memref<4x64x128xf32, #tpu.memory_space<vmem>> -> memref<1x64x128xf32, #tpu.memory_space<vmem>>
      %dma_wait3A_704 = tpu.memref_squeeze %dma_wait3A_703 : memref<1x64x128xf32, #tpu.memory_space<vmem>> -> memref<64x128xf32, #tpu.memory_space<vmem>>
      %dma_wait3A_705 = arith.constant 0 : i32
      %dma_wait3A_706 = tpu.memref_slice %arg7[%dma_wait3A_698, %dma_wait3A_699, %dma_wait3A_705] : memref<8x2x64xi32, #tpu.memory_space<vmem>> -> memref<1x1x64xi32, #tpu.memory_space<vmem>>
      %dma_wait3A_707 = tpu.memref_squeeze %dma_wait3A_706 : memref<1x1x64xi32, #tpu.memory_space<vmem>> -> memref<64xi32, #tpu.memory_space<vmem>>
      %dma_wait3A_708 = arith.constant 0 : i32
      %dma_wait3A_709 = arith.constant 0 : i32
      %dma_wait3A_710 = tpu.memref_slice %arg2[%dma_wait3A_708, %dma_wait3A_709] : memref<10000x128xf32, #tpu.memory_space<hbm>> -> memref<10000x128xf32, #tpu.memory_space<hbm>>
      tpu.wait_indirect_dma semaphore(%arg11 : memref<!tpu.dma_semaphore, #tpu.memory_space<semaphore_mem>>) src(%dma_wait3A_710 : memref<10000x128xf32, #tpu.memory_space<hbm>>) dst(%dma_wait3A_704 : memref<64x128xf32, #tpu.memory_space<vmem>>)
      %dma_start3A_711 = arith.constant 1 : i32
      %dma_start3A_712 = arith.constant 5 : i32
      %dma_start3A_713 = arith.constant 1 : i32
      %dma_start3A_714 = arith.constant 0 : i32
      %dma_start3A_715 = arith.constant 0 : i32
      %dma_start3A_716 = tpu.memref_slice %arg8[%dma_start3A_711, %dma_start3A_714, %dma_start3A_715] : memref<4x64x128xf32, #tpu.memory_space<vmem>> -> memref<1x64x128xf32, #tpu.memory_space<vmem>>
      %dma_start3A_717 = tpu.memref_squeeze %dma_start3A_716 : memref<1x64x128xf32, #tpu.memory_space<vmem>> -> memref<64x128xf32, #tpu.memory_space<vmem>>
      %dma_start3A_718 = arith.constant 0 : i32
      %dma_start3A_719 = tpu.memref_slice %arg7[%dma_start3A_712, %dma_start3A_713, %dma_start3A_718] : memref<8x2x64xi32, #tpu.memory_space<vmem>> -> memref<1x1x64xi32, #tpu.memory_space<vmem>>
      %dma_start3A_720 = tpu.memref_squeeze %dma_start3A_719 : memref<1x1x64xi32, #tpu.memory_space<vmem>> -> memref<64xi32, #tpu.memory_space<vmem>>
      %dma_start3A_721 = arith.constant 0 : i32
      %dma_start3A_722 = arith.constant 0 : i32
      %dma_start3A_723 = tpu.memref_slice %arg22[%dma_start3A_721, %dma_start3A_722] : memref<10112x128xf32, #tpu.memory_space<vmem_shared>> -> memref<10112x128xf32, #tpu.memory_space<vmem_shared>>
      tpu.enqueue_indirect_dma source(%dma_start3A_717 : memref<64x128xf32, #tpu.memory_space<vmem>>) target(%dma_start3A_723 : memref<10112x128xf32, #tpu.memory_space<vmem_shared>>) offsets(%dma_start3A_720 : memref<64xi32, #tpu.memory_space<vmem>>) semaphore(%arg11 : memref<!tpu.dma_semaphore, #tpu.memory_space<semaphore_mem>>) {add = true}
      %get3A_724 = arith.constant 5 : i32
      %get3A_725 = arith.constant 1 : i32
      %get3A_726 = arith.index_cast %get3A_724 : i32 to index
      %get3A_727 = arith.index_cast %get3A_725 : i32 to index
      %get3A_728 = arith.constant 0 : index
      %get3A_729 = tpu.vector_load %arg7[%get3A_726, %get3A_727, %get3A_728] {strides = array<i32>} : memref<8x2x64xi32, #tpu.memory_space<vmem>>, vector<16xi32>,
      tpu.vector_store_idx %arg9[%get3A_729], %broadcast_in_dim3A_281 {add = true} : memref<10112xf32, #tpu.memory_space<vmem>>[vector<16xi32>], vector<16xf32>,
      %get3A_730 = arith.constant 5 : i32
      %get3A_731 = arith.constant 1 : i32
      %get3A_732 = arith.index_cast %get3A_730 : i32 to index
      %get3A_733 = arith.index_cast %get3A_731 : i32 to index
      %get3A_734 = arith.constant 16 : index
      %get3A_735 = tpu.vector_load %arg7[%get3A_732, %get3A_733, %get3A_734] {strides = array<i32>} : memref<8x2x64xi32, #tpu.memory_space<vmem>>, vector<16xi32>,
      tpu.vector_store_idx %arg9[%get3A_735], %broadcast_in_dim3A_281 {add = true} : memref<10112xf32, #tpu.memory_space<vmem>>[vector<16xi32>], vector<16xf32>,
      %get3A_736 = arith.constant 5 : i32
      %get3A_737 = arith.constant 1 : i32
      %get3A_738 = arith.index_cast %get3A_736 : i32 to index
      %get3A_739 = arith.index_cast %get3A_737 : i32 to index
      %get3A_740 = arith.constant 32 : index
      %get3A_741 = tpu.vector_load %arg7[%get3A_738, %get3A_739, %get3A_740] {strides = array<i32>} : memref<8x2x64xi32, #tpu.memory_space<vmem>>, vector<16xi32>,
      tpu.vector_store_idx %arg9[%get3A_741], %broadcast_in_dim3A_281 {add = true} : memref<10112xf32, #tpu.memory_space<vmem>>[vector<16xi32>], vector<16xf32>,
      %get3A_742 = arith.constant 5 : i32
      %get3A_743 = arith.constant 1 : i32
      %get3A_744 = arith.index_cast %get3A_742 : i32 to index
      %get3A_745 = arith.index_cast %get3A_743 : i32 to index
      %get3A_746 = arith.constant 48 : index
      %get3A_747 = tpu.vector_load %arg7[%get3A_744, %get3A_745, %get3A_746] {strides = array<i32>} : memref<8x2x64xi32, #tpu.memory_space<vmem>>, vector<16xi32>,
      tpu.vector_store_idx %arg9[%get3A_747], %broadcast_in_dim3A_281 {add = true} : memref<10112xf32, #tpu.memory_space<vmem>>[vector<16xi32>], vector<16xf32>,
      %dma_wait3A_748 = arith.constant 1 : i32
      %dma_wait3A_749 = arith.constant 5 : i32
      %dma_wait3A_750 = arith.constant 1 : i32
      %dma_wait3A_751 = arith.constant 0 : i32
      %dma_wait3A_752 = arith.constant 0 : i32
      %dma_wait3A_753 = tpu.memref_slice %arg8[%dma_wait3A_748, %dma_wait3A_751, %dma_wait3A_752] : memref<4x64x128xf32, #tpu.memory_space<vmem>> -> memref<1x64x128xf32, #tpu.memory_space<vmem>>
      %dma_wait3A_754 = tpu.memref_squeeze %dma_wait3A_753 : memref<1x64x128xf32, #tpu.memory_space<vmem>> -> memref<64x128xf32, #tpu.memory_space<vmem>>
      %dma_wait3A_755 = arith.constant 0 : i32
      %dma_wait3A_756 = tpu.memref_slice %arg7[%dma_wait3A_749, %dma_wait3A_750, %dma_wait3A_755] : memref<8x2x64xi32, #tpu.memory_space<vmem>> -> memref<1x1x64xi32, #tpu.memory_space<vmem>>
      %dma_wait3A_757 = tpu.memref_squeeze %dma_wait3A_756 : memref<1x1x64xi32, #tpu.memory_space<vmem>> -> memref<64xi32, #tpu.memory_space<vmem>>
      %dma_wait3A_758 = arith.constant 0 : i32
      %dma_wait3A_759 = arith.constant 0 : i32
      %dma_wait3A_760 = tpu.memref_slice %arg22[%dma_wait3A_758, %dma_wait3A_759] : memref<10112x128xf32, #tpu.memory_space<vmem_shared>> -> memref<10112x128xf32, #tpu.memory_space<vmem_shared>>
      tpu.wait_indirect_dma semaphore(%arg11 : memref<!tpu.dma_semaphore, #tpu.memory_space<semaphore_mem>>) src(%dma_wait3A_754 : memref<64x128xf32, #tpu.memory_space<vmem>>) dst(%dma_wait3A_760 : memref<10112x128xf32, #tpu.memory_space<vmem_shared>>)
      %add3A_761 = arith.constant 8 : i32
      %add3A_762 = arith.addi %add3A_697, %add3A_761 : i32
      %lt3A_763 = arith.constant 160 : i32
      %lt3A_764 = arith.cmpi slt, %add3A_762, %lt3A_763 : i32
      %convert_element_type3A_765 = arith.extui %lt3A_764 : i1 to i32
      %cond3A_766 = arith.constant 0 : i32
      %cond3A_767 = arith.cmpi ne, %convert_element_type3A_765, %cond3A_766 : i32
      scf.if %cond3A_767 {
        %add3A_937 = arith.constant 8 : i32
        %add3A_938 = arith.addi %add3A_697, %add3A_937 : i32
        %lt3A_939 = arith.constant 31 : i32
        %lt3A_940 = arith.cmpi slt, %add3A, %lt3A_939 : i32
        %convert_element_type3A_941 = arith.extui %lt3A_940 : i1 to i32
        %cond3A_942 = arith.constant 0 : i32
        %cond3A_943 = arith.cmpi ne, %convert_element_type3A_941, %cond3A_942 : i32
        scf.if %cond3A_943 {
          %mul3A_949 = arith.constant 64 : i32
          %mul3A_950 = arith.muli %add3A_938, %mul3A_949 : i32
          %add3A_951 = arith.addi %mul3A_2, %mul3A_950 : i32
          %dma_start3A_952 = arith.constant 0 : i32
          %dma_start3A_953 = arith.constant 5 : i32
          %dma_start3A_954 = arith.constant 0 : i32
          %dma_start3A_955 = arith.constant 0 : i32
          %dma_start3A_956 = tpu.memref_slice %arg7[%dma_start3A_953, %dma_start3A_954, %dma_start3A_955] : memref<8x2x64xi32, #tpu.memory_space<vmem>> -> memref<1x1x64xi32, #tpu.memory_space<vmem>>
          %dma_start3A_957 = tpu.memref_squeeze %dma_start3A_956 : memref<1x1x64xi32, #tpu.memory_space<vmem>> -> memref<64xi32, #tpu.memory_space<vmem>>
          %dma_start3A_958 = tpu.memref_slice %arg3[%dma_start3A_952, %add3A_951] : memref<2x320000xi32, #tpu.memory_space<hbm>> -> memref<1x64xi32, #tpu.memory_space<hbm>>
          %dma_start3A_959 = tpu.memref_squeeze %dma_start3A_958 : memref<1x64xi32, #tpu.memory_space<hbm>> -> memref<64xi32, #tpu.memory_space<hbm>>
          %dma_start3A_960 = arith.constant 0 : i32
          %dma_start3A_961 = tpu.memref_slice %arg7[%dma_start3A_953, %dma_start3A_954, %dma_start3A_960] : memref<8x2x64xi32, #tpu.memory_space<vmem>> -> memref<1x1x64xi32, #tpu.memory_space<vmem>>
          %dma_start3A_962 = tpu.memref_squeeze %dma_start3A_961 : memref<1x1x64xi32, #tpu.memory_space<vmem>> -> memref<64xi32, #tpu.memory_space<vmem>>
          %dma_start3A_963 = tpu.memref_slice %arg3[%dma_start3A_952, %add3A_951] : memref<2x320000xi32, #tpu.memory_space<hbm>> -> memref<1x64xi32, #tpu.memory_space<hbm>>
          %dma_start3A_964 = tpu.memref_squeeze %dma_start3A_963 : memref<1x64xi32, #tpu.memory_space<hbm>> -> memref<64xi32, #tpu.memory_space<hbm>>
          tpu.enqueue_dma source(%dma_start3A_964 : memref<64xi32, #tpu.memory_space<hbm>>) target(%dma_start3A_962 : memref<64xi32, #tpu.memory_space<vmem>>) target_semaphore(%arg19 : memref<!tpu.dma_semaphore, #tpu.memory_space<semaphore_mem>>)
          %dma_start3A_965 = arith.constant 1 : i32
          %dma_start3A_966 = arith.constant 5 : i32
          %dma_start3A_967 = arith.constant 1 : i32
          %dma_start3A_968 = arith.constant 0 : i32
          %dma_start3A_969 = tpu.memref_slice %arg7[%dma_start3A_966, %dma_start3A_967, %dma_start3A_968] : memref<8x2x64xi32, #tpu.memory_space<vmem>> -> memref<1x1x64xi32, #tpu.memory_space<vmem>>
          %dma_start3A_970 = tpu.memref_squeeze %dma_start3A_969 : memref<1x1x64xi32, #tpu.memory_space<vmem>> -> memref<64xi32, #tpu.memory_space<vmem>>
          %dma_start3A_971 = tpu.memref_slice %arg3[%dma_start3A_965, %add3A_951] : memref<2x320000xi32, #tpu.memory_space<hbm>> -> memref<1x64xi32, #tpu.memory_space<hbm>>
          %dma_start3A_972 = tpu.memref_squeeze %dma_start3A_971 : memref<1x64xi32, #tpu.memory_space<hbm>> -> memref<64xi32, #tpu.memory_space<hbm>>
          %dma_start3A_973 = arith.constant 0 : i32
          %dma_start3A_974 = tpu.memref_slice %arg7[%dma_start3A_966, %dma_start3A_967, %dma_start3A_973] : memref<8x2x64xi32, #tpu.memory_space<vmem>> -> memref<1x1x64xi32, #tpu.memory_space<vmem>>
          %dma_start3A_975 = tpu.memref_squeeze %dma_start3A_974 : memref<1x1x64xi32, #tpu.memory_space<vmem>> -> memref<64xi32, #tpu.memory_space<vmem>>
          %dma_start3A_976 = tpu.memref_slice %arg3[%dma_start3A_965, %add3A_951] : memref<2x320000xi32, #tpu.memory_space<hbm>> -> memref<1x64xi32, #tpu.memory_space<hbm>>
          %dma_start3A_977 = tpu.memref_squeeze %dma_start3A_976 : memref<1x64xi32, #tpu.memory_space<hbm>> -> memref<64xi32, #tpu.memory_space<hbm>>
          tpu.enqueue_dma source(%dma_start3A_977 : memref<64xi32, #tpu.memory_space<hbm>>) target(%dma_start3A_975 : memref<64xi32, #tpu.memory_space<vmem>>) target_semaphore(%arg19 : memref<!tpu.dma_semaphore, #tpu.memory_space<semaphore_mem>>)
        } else {
        }
        %eq3A_944 = arith.constant 31 : i32
        %eq3A_945 = arith.cmpi eq, %add3A, %eq3A_944 : i32
        %convert_element_type3A_946 = arith.extui %eq3A_945 : i1 to i32
        %cond3A_947 = arith.constant 0 : i32
        %cond3A_948 = arith.cmpi ne, %convert_element_type3A_946, %cond3A_947 : i32
        scf.if %cond3A_948 {
          %mul3A_949 = arith.constant 64 : i32
          %mul3A_950 = arith.muli %add3A_938, %mul3A_949 : i32
          %dma_start3A_951 = arith.constant 0 : i32
          %dma_start3A_952 = arith.constant 5 : i32
          %dma_start3A_953 = arith.constant 0 : i32
          %dma_start3A_954 = arith.constant 0 : i32
          %dma_start3A_955 = tpu.memref_slice %arg7[%dma_start3A_952, %dma_start3A_953, %dma_start3A_954] : memref<8x2x64xi32, #tpu.memory_space<vmem>> -> memref<1x1x64xi32, #tpu.memory_space<vmem>>
          %dma_start3A_956 = tpu.memref_squeeze %dma_start3A_955 : memref<1x1x64xi32, #tpu.memory_space<vmem>> -> memref<64xi32, #tpu.memory_space<vmem>>
          %dma_start3A_957 = tpu.memref_slice %arg4[%dma_start3A_951, %mul3A_950] : memref<2x10240xi32, #tpu.memory_space<hbm>> -> memref<1x64xi32, #tpu.memory_space<hbm>>
          %dma_start3A_958 = tpu.memref_squeeze %dma_start3A_957 : memref<1x64xi32, #tpu.memory_space<hbm>> -> memref<64xi32, #tpu.memory_space<hbm>>
          %dma_start3A_959 = arith.constant 0 : i32
          %dma_start3A_960 = tpu.memref_slice %arg7[%dma_start3A_952, %dma_start3A_953, %dma_start3A_959] : memref<8x2x64xi32, #tpu.memory_space<vmem>> -> memref<1x1x64xi32, #tpu.memory_space<vmem>>
          %dma_start3A_961 = tpu.memref_squeeze %dma_start3A_960 : memref<1x1x64xi32, #tpu.memory_space<vmem>> -> memref<64xi32, #tpu.memory_space<vmem>>
          %dma_start3A_962 = tpu.memref_slice %arg4[%dma_start3A_951, %mul3A_950] : memref<2x10240xi32, #tpu.memory_space<hbm>> -> memref<1x64xi32, #tpu.memory_space<hbm>>
          %dma_start3A_963 = tpu.memref_squeeze %dma_start3A_962 : memref<1x64xi32, #tpu.memory_space<hbm>> -> memref<64xi32, #tpu.memory_space<hbm>>
          tpu.enqueue_dma source(%dma_start3A_963 : memref<64xi32, #tpu.memory_space<hbm>>) target(%dma_start3A_961 : memref<64xi32, #tpu.memory_space<vmem>>) target_semaphore(%arg19 : memref<!tpu.dma_semaphore, #tpu.memory_space<semaphore_mem>>)
          %dma_start3A_964 = arith.constant 1 : i32
          %dma_start3A_965 = arith.constant 5 : i32
          %dma_start3A_966 = arith.constant 1 : i32
          %dma_start3A_967 = arith.constant 0 : i32
          %dma_start3A_968 = tpu.memref_slice %arg7[%dma_start3A_965, %dma_start3A_966, %dma_start3A_967] : memref<8x2x64xi32, #tpu.memory_space<vmem>> -> memref<1x1x64xi32, #tpu.memory_space<vmem>>
          %dma_start3A_969 = tpu.memref_squeeze %dma_start3A_968 : memref<1x1x64xi32, #tpu.memory_space<vmem>> -> memref<64xi32, #tpu.memory_space<vmem>>
          %dma_start3A_970 = tpu.memref_slice %arg4[%dma_start3A_964, %mul3A_950] : memref<2x10240xi32, #tpu.memory_space<hbm>> -> memref<1x64xi32, #tpu.memory_space<hbm>>
          %dma_start3A_971 = tpu.memref_squeeze %dma_start3A_970 : memref<1x64xi32, #tpu.memory_space<hbm>> -> memref<64xi32, #tpu.memory_space<hbm>>
          %dma_start3A_972 = arith.constant 0 : i32
          %dma_start3A_973 = tpu.memref_slice %arg7[%dma_start3A_965, %dma_start3A_966, %dma_start3A_972] : memref<8x2x64xi32, #tpu.memory_space<vmem>> -> memref<1x1x64xi32, #tpu.memory_space<vmem>>
          %dma_start3A_974 = tpu.memref_squeeze %dma_start3A_973 : memref<1x1x64xi32, #tpu.memory_space<vmem>> -> memref<64xi32, #tpu.memory_space<vmem>>
          %dma_start3A_975 = tpu.memref_slice %arg4[%dma_start3A_964, %mul3A_950] : memref<2x10240xi32, #tpu.memory_space<hbm>> -> memref<1x64xi32, #tpu.memory_space<hbm>>
          %dma_start3A_976 = tpu.memref_squeeze %dma_start3A_975 : memref<1x64xi32, #tpu.memory_space<hbm>> -> memref<64xi32, #tpu.memory_space<hbm>>
          tpu.enqueue_dma source(%dma_start3A_976 : memref<64xi32, #tpu.memory_space<hbm>>) target(%dma_start3A_974 : memref<64xi32, #tpu.memory_space<vmem>>) target_semaphore(%arg19 : memref<!tpu.dma_semaphore, #tpu.memory_space<semaphore_mem>>)
        } else {
        }
      } else {
      }
      %add3A_768 = arith.constant 4 : i32
      %add3A_769 = arith.addi %add3A_697, %add3A_768 : i32
      %lt3A_770 = arith.constant 160 : i32
      %lt3A_771 = arith.cmpi slt, %add3A_769, %lt3A_770 : i32
      %convert_element_type3A_772 = arith.extui %lt3A_771 : i1 to i32
      %cond3A_773 = arith.constant 0 : i32
      %cond3A_774 = arith.cmpi ne, %convert_element_type3A_772, %cond3A_773 : i32
      scf.if %cond3A_774 {
        %dma_wait3A_937 = arith.constant 0 : i32
        %dma_wait3A_938 = arith.constant 1 : i32
        %dma_wait3A_939 = arith.constant 0 : i32
        %dma_wait3A_940 = arith.constant 0 : i32
        %dma_wait3A_941 = tpu.memref_slice %arg7[%dma_wait3A_938, %dma_wait3A_939, %dma_wait3A_940] : memref<8x2x64xi32, #tpu.memory_space<vmem>> -> memref<1x1x64xi32, #tpu.memory_space<vmem>>
        %dma_wait3A_942 = tpu.memref_squeeze %dma_wait3A_941 : memref<1x1x64xi32, #tpu.memory_space<vmem>> -> memref<64xi32, #tpu.memory_space<vmem>>
        %dma_wait3A_943 = arith.constant 0 : i32
        %dma_wait3A_944 = tpu.memref_slice %arg3[%dma_wait3A_937, %dma_wait3A_943] : memref<2x320000xi32, #tpu.memory_space<hbm>> -> memref<1x64xi32, #tpu.memory_space<hbm>>
        %dma_wait3A_945 = tpu.memref_squeeze %dma_wait3A_944 : memref<1x64xi32, #tpu.memory_space<hbm>> -> memref<64xi32, #tpu.memory_space<hbm>>
        %dma_wait3A_946 = arith.constant 0 : i32
        %dma_wait3A_947 = tpu.memref_slice %arg7[%dma_wait3A_938, %dma_wait3A_939, %dma_wait3A_946] : memref<8x2x64xi32, #tpu.memory_space<vmem>> -> memref<1x1x64xi32, #tpu.memory_space<vmem>>
        %dma_wait3A_948 = tpu.memref_squeeze %dma_wait3A_947 : memref<1x1x64xi32, #tpu.memory_space<vmem>> -> memref<64xi32, #tpu.memory_space<vmem>>
        %dma_wait3A_949 = arith.constant 0 : i32
        %dma_wait3A_950 = tpu.memref_slice %arg3[%dma_wait3A_937, %dma_wait3A_949] : memref<2x320000xi32, #tpu.memory_space<hbm>> -> memref<1x64xi32, #tpu.memory_space<hbm>>
        %dma_wait3A_951 = tpu.memref_squeeze %dma_wait3A_950 : memref<1x64xi32, #tpu.memory_space<hbm>> -> memref<64xi32, #tpu.memory_space<hbm>>
        tpu.wait_dma2 semaphore(%arg15 : memref<!tpu.dma_semaphore, #tpu.memory_space<semaphore_mem>>) src(%dma_wait3A_951 : memref<64xi32, #tpu.memory_space<hbm>>) dst(%dma_wait3A_948 : memref<64xi32, #tpu.memory_space<vmem>>)
        %dma_wait3A_952 = arith.constant 0 : i32
        %dma_wait3A_953 = arith.constant 1 : i32
        %dma_wait3A_954 = arith.constant 1 : i32
        %dma_wait3A_955 = arith.constant 0 : i32
        %dma_wait3A_956 = tpu.memref_slice %arg7[%dma_wait3A_953, %dma_wait3A_954, %dma_wait3A_955] : memref<8x2x64xi32, #tpu.memory_space<vmem>> -> memref<1x1x64xi32, #tpu.memory_space<vmem>>
        %dma_wait3A_957 = tpu.memref_squeeze %dma_wait3A_956 : memref<1x1x64xi32, #tpu.memory_space<vmem>> -> memref<64xi32, #tpu.memory_space<vmem>>
        %dma_wait3A_958 = arith.constant 0 : i32
        %dma_wait3A_959 = tpu.memref_slice %arg3[%dma_wait3A_952, %dma_wait3A_958] : memref<2x320000xi32, #tpu.memory_space<hbm>> -> memref<1x64xi32, #tpu.memory_space<hbm>>
        %dma_wait3A_960 = tpu.memref_squeeze %dma_wait3A_959 : memref<1x64xi32, #tpu.memory_space<hbm>> -> memref<64xi32, #tpu.memory_space<hbm>>
        %dma_wait3A_961 = arith.constant 0 : i32
        %dma_wait3A_962 = tpu.memref_slice %arg7[%dma_wait3A_953, %dma_wait3A_954, %dma_wait3A_961] : memref<8x2x64xi32, #tpu.memory_space<vmem>> -> memref<1x1x64xi32, #tpu.memory_space<vmem>>
        %dma_wait3A_963 = tpu.memref_squeeze %dma_wait3A_962 : memref<1x1x64xi32, #tpu.memory_space<vmem>> -> memref<64xi32, #tpu.memory_space<vmem>>
        %dma_wait3A_964 = arith.constant 0 : i32
        %dma_wait3A_965 = tpu.memref_slice %arg3[%dma_wait3A_952, %dma_wait3A_964] : memref<2x320000xi32, #tpu.memory_space<hbm>> -> memref<1x64xi32, #tpu.memory_space<hbm>>
        %dma_wait3A_966 = tpu.memref_squeeze %dma_wait3A_965 : memref<1x64xi32, #tpu.memory_space<hbm>> -> memref<64xi32, #tpu.memory_space<hbm>>
        tpu.wait_dma2 semaphore(%arg15 : memref<!tpu.dma_semaphore, #tpu.memory_space<semaphore_mem>>) src(%dma_wait3A_966 : memref<64xi32, #tpu.memory_space<hbm>>) dst(%dma_wait3A_963 : memref<64xi32, #tpu.memory_space<vmem>>)
        %dma_start3A_967 = arith.constant 1 : i32
        %dma_start3A_968 = arith.constant 0 : i32
        %dma_start3A_969 = arith.constant 1 : i32
        %dma_start3A_970 = arith.constant 0 : i32
        %dma_start3A_971 = arith.constant 0 : i32
        %dma_start3A_972 = tpu.memref_slice %arg8[%dma_start3A_969, %dma_start3A_970, %dma_start3A_971] : memref<4x64x128xf32, #tpu.memory_space<vmem>> -> memref<1x64x128xf32, #tpu.memory_space<vmem>>
        %dma_start3A_973 = tpu.memref_squeeze %dma_start3A_972 : memref<1x64x128xf32, #tpu.memory_space<vmem>> -> memref<64x128xf32, #tpu.memory_space<vmem>>
        %dma_start3A_974 = arith.constant 0 : i32
        %dma_start3A_975 = tpu.memref_slice %arg7[%dma_start3A_967, %dma_start3A_968, %dma_start3A_974] : memref<8x2x64xi32, #tpu.memory_space<vmem>> -> memref<1x1x64xi32, #tpu.memory_space<vmem>>
        %dma_start3A_976 = tpu.memref_squeeze %dma_start3A_975 : memref<1x1x64xi32, #tpu.memory_space<vmem>> -> memref<64xi32, #tpu.memory_space<vmem>>
        %dma_start3A_977 = arith.constant 0 : i32
        %dma_start3A_978 = arith.constant 0 : i32
        %dma_start3A_979 = tpu.memref_slice %arg2[%dma_start3A_977, %dma_start3A_978] : memref<10000x128xf32, #tpu.memory_space<hbm>> -> memref<10000x128xf32, #tpu.memory_space<hbm>>
        tpu.enqueue_indirect_dma source(%dma_start3A_979 : memref<10000x128xf32, #tpu.memory_space<hbm>>) target(%dma_start3A_973 : memref<64x128xf32, #tpu.memory_space<vmem>>) offsets(%dma_start3A_976 : memref<64xi32, #tpu.memory_space<vmem>>) semaphore(%arg11 : memref<!tpu.dma_semaphore, #tpu.memory_space<semaphore_mem>>)
      } else {
      }
      %mul3A_775 = arith.constant 8 : i32
      %mul3A_776 = arith.muli %scan3A_289, %mul3A_775 : i32
      %add3A_777 = arith.constant 6 : i32
      %add3A_778 = arith.addi %mul3A_776, %add3A_777 : i32
      %dma_wait3A_779 = arith.constant 6 : i32
      %dma_wait3A_780 = arith.constant 0 : i32
      %dma_wait3A_781 = arith.constant 2 : i32
      %dma_wait3A_782 = arith.constant 0 : i32
      %dma_wait3A_783 = arith.constant 0 : i32
      %dma_wait3A_784 = tpu.memref_slice %arg8[%dma_wait3A_781, %dma_wait3A_782, %dma_wait3A_783] : memref<4x64x128xf32, #tpu.memory_space<vmem>> -> memref<1x64x128xf32, #tpu.memory_space<vmem>>
      %dma_wait3A_785 = tpu.memref_squeeze %dma_wait3A_784 : memref<1x64x128xf32, #tpu.memory_space<vmem>> -> memref<64x128xf32, #tpu.memory_space<vmem>>
      %dma_wait3A_786 = arith.constant 0 : i32
      %dma_wait3A_787 = tpu.memref_slice %arg7[%dma_wait3A_779, %dma_wait3A_780, %dma_wait3A_786] : memref<8x2x64xi32, #tpu.memory_space<vmem>> -> memref<1x1x64xi32, #tpu.memory_space<vmem>>
      %dma_wait3A_788 = tpu.memref_squeeze %dma_wait3A_787 : memref<1x1x64xi32, #tpu.memory_space<vmem>> -> memref<64xi32, #tpu.memory_space<vmem>>
      %dma_wait3A_789 = arith.constant 0 : i32
      %dma_wait3A_790 = arith.constant 0 : i32
      %dma_wait3A_791 = tpu.memref_slice %arg2[%dma_wait3A_789, %dma_wait3A_790] : memref<10000x128xf32, #tpu.memory_space<hbm>> -> memref<10000x128xf32, #tpu.memory_space<hbm>>
      tpu.wait_indirect_dma semaphore(%arg12 : memref<!tpu.dma_semaphore, #tpu.memory_space<semaphore_mem>>) src(%dma_wait3A_791 : memref<10000x128xf32, #tpu.memory_space<hbm>>) dst(%dma_wait3A_785 : memref<64x128xf32, #tpu.memory_space<vmem>>)
      %dma_start3A_792 = arith.constant 2 : i32
      %dma_start3A_793 = arith.constant 6 : i32
      %dma_start3A_794 = arith.constant 1 : i32
      %dma_start3A_795 = arith.constant 0 : i32
      %dma_start3A_796 = arith.constant 0 : i32
      %dma_start3A_797 = tpu.memref_slice %arg8[%dma_start3A_792, %dma_start3A_795, %dma_start3A_796] : memref<4x64x128xf32, #tpu.memory_space<vmem>> -> memref<1x64x128xf32, #tpu.memory_space<vmem>>
      %dma_start3A_798 = tpu.memref_squeeze %dma_start3A_797 : memref<1x64x128xf32, #tpu.memory_space<vmem>> -> memref<64x128xf32, #tpu.memory_space<vmem>>
      %dma_start3A_799 = arith.constant 0 : i32
      %dma_start3A_800 = tpu.memref_slice %arg7[%dma_start3A_793, %dma_start3A_794, %dma_start3A_799] : memref<8x2x64xi32, #tpu.memory_space<vmem>> -> memref<1x1x64xi32, #tpu.memory_space<vmem>>
      %dma_start3A_801 = tpu.memref_squeeze %dma_start3A_800 : memref<1x1x64xi32, #tpu.memory_space<vmem>> -> memref<64xi32, #tpu.memory_space<vmem>>
      %dma_start3A_802 = arith.constant 0 : i32
      %dma_start3A_803 = arith.constant 0 : i32
      %dma_start3A_804 = tpu.memref_slice %arg22[%dma_start3A_802, %dma_start3A_803] : memref<10112x128xf32, #tpu.memory_space<vmem_shared>> -> memref<10112x128xf32, #tpu.memory_space<vmem_shared>>
      tpu.enqueue_indirect_dma source(%dma_start3A_798 : memref<64x128xf32, #tpu.memory_space<vmem>>) target(%dma_start3A_804 : memref<10112x128xf32, #tpu.memory_space<vmem_shared>>) offsets(%dma_start3A_801 : memref<64xi32, #tpu.memory_space<vmem>>) semaphore(%arg12 : memref<!tpu.dma_semaphore, #tpu.memory_space<semaphore_mem>>) {add = true}
      %get3A_805 = arith.constant 6 : i32
      %get3A_806 = arith.constant 1 : i32
      %get3A_807 = arith.index_cast %get3A_805 : i32 to index
      %get3A_808 = arith.index_cast %get3A_806 : i32 to index
      %get3A_809 = arith.constant 0 : index
      %get3A_810 = tpu.vector_load %arg7[%get3A_807, %get3A_808, %get3A_809] {strides = array<i32>} : memref<8x2x64xi32, #tpu.memory_space<vmem>>, vector<16xi32>,
      tpu.vector_store_idx %arg9[%get3A_810], %broadcast_in_dim3A_281 {add = true} : memref<10112xf32, #tpu.memory_space<vmem>>[vector<16xi32>], vector<16xf32>,
      %get3A_811 = arith.constant 6 : i32
      %get3A_812 = arith.constant 1 : i32
      %get3A_813 = arith.index_cast %get3A_811 : i32 to index
      %get3A_814 = arith.index_cast %get3A_812 : i32 to index
      %get3A_815 = arith.constant 16 : index
      %get3A_816 = tpu.vector_load %arg7[%get3A_813, %get3A_814, %get3A_815] {strides = array<i32>} : memref<8x2x64xi32, #tpu.memory_space<vmem>>, vector<16xi32>,
      tpu.vector_store_idx %arg9[%get3A_816], %broadcast_in_dim3A_281 {add = true} : memref<10112xf32, #tpu.memory_space<vmem>>[vector<16xi32>], vector<16xf32>,
      %get3A_817 = arith.constant 6 : i32
      %get3A_818 = arith.constant 1 : i32
      %get3A_819 = arith.index_cast %get3A_817 : i32 to index
      %get3A_820 = arith.index_cast %get3A_818 : i32 to index
      %get3A_821 = arith.constant 32 : index
      %get3A_822 = tpu.vector_load %arg7[%get3A_819, %get3A_820, %get3A_821] {strides = array<i32>} : memref<8x2x64xi32, #tpu.memory_space<vmem>>, vector<16xi32>,
      tpu.vector_store_idx %arg9[%get3A_822], %broadcast_in_dim3A_281 {add = true} : memref<10112xf32, #tpu.memory_space<vmem>>[vector<16xi32>], vector<16xf32>,
      %get3A_823 = arith.constant 6 : i32
      %get3A_824 = arith.constant 1 : i32
      %get3A_825 = arith.index_cast %get3A_823 : i32 to index
      %get3A_826 = arith.index_cast %get3A_824 : i32 to index
      %get3A_827 = arith.constant 48 : index
      %get3A_828 = tpu.vector_load %arg7[%get3A_825, %get3A_826, %get3A_827] {strides = array<i32>} : memref<8x2x64xi32, #tpu.memory_space<vmem>>, vector<16xi32>,
      tpu.vector_store_idx %arg9[%get3A_828], %broadcast_in_dim3A_281 {add = true} : memref<10112xf32, #tpu.memory_space<vmem>>[vector<16xi32>], vector<16xf32>,
      %dma_wait3A_829 = arith.constant 2 : i32
      %dma_wait3A_830 = arith.constant 6 : i32
      %dma_wait3A_831 = arith.constant 1 : i32
      %dma_wait3A_832 = arith.constant 0 : i32
      %dma_wait3A_833 = arith.constant 0 : i32
      %dma_wait3A_834 = tpu.memref_slice %arg8[%dma_wait3A_829, %dma_wait3A_832, %dma_wait3A_833] : memref<4x64x128xf32, #tpu.memory_space<vmem>> -> memref<1x64x128xf32, #tpu.memory_space<vmem>>
      %dma_wait3A_835 = tpu.memref_squeeze %dma_wait3A_834 : memref<1x64x128xf32, #tpu.memory_space<vmem>> -> memref<64x128xf32, #tpu.memory_space<vmem>>
      %dma_wait3A_836 = arith.constant 0 : i32
      %dma_wait3A_837 = tpu.memref_slice %arg7[%dma_wait3A_830, %dma_wait3A_831, %dma_wait3A_836] : memref<8x2x64xi32, #tpu.memory_space<vmem>> -> memref<1x1x64xi32, #tpu.memory_space<vmem>>
      %dma_wait3A_838 = tpu.memref_squeeze %dma_wait3A_837 : memref<1x1x64xi32, #tpu.memory_space<vmem>> -> memref<64xi32, #tpu.memory_space<vmem>>
      %dma_wait3A_839 = arith.constant 0 : i32
      %dma_wait3A_840 = arith.constant 0 : i32
      %dma_wait3A_841 = tpu.memref_slice %arg22[%dma_wait3A_839, %dma_wait3A_840] : memref<10112x128xf32, #tpu.memory_space<vmem_shared>> -> memref<10112x128xf32, #tpu.memory_space<vmem_shared>>
      tpu.wait_indirect_dma semaphore(%arg12 : memref<!tpu.dma_semaphore, #tpu.memory_space<semaphore_mem>>) src(%dma_wait3A_835 : memref<64x128xf32, #tpu.memory_space<vmem>>) dst(%dma_wait3A_841 : memref<10112x128xf32, #tpu.memory_space<vmem_shared>>)
      %add3A_842 = arith.constant 8 : i32
      %add3A_843 = arith.addi %add3A_778, %add3A_842 : i32
      %lt3A_844 = arith.constant 160 : i32
      %lt3A_845 = arith.cmpi slt, %add3A_843, %lt3A_844 : i32
      %convert_element_type3A_846 = arith.extui %lt3A_845 : i1 to i32
      %cond3A_847 = arith.constant 0 : i32
      %cond3A_848 = arith.cmpi ne, %convert_element_type3A_846, %cond3A_847 : i32
      scf.if %cond3A_848 {
        %add3A_937 = arith.constant 8 : i32
        %add3A_938 = arith.addi %add3A_778, %add3A_937 : i32
        %lt3A_939 = arith.constant 31 : i32
        %lt3A_940 = arith.cmpi slt, %add3A, %lt3A_939 : i32
        %convert_element_type3A_941 = arith.extui %lt3A_940 : i1 to i32
        %cond3A_942 = arith.constant 0 : i32
        %cond3A_943 = arith.cmpi ne, %convert_element_type3A_941, %cond3A_942 : i32
        scf.if %cond3A_943 {
          %mul3A_949 = arith.constant 64 : i32
          %mul3A_950 = arith.muli %add3A_938, %mul3A_949 : i32
          %add3A_951 = arith.addi %mul3A_2, %mul3A_950 : i32
          %dma_start3A_952 = arith.constant 0 : i32
          %dma_start3A_953 = arith.constant 6 : i32
          %dma_start3A_954 = arith.constant 0 : i32
          %dma_start3A_955 = arith.constant 0 : i32
          %dma_start3A_956 = tpu.memref_slice %arg7[%dma_start3A_953, %dma_start3A_954, %dma_start3A_955] : memref<8x2x64xi32, #tpu.memory_space<vmem>> -> memref<1x1x64xi32, #tpu.memory_space<vmem>>
          %dma_start3A_957 = tpu.memref_squeeze %dma_start3A_956 : memref<1x1x64xi32, #tpu.memory_space<vmem>> -> memref<64xi32, #tpu.memory_space<vmem>>
          %dma_start3A_958 = tpu.memref_slice %arg3[%dma_start3A_952, %add3A_951] : memref<2x320000xi32, #tpu.memory_space<hbm>> -> memref<1x64xi32, #tpu.memory_space<hbm>>
          %dma_start3A_959 = tpu.memref_squeeze %dma_start3A_958 : memref<1x64xi32, #tpu.memory_space<hbm>> -> memref<64xi32, #tpu.memory_space<hbm>>
          %dma_start3A_960 = arith.constant 0 : i32
          %dma_start3A_961 = tpu.memref_slice %arg7[%dma_start3A_953, %dma_start3A_954, %dma_start3A_960] : memref<8x2x64xi32, #tpu.memory_space<vmem>> -> memref<1x1x64xi32, #tpu.memory_space<vmem>>
          %dma_start3A_962 = tpu.memref_squeeze %dma_start3A_961 : memref<1x1x64xi32, #tpu.memory_space<vmem>> -> memref<64xi32, #tpu.memory_space<vmem>>
          %dma_start3A_963 = tpu.memref_slice %arg3[%dma_start3A_952, %add3A_951] : memref<2x320000xi32, #tpu.memory_space<hbm>> -> memref<1x64xi32, #tpu.memory_space<hbm>>
          %dma_start3A_964 = tpu.memref_squeeze %dma_start3A_963 : memref<1x64xi32, #tpu.memory_space<hbm>> -> memref<64xi32, #tpu.memory_space<hbm>>
          tpu.enqueue_dma source(%dma_start3A_964 : memref<64xi32, #tpu.memory_space<hbm>>) target(%dma_start3A_962 : memref<64xi32, #tpu.memory_space<vmem>>) target_semaphore(%arg20 : memref<!tpu.dma_semaphore, #tpu.memory_space<semaphore_mem>>)
          %dma_start3A_965 = arith.constant 1 : i32
          %dma_start3A_966 = arith.constant 6 : i32
          %dma_start3A_967 = arith.constant 1 : i32
          %dma_start3A_968 = arith.constant 0 : i32
          %dma_start3A_969 = tpu.memref_slice %arg7[%dma_start3A_966, %dma_start3A_967, %dma_start3A_968] : memref<8x2x64xi32, #tpu.memory_space<vmem>> -> memref<1x1x64xi32, #tpu.memory_space<vmem>>
          %dma_start3A_970 = tpu.memref_squeeze %dma_start3A_969 : memref<1x1x64xi32, #tpu.memory_space<vmem>> -> memref<64xi32, #tpu.memory_space<vmem>>
          %dma_start3A_971 = tpu.memref_slice %arg3[%dma_start3A_965, %add3A_951] : memref<2x320000xi32, #tpu.memory_space<hbm>> -> memref<1x64xi32, #tpu.memory_space<hbm>>
          %dma_start3A_972 = tpu.memref_squeeze %dma_start3A_971 : memref<1x64xi32, #tpu.memory_space<hbm>> -> memref<64xi32, #tpu.memory_space<hbm>>
          %dma_start3A_973 = arith.constant 0 : i32
          %dma_start3A_974 = tpu.memref_slice %arg7[%dma_start3A_966, %dma_start3A_967, %dma_start3A_973] : memref<8x2x64xi32, #tpu.memory_space<vmem>> -> memref<1x1x64xi32, #tpu.memory_space<vmem>>
          %dma_start3A_975 = tpu.memref_squeeze %dma_start3A_974 : memref<1x1x64xi32, #tpu.memory_space<vmem>> -> memref<64xi32, #tpu.memory_space<vmem>>
          %dma_start3A_976 = tpu.memref_slice %arg3[%dma_start3A_965, %add3A_951] : memref<2x320000xi32, #tpu.memory_space<hbm>> -> memref<1x64xi32, #tpu.memory_space<hbm>>
          %dma_start3A_977 = tpu.memref_squeeze %dma_start3A_976 : memref<1x64xi32, #tpu.memory_space<hbm>> -> memref<64xi32, #tpu.memory_space<hbm>>
          tpu.enqueue_dma source(%dma_start3A_977 : memref<64xi32, #tpu.memory_space<hbm>>) target(%dma_start3A_975 : memref<64xi32, #tpu.memory_space<vmem>>) target_semaphore(%arg20 : memref<!tpu.dma_semaphore, #tpu.memory_space<semaphore_mem>>)
        } else {
        }
        %eq3A_944 = arith.constant 31 : i32
        %eq3A_945 = arith.cmpi eq, %add3A, %eq3A_944 : i32
        %convert_element_type3A_946 = arith.extui %eq3A_945 : i1 to i32
        %cond3A_947 = arith.constant 0 : i32
        %cond3A_948 = arith.cmpi ne, %convert_element_type3A_946, %cond3A_947 : i32
        scf.if %cond3A_948 {
          %mul3A_949 = arith.constant 64 : i32
          %mul3A_950 = arith.muli %add3A_938, %mul3A_949 : i32
          %dma_start3A_951 = arith.constant 0 : i32
          %dma_start3A_952 = arith.constant 6 : i32
          %dma_start3A_953 = arith.constant 0 : i32
          %dma_start3A_954 = arith.constant 0 : i32
          %dma_start3A_955 = tpu.memref_slice %arg7[%dma_start3A_952, %dma_start3A_953, %dma_start3A_954] : memref<8x2x64xi32, #tpu.memory_space<vmem>> -> memref<1x1x64xi32, #tpu.memory_space<vmem>>
          %dma_start3A_956 = tpu.memref_squeeze %dma_start3A_955 : memref<1x1x64xi32, #tpu.memory_space<vmem>> -> memref<64xi32, #tpu.memory_space<vmem>>
          %dma_start3A_957 = tpu.memref_slice %arg4[%dma_start3A_951, %mul3A_950] : memref<2x10240xi32, #tpu.memory_space<hbm>> -> memref<1x64xi32, #tpu.memory_space<hbm>>
          %dma_start3A_958 = tpu.memref_squeeze %dma_start3A_957 : memref<1x64xi32, #tpu.memory_space<hbm>> -> memref<64xi32, #tpu.memory_space<hbm>>
          %dma_start3A_959 = arith.constant 0 : i32
          %dma_start3A_960 = tpu.memref_slice %arg7[%dma_start3A_952, %dma_start3A_953, %dma_start3A_959] : memref<8x2x64xi32, #tpu.memory_space<vmem>> -> memref<1x1x64xi32, #tpu.memory_space<vmem>>
          %dma_start3A_961 = tpu.memref_squeeze %dma_start3A_960 : memref<1x1x64xi32, #tpu.memory_space<vmem>> -> memref<64xi32, #tpu.memory_space<vmem>>
          %dma_start3A_962 = tpu.memref_slice %arg4[%dma_start3A_951, %mul3A_950] : memref<2x10240xi32, #tpu.memory_space<hbm>> -> memref<1x64xi32, #tpu.memory_space<hbm>>
          %dma_start3A_963 = tpu.memref_squeeze %dma_start3A_962 : memref<1x64xi32, #tpu.memory_space<hbm>> -> memref<64xi32, #tpu.memory_space<hbm>>
          tpu.enqueue_dma source(%dma_start3A_963 : memref<64xi32, #tpu.memory_space<hbm>>) target(%dma_start3A_961 : memref<64xi32, #tpu.memory_space<vmem>>) target_semaphore(%arg20 : memref<!tpu.dma_semaphore, #tpu.memory_space<semaphore_mem>>)
          %dma_start3A_964 = arith.constant 1 : i32
          %dma_start3A_965 = arith.constant 6 : i32
          %dma_start3A_966 = arith.constant 1 : i32
          %dma_start3A_967 = arith.constant 0 : i32
          %dma_start3A_968 = tpu.memref_slice %arg7[%dma_start3A_965, %dma_start3A_966, %dma_start3A_967] : memref<8x2x64xi32, #tpu.memory_space<vmem>> -> memref<1x1x64xi32, #tpu.memory_space<vmem>>
          %dma_start3A_969 = tpu.memref_squeeze %dma_start3A_968 : memref<1x1x64xi32, #tpu.memory_space<vmem>> -> memref<64xi32, #tpu.memory_space<vmem>>
          %dma_start3A_970 = tpu.memref_slice %arg4[%dma_start3A_964, %mul3A_950] : memref<2x10240xi32, #tpu.memory_space<hbm>> -> memref<1x64xi32, #tpu.memory_space<hbm>>
          %dma_start3A_971 = tpu.memref_squeeze %dma_start3A_970 : memref<1x64xi32, #tpu.memory_space<hbm>> -> memref<64xi32, #tpu.memory_space<hbm>>
          %dma_start3A_972 = arith.constant 0 : i32
          %dma_start3A_973 = tpu.memref_slice %arg7[%dma_start3A_965, %dma_start3A_966, %dma_start3A_972] : memref<8x2x64xi32, #tpu.memory_space<vmem>> -> memref<1x1x64xi32, #tpu.memory_space<vmem>>
          %dma_start3A_974 = tpu.memref_squeeze %dma_start3A_973 : memref<1x1x64xi32, #tpu.memory_space<vmem>> -> memref<64xi32, #tpu.memory_space<vmem>>
          %dma_start3A_975 = tpu.memref_slice %arg4[%dma_start3A_964, %mul3A_950] : memref<2x10240xi32, #tpu.memory_space<hbm>> -> memref<1x64xi32, #tpu.memory_space<hbm>>
          %dma_start3A_976 = tpu.memref_squeeze %dma_start3A_975 : memref<1x64xi32, #tpu.memory_space<hbm>> -> memref<64xi32, #tpu.memory_space<hbm>>
          tpu.enqueue_dma source(%dma_start3A_976 : memref<64xi32, #tpu.memory_space<hbm>>) target(%dma_start3A_974 : memref<64xi32, #tpu.memory_space<vmem>>) target_semaphore(%arg20 : memref<!tpu.dma_semaphore, #tpu.memory_space<semaphore_mem>>)
        } else {
        }
      } else {
      }
      %add3A_849 = arith.constant 4 : i32
      %add3A_850 = arith.addi %add3A_778, %add3A_849 : i32
      %lt3A_851 = arith.constant 160 : i32
      %lt3A_852 = arith.cmpi slt, %add3A_850, %lt3A_851 : i32
      %convert_element_type3A_853 = arith.extui %lt3A_852 : i1 to i32
      %cond3A_854 = arith.constant 0 : i32
      %cond3A_855 = arith.cmpi ne, %convert_element_type3A_853, %cond3A_854 : i32
      scf.if %cond3A_855 {
        %dma_wait3A_937 = arith.constant 0 : i32
        %dma_wait3A_938 = arith.constant 2 : i32
        %dma_wait3A_939 = arith.constant 0 : i32
        %dma_wait3A_940 = arith.constant 0 : i32
        %dma_wait3A_941 = tpu.memref_slice %arg7[%dma_wait3A_938, %dma_wait3A_939, %dma_wait3A_940] : memref<8x2x64xi32, #tpu.memory_space<vmem>> -> memref<1x1x64xi32, #tpu.memory_space<vmem>>
        %dma_wait3A_942 = tpu.memref_squeeze %dma_wait3A_941 : memref<1x1x64xi32, #tpu.memory_space<vmem>> -> memref<64xi32, #tpu.memory_space<vmem>>
        %dma_wait3A_943 = arith.constant 0 : i32
        %dma_wait3A_944 = tpu.memref_slice %arg3[%dma_wait3A_937, %dma_wait3A_943] : memref<2x320000xi32, #tpu.memory_space<hbm>> -> memref<1x64xi32, #tpu.memory_space<hbm>>
        %dma_wait3A_945 = tpu.memref_squeeze %dma_wait3A_944 : memref<1x64xi32, #tpu.memory_space<hbm>> -> memref<64xi32, #tpu.memory_space<hbm>>
        %dma_wait3A_946 = arith.constant 0 : i32
        %dma_wait3A_947 = tpu.memref_slice %arg7[%dma_wait3A_938, %dma_wait3A_939, %dma_wait3A_946] : memref<8x2x64xi32, #tpu.memory_space<vmem>> -> memref<1x1x64xi32, #tpu.memory_space<vmem>>
        %dma_wait3A_948 = tpu.memref_squeeze %dma_wait3A_947 : memref<1x1x64xi32, #tpu.memory_space<vmem>> -> memref<64xi32, #tpu.memory_space<vmem>>
        %dma_wait3A_949 = arith.constant 0 : i32
        %dma_wait3A_950 = tpu.memref_slice %arg3[%dma_wait3A_937, %dma_wait3A_949] : memref<2x320000xi32, #tpu.memory_space<hbm>> -> memref<1x64xi32, #tpu.memory_space<hbm>>
        %dma_wait3A_951 = tpu.memref_squeeze %dma_wait3A_950 : memref<1x64xi32, #tpu.memory_space<hbm>> -> memref<64xi32, #tpu.memory_space<hbm>>
        tpu.wait_dma2 semaphore(%arg16 : memref<!tpu.dma_semaphore, #tpu.memory_space<semaphore_mem>>) src(%dma_wait3A_951 : memref<64xi32, #tpu.memory_space<hbm>>) dst(%dma_wait3A_948 : memref<64xi32, #tpu.memory_space<vmem>>)
        %dma_wait3A_952 = arith.constant 0 : i32
        %dma_wait3A_953 = arith.constant 2 : i32
        %dma_wait3A_954 = arith.constant 1 : i32
        %dma_wait3A_955 = arith.constant 0 : i32
        %dma_wait3A_956 = tpu.memref_slice %arg7[%dma_wait3A_953, %dma_wait3A_954, %dma_wait3A_955] : memref<8x2x64xi32, #tpu.memory_space<vmem>> -> memref<1x1x64xi32, #tpu.memory_space<vmem>>
        %dma_wait3A_957 = tpu.memref_squeeze %dma_wait3A_956 : memref<1x1x64xi32, #tpu.memory_space<vmem>> -> memref<64xi32, #tpu.memory_space<vmem>>
        %dma_wait3A_958 = arith.constant 0 : i32
        %dma_wait3A_959 = tpu.memref_slice %arg3[%dma_wait3A_952, %dma_wait3A_958] : memref<2x320000xi32, #tpu.memory_space<hbm>> -> memref<1x64xi32, #tpu.memory_space<hbm>>
        %dma_wait3A_960 = tpu.memref_squeeze %dma_wait3A_959 : memref<1x64xi32, #tpu.memory_space<hbm>> -> memref<64xi32, #tpu.memory_space<hbm>>
        %dma_wait3A_961 = arith.constant 0 : i32
        %dma_wait3A_962 = tpu.memref_slice %arg7[%dma_wait3A_953, %dma_wait3A_954, %dma_wait3A_961] : memref<8x2x64xi32, #tpu.memory_space<vmem>> -> memref<1x1x64xi32, #tpu.memory_space<vmem>>
        %dma_wait3A_963 = tpu.memref_squeeze %dma_wait3A_962 : memref<1x1x64xi32, #tpu.memory_space<vmem>> -> memref<64xi32, #tpu.memory_space<vmem>>
        %dma_wait3A_964 = arith.constant 0 : i32
        %dma_wait3A_965 = tpu.memref_slice %arg3[%dma_wait3A_952, %dma_wait3A_964] : memref<2x320000xi32, #tpu.memory_space<hbm>> -> memref<1x64xi32, #tpu.memory_space<hbm>>
        %dma_wait3A_966 = tpu.memref_squeeze %dma_wait3A_965 : memref<1x64xi32, #tpu.memory_space<hbm>> -> memref<64xi32, #tpu.memory_space<hbm>>
        tpu.wait_dma2 semaphore(%arg16 : memref<!tpu.dma_semaphore, #tpu.memory_space<semaphore_mem>>) src(%dma_wait3A_966 : memref<64xi32, #tpu.memory_space<hbm>>) dst(%dma_wait3A_963 : memref<64xi32, #tpu.memory_space<vmem>>)
        %dma_start3A_967 = arith.constant 2 : i32
        %dma_start3A_968 = arith.constant 0 : i32
        %dma_start3A_969 = arith.constant 2 : i32
        %dma_start3A_970 = arith.constant 0 : i32
        %dma_start3A_971 = arith.constant 0 : i32
        %dma_start3A_972 = tpu.memref_slice %arg8[%dma_start3A_969, %dma_start3A_970, %dma_start3A_971] : memref<4x64x128xf32, #tpu.memory_space<vmem>> -> memref<1x64x128xf32, #tpu.memory_space<vmem>>
        %dma_start3A_973 = tpu.memref_squeeze %dma_start3A_972 : memref<1x64x128xf32, #tpu.memory_space<vmem>> -> memref<64x128xf32, #tpu.memory_space<vmem>>
        %dma_start3A_974 = arith.constant 0 : i32
        %dma_start3A_975 = tpu.memref_slice %arg7[%dma_start3A_967, %dma_start3A_968, %dma_start3A_974] : memref<8x2x64xi32, #tpu.memory_space<vmem>> -> memref<1x1x64xi32, #tpu.memory_space<vmem>>
        %dma_start3A_976 = tpu.memref_squeeze %dma_start3A_975 : memref<1x1x64xi32, #tpu.memory_space<vmem>> -> memref<64xi32, #tpu.memory_space<vmem>>
        %dma_start3A_977 = arith.constant 0 : i32
        %dma_start3A_978 = arith.constant 0 : i32
        %dma_start3A_979 = tpu.memref_slice %arg2[%dma_start3A_977, %dma_start3A_978] : memref<10000x128xf32, #tpu.memory_space<hbm>> -> memref<10000x128xf32, #tpu.memory_space<hbm>>
        tpu.enqueue_indirect_dma source(%dma_start3A_979 : memref<10000x128xf32, #tpu.memory_space<hbm>>) target(%dma_start3A_973 : memref<64x128xf32, #tpu.memory_space<vmem>>) offsets(%dma_start3A_976 : memref<64xi32, #tpu.memory_space<vmem>>) semaphore(%arg12 : memref<!tpu.dma_semaphore, #tpu.memory_space<semaphore_mem>>)
      } else {
      }
      %mul3A_856 = arith.constant 8 : i32
      %mul3A_857 = arith.muli %scan3A_289, %mul3A_856 : i32
      %add3A_858 = arith.constant 7 : i32
      %add3A_859 = arith.addi %mul3A_857, %add3A_858 : i32
      %dma_wait3A_860 = arith.constant 7 : i32
      %dma_wait3A_861 = arith.constant 0 : i32
      %dma_wait3A_862 = arith.constant 3 : i32
      %dma_wait3A_863 = arith.constant 0 : i32
      %dma_wait3A_864 = arith.constant 0 : i32
      %dma_wait3A_865 = tpu.memref_slice %arg8[%dma_wait3A_862, %dma_wait3A_863, %dma_wait3A_864] : memref<4x64x128xf32, #tpu.memory_space<vmem>> -> memref<1x64x128xf32, #tpu.memory_space<vmem>>
      %dma_wait3A_866 = tpu.memref_squeeze %dma_wait3A_865 : memref<1x64x128xf32, #tpu.memory_space<vmem>> -> memref<64x128xf32, #tpu.memory_space<vmem>>
      %dma_wait3A_867 = arith.constant 0 : i32
      %dma_wait3A_868 = tpu.memref_slice %arg7[%dma_wait3A_860, %dma_wait3A_861, %dma_wait3A_867] : memref<8x2x64xi32, #tpu.memory_space<vmem>> -> memref<1x1x64xi32, #tpu.memory_space<vmem>>
      %dma_wait3A_869 = tpu.memref_squeeze %dma_wait3A_868 : memref<1x1x64xi32, #tpu.memory_space<vmem>> -> memref<64xi32, #tpu.memory_space<vmem>>
      %dma_wait3A_870 = arith.constant 0 : i32
      %dma_wait3A_871 = arith.constant 0 : i32
      %dma_wait3A_872 = tpu.memref_slice %arg2[%dma_wait3A_870, %dma_wait3A_871] : memref<10000x128xf32, #tpu.memory_space<hbm>> -> memref<10000x128xf32, #tpu.memory_space<hbm>>
      tpu.wait_indirect_dma semaphore(%arg13 : memref<!tpu.dma_semaphore, #tpu.memory_space<semaphore_mem>>) src(%dma_wait3A_872 : memref<10000x128xf32, #tpu.memory_space<hbm>>) dst(%dma_wait3A_866 : memref<64x128xf32, #tpu.memory_space<vmem>>)
      %dma_start3A_873 = arith.constant 3 : i32
      %dma_start3A_874 = arith.constant 7 : i32
      %dma_start3A_875 = arith.constant 1 : i32
      %dma_start3A_876 = arith.constant 0 : i32
      %dma_start3A_877 = arith.constant 0 : i32
      %dma_start3A_878 = tpu.memref_slice %arg8[%dma_start3A_873, %dma_start3A_876, %dma_start3A_877] : memref<4x64x128xf32, #tpu.memory_space<vmem>> -> memref<1x64x128xf32, #tpu.memory_space<vmem>>
      %dma_start3A_879 = tpu.memref_squeeze %dma_start3A_878 : memref<1x64x128xf32, #tpu.memory_space<vmem>> -> memref<64x128xf32, #tpu.memory_space<vmem>>
      %dma_start3A_880 = arith.constant 0 : i32
      %dma_start3A_881 = tpu.memref_slice %arg7[%dma_start3A_874, %dma_start3A_875, %dma_start3A_880] : memref<8x2x64xi32, #tpu.memory_space<vmem>> -> memref<1x1x64xi32, #tpu.memory_space<vmem>>
      %dma_start3A_882 = tpu.memref_squeeze %dma_start3A_881 : memref<1x1x64xi32, #tpu.memory_space<vmem>> -> memref<64xi32, #tpu.memory_space<vmem>>
      %dma_start3A_883 = arith.constant 0 : i32
      %dma_start3A_884 = arith.constant 0 : i32
      %dma_start3A_885 = tpu.memref_slice %arg22[%dma_start3A_883, %dma_start3A_884] : memref<10112x128xf32, #tpu.memory_space<vmem_shared>> -> memref<10112x128xf32, #tpu.memory_space<vmem_shared>>
      tpu.enqueue_indirect_dma source(%dma_start3A_879 : memref<64x128xf32, #tpu.memory_space<vmem>>) target(%dma_start3A_885 : memref<10112x128xf32, #tpu.memory_space<vmem_shared>>) offsets(%dma_start3A_882 : memref<64xi32, #tpu.memory_space<vmem>>) semaphore(%arg13 : memref<!tpu.dma_semaphore, #tpu.memory_space<semaphore_mem>>) {add = true}
      %get3A_886 = arith.constant 7 : i32
      %get3A_887 = arith.constant 1 : i32
      %get3A_888 = arith.index_cast %get3A_886 : i32 to index
      %get3A_889 = arith.index_cast %get3A_887 : i32 to index
      %get3A_890 = arith.constant 0 : index
      %get3A_891 = tpu.vector_load %arg7[%get3A_888, %get3A_889, %get3A_890] {strides = array<i32>} : memref<8x2x64xi32, #tpu.memory_space<vmem>>, vector<16xi32>,
      tpu.vector_store_idx %arg9[%get3A_891], %broadcast_in_dim3A_281 {add = true} : memref<10112xf32, #tpu.memory_space<vmem>>[vector<16xi32>], vector<16xf32>,
      %get3A_892 = arith.constant 7 : i32
      %get3A_893 = arith.constant 1 : i32
      %get3A_894 = arith.index_cast %get3A_892 : i32 to index
      %get3A_895 = arith.index_cast %get3A_893 : i32 to index
      %get3A_896 = arith.constant 16 : index
      %get3A_897 = tpu.vector_load %arg7[%get3A_894, %get3A_895, %get3A_896] {strides = array<i32>} : memref<8x2x64xi32, #tpu.memory_space<vmem>>, vector<16xi32>,
      tpu.vector_store_idx %arg9[%get3A_897], %broadcast_in_dim3A_281 {add = true} : memref<10112xf32, #tpu.memory_space<vmem>>[vector<16xi32>], vector<16xf32>,
      %get3A_898 = arith.constant 7 : i32
      %get3A_899 = arith.constant 1 : i32
      %get3A_900 = arith.index_cast %get3A_898 : i32 to index
      %get3A_901 = arith.index_cast %get3A_899 : i32 to index
      %get3A_902 = arith.constant 32 : index
      %get3A_903 = tpu.vector_load %arg7[%get3A_900, %get3A_901, %get3A_902] {strides = array<i32>} : memref<8x2x64xi32, #tpu.memory_space<vmem>>, vector<16xi32>,
      tpu.vector_store_idx %arg9[%get3A_903], %broadcast_in_dim3A_281 {add = true} : memref<10112xf32, #tpu.memory_space<vmem>>[vector<16xi32>], vector<16xf32>,
      %get3A_904 = arith.constant 7 : i32
      %get3A_905 = arith.constant 1 : i32
      %get3A_906 = arith.index_cast %get3A_904 : i32 to index
      %get3A_907 = arith.index_cast %get3A_905 : i32 to index
      %get3A_908 = arith.constant 48 : index
      %get3A_909 = tpu.vector_load %arg7[%get3A_906, %get3A_907, %get3A_908] {strides = array<i32>} : memref<8x2x64xi32, #tpu.memory_space<vmem>>, vector<16xi32>,
      tpu.vector_store_idx %arg9[%get3A_909], %broadcast_in_dim3A_281 {add = true} : memref<10112xf32, #tpu.memory_space<vmem>>[vector<16xi32>], vector<16xf32>,
      %dma_wait3A_910 = arith.constant 3 : i32
      %dma_wait3A_911 = arith.constant 7 : i32
      %dma_wait3A_912 = arith.constant 1 : i32
      %dma_wait3A_913 = arith.constant 0 : i32
      %dma_wait3A_914 = arith.constant 0 : i32
      %dma_wait3A_915 = tpu.memref_slice %arg8[%dma_wait3A_910, %dma_wait3A_913, %dma_wait3A_914] : memref<4x64x128xf32, #tpu.memory_space<vmem>> -> memref<1x64x128xf32, #tpu.memory_space<vmem>>
      %dma_wait3A_916 = tpu.memref_squeeze %dma_wait3A_915 : memref<1x64x128xf32, #tpu.memory_space<vmem>> -> memref<64x128xf32, #tpu.memory_space<vmem>>
      %dma_wait3A_917 = arith.constant 0 : i32
      %dma_wait3A_918 = tpu.memref_slice %arg7[%dma_wait3A_911, %dma_wait3A_912, %dma_wait3A_917] : memref<8x2x64xi32, #tpu.memory_space<vmem>> -> memref<1x1x64xi32, #tpu.memory_space<vmem>>
      %dma_wait3A_919 = tpu.memref_squeeze %dma_wait3A_918 : memref<1x1x64xi32, #tpu.memory_space<vmem>> -> memref<64xi32, #tpu.memory_space<vmem>>
      %dma_wait3A_920 = arith.constant 0 : i32
      %dma_wait3A_921 = arith.constant 0 : i32
      %dma_wait3A_922 = tpu.memref_slice %arg22[%dma_wait3A_920, %dma_wait3A_921] : memref<10112x128xf32, #tpu.memory_space<vmem_shared>> -> memref<10112x128xf32, #tpu.memory_space<vmem_shared>>
      tpu.wait_indirect_dma semaphore(%arg13 : memref<!tpu.dma_semaphore, #tpu.memory_space<semaphore_mem>>) src(%dma_wait3A_916 : memref<64x128xf32, #tpu.memory_space<vmem>>) dst(%dma_wait3A_922 : memref<10112x128xf32, #tpu.memory_space<vmem_shared>>)
      %add3A_923 = arith.constant 8 : i32
      %add3A_924 = arith.addi %add3A_859, %add3A_923 : i32
      %lt3A_925 = arith.constant 160 : i32
      %lt3A_926 = arith.cmpi slt, %add3A_924, %lt3A_925 : i32
      %convert_element_type3A_927 = arith.extui %lt3A_926 : i1 to i32
      %cond3A_928 = arith.constant 0 : i32
      %cond3A_929 = arith.cmpi ne, %convert_element_type3A_927, %cond3A_928 : i32
      scf.if %cond3A_929 {
        %add3A_937 = arith.constant 8 : i32
        %add3A_938 = arith.addi %add3A_859, %add3A_937 : i32
        %lt3A_939 = arith.constant 31 : i32
        %lt3A_940 = arith.cmpi slt, %add3A, %lt3A_939 : i32
        %convert_element_type3A_941 = arith.extui %lt3A_940 : i1 to i32
        %cond3A_942 = arith.constant 0 : i32
        %cond3A_943 = arith.cmpi ne, %convert_element_type3A_941, %cond3A_942 : i32
        scf.if %cond3A_943 {
          %mul3A_949 = arith.constant 64 : i32
          %mul3A_950 = arith.muli %add3A_938, %mul3A_949 : i32
          %add3A_951 = arith.addi %mul3A_2, %mul3A_950 : i32
          %dma_start3A_952 = arith.constant 0 : i32
          %dma_start3A_953 = arith.constant 7 : i32
          %dma_start3A_954 = arith.constant 0 : i32
          %dma_start3A_955 = arith.constant 0 : i32
          %dma_start3A_956 = tpu.memref_slice %arg7[%dma_start3A_953, %dma_start3A_954, %dma_start3A_955] : memref<8x2x64xi32, #tpu.memory_space<vmem>> -> memref<1x1x64xi32, #tpu.memory_space<vmem>>
          %dma_start3A_957 = tpu.memref_squeeze %dma_start3A_956 : memref<1x1x64xi32, #tpu.memory_space<vmem>> -> memref<64xi32, #tpu.memory_space<vmem>>
          %dma_start3A_958 = tpu.memref_slice %arg3[%dma_start3A_952, %add3A_951] : memref<2x320000xi32, #tpu.memory_space<hbm>> -> memref<1x64xi32, #tpu.memory_space<hbm>>
          %dma_start3A_959 = tpu.memref_squeeze %dma_start3A_958 : memref<1x64xi32, #tpu.memory_space<hbm>> -> memref<64xi32, #tpu.memory_space<hbm>>
          %dma_start3A_960 = arith.constant 0 : i32
          %dma_start3A_961 = tpu.memref_slice %arg7[%dma_start3A_953, %dma_start3A_954, %dma_start3A_960] : memref<8x2x64xi32, #tpu.memory_space<vmem>> -> memref<1x1x64xi32, #tpu.memory_space<vmem>>
          %dma_start3A_962 = tpu.memref_squeeze %dma_start3A_961 : memref<1x1x64xi32, #tpu.memory_space<vmem>> -> memref<64xi32, #tpu.memory_space<vmem>>
          %dma_start3A_963 = tpu.memref_slice %arg3[%dma_start3A_952, %add3A_951] : memref<2x320000xi32, #tpu.memory_space<hbm>> -> memref<1x64xi32, #tpu.memory_space<hbm>>
          %dma_start3A_964 = tpu.memref_squeeze %dma_start3A_963 : memref<1x64xi32, #tpu.memory_space<hbm>> -> memref<64xi32, #tpu.memory_space<hbm>>
          tpu.enqueue_dma source(%dma_start3A_964 : memref<64xi32, #tpu.memory_space<hbm>>) target(%dma_start3A_962 : memref<64xi32, #tpu.memory_space<vmem>>) target_semaphore(%arg21 : memref<!tpu.dma_semaphore, #tpu.memory_space<semaphore_mem>>)
          %dma_start3A_965 = arith.constant 1 : i32
          %dma_start3A_966 = arith.constant 7 : i32
          %dma_start3A_967 = arith.constant 1 : i32
          %dma_start3A_968 = arith.constant 0 : i32
          %dma_start3A_969 = tpu.memref_slice %arg7[%dma_start3A_966, %dma_start3A_967, %dma_start3A_968] : memref<8x2x64xi32, #tpu.memory_space<vmem>> -> memref<1x1x64xi32, #tpu.memory_space<vmem>>
          %dma_start3A_970 = tpu.memref_squeeze %dma_start3A_969 : memref<1x1x64xi32, #tpu.memory_space<vmem>> -> memref<64xi32, #tpu.memory_space<vmem>>
          %dma_start3A_971 = tpu.memref_slice %arg3[%dma_start3A_965, %add3A_951] : memref<2x320000xi32, #tpu.memory_space<hbm>> -> memref<1x64xi32, #tpu.memory_space<hbm>>
          %dma_start3A_972 = tpu.memref_squeeze %dma_start3A_971 : memref<1x64xi32, #tpu.memory_space<hbm>> -> memref<64xi32, #tpu.memory_space<hbm>>
          %dma_start3A_973 = arith.constant 0 : i32
          %dma_start3A_974 = tpu.memref_slice %arg7[%dma_start3A_966, %dma_start3A_967, %dma_start3A_973] : memref<8x2x64xi32, #tpu.memory_space<vmem>> -> memref<1x1x64xi32, #tpu.memory_space<vmem>>
          %dma_start3A_975 = tpu.memref_squeeze %dma_start3A_974 : memref<1x1x64xi32, #tpu.memory_space<vmem>> -> memref<64xi32, #tpu.memory_space<vmem>>
          %dma_start3A_976 = tpu.memref_slice %arg3[%dma_start3A_965, %add3A_951] : memref<2x320000xi32, #tpu.memory_space<hbm>> -> memref<1x64xi32, #tpu.memory_space<hbm>>
          %dma_start3A_977 = tpu.memref_squeeze %dma_start3A_976 : memref<1x64xi32, #tpu.memory_space<hbm>> -> memref<64xi32, #tpu.memory_space<hbm>>
          tpu.enqueue_dma source(%dma_start3A_977 : memref<64xi32, #tpu.memory_space<hbm>>) target(%dma_start3A_975 : memref<64xi32, #tpu.memory_space<vmem>>) target_semaphore(%arg21 : memref<!tpu.dma_semaphore, #tpu.memory_space<semaphore_mem>>)
        } else {
        }
        %eq3A_944 = arith.constant 31 : i32
        %eq3A_945 = arith.cmpi eq, %add3A, %eq3A_944 : i32
        %convert_element_type3A_946 = arith.extui %eq3A_945 : i1 to i32
        %cond3A_947 = arith.constant 0 : i32
        %cond3A_948 = arith.cmpi ne, %convert_element_type3A_946, %cond3A_947 : i32
        scf.if %cond3A_948 {
          %mul3A_949 = arith.constant 64 : i32
          %mul3A_950 = arith.muli %add3A_938, %mul3A_949 : i32
          %dma_start3A_951 = arith.constant 0 : i32
          %dma_start3A_952 = arith.constant 7 : i32
          %dma_start3A_953 = arith.constant 0 : i32
          %dma_start3A_954 = arith.constant 0 : i32
          %dma_start3A_955 = tpu.memref_slice %arg7[%dma_start3A_952, %dma_start3A_953, %dma_start3A_954] : memref<8x2x64xi32, #tpu.memory_space<vmem>> -> memref<1x1x64xi32, #tpu.memory_space<vmem>>
          %dma_start3A_956 = tpu.memref_squeeze %dma_start3A_955 : memref<1x1x64xi32, #tpu.memory_space<vmem>> -> memref<64xi32, #tpu.memory_space<vmem>>
          %dma_start3A_957 = tpu.memref_slice %arg4[%dma_start3A_951, %mul3A_950] : memref<2x10240xi32, #tpu.memory_space<hbm>> -> memref<1x64xi32, #tpu.memory_space<hbm>>
          %dma_start3A_958 = tpu.memref_squeeze %dma_start3A_957 : memref<1x64xi32, #tpu.memory_space<hbm>> -> memref<64xi32, #tpu.memory_space<hbm>>
          %dma_start3A_959 = arith.constant 0 : i32
          %dma_start3A_960 = tpu.memref_slice %arg7[%dma_start3A_952, %dma_start3A_953, %dma_start3A_959] : memref<8x2x64xi32, #tpu.memory_space<vmem>> -> memref<1x1x64xi32, #tpu.memory_space<vmem>>
          %dma_start3A_961 = tpu.memref_squeeze %dma_start3A_960 : memref<1x1x64xi32, #tpu.memory_space<vmem>> -> memref<64xi32, #tpu.memory_space<vmem>>
          %dma_start3A_962 = tpu.memref_slice %arg4[%dma_start3A_951, %mul3A_950] : memref<2x10240xi32, #tpu.memory_space<hbm>> -> memref<1x64xi32, #tpu.memory_space<hbm>>
          %dma_start3A_963 = tpu.memref_squeeze %dma_start3A_962 : memref<1x64xi32, #tpu.memory_space<hbm>> -> memref<64xi32, #tpu.memory_space<hbm>>
          tpu.enqueue_dma source(%dma_start3A_963 : memref<64xi32, #tpu.memory_space<hbm>>) target(%dma_start3A_961 : memref<64xi32, #tpu.memory_space<vmem>>) target_semaphore(%arg21 : memref<!tpu.dma_semaphore, #tpu.memory_space<semaphore_mem>>)
          %dma_start3A_964 = arith.constant 1 : i32
          %dma_start3A_965 = arith.constant 7 : i32
          %dma_start3A_966 = arith.constant 1 : i32
          %dma_start3A_967 = arith.constant 0 : i32
          %dma_start3A_968 = tpu.memref_slice %arg7[%dma_start3A_965, %dma_start3A_966, %dma_start3A_967] : memref<8x2x64xi32, #tpu.memory_space<vmem>> -> memref<1x1x64xi32, #tpu.memory_space<vmem>>
          %dma_start3A_969 = tpu.memref_squeeze %dma_start3A_968 : memref<1x1x64xi32, #tpu.memory_space<vmem>> -> memref<64xi32, #tpu.memory_space<vmem>>
          %dma_start3A_970 = tpu.memref_slice %arg4[%dma_start3A_964, %mul3A_950] : memref<2x10240xi32, #tpu.memory_space<hbm>> -> memref<1x64xi32, #tpu.memory_space<hbm>>
          %dma_start3A_971 = tpu.memref_squeeze %dma_start3A_970 : memref<1x64xi32, #tpu.memory_space<hbm>> -> memref<64xi32, #tpu.memory_space<hbm>>
          %dma_start3A_972 = arith.constant 0 : i32
          %dma_start3A_973 = tpu.memref_slice %arg7[%dma_start3A_965, %dma_start3A_966, %dma_start3A_972] : memref<8x2x64xi32, #tpu.memory_space<vmem>> -> memref<1x1x64xi32, #tpu.memory_space<vmem>>
          %dma_start3A_974 = tpu.memref_squeeze %dma_start3A_973 : memref<1x1x64xi32, #tpu.memory_space<vmem>> -> memref<64xi32, #tpu.memory_space<vmem>>
          %dma_start3A_975 = tpu.memref_slice %arg4[%dma_start3A_964, %mul3A_950] : memref<2x10240xi32, #tpu.memory_space<hbm>> -> memref<1x64xi32, #tpu.memory_space<hbm>>
          %dma_start3A_976 = tpu.memref_squeeze %dma_start3A_975 : memref<1x64xi32, #tpu.memory_space<hbm>> -> memref<64xi32, #tpu.memory_space<hbm>>
          tpu.enqueue_dma source(%dma_start3A_976 : memref<64xi32, #tpu.memory_space<hbm>>) target(%dma_start3A_974 : memref<64xi32, #tpu.memory_space<vmem>>) target_semaphore(%arg21 : memref<!tpu.dma_semaphore, #tpu.memory_space<semaphore_mem>>)
        } else {
        }
      } else {
      }
      %add3A_930 = arith.constant 4 : i32
      %add3A_931 = arith.addi %add3A_859, %add3A_930 : i32
      %lt3A_932 = arith.constant 160 : i32
      %lt3A_933 = arith.cmpi slt, %add3A_931, %lt3A_932 : i32
      %convert_element_type3A_934 = arith.extui %lt3A_933 : i1 to i32
      %cond3A_935 = arith.constant 0 : i32
      %cond3A_936 = arith.cmpi ne, %convert_element_type3A_934, %cond3A_935 : i32
      scf.if %cond3A_936 {
        %dma_wait3A_937 = arith.constant 0 : i32
        %dma_wait3A_938 = arith.constant 3 : i32
        %dma_wait3A_939 = arith.constant 0 : i32
        %dma_wait3A_940 = arith.constant 0 : i32
        %dma_wait3A_941 = tpu.memref_slice %arg7[%dma_wait3A_938, %dma_wait3A_939, %dma_wait3A_940] : memref<8x2x64xi32, #tpu.memory_space<vmem>> -> memref<1x1x64xi32, #tpu.memory_space<vmem>>
        %dma_wait3A_942 = tpu.memref_squeeze %dma_wait3A_941 : memref<1x1x64xi32, #tpu.memory_space<vmem>> -> memref<64xi32, #tpu.memory_space<vmem>>
        %dma_wait3A_943 = arith.constant 0 : i32
        %dma_wait3A_944 = tpu.memref_slice %arg3[%dma_wait3A_937, %dma_wait3A_943] : memref<2x320000xi32, #tpu.memory_space<hbm>> -> memref<1x64xi32, #tpu.memory_space<hbm>>
        %dma_wait3A_945 = tpu.memref_squeeze %dma_wait3A_944 : memref<1x64xi32, #tpu.memory_space<hbm>> -> memref<64xi32, #tpu.memory_space<hbm>>
        %dma_wait3A_946 = arith.constant 0 : i32
        %dma_wait3A_947 = tpu.memref_slice %arg7[%dma_wait3A_938, %dma_wait3A_939, %dma_wait3A_946] : memref<8x2x64xi32, #tpu.memory_space<vmem>> -> memref<1x1x64xi32, #tpu.memory_space<vmem>>
        %dma_wait3A_948 = tpu.memref_squeeze %dma_wait3A_947 : memref<1x1x64xi32, #tpu.memory_space<vmem>> -> memref<64xi32, #tpu.memory_space<vmem>>
        %dma_wait3A_949 = arith.constant 0 : i32
        %dma_wait3A_950 = tpu.memref_slice %arg3[%dma_wait3A_937, %dma_wait3A_949] : memref<2x320000xi32, #tpu.memory_space<hbm>> -> memref<1x64xi32, #tpu.memory_space<hbm>>
        %dma_wait3A_951 = tpu.memref_squeeze %dma_wait3A_950 : memref<1x64xi32, #tpu.memory_space<hbm>> -> memref<64xi32, #tpu.memory_space<hbm>>
        tpu.wait_dma2 semaphore(%arg17 : memref<!tpu.dma_semaphore, #tpu.memory_space<semaphore_mem>>) src(%dma_wait3A_951 : memref<64xi32, #tpu.memory_space<hbm>>) dst(%dma_wait3A_948 : memref<64xi32, #tpu.memory_space<vmem>>)
        %dma_wait3A_952 = arith.constant 0 : i32
        %dma_wait3A_953 = arith.constant 3 : i32
        %dma_wait3A_954 = arith.constant 1 : i32
        %dma_wait3A_955 = arith.constant 0 : i32
        %dma_wait3A_956 = tpu.memref_slice %arg7[%dma_wait3A_953, %dma_wait3A_954, %dma_wait3A_955] : memref<8x2x64xi32, #tpu.memory_space<vmem>> -> memref<1x1x64xi32, #tpu.memory_space<vmem>>
        %dma_wait3A_957 = tpu.memref_squeeze %dma_wait3A_956 : memref<1x1x64xi32, #tpu.memory_space<vmem>> -> memref<64xi32, #tpu.memory_space<vmem>>
        %dma_wait3A_958 = arith.constant 0 : i32
        %dma_wait3A_959 = tpu.memref_slice %arg3[%dma_wait3A_952, %dma_wait3A_958] : memref<2x320000xi32, #tpu.memory_space<hbm>> -> memref<1x64xi32, #tpu.memory_space<hbm>>
        %dma_wait3A_960 = tpu.memref_squeeze %dma_wait3A_959 : memref<1x64xi32, #tpu.memory_space<hbm>> -> memref<64xi32, #tpu.memory_space<hbm>>
        %dma_wait3A_961 = arith.constant 0 : i32
        %dma_wait3A_962 = tpu.memref_slice %arg7[%dma_wait3A_953, %dma_wait3A_954, %dma_wait3A_961] : memref<8x2x64xi32, #tpu.memory_space<vmem>> -> memref<1x1x64xi32, #tpu.memory_space<vmem>>
        %dma_wait3A_963 = tpu.memref_squeeze %dma_wait3A_962 : memref<1x1x64xi32, #tpu.memory_space<vmem>> -> memref<64xi32, #tpu.memory_space<vmem>>
        %dma_wait3A_964 = arith.constant 0 : i32
        %dma_wait3A_965 = tpu.memref_slice %arg3[%dma_wait3A_952, %dma_wait3A_964] : memref<2x320000xi32, #tpu.memory_space<hbm>> -> memref<1x64xi32, #tpu.memory_space<hbm>>
        %dma_wait3A_966 = tpu.memref_squeeze %dma_wait3A_965 : memref<1x64xi32, #tpu.memory_space<hbm>> -> memref<64xi32, #tpu.memory_space<hbm>>
        tpu.wait_dma2 semaphore(%arg17 : memref<!tpu.dma_semaphore, #tpu.memory_space<semaphore_mem>>) src(%dma_wait3A_966 : memref<64xi32, #tpu.memory_space<hbm>>) dst(%dma_wait3A_963 : memref<64xi32, #tpu.memory_space<vmem>>)
        %dma_start3A_967 = arith.constant 3 : i32
        %dma_start3A_968 = arith.constant 0 : i32
        %dma_start3A_969 = arith.constant 3 : i32
        %dma_start3A_970 = arith.constant 0 : i32
        %dma_start3A_971 = arith.constant 0 : i32
        %dma_start3A_972 = tpu.memref_slice %arg8[%dma_start3A_969, %dma_start3A_970, %dma_start3A_971] : memref<4x64x128xf32, #tpu.memory_space<vmem>> -> memref<1x64x128xf32, #tpu.memory_space<vmem>>
        %dma_start3A_973 = tpu.memref_squeeze %dma_start3A_972 : memref<1x64x128xf32, #tpu.memory_space<vmem>> -> memref<64x128xf32, #tpu.memory_space<vmem>>
        %dma_start3A_974 = arith.constant 0 : i32
        %dma_start3A_975 = tpu.memref_slice %arg7[%dma_start3A_967, %dma_start3A_968, %dma_start3A_974] : memref<8x2x64xi32, #tpu.memory_space<vmem>> -> memref<1x1x64xi32, #tpu.memory_space<vmem>>
        %dma_start3A_976 = tpu.memref_squeeze %dma_start3A_975 : memref<1x1x64xi32, #tpu.memory_space<vmem>> -> memref<64xi32, #tpu.memory_space<vmem>>
        %dma_start3A_977 = arith.constant 0 : i32
        %dma_start3A_978 = arith.constant 0 : i32
        %dma_start3A_979 = tpu.memref_slice %arg2[%dma_start3A_977, %dma_start3A_978] : memref<10000x128xf32, #tpu.memory_space<hbm>> -> memref<10000x128xf32, #tpu.memory_space<hbm>>
        tpu.enqueue_indirect_dma source(%dma_start3A_979 : memref<10000x128xf32, #tpu.memory_space<hbm>>) target(%dma_start3A_973 : memref<64x128xf32, #tpu.memory_space<vmem>>) offsets(%dma_start3A_976 : memref<64xi32, #tpu.memory_space<vmem>>) semaphore(%arg13 : memref<!tpu.dma_semaphore, #tpu.memory_space<semaphore_mem>>)
      } else {
      }
    }
    %scan3A_287 = arith.constant 20 : i32
    %barrier3A_288 = arith.constant 0 : index
    tpu.barrier barrier_id(%barrier3A_288)
    "tpu.region"() ({
      %run_scoped3A_289 = tpu.sem_alloc : memref<!tpu.dma_semaphore, #tpu.memory_space<semaphore_mem>>
      %dma_start3A_290 = arith.constant 0 : i32
      %dma_start3A_291 = tpu.memref_slice %arg5[%arg0, %mul3A_92, %dma_start3A_290] : memref<2x10112x128xf32, #tpu.memory_space<hbm>> -> memref<1x632x128xf32, #tpu.memory_space<hbm>>
      %dma_start3A_292 = tpu.memref_squeeze %dma_start3A_291 : memref<1x632x128xf32, #tpu.memory_space<hbm>> -> memref<632x128xf32, #tpu.memory_space<hbm>>
      %dma_start3A_293 = arith.constant 0 : i32
      %dma_start3A_294 = tpu.memref_slice %arg22[%mul3A_92, %dma_start3A_293] : memref<10112x128xf32, #tpu.memory_space<vmem_shared>> -> memref<632x128xf32, #tpu.memory_space<vmem_shared>>
      tpu.enqueue_dma source(%dma_start3A_294 : memref<632x128xf32, #tpu.memory_space<vmem_shared>>) target(%dma_start3A_292 : memref<632x128xf32, #tpu.memory_space<hbm>>) target_semaphore(%run_scoped3A_289 : memref<!tpu.dma_semaphore, #tpu.memory_space<semaphore_mem>>)
      %dma_wait3A_295 = arith.constant 0 : i32
      %dma_wait3A_296 = tpu.memref_slice %arg5[%arg0, %mul3A_92, %dma_wait3A_295] : memref<2x10112x128xf32, #tpu.memory_space<hbm>> -> memref<1x632x128xf32, #tpu.memory_space<hbm>>
      %dma_wait3A_297 = tpu.memref_squeeze %dma_wait3A_296 : memref<1x632x128xf32, #tpu.memory_space<hbm>> -> memref<632x128xf32, #tpu.memory_space<hbm>>
      %dma_wait3A_298 = arith.constant 0 : i32
      %dma_wait3A_299 = tpu.memref_slice %arg22[%mul3A_92, %dma_wait3A_298] : memref<10112x128xf32, #tpu.memory_space<vmem_shared>> -> memref<632x128xf32, #tpu.memory_space<vmem_shared>>
      tpu.wait_dma2 semaphore(%run_scoped3A_289 : memref<!tpu.dma_semaphore, #tpu.memory_space<semaphore_mem>>) src(%dma_wait3A_299 : memref<632x128xf32, #tpu.memory_space<vmem_shared>>) dst(%dma_wait3A_297 : memref<632x128xf32, #tpu.memory_space<hbm>>)
      tpu.yield
    }) : () -> ()
    "tpu.region"() ({
      %run_scoped3A_289 = tpu.sem_alloc : memref<!tpu.dma_semaphore, #tpu.memory_space<semaphore_mem>>
      %dma_start3A_290 = arith.constant 0 : i32
      %dma_start3A_291 = tpu.memref_slice %arg6[%add3A, %dma_start3A_290] : memref<32x10112xf32, #tpu.memory_space<hbm>> -> memref<1x10112xf32, #tpu.memory_space<hbm>>
      %dma_start3A_292 = tpu.memref_squeeze %dma_start3A_291 : memref<1x10112xf32, #tpu.memory_space<hbm>> -> memref<10112xf32, #tpu.memory_space<hbm>>
      %dma_start3A_293 = arith.constant 0 : i32
      %dma_start3A_294 = tpu.memref_slice %arg6[%add3A, %dma_start3A_293] : memref<32x10112xf32, #tpu.memory_space<hbm>> -> memref<1x10112xf32, #tpu.memory_space<hbm>>
      %dma_start3A_295 = tpu.memref_squeeze %dma_start3A_294 : memref<1x10112xf32, #tpu.memory_space<hbm>> -> memref<10112xf32, #tpu.memory_space<hbm>>
      tpu.enqueue_dma source(%arg9 : memref<10112xf32, #tpu.memory_space<vmem>>) target(%dma_start3A_295 : memref<10112xf32, #tpu.memory_space<hbm>>) target_semaphore(%run_scoped3A_289 : memref<!tpu.dma_semaphore, #tpu.memory_space<semaphore_mem>>)
      %dma_wait3A_296 = arith.constant 0 : i32
      %dma_wait3A_297 = tpu.memref_slice %arg6[%add3A, %dma_wait3A_296] : memref<32x10112xf32, #tpu.memory_space<hbm>> -> memref<1x10112xf32, #tpu.memory_space<hbm>>
      %dma_wait3A_298 = tpu.memref_squeeze %dma_wait3A_297 : memref<1x10112xf32, #tpu.memory_space<hbm>> -> memref<10112xf32, #tpu.memory_space<hbm>>
      %dma_wait3A_299 = arith.constant 0 : i32
      %dma_wait3A_300 = tpu.memref_slice %arg6[%add3A, %dma_wait3A_299] : memref<32x10112xf32, #tpu.memory_space<hbm>> -> memref<1x10112xf32, #tpu.memory_space<hbm>>
      %dma_wait3A_301 = tpu.memref_squeeze %dma_wait3A_300 : memref<1x10112xf32, #tpu.memory_space<hbm>> -> memref<10112xf32, #tpu.memory_space<hbm>>
      tpu.wait_dma2 semaphore(%run_scoped3A_289 : memref<!tpu.dma_semaphore, #tpu.memory_space<semaphore_mem>>) src(%arg9 : memref<10112xf32, #tpu.memory_space<vmem>>) dst(%dma_wait3A_301 : memref<10112xf32, #tpu.memory_space<hbm>>)
      tpu.yield
    }) : () -> ()
    return
  }
}

module attributes {stable_mosaic.version = 14 : i64} {
  func.func @_comb_body(%arg0: i32, %arg1: memref<2560x128xf32, #tpu.memory_space<vmem>>, %arg2: memref<1x2560x128xf32, #tpu.memory_space<vmem>>, %arg3: memref<1x2560x128xf32, #tpu.memory_space<vmem>>, %arg4: memref<32x2560xf32, #tpu.memory_space<vmem>>, %arg5: memref<128x128xf32, #tpu.memory_space<vmem>>, %arg6: memref<1x128xf32, #tpu.memory_space<vmem>>, %arg7: memref<1x128xf32, #tpu.memory_space<vmem>>, %arg8: memref<1x1xf32, #tpu.memory_space<vmem>>, %arg9: memref<2560x128xf32, #tpu.memory_space<vmem>>) attributes {dimension_semantics = [#tpu.dimension_semantics<arbitrary>], iteration_bounds = array<i64: 4>, scalar_prefetch = 0 : i64, scratch_operands = 0 : i64, tpu.core_type = #tpu.core_type<tc>, window_params = [{transform_indices = @transform_0, window_bounds = array<i64: 2560, 128>}, {transform_indices = @transform_1, window_bounds = array<i64: 1, 2560, 128>}, {transform_indices = @transform_2, window_bounds = array<i64: 1, 2560, 128>}, {transform_indices = @transform_3, window_bounds = array<i64: 32, 2560>}, {pipeline_mode = #tpu.pipeline_mode<synchronous>, transform_indices = @transform_4, window_bounds = array<i64: 128, 128>}, {pipeline_mode = #tpu.pipeline_mode<synchronous>, transform_indices = @transform_5, window_bounds = array<i64: 1, 128>}, {pipeline_mode = #tpu.pipeline_mode<synchronous>, transform_indices = @transform_6, window_bounds = array<i64: 1, 128>}, {pipeline_mode = #tpu.pipeline_mode<synchronous>, transform_indices = @transform_7, window_bounds = array<i64: 1, 1>}, {transform_indices = @transform_8, window_bounds = array<i64: 2560, 128>}]} {
    %get3A = arith.constant 0 : index
    %get3A_0 = arith.constant 0 : index
    %get3A_1 = vector.load %arg1[%get3A, %get3A_0] : memref<2560x128xf32, #tpu.memory_space<vmem>>, vector<2560x128xf32>
    %get3A_2 = arith.constant 0 : index
    %get3A_3 = arith.constant 0 : index
    %get3A_4 = arith.constant 0 : index
    %get3A_5 = vector.load %arg2[%get3A_2, %get3A_3, %get3A_4] : memref<1x2560x128xf32, #tpu.memory_space<vmem>>, vector<1x2560x128xf32>
    %squeeze3A = vector.shape_cast %get3A_5 : vector<1x2560x128xf32> to vector<2560x128xf32>
    %get3A_6 = arith.constant 0 : index
    %get3A_7 = arith.constant 0 : index
    %get3A_8 = arith.constant 0 : index
    %get3A_9 = vector.load %arg3[%get3A_6, %get3A_7, %get3A_8] : memref<1x2560x128xf32, #tpu.memory_space<vmem>>, vector<1x2560x128xf32>
    %squeeze3A_10 = vector.shape_cast %get3A_9 : vector<1x2560x128xf32> to vector<2560x128xf32>
    %add3A = arith.addf %squeeze3A, %squeeze3A_10 : vector<2560x128xf32>
    %get3A_11 = arith.constant 0 : index
    %get3A_12 = arith.constant 0 : index
    %get3A_13 = vector.load %arg4[%get3A_11, %get3A_12] : memref<32x2560xf32, #tpu.memory_space<vmem>>, vector<32x2560xf32>
    %reduce_sum3A = arith.constant dense<0.000000e+00> : vector<2560xf32>
    %reduce_sum3A_14 = vector.multi_reduction <add>, %get3A_13, %reduce_sum3A [0] : vector<32x2560xf32> to vector<2560xf32>
    %broadcast_in_dim3A = vector.shape_cast %reduce_sum3A_14 : vector<2560xf32> to vector<2560x1xf32>
    %get3A_15 = arith.constant 0 : index
    %get3A_16 = arith.constant 0 : index
    %get3A_17 = vector.load %arg5[%get3A_15, %get3A_16] : memref<128x128xf32, #tpu.memory_space<vmem>>, vector<128x128xf32>
    %dot_general3A = arith.constant dense<0.000000e+00> : vector<2560x128xf32>
    %dot_general3A_18 = tpu.matmul %add3A, %get3A_17, %dot_general3A {dimension_numbers = #tpu.dot_dimension_numbers<[1], [0], [0], [1], [0, 0, 1, 1], [], []>, transpose_lhs_hint = false} : vector<2560x128xf32>, vector<128x128xf32>, vector<2560x128xf32> -> vector<2560x128xf32>
    %get3A_19 = arith.constant 0 : index
    %get3A_20 = arith.constant 0 : index
    %get3A_21 = vector.load %arg6[%get3A_19, %get3A_20] : memref<1x128xf32, #tpu.memory_space<vmem>>, vector<1x128xf32>
    %mul3A = vector.broadcast %broadcast_in_dim3A : vector<2560x1xf32> to vector<2560x128xf32>
    %mul3A_22 = vector.broadcast %get3A_21 : vector<1x128xf32> to vector<2560x128xf32>
    %mul3A_23 = arith.mulf %mul3A, %mul3A_22 : vector<2560x128xf32>
    %add3A_24 = arith.addf %dot_general3A_18, %mul3A_23 : vector<2560x128xf32>
    %max3A = arith.constant 1.000000e+00 : f32
    %max3A_25 = vector.broadcast %max3A : f32 to vector<2560x1xf32>
    %max3A_26 = arith.maximumf %broadcast_in_dim3A, %max3A_25 : vector<2560x1xf32>
    %div3A = vector.broadcast %max3A_26 : vector<2560x1xf32> to vector<2560x128xf32>
    %div3A_27 = arith.divf %add3A_24, %div3A : vector<2560x128xf32>
    %gt3A = arith.constant 0.000000e+00 : f32
    %gt3A_28 = vector.broadcast %gt3A : f32 to vector<2560x1xf32>
    %gt3A_29 = arith.cmpf ogt, %broadcast_in_dim3A, %gt3A_28 : vector<2560x1xf32>
    %broadcast_in_dim3A_30 = vector.shape_cast %gt3A_29 : vector<2560x1xi1> to vector<2560x1xi1>
    %broadcast_in_dim3A_31 = vector.broadcast %broadcast_in_dim3A_30 : vector<2560x1xi1> to vector<2560x128xi1>
    %select_n3A = arith.select %broadcast_in_dim3A_31, %div3A_27, %get3A_1 : vector<2560x128xi1>, vector<2560x128xf32>
    %add3A_32 = arith.addf %get3A_1, %select_n3A : vector<2560x128xf32>
    %get3A_33 = arith.constant 0 : index
    %get3A_34 = arith.constant 0 : index
    %get3A_35 = vector.load %arg7[%get3A_33, %get3A_34] : memref<1x128xf32, #tpu.memory_space<vmem>>, vector<1x128xf32>
    %mul3A_36 = vector.broadcast %get3A_35 : vector<1x128xf32> to vector<2560x128xf32>
    %mul3A_37 = arith.mulf %add3A_32, %mul3A_36 : vector<2560x128xf32>
    %reduce_sum3A_38 = arith.constant dense<0.000000e+00> : vector<2560xf32>
    %reduce_sum3A_39 = vector.multi_reduction <add>, %mul3A_37, %reduce_sum3A_38 [1] : vector<2560x128xf32> to vector<2560xf32>
    %broadcast_in_dim3A_40 = vector.shape_cast %reduce_sum3A_39 : vector<2560xf32> to vector<2560x1xf32>
    %get3A_41 = arith.constant 0 : index
    %get3A_42 = arith.constant 0 : index
    %get3A_43 = vector.load %arg8[%get3A_41, %get3A_42] : memref<1x1xf32, #tpu.memory_space<vmem>>, vector<1x1xf32>
    %get3A_44 = vector.extract %get3A_43[0, 0] : f32 from vector<1x1xf32>
    %add3A_45 = vector.broadcast %get3A_44 : f32 to vector<2560x1xf32>
    %add3A_46 = arith.addf %broadcast_in_dim3A_40, %add3A_45 : vector<2560x1xf32>
    %logistic3A = arith.negf %add3A_46 : vector<2560x1xf32>
    %logistic3A_47 = math.exp %logistic3A : vector<2560x1xf32>
    %logistic3A_48 = arith.constant 1.000000e+00 : f32
    %logistic3A_49 = vector.broadcast %logistic3A_48 : f32 to vector<2560x1xf32>
    %logistic3A_50 = arith.addf %logistic3A_49, %logistic3A_47 : vector<2560x1xf32>
    %logistic3A_51 = arith.divf %logistic3A_49, %logistic3A_50 : vector<2560x1xf32>
    %mul3A_52 = vector.broadcast %logistic3A_51 : vector<2560x1xf32> to vector<2560x128xf32>
    %mul3A_53 = arith.mulf %add3A_32, %mul3A_52 : vector<2560x128xf32>
    %swap3A = arith.constant 0 : index
    %swap3A_54 = arith.constant 0 : index
    %swap3A_55 = vector.load %arg9[%swap3A, %swap3A_54] : memref<2560x128xf32, #tpu.memory_space<vmem>>, vector<2560x128xf32>
    tpu.vector_store %arg9[%swap3A, %swap3A_54], %mul3A_53 {strides = array<i32>} : memref<2560x128xf32, #tpu.memory_space<vmem>>, vector<2560x128xf32>,
    return
  }
  func.func @transform_0(%arg0: i32) -> (i32, i32) {
    %c0_i32 = arith.constant 0 : i32
    %c0_i32_0 = arith.constant 0 : i32
    return %arg0, %c0_i32 : i32, i32
  }
  func.func @transform_1(%arg0: i32) -> (i32, i32, i32) {
    %c0_i32 = arith.constant 0 : i32
    %c0_i32_0 = arith.constant 0 : i32
    %c0_i32_1 = arith.constant 0 : i32
    return %c0_i32, %arg0, %c0_i32_0 : i32, i32, i32
  }
  func.func @transform_2(%arg0: i32) -> (i32, i32, i32) {
    %c1_i32 = arith.constant 1 : i32
    %c0_i32 = arith.constant 0 : i32
    %c0_i32_0 = arith.constant 0 : i32
    return %c1_i32, %arg0, %c0_i32 : i32, i32, i32
  }
  func.func @transform_3(%arg0: i32) -> (i32, i32) {
    %c0_i32 = arith.constant 0 : i32
    %c0_i32_0 = arith.constant 0 : i32
    return %c0_i32, %arg0 : i32, i32
  }
  func.func @transform_4(%arg0: i32) -> (i32, i32) {
    %c0_i32 = arith.constant 0 : i32
    %c0_i32_0 = arith.constant 0 : i32
    %c0_i32_1 = arith.constant 0 : i32
    return %c0_i32, %c0_i32_0 : i32, i32
  }
  func.func @transform_5(%arg0: i32) -> (i32, i32) {
    %c0_i32 = arith.constant 0 : i32
    %c0_i32_0 = arith.constant 0 : i32
    %c0_i32_1 = arith.constant 0 : i32
    return %c0_i32, %c0_i32_0 : i32, i32
  }
  func.func @transform_6(%arg0: i32) -> (i32, i32) {
    %c0_i32 = arith.constant 0 : i32
    %c0_i32_0 = arith.constant 0 : i32
    %c0_i32_1 = arith.constant 0 : i32
    return %c0_i32, %c0_i32_0 : i32, i32
  }
  func.func @transform_7(%arg0: i32) -> (i32, i32) {
    %c0_i32 = arith.constant 0 : i32
    %c0_i32_0 = arith.constant 0 : i32
    %c0_i32_1 = arith.constant 0 : i32
    return %c0_i32, %c0_i32_0 : i32, i32
  }
  func.func @transform_8(%arg0: i32) -> (i32, i32) {
    %c0_i32 = arith.constant 0 : i32
    %c0_i32_0 = arith.constant 0 : i32
    return %arg0, %c0_i32 : i32, i32
  }
}

module attributes {stable_mosaic.version = 14 : i64} {
  func.func @_enc_body(%arg0: i32, %arg1: memref<1000x128xf32, #tpu.memory_space<vmem>>, %arg2: memref<128x128xf32, #tpu.memory_space<vmem>>, %arg3: memref<1x128xf32, #tpu.memory_space<vmem>>, %arg4: memref<1000x128xf32, #tpu.memory_space<vmem>>) attributes {dimension_semantics = [#tpu.dimension_semantics<arbitrary>], iteration_bounds = array<i64: 10>, scalar_prefetch = 0 : i64, scratch_operands = 0 : i64, tpu.core_type = #tpu.core_type<tc>, window_params = [{transform_indices = @transform_0, window_bounds = array<i64: 1000, 128>}, {pipeline_mode = #tpu.pipeline_mode<synchronous>, transform_indices = @transform_1, window_bounds = array<i64: 128, 128>}, {pipeline_mode = #tpu.pipeline_mode<synchronous>, transform_indices = @transform_2, window_bounds = array<i64: 1, 128>}, {transform_indices = @transform_3, window_bounds = array<i64: 1000, 128>}]} {
    %get3A = arith.constant 0 : index
    %get3A_0 = arith.constant 0 : index
    %get3A_1 = vector.load %arg1[%get3A, %get3A_0] : memref<1000x128xf32, #tpu.memory_space<vmem>>, vector<1000x128xf32>
    %get3A_2 = arith.constant 0 : index
    %get3A_3 = arith.constant 0 : index
    %get3A_4 = vector.load %arg2[%get3A_2, %get3A_3] : memref<128x128xf32, #tpu.memory_space<vmem>>, vector<128x128xf32>
    %dot_general3A = arith.constant dense<0.000000e+00> : vector<1000x128xf32>
    %dot_general3A_5 = tpu.matmul %get3A_1, %get3A_4, %dot_general3A {dimension_numbers = #tpu.dot_dimension_numbers<[1], [0], [0], [1], [0, 0, 1, 1], [], []>, transpose_lhs_hint = false} : vector<1000x128xf32>, vector<128x128xf32>, vector<1000x128xf32> -> vector<1000x128xf32>
    %get3A_6 = arith.constant 0 : index
    %get3A_7 = arith.constant 0 : index
    %get3A_8 = vector.load %arg3[%get3A_6, %get3A_7] : memref<1x128xf32, #tpu.memory_space<vmem>>, vector<1x128xf32>
    %add3A = vector.broadcast %get3A_8 : vector<1x128xf32> to vector<1000x128xf32>
    %add3A_9 = arith.addf %dot_general3A_5, %add3A : vector<1000x128xf32>
    %swap3A = arith.constant 0 : index
    %swap3A_10 = arith.constant 0 : index
    %swap3A_11 = vector.load %arg4[%swap3A, %swap3A_10] : memref<1000x128xf32, #tpu.memory_space<vmem>>, vector<1000x128xf32>
    tpu.vector_store %arg4[%swap3A, %swap3A_10], %add3A_9 {strides = array<i32>} : memref<1000x128xf32, #tpu.memory_space<vmem>>, vector<1000x128xf32>,
    return
  }
  func.func @transform_0(%arg0: i32) -> (i32, i32) {
    %c0_i32 = arith.constant 0 : i32
    %c0_i32_0 = arith.constant 0 : i32
    return %arg0, %c0_i32 : i32, i32
  }
  func.func @transform_1(%arg0: i32) -> (i32, i32) {
    %c0_i32 = arith.constant 0 : i32
    %c0_i32_0 = arith.constant 0 : i32
    %c0_i32_1 = arith.constant 0 : i32
    return %c0_i32, %c0_i32_0 : i32, i32
  }
  func.func @transform_2(%arg0: i32) -> (i32, i32) {
    %c0_i32 = arith.constant 0 : i32
    %c0_i32_0 = arith.constant 0 : i32
    %c0_i32_1 = arith.constant 0 : i32
    return %c0_i32, %c0_i32_0 : i32, i32
  }
  func.func @transform_3(%arg0: i32) -> (i32, i32) {
    %c0_i32 = arith.constant 0 : i32
    %c0_i32_0 = arith.constant 0 : i32
    return %arg0, %c0_i32 : i32, i32
  }
}

</mosaic_0001>

<sc_bundles>
// kernel: kernel.5.cloned.1.call-start
scs
__scs_entry_jumppad:
0x0: {  	(pc) =	sbr.rel $0x88, $3  }
0x1: {  	(tag) =	ssettag $0x0;
	lr =	simm.s32 $0x1  }
0x2: {  	[smem:$0x3F9B] =	sst lr;
	_ =	strace $0xD0000000  }
0x3: {  	_ = 	snop  }
0x4: {  	_ = 	snop  }
0x5: {  	_ = 	snop  }
0x6: {  	_ = 	snop  }
0x7: {  	_ = 	snop  }
__scs_overlays_trampoline_lowered:
0x8: {  	[smem:$0x3FAA] =	sst s0  }
0x9: {  	[smem:$0x3FAB] =	sst s1  }
0xa: {  	[smem:$0x3FAC] =	sst s2  }
0xb: {  	[smem:$0x3FAD] =	sst s3  }
0xc: {  	[smem:$0x3FAE] =	sst s4  }
0xd: {  	[smem:$0x3FAF] =	sst s5  }
0xe: {  	[smem:$0x3FB0] =	sst s6  }
0xf: {  	[smem:$0x3FB1] =	sst s7  }
0x10: {  	[smem:$0x3FB2] =	sst s8  }
0x11: {  	[smem:$0x3FB3] =	sst s9;
	s0 =	simm.s32 @!p0 $0x0  }
0x12: {  	s1 =	sld [smem:$0x3F99];
	s0 =	simm.s32 @p0 $0x1  }
0x13: {  	[smem:$0x3FB4] =	sst s0;
	s0 =	simm.s32 @!p1 $0x0  }
0x14: {  	s2 =	sld [smem:$0x3F98];
	s0 =	simm.s32 @p1 $0x1  }
0x15: {  	[smem:$0x3FB5] =	sst s0;
	s0 =	simm.s32 @!p2 $0x0  }
0x16: {  	s3 =	sld [smem:$0x3FDB];
	s0 =	simm.s32 @p2 $0x1  }
0x17: {  	s4 =	simm.s32 $0x1BF5;
	[smem:$0x3FB7] =	sst s0  }
0x18: {  	s0 =	sld [smem:$0x3F9A];
	_ =	swait.ge [sflag:s4], $0x0  }
0x19: {  	s7 =	sld [smem:$0x3F9B]  }
0x1a: {  	s8 =	sadd.s32 $0xFFFFE003, lr  }
0x1b: {  	s9 =	sadd.s32 $0xFFFFFEF7, lr;
	s5 =	simm.s32 $0xFFFFFFFF;
	p2 =	slt.u32 s8, $0xFFFFF086  }
0x1c: {  	p1 =	slt.u32 s9, $0xF7A;
	s5 =	simm.s32 @!p2 $0x0  }
0x1d: {  	s5 =	simm.s32 @p1 $0x1;
	p0 =	seq.s32 s7, s2  }
0x1e: {  	s7 =	smul.u32 @!p0 $0xF7A, s2;
	p2 =	seq.s32 @!p0 s5, $0x0  }
0x1f: {  	s9 =	smul.u32 $0xF7A, s1;
	s8 =	simm.s32 @!p0 $0x1BF5;
	p2 =	por !p2, p0  }
0x20: {  	[sflag:s8] =	ssyncset.s32 @!p0 $0xFFFFF086;
	s6 =	sadd.s32 @!p0 s3, s7;
	s7 =	simm.s32 @!p0 $0x108  }
0x21: {  	s3 =	sadd.s32 s3, s9;
	s6 =	sadd.s32 @!p0 $0x88, s6;
	s7 =	simm.s32 @p2 $0x1082  }
0x22: {  	[simem:s7], [sflag:s8] =	dma.local @!p0 [hbm:s6], $0xF7A  }
0x23: {  	s9 =	sor.u32 $0xD0000000, s2;
	s6 =	simm.s32 $0x108;
	_ =	swait.ge @!p0 [sflag:s8], $0x0  }
0x24: {  	s3 =	sadd.s32 $0x88, s3;
	s6 =	simm.s32 @!p1 $0x1082;
	[sflag:s4] =	ssyncset.s32 $0xFFFFF086  }
0x25: {  	[simem:s6], [sflag:s4] =	dma.local [hbm:s3], $0xF7A  }
0x26: {  	[smem:$0x3F9B] =	sst s1;
	(tag) =	ssettag s2;
	_ =	strace s9  }
0x27: {  	s1 =	sld [smem:$0x3FAB]  }
0x28: {  	s2 =	sld [smem:$0x3FAC]  }
0x29: {  	s4 =	sld [smem:$0x3FAE]  }
0x2a: {  	p0 =	seq.s32 s5, $0x0;
	s5 =	sld [smem:$0x3FAF]  }
0x2b: {  	s6 =	sld [smem:$0x3FB0]  }
0x2c: {  	s7 =	sld [smem:$0x3FB1]  }
0x2d: {  	s3 =	simm.s32 $0x108;
	s8 =	sld [smem:$0x3FB2]  }
0x2e: {  	s3 =	simm.s32 @!p0 $0x1082;
	s9 =	sld [smem:$0x3FB3]  }
0x2f: {  	lr =	sadd.s32 s0, s3;
	s0 =	sld [smem:$0x3FAA]  }
0x30: {  	s3 =	sld [smem:$0x3FAD]  }
0x31: {  	[smem:$0x3FB6] =	sst s10  }
0x32: {  	s10 =	sld [smem:$0x3FB4];
	_ =	sdelay $0x3  }
0x33: {  	p0 =	seq.s32 s10, $0x1;
	s10 =	sld [smem:$0x3FB6];
	_ =	sdelay $0x3  }
0x34: {  	[smem:$0x3FB6] =	sst s10  }
0x35: {  	s10 =	sld [smem:$0x3FB5];
	_ =	sdelay $0x3  }
0x36: {  	p1 =	seq.s32 s10, $0x1;
	s10 =	sld [smem:$0x3FB6];
	_ =	sdelay $0x3  }
0x37: {  	[smem:$0x3FB6] =	sst s10  }
0x38: {  	s10 =	sld [smem:$0x3FB7]  }
0x39: {  	_ = 	snop;
	(pc) =	sbr.ind lr, $3  }
0x3a: {  	_ = 	snop  }
0x3b: {  	_ = 	snop  }
0x3c: {  	p2 =	seq.s32 s10, $0x1;
	s10 =	sld [smem:$0x3FB6]  }
0x3d: {  	_ =	shalt  }
0x3e: {  	_ =	shalt  }
0x3f: {  	_ =	shalt  }
0x40: {  	_ =	shalt  }
0x41: {  	_ =	shalt  }
0x42: {  	_ =	shalt  }
0x43: {  	_ =	shalt  }
0x44: {  	_ =	shalt  }
0x45: {  	_ =	shalt  }
0x46: {  	_ =	shalt  }
0x47: {  	_ =	shalt  }
0x48: {  	_ =	shalt  }
0x49: {  	_ =	shalt  }
0x4a: {  	_ =	shalt  }
0x4b: {  	_ =	shalt  }
0x4c: {  	_ =	shalt  }
0x4d: {  	_ =	shalt  }
0x4e: {  	_ =	shalt  }
0x4f: {  	_ =	shalt  }
0x50: {  	_ =	shalt  }
0x51: {  	_ =	shalt  }
0x52: {  	_ =	shalt  }
0x53: {  	_ =	shalt  }
0x54: {  	_ =	shalt  }
0x55: {  	_ =	shalt  }
0x56: {  	_ =	shalt  }
0x57: {  	_ =	shalt  }
0x58: {  	_ =	shalt  }
0x59: {  	_ =	shalt  }
0x5a: {  	_ =	shalt  }
0x5b: {  	_ =	shalt  }
0x5c: {  	_ =	shalt  }
0x5d: {  	_ =	shalt  }
0x5e: {  	_ =	shalt  }
0x5f: {  	_ =	shalt  }
0x60: {  	_ =	shalt  }
0x61: {  	_ =	shalt  }
0x62: {  	_ =	shalt  }
0x63: {  	_ =	shalt  }
0x64: {  	_ =	shalt  }
0x65: {  	_ =	shalt  }
0x66: {  	_ =	shalt  }
0x67: {  	_ =	shalt  }
0x68: {  	_ =	shalt  }
0x69: {  	_ =	shalt  }
0x6a: {  	_ =	shalt  }
0x6b: {  	_ =	shalt  }
0x6c: {  	_ =	shalt  }
0x6d: {  	_ =	shalt  }
0x6e: {  	_ =	shalt  }
0x6f: {  	_ =	shalt  }
0x70: {  	_ =	shalt  }
0x71: {  	_ =	shalt  }
0x72: {  	_ =	shalt  }
0x73: {  	_ =	shalt  }
0x74: {  	_ =	shalt  }
0x75: {  	_ =	shalt  }
0x76: {  	_ =	shalt  }
0x77: {  	_ =	shalt  }
0x78: {  	_ =	shalt  }
0x79: {  	_ =	shalt  }
0x7a: {  	_ =	shalt  }
0x7b: {  	_ =	shalt  }
0x7c: {  	_ =	shalt  }
0x7d: {  	_ =	shalt  }
0x7e: {  	_ =	shalt  }
0x7f: {  	_ =	shalt  }
0x80: {  	_ =	shalt  }
0x81: {  	_ =	shalt  }
0x82: {  	_ =	shalt  }
0x83: {  	_ =	shalt  }
0x84: {  	_ =	shalt  }
0x85: {  	_ =	shalt  }
0x86: {  	_ =	shalt  }
0x87: {  	_ =	shalt  }
.Lfunc_end0:
.L_simem_size_0:
called_computation_lowered:
.L_overlay_start_0:
0x88: {  	s2 =	sld [smem:$0x3FD9]  }
0x89: {  	s3 =	sld [smem:$0x3FFE];
	_ =	sdelay $0x1  }
0x8a: {  	s1 =	srdreg.scid  }
0x8b: {  	s0 =	sand.u32 $0x1, s1  }
0x8c: {  	s17 =	sshll.u32 s0, $0xA;
	s2 =	sadd.s32 s3, s2  }
0x8d: {  	s2 =	sadd.s32 s2, s17  }
0x8e: {  	[smem:$0x3FC2] =	sst s2  }
0x8f: {  	_ = 	snop  }
0x90: {  	s2 =	sld [smem:$0x3FC9]  }
0x91: {  	s18 =	sld [smem:$0x3FC8]  }
0x92: {  	s4 =	sld [smem:$0x3FD0];
	(tm) =	ssettm $0x1  }
0x93: {  	s5 =	sld [smem:$0x3FFB];
	_ =	sdelay $0x3  }
0x94: {  	_ =	strace s5  }
0x95: {  	s5 =	sld [smem:$0x3FFC];
	_ =	sdelay $0x3  }
0x96: {  	_ =	strace s5  }
0x97: {  	s5 =	sld [smem:$0x3FFD];
	_ =	sdelay $0x3  }
0x98: {  	_ =	strace s5  }
0x99: {  	_ =	strace $0x8FFFFFFF  }
0x9a: {  	s19 =	sld [smem:$0x3FDB];
	_ =	sdelay $0x1  }
0x9b: {  	s6 =	simm.s32 $_scs_section_size  }
0x9c: {  	s7 =	simm.s32 $_size__tile_overlayer_lowered;
	s8 =	simm.s32 $_tile_overlayer_lowered  }
0x9d: {  	s22 =	simm.s32 $0x1BFF;
	s21 =	sshll.u32 s8, $0x1;
	s5 =	sadd.s32 s6, s19  }
0x9e: {  	s9 =	simm.s32 $0x0;
	s20 =	sshll.u32 s7, $0x1;
	s7 =	sadd.s32 s21, s5  }
0x9f: {  	[timem:s9], [sflag:s22] =	dma.local [hbm:s7], s20  }
0xa0: {  	_ =	swait.ge [sflag:s22], s20  }
0xa1: {  	s6 =	ssub.s32 $0x0, s20;
	[sflag:s22] =	ssyncset.done $0x0  }
0xa2: {  	[sflag:s22] =	ssyncadd.s32 s6;
	_ =	sdelay $0x1  }
0xa3: {  	s23 =	simm.s32 $0x1B8B  }
0xa4: {  	_ =	swait.ge [sflag:s23], $0x1  }
0xa5: {  	[sflag:s23] =	ssyncset.done $0x0  }
0xa6: {  	s25 =	simm.s32 $0x1B8E;
	s24 =	sld [smem:$0x3FFE];
	[sflag:s23] =	ssyncadd.s32 $0xFFFFFFFF  }
0xa7: {  	s26 =	simm.s32 $execute0_lowered;
	[smem:$0x3FD2] =	sst s25  }
0xa8: {  	s7 =	sshll.u32 s26, $0x1;
	_ =	strace $0x80000046;
	[dreg:$0x1] =	wrdreg $0xFFFFFFFF  }
0xa9: {  	s28 =	simm.s32 $_size_execute0_lowered;
	s5 =	sadd.s32 s5, s7;
	[dreg:$0x0] =	wrdreg $0x0  }
0xaa: {  	s7 =	sshll.u32 s28, $0x1;
	[dreg:$0x2] =	wrdreg s5  }
0xab: {  	[dreg:$0x3] =	wrdreg s7  }
0xac: {  	[dreg:$0x4] =	wrdreg $0xC0  }
0xad: {  	_ =	task [dreg:s9], $0x5FFFF  }
0xae: {  	[dreg:$0x1] =	wrdreg $0xFFFFFFFF  }
0xaf: {  	[dreg:$0x0] =	wrdreg $0x60  }
0xb0: {  	[dreg:$0x2] =	wrdreg s2  }
0xb1: {  	[dreg:$0x3] =	wrdreg s18  }
0xb2: {  	[dreg:$0x4] =	wrdreg s24  }
0xb3: {  	[dreg:$0x5] =	wrdreg s4  }
0xb4: {  	[dreg:$0x6] =	wrdreg $0xAF800  }
0xb5: {  	[dreg:$0x7] =	wrdreg $0x9  }
0xb6: {  	_ =	task.clear_ibuf [dreg:s9], $0x8FFFF;
	_ =	strace $0x90000046  }
0xb7: {  	s29 =	simm.s32 $0x9;
	_ =	strace $0x80000048  }
0xb8: {  	_ =	swait.ge [sflag:s29], $0x1  }
0xb9: {  	[sflag:s29] =	ssyncadd.s32 $0xFFFFFFFF  }
0xba: {  	_ =	strace $0x90000048  }
0xbb: {  	_ =	sfence  }
0xbc: {  	s30 =	sld [smem:$0x0];
	_ =	sdelay $0x2  }
0xbd: {  	s31 =	sshll.u32 s1, $0xD;
	s1 =	sshrl.u32 s1, $0x2  }
0xbe: {  	s3 =	sand.u32 $0x4000, s31;
	s1 =	sadd.s32 s1, s30  }
0xbf: {  	s0 =	sor.u32 s3, s0;
	s1 =	sshll.u32 s1, $0x11  }
0xc0: {  	s0 =	sor.u32 s1, s0  }
0xc1: {  	s0 =	sadd.s32 $0x8F2B, s0  }
0xc2: {  	[sflag:s0] =	ssyncadd.remote.s32 $0x1  }
0xc3: {  	_ =	sfence.sel $0xFFFF  }
0xc4: {  	[dreg:$0x0] =	wrdreg $0xFFFFFFFF;
	(pc) =	sbr.abs _section_cstart, $3  }
0xc5: {  	[dreg:$0x1] =	wrdreg $0xFFFFFFFF  }
0xc6: {  	_ =	task.clear_ibuf [dreg:s9], $0x2FFFF;
	_ =	strace $0x9FFFFFFF  }
0xc7: {  	(tm) =	ssettm $0x7FFFFFFF  }
tec
execute0_lowered:
.L_overlay_start_1:
0x0: {  	(tag) =	ssettag $0x1  }
0x1: {  	s3 =	rddreg [dreg:$0x1]  }
0x2: {  	s6 =	rddreg [dreg:$0x3]  }
0x3: {  	s0 =	srdreg.scid;
	s31 =	rddreg [dreg:$0x0]  }
0x4: {  	s12 =	stileid.u32;
	s30 =	rddreg [dreg:$0x4]  }
0x5: {  	s8 =	simm.s32 $0x0;
	s5 =	sand.u32 $0x1, s0;
	s0 =	rddreg [dreg:$0x2]  }
0x6: {  	s29 =	smul.u32 $0x13C00, s12;
	[smem:$0x7FF] =	sst s8;
	s11 =	sshll.u32 s12, $0x7  }
0x7: {  	s1 =	sshll.u32 s5, $0x4;
	s2 =	smul.u32 $0x13C000, s5;
	s7 =	ssub.s32 $0x2, s5  }
0x8: {  	s8 =	sand.u32 $0x380, s11;
	s5 =	smul.u32 $0x50000, s5;
	s13 =	sor.u32 s12, s1  }
0x9: {  	s11 =	sadd.s32 $0x1C30, s0;
	s9 =	sshrl.u32 s7, $0x1;
	s4 =	smul.u32 $0xA00, s13  }
0xa: {  	s2 =	sadd.s32 s29, s2;
	s1 =	ssub.s32 s7, s9;
	s10 =	sshrl.u32 s13, $0x3  }
0xb: {  	s9 =	smul.u32 $0x5000, s12;
	[dreg:$0x6] =	wrdreg s13;
	p0 =	seq.s32 s13, $0x1F  }
0xc: {  	s7 =	smul.u32 $0x13C00, s10;
	s10 =	sadd.s32 $0x1C20, s0;
	s14 =	sadd.s32 s3, s4  }
0xd: {  	s5 =	sadd.s32 s9, s5;
	s9 =	sadd.s32 $0x1C50, s0;
	s15 =	sadd.s32 $0x18, s14  }
0xe: {  	s16 =	sadd.s32 $0x20, s14;
	s17 =	sadd.s32 $0x30, s14;
	s18 =	sadd.s32 $0x28, s14  }
0xf: {  	s19 =	sadd.s32 $0x38, s14;
	s20 =	sadd.s32 $0x40, s14;
	s21 =	sadd.s32 $0x50, s14  }
0x10: {  	s22 =	sadd.s32 $0x48, s14;
	s23 =	sadd.s32 $0x58, s14;
	s24 =	sadd.s32 $0x60, s14  }
0x11: {  	s7 =	sor.u32 s8, s7;
	s8 =	sadd.s32 $0x1C18, s0;
	s13 =	sor.u32 $0x400, s5  }
0x12: {  	s25 =	sor.u32 $0x680, s5;
	s7 =	sshrl.u32 s7, $0x3;
	s15 =	smov.u32 @p0 s8  }
0x13: {  	s8 =	sadd.s32 $0x1C40, s0;
	s16 =	smov.u32 @p0 s10;
	s17 =	smov.u32 @p0 s11  }
0x14: {  	s10 =	sadd.s32 $0x1C48, s0;
	s21 =	smov.u32 @p0 s9;
	[dreg:$0x8] =	wrdreg s15  }
0x15: {  	s6 =	sadd.s32 s6, s7;
	s7 =	sadd.s32 $0x1C38, s0;
	[dreg:$0x9] =	wrdreg s16  }
0x16: {  	[dreg:$0xa] =	wrdreg s17;
	s20 =	smov.u32 @p0 s8;
	s8 =	sadd.s32 $0x1C60, s0  }
0x17: {  	[dreg:$0xe] =	wrdreg s21;
	s15 =	sor.u32 $0x500, s5;
	s22 =	smov.u32 @p0 s10  }
0x18: {  	s16 =	sor.u32 $0x600, s5;
	s17 =	sor.u32 $0x700, s5;
	[dreg:$0x12] =	wrdreg s6  }
0x19: {  	s6 =	sadd.s32 $0x1C28, s0;
	s19 =	smov.u32 @p0 s7;
	[dreg:$0xd] =	wrdreg s20  }
0x1a: {  	s7 =	sadd.s32 $0x1C58, s0;
	[dreg:$0xf] =	wrdreg s22;
	s9 =	sshrl.u32 s16, $0x3  }
0x1b: {  	s24 =	smov.u32 @p0 s8;
	s20 =	sor.u32 $0x480, s5;
	[dreg:$0xc] =	wrdreg s19  }
0x1c: {  	s22 =	sor.u32 $0x580, s5;
	s18 =	smov.u32 @p0 s6;
	[dreg:$0x11] =	wrdreg s24  }
0x1d: {  	s6 =	sshrl.u32 s13, $0x3;
	s23 =	smov.u32 @p0 s7;
	[dreg:$0xb] =	wrdreg s18  }
0x1e: {  	s5 =	sor.u32 $0x780, s5;
	s6 =	sadd.s32 s6, s3;
	[dreg:$0x10] =	wrdreg s23  }
0x1f: {  	s7 =	sshrl.u32 s17, $0x3;
	s18 =	sadd.s32 s9, s3;
	[dreg:$0x13] =	wrdreg s6  }
0x20: {  	s19 =	sadd.s32 s7, s3;
	s6 =	sshrl.u32 s15, $0x3;
	[dreg:$0x15] =	wrdreg s18  }
0x21: {  	s21 =	sshrl.u32 s20, $0x3;
	[dreg:$0x16] =	wrdreg s19;
	s6 =	sadd.s32 s6, s3  }
0x22: {  	s5 =	sshrl.u32 s5, $0x3;
	s3 =	sadd.s32 $0x8, s3;
	[dreg:$0x14] =	wrdreg s6  }
0x23: {  	s7 =	sadd.s32 s4, s3;
	s23 =	sadd.s32 s21, s3;
	s4 =	sand.u32 $0x1FE80, s21  }
0x24: {  	s6 =	sshrl.u32 s22, $0x3;
	[dreg:$0x18] =	wrdreg s23;
	s4 =	sadd.s32 s4, s3  }
0x25: {  	s24 =	sadd.s32 s6, s3;
	s6 =	sand.u32 $0x1FEA0, s6;
	[dreg:$0x19] =	wrdreg s4  }
0x26: {  	[dreg:$0x1a] =	wrdreg s24;
	s4 =	sshrl.u32 s25, $0x3;
	s6 =	sadd.s32 s6, s3  }
0x27: {  	[dreg:$0x1b] =	wrdreg s6;
	s26 =	sand.u32 $0x1FEC0, s4;
	s4 =	sadd.s32 s4, s3  }
0x28: {  	s2 =	sshrl.u32 s2, $0x3;
	s6 =	sadd.s32 s5, s3;
	[dreg:$0x1c] =	wrdreg s4  }
0x29: {  	s8 =	sand.u32 $0x1FEE0, s5;
	s29 =	sadd.s32 s26, s3;
	[dreg:$0x1e] =	wrdreg s6  }
0x2a: {  	s5 =	sadd.s32 $0x1C70, s0;
	s3 =	sadd.s32 s8, s3;
	[dreg:$0x1d] =	wrdreg s29  }
0x2b: {  	s6 =	sadd.s32 $0x70, s14;
	s4 =	sadd.s32 $0x68, s14;
	[smem:$0x7D0] =	sst s3  }
0x2c: {  	s6 =	smov.u32 @p0 s5;
	s3 =	sadd.s32 $0x1C68, s0;
	s5 =	sadd.s32 $0x78, s14  }
0x2d: {  	[dreg:$0x1f] =	wrdreg s6;
	s4 =	smov.u32 @p0 s3;
	s3 =	sadd.s32 $0x1C78, s0  }
0x2e: {  	s1 =	smax.u32 s1, $0x1;
	[smem:$0x7D1] =	sst s4;
	s5 =	smov.u32 @p0 s3  }
0x2f: {  	s2 =	sadd.s32 s2, s0;
	s9 =	smul.u32 $0x4F000, s12;
	[smem:$0x7D2] =	sst s5  }
0x30: {  	s2 =	sadd.s32 $0x2600, s2;
	_ =	strace $0x80000047;
	[dreg:$0x7] =	wrdreg s14  }
0x31: {  	s10 =	sshrl.u32 s9, $0x2;
	s6 =	sadd.s32 $0x1C08, s0;
	[smem:$0x7D3] =	sst s2  }
0x32: {  	s20 =	sadd.s32 s10, s30;
	s7 =	smov.u32 @p0 s6;
	[smem:$0x7D4] =	sst s1  }
0x33: {  	s11 =	sadd.s32 $0x13800, s20;
	[dreg:$0x17] =	wrdreg s7  }
0x34: {  	s12 =	sadd.s32 $0x800, s20;
	[smem:$0x7D6] =	sst s11  }
0x35: {  	s13 =	sadd.s32 $0x1000, s20;
	[smem:$0x7D7] =	sst s12  }
0x36: {  	s15 =	sadd.s32 $0x2000, s20;
	[smem:$0x7D8] =	sst s13  }
0x37: {  	s16 =	sadd.s32 $0x2800, s20;
	[smem:$0x7DA] =	sst s15  }
0x38: {  	s17 =	sadd.s32 $0x3000, s20;
	[smem:$0x7DB] =	sst s16  }
0x39: {  	s18 =	sadd.s32 $0x3800, s20;
	[smem:$0x7DC] =	sst s17  }
0x3a: {  	s19 =	sadd.s32 $0x4000, s20;
	[smem:$0x7DD] =	sst s18  }
0x3b: {  	s21 =	sadd.s32 $0x4800, s20;
	[smem:$0x7DE] =	sst s19  }
0x3c: {  	s22 =	sadd.s32 $0x5000, s20;
	[smem:$0x7DF] =	sst s21  }
0x3d: {  	s23 =	sadd.s32 $0x5800, s20;
	[smem:$0x7E0] =	sst s22  }
0x3e: {  	s24 =	sadd.s32 $0x6000, s20;
	[smem:$0x7E1] =	sst s23  }
0x3f: {  	s25 =	sadd.s32 $0x6800, s20;
	[smem:$0x7E2] =	sst s24  }
0x40: {  	s26 =	sadd.s32 $0x7000, s20;
	[smem:$0x7E3] =	sst s25  }
0x41: {  	s29 =	sadd.s32 $0x7800, s20;
	[smem:$0x7E4] =	sst s26  }
0x42: {  	s3 =	sadd.s32 $0x9000, s20;
	[smem:$0x7E5] =	sst s29  }
0x43: {  	s8 =	sadd.s32 $0xA000, s20;
	[smem:$0x7E8] =	sst s3  }
0x44: {  	s9 =	sadd.s32 $0xA800, s20;
	[smem:$0x7EA] =	sst s8  }
0x45: {  	s10 =	sadd.s32 $0xB000, s20;
	s4 =	sadd.s32 $0x1C00, s0;
	[smem:$0x7EB] =	sst s9  }
0x46: {  	s5 =	sadd.s32 $0x1C10, s0;
	s0 =	sadd.s32 $0x10, s14;
	[smem:$0x7EC] =	sst s10  }
0x47: {  	s0 =	smov.u32 @p0 s5;
	[smem:$0x7FD] =	sst s20  }
0x48: {  	s14 =	sadd.s32 $0x1800, s20;
	[smem:$0x7D5] =	sst s0  }
0x49: {  	s1 =	sadd.s32 $0x8000, s20;
	[smem:$0x7D9] =	sst s14  }
0x4a: {  	s2 =	sadd.s32 $0x8800, s20;
	[smem:$0x7E6] =	sst s1  }
0x4b: {  	s7 =	sadd.s32 $0x9800, s20;
	[smem:$0x7E7] =	sst s2  }
0x4c: {  	s11 =	sadd.s32 $0xB800, s20;
	[smem:$0x7E9] =	sst s7  }
0x4d: {  	s12 =	sadd.s32 $0xC000, s20;
	[smem:$0x7ED] =	sst s11  }
0x4e: {  	s13 =	sadd.s32 $0xC800, s20;
	[smem:$0x7EE] =	sst s12  }
0x4f: {  	s15 =	sadd.s32 $0xD800, s20;
	[smem:$0x7EF] =	sst s13  }
0x50: {  	s16 =	sadd.s32 $0xE000, s20;
	[smem:$0x7F1] =	sst s15  }
0x51: {  	s17 =	sadd.s32 $0xE800, s20;
	[smem:$0x7F2] =	sst s16  }
0x52: {  	s18 =	sadd.s32 $0xF000, s20;
	[smem:$0x7F3] =	sst s17  }
0x53: {  	s19 =	sadd.s32 $0xF800, s20;
	[smem:$0x7F4] =	sst s18  }
0x54: {  	s21 =	sadd.s32 $0x10000, s20;
	[smem:$0x7F5] =	sst s19  }
0x55: {  	s28 =	simm.s32 $0x1;
	s22 =	sadd.s32 $0x10800, s20;
	[smem:$0x7F6] =	sst s21  }
0x56: {  	s23 =	sadd.s32 $0x11000, s20;
	s24 =	sadd.s32 $0x11800, s20;
	[smem:$0x7F7] =	sst s22  }
0x57: {  	s25 =	sadd.s32 $0x12000, s20;
	s26 =	sadd.s32 $0x12800, s20;
	[smem:$0x7F8] =	sst s23  }
0x58: {  	s29 =	sadd.s32 $0x13000, s20;
	s10 =	simm.s32 $0x4800;
	[smem:$0x7F9] =	sst s24  }
0x59: {  	s8 =	simm.s32 $0x8800;
	s3 =	simm.s32 $0x9;
	[smem:$0x7FA] =	sst s25  }
0x5a: {  	s9 =	simm.s32 $0x3;
	s14 =	sadd.s32 $0xD000, s20;
	[smem:$0x7FB] =	sst s26  }
0x5b: {  	[smem:$0x7FC] =	sst s29;
	s22 =	simm.s32 $0x100;
	s23 =	simm.s32 $0x200  }
.Ltmp0:
0x5c: {  	s2 =	simm.s32 $0x780;
	s13 =	simm.s32 $0x800;
	(pc) =	sbr.rel .LBB2_1-.Ltmp0, $4  }
0x5d: {  	s24 =	simm.s32 $0xD;
	s19 =	simm.s32 $0x40;
	s0 =	simm.s32 $0x2800  }
0x5e: {  	s11 =	simm.s32 $0x6800;
	s7 =	simm.s32 $0x2;
	s12 =	simm.s32 $0xA  }
0x5f: {  	s1 =	simm.s32 $0xB;
	s15 =	simm.s32 $0x4;
	s16 =	simm.s32 $0xC  }
0x60: {  	v0 =	vimm.f32 $0.0e+00;
	v1 =	vimm.f32 $1.000000000e+00;
	s18 =	simm.s32 $0x0;
	[smem:$0x7F0] =	sst s14;
	s14 =	simm.s32 $0x8  }
.LBB2_10:
0x61: {  	[bflag:$0x0] =	sbarrier.arrive $0xFFFF  }
0x62: {  	s20 =	sld [smem:$0x7FD]  }
0x63: {  	s17 =	stileid.u32;
	s21 =	sld [smem:$0x7D3]  }
0x64: {  	s17 =	sshll.u32 s17, $0x6  }
0x65: {  	s24 =	simm.s32 $0xD;
	s17 =	sor.u32 $0x1C0D, s17;
	s18 =	sshrl.u32 s20, $0x3  }
0x66: {  	[hbm:s21], [sflag:s17] =	dma.local [spmem:s18], $0x2780  }
0x67: {  	_ =	swait.ge [sflag:s24], $0x2780  }
0x68: {  	s23 =	simm.s32 $0x80;
	[sflag:s24] =	ssyncset.done $0x0  }
0x69: {  	s25 =	simm.s32 $0x400;
	s22 =	rddreg [dreg:$0x12];
	[sflag:s24] =	ssyncadd.s32 $0xFFFFD880  }
0x6a: {  	[hbm4b:s22+s23] =	stream.strided.scatter [tilespmem:s8], [sflag:$0xD], $0x2780, s25, s23, $0x38;
	[tilespmem:$0x1EB80] =	vst v63  }
0x6b: {  	_ =	swait.ge [sflag:s24], $0x2780  }
0x6c: {  	s26 =	sld [smem:$0x7CF]  }
0x6d: {  	s29 =	sld [smem:$0x7D4];
	_ =	sdelay $0x1  }
0x6e: {  	s18 =	sadd.s32 $0x1, s26  }
0x6f: {  	p1 =	sne.s32 s18, s29  }
.Ltmp1:
0x70: {  	_ = 	snop;
	(pc) =	sbr.rel @!p1 .LBB2_11-.Ltmp1, $3  }
0x71: {  	_ =	sdelay $0x1  }
0x72: {  	[sflag:s24] =	ssyncset.done $0x0  }
0x73: {  	s22 =	simm.s32 $0x100;
	s23 =	simm.s32 $0x200;
	[sflag:s24] =	ssyncadd.s32 $0xFFFFD880  }
.LBB2_1:
0x74: {  	[smem:$0x7CF] =	sst s18;
	s17 =	simm.s32 $0x40;
	s18 =	simm.s32 $0x0  }
.LBB2_2:
0x75: {  	p1 =	sne.s32 s17, $0x9DC0;
	[tilespmem:s18+$0x8800] =	vst v0;
	s18 =	smov.u32 s17;
	s17 =	sadd.s32 $0x40, s17  }
.Ltmp2:
0x76: {  	(pc) =	sbr.rel @p1 .LBB2_2-.Ltmp2, $2  }
0x77: {  	_ =	sdelay $0x2  }
0x78: {  	s18 =	sshra.s32 s18, $0x2  }
0x79: {  	s17 =	rddreg [dreg:$0x7]  }
0x7a: {  	[tilespmem:s18+$0x8800] =	vst v0;
	s18 =	simm.s32 $0x0;
	s29 =	sld [smem:$0x7D5];
	s17 =	smov.u32 @p0 s4  }
0x7b: {  	[tilespmem:s18], [sflag:$0x5] =	stream.linear.gather [hbm4b:s17+s18], $0x40, $0x38;
	[tilespmem:$0x1EB80] =	vst v63  }
0x7c: {  	s21 =	simm.s32 $0x80;
	s25 =	rddreg [dreg:$0x17]  }
0x7d: {  	[tilespmem:s21], [sflag:$0x5] =	stream.linear.gather [hbm4b:s29+s18], $0x40, $0x38;
	[tilespmem:$0x1EB80] =	vst v63  }
0x7e: {  	s26 =	rddreg [dreg:$0x8]  }
0x7f: {  	[tilespmem:s22], [sflag:$0x6] =	stream.linear.gather [hbm4b:s25+s18], $0x40, $0x38;
	[tilespmem:$0x1EB80] =	vst v63  }
0x80: {  	s29 =	simm.s32 $0x180;
	s21 =	rddreg [dreg:$0xb]  }
0x81: {  	[tilespmem:s29], [sflag:$0x6] =	stream.linear.gather [hbm4b:s26+s18], $0x40, $0x38;
	[tilespmem:$0x1EB80] =	vst v63  }
0x82: {  	s25 =	rddreg [dreg:$0x9]  }
0x83: {  	[tilespmem:s23], [sflag:$0x7] =	stream.linear.gather [hbm4b:s25+s18], $0x40, $0x38;
	[tilespmem:$0x1EB80] =	vst v63  }
0x84: {  	s26 =	rddreg [dreg:$0xa];
	s29 =	simm.s32 $0x280  }
0x85: {  	[tilespmem:s29], [sflag:$0x7] =	stream.linear.gather [hbm4b:s26+s18], $0x40, $0x38;
	[tilespmem:$0x1EB80] =	vst v63  }
0x86: {  	s25 =	simm.s32 $0x300;
	s26 =	rddreg [dreg:$0xc]  }
0x87: {  	[tilespmem:s25], [sflag:$0x8] =	stream.linear.gather [hbm4b:s21+s18], $0x40, $0x38;
	[tilespmem:$0x1EB80] =	vst v63  }
0x88: {  	s29 =	simm.s32 $0x380;
	s21 =	rddreg [dreg:$0xd]  }
0x89: {  	[tilespmem:s29], [sflag:$0x8] =	stream.linear.gather [hbm4b:s26+s18], $0x40, $0x38;
	[tilespmem:$0x1EB80] =	vst v63  }
0x8a: {  	s25 =	simm.s32 $0x400;
	s26 =	rddreg [dreg:$0xe]  }
0x8b: {  	[tilespmem:s25], [sflag:$0x9] =	stream.linear.gather [hbm4b:s21+s18], $0x40, $0x38;
	[tilespmem:$0x1EB80] =	vst v63  }
0x8c: {  	s29 =	simm.s32 $0x480;
	s21 =	rddreg [dreg:$0xf]  }
0x8d: {  	[tilespmem:s29], [sflag:$0x9] =	stream.linear.gather [hbm4b:s26+s18], $0x40, $0x38;
	[tilespmem:$0x1EB80] =	vst v63  }
0x8e: {  	s25 =	simm.s32 $0x500;
	s26 =	rddreg [dreg:$0x10]  }
0x8f: {  	[tilespmem:s25], [sflag:$0xA] =	stream.linear.gather [hbm4b:s21+s18], $0x40, $0x38;
	[tilespmem:$0x1EB80] =	vst v63  }
0x90: {  	s29 =	simm.s32 $0x580;
	s21 =	rddreg [dreg:$0x11]  }
0x91: {  	[tilespmem:s29], [sflag:$0xA] =	stream.linear.gather [hbm4b:s26+s18], $0x40, $0x38;
	[tilespmem:$0x1EB80] =	vst v63  }
0x92: {  	s25 =	simm.s32 $0x600;
	s26 =	rddreg [dreg:$0x1f]  }
0x93: {  	[tilespmem:s25], [sflag:$0xB] =	stream.linear.gather [hbm4b:s21+s18], $0x40, $0x38;
	[tilespmem:$0x1EB80] =	vst v63  }
0x94: {  	s29 =	simm.s32 $0x680;
	s25 =	sld [smem:$0x7D1]  }
0x95: {  	[tilespmem:s29], [sflag:$0xB] =	stream.linear.gather [hbm4b:s26+s18], $0x40, $0x38;
	[tilespmem:$0x1EB80] =	vst v63  }
0x96: {  	s26 =	simm.s32 $0x700;
	s29 =	sld [smem:$0x7D2]  }
0x97: {  	[tilespmem:s26], [sflag:$0xC] =	stream.linear.gather [hbm4b:s25+s18], $0x40, $0x38;
	[tilespmem:$0x1EB80] =	vst v63  }
0x98: {  	_ = 	snop  }
0x99: {  	[tilespmem:s2], [sflag:$0xC] =	stream.linear.gather [hbm4b:s29+s18], $0x40, $0x38;
	[tilespmem:$0x1EB80] =	vst v63  }
0x9a: {  	s17 =	simm.s32 $0x0;
	s18 =	simm.s32 $0x200  }
.LBB2_4:
0x9b: {  	p1 =	sne.s32 s18, $0x1E00;
	[tilespmem:s17+$0x870] =	vst v0  }
0x9c: {  	[tilespmem:s17+$0x800] =	vst v0  }
0x9d: {  	[tilespmem:s17+$0x810] =	vst v0  }
.Ltmp3:
0x9e: {  	[tilespmem:s17+$0x820] =	vst v0;
	(pc) =	sbr.rel @p1 .LBB2_4-.Ltmp3, $4  }
0x9f: {  	[tilespmem:s17+$0x830] =	vst v0  }
0xa0: {  	[tilespmem:s17+$0x840] =	vst v0  }
0xa1: {  	[tilespmem:s17+$0x850] =	vst v0  }
0xa2: {  	[tilespmem:s17+$0x860] =	vst v0;
	s17 =	sshra.s32 s18, $0x2;
	s18 =	sadd.s32 $0x200, s18  }
0xa3: {  	[tilespmem:s17+$0x870] =	vst v0  }
0xa4: {  	[tilespmem:s17+$0x800] =	vst v0  }
0xa5: {  	[tilespmem:s17+$0x810] =	vst v0  }
0xa6: {  	[tilespmem:s17+$0x820] =	vst v0  }
0xa7: {  	[tilespmem:s17+$0x830] =	vst v0  }
0xa8: {  	[tilespmem:s17+$0x840] =	vst v0  }
0xa9: {  	[tilespmem:s17+$0x850] =	vst v0  }
0xaa: {  	[tilespmem:s17+$0x860] =	vst v0;
	s26 =	sld [smem:$0x7D7]  }
0xab: {  	[spmem:s20] =	stream.linear.scatter [tilespmem:s13], [sflag:$0x1], $0x800, $0x38;
	[tilespmem:$0x1EB80] =	vst v63  }
0xac: {  	s29 =	sld [smem:$0x7D8]  }
0xad: {  	[spmem:s26] =	stream.linear.scatter [tilespmem:s13], [sflag:$0x1], $0x800, $0x38;
	[tilespmem:$0x1EB80] =	vst v63  }
0xae: {  	s18 =	sld [smem:$0x7D9]  }
0xaf: {  	[spmem:s29] =	stream.linear.scatter [tilespmem:s13], [sflag:$0x1], $0x800, $0x38;
	[tilespmem:$0x1EB80] =	vst v63  }
0xb0: {  	s20 =	sld [smem:$0x7DA]  }
0xb1: {  	[spmem:s18] =	stream.linear.scatter [tilespmem:s13], [sflag:$0x1], $0x800, $0x38;
	[tilespmem:$0x1EB80] =	vst v63  }
0xb2: {  	s21 =	sld [smem:$0x7DB]  }
0xb3: {  	[spmem:s20] =	stream.linear.scatter [tilespmem:s13], [sflag:$0x1], $0x800, $0x38;
	[tilespmem:$0x1EB80] =	vst v63  }
0xb4: {  	s25 =	sld [smem:$0x7DC]  }
0xb5: {  	[spmem:s21] =	stream.linear.scatter [tilespmem:s13], [sflag:$0x1], $0x800, $0x38;
	[tilespmem:$0x1EB80] =	vst v63  }
0xb6: {  	s26 =	sld [smem:$0x7DD]  }
0xb7: {  	[spmem:s25] =	stream.linear.scatter [tilespmem:s13], [sflag:$0x1], $0x800, $0x38;
	[tilespmem:$0x1EB80] =	vst v63  }
0xb8: {  	s29 =	sld [smem:$0x7DE]  }
0xb9: {  	[spmem:s26] =	stream.linear.scatter [tilespmem:s13], [sflag:$0x1], $0x800, $0x38;
	[tilespmem:$0x1EB80] =	vst v63  }
0xba: {  	s18 =	sld [smem:$0x7DF]  }
0xbb: {  	[spmem:s29] =	stream.linear.scatter [tilespmem:s13], [sflag:$0x1], $0x800, $0x38;
	[tilespmem:$0x1EB80] =	vst v63  }
0xbc: {  	s20 =	sld [smem:$0x7E0]  }
0xbd: {  	[spmem:s18] =	stream.linear.scatter [tilespmem:s13], [sflag:$0x1], $0x800, $0x38;
	[tilespmem:$0x1EB80] =	vst v63  }
0xbe: {  	s21 =	sld [smem:$0x7E1]  }
0xbf: {  	[spmem:s20] =	stream.linear.scatter [tilespmem:s13], [sflag:$0x1], $0x800, $0x38;
	[tilespmem:$0x1EB80] =	vst v63  }
0xc0: {  	s25 =	sld [smem:$0x7E2]  }
0xc1: {  	[spmem:s21] =	stream.linear.scatter [tilespmem:s13], [sflag:$0x1], $0x800, $0x38;
	[tilespmem:$0x1EB80] =	vst v63  }
0xc2: {  	s26 =	sld [smem:$0x7E3]  }
0xc3: {  	[spmem:s25] =	stream.linear.scatter [tilespmem:s13], [sflag:$0x1], $0x800, $0x38;
	[tilespmem:$0x1EB80] =	vst v63  }
0xc4: {  	s29 =	sld [smem:$0x7E4]  }
0xc5: {  	[spmem:s26] =	stream.linear.scatter [tilespmem:s13], [sflag:$0x1], $0x800, $0x38;
	[tilespmem:$0x1EB80] =	vst v63  }
0xc6: {  	s18 =	sld [smem:$0x7E5]  }
0xc7: {  	[spmem:s29] =	stream.linear.scatter [tilespmem:s13], [sflag:$0x1], $0x800, $0x38;
	[tilespmem:$0x1EB80] =	vst v63  }
0xc8: {  	s20 =	sld [smem:$0x7E6]  }
0xc9: {  	[spmem:s18] =	stream.linear.scatter [tilespmem:s13], [sflag:$0x1], $0x800, $0x38;
	[tilespmem:$0x1EB80] =	vst v63  }
0xca: {  	s21 =	sld [smem:$0x7E7]  }
0xcb: {  	[spmem:s20] =	stream.linear.scatter [tilespmem:s13], [sflag:$0x1], $0x800, $0x38;
	[tilespmem:$0x1EB80] =	vst v63  }
0xcc: {  	s25 =	sld [smem:$0x7E8]  }
0xcd: {  	[spmem:s21] =	stream.linear.scatter [tilespmem:s13], [sflag:$0x1], $0x800, $0x38;
	[tilespmem:$0x1EB80] =	vst v63  }
0xce: {  	s26 =	sld [smem:$0x7E9]  }
0xcf: {  	[spmem:s25] =	stream.linear.scatter [tilespmem:s13], [sflag:$0x1], $0x800, $0x38;
	[tilespmem:$0x1EB80] =	vst v63  }
0xd0: {  	s29 =	sld [smem:$0x7EA]  }
0xd1: {  	[spmem:s26] =	stream.linear.scatter [tilespmem:s13], [sflag:$0x1], $0x800, $0x38;
	[tilespmem:$0x1EB80] =	vst v63  }
0xd2: {  	s18 =	sld [smem:$0x7EB]  }
0xd3: {  	[spmem:s29] =	stream.linear.scatter [tilespmem:s13], [sflag:$0x1], $0x800, $0x38;
	[tilespmem:$0x1EB80] =	vst v63  }
0xd4: {  	s20 =	sld [smem:$0x7EC]  }
0xd5: {  	[spmem:s18] =	stream.linear.scatter [tilespmem:s13], [sflag:$0x1], $0x800, $0x38;
	[tilespmem:$0x1EB80] =	vst v63  }
0xd6: {  	s21 =	sld [smem:$0x7ED]  }
0xd7: {  	[spmem:s20] =	stream.linear.scatter [tilespmem:s13], [sflag:$0x1], $0x800, $0x38;
	[tilespmem:$0x1EB80] =	vst v63  }
0xd8: {  	s25 =	sld [smem:$0x7EE]  }
0xd9: {  	[spmem:s21] =	stream.linear.scatter [tilespmem:s13], [sflag:$0x1], $0x800, $0x38;
	[tilespmem:$0x1EB80] =	vst v63  }
0xda: {  	s26 =	sld [smem:$0x7EF]  }
0xdb: {  	[spmem:s25] =	stream.linear.scatter [tilespmem:s13], [sflag:$0x1], $0x800, $0x38;
	[tilespmem:$0x1EB80] =	vst v63  }
0xdc: {  	s29 =	sld [smem:$0x7F0]  }
0xdd: {  	[spmem:s26] =	stream.linear.scatter [tilespmem:s13], [sflag:$0x1], $0x800, $0x38;
	[tilespmem:$0x1EB80] =	vst v63  }
0xde: {  	s18 =	sld [smem:$0x7F1]  }
0xdf: {  	[spmem:s29] =	stream.linear.scatter [tilespmem:s13], [sflag:$0x1], $0x800, $0x38;
	[tilespmem:$0x1EB80] =	vst v63  }
0xe0: {  	s20 =	sld [smem:$0x7F2]  }
0xe1: {  	[spmem:s18] =	stream.linear.scatter [tilespmem:s13], [sflag:$0x1], $0x800, $0x38;
	[tilespmem:$0x1EB80] =	vst v63  }
0xe2: {  	s21 =	sld [smem:$0x7F3]  }
0xe3: {  	[spmem:s20] =	stream.linear.scatter [tilespmem:s13], [sflag:$0x1], $0x800, $0x38;
	[tilespmem:$0x1EB80] =	vst v63  }
0xe4: {  	s25 =	sld [smem:$0x7F4]  }
0xe5: {  	[spmem:s21] =	stream.linear.scatter [tilespmem:s13], [sflag:$0x1], $0x800, $0x38;
	[tilespmem:$0x1EB80] =	vst v63  }
0xe6: {  	s26 =	sld [smem:$0x7F5]  }
0xe7: {  	[spmem:s25] =	stream.linear.scatter [tilespmem:s13], [sflag:$0x1], $0x800, $0x38;
	[tilespmem:$0x1EB80] =	vst v63  }
0xe8: {  	s29 =	sld [smem:$0x7F6]  }
0xe9: {  	[spmem:s26] =	stream.linear.scatter [tilespmem:s13], [sflag:$0x1], $0x800, $0x38;
	[tilespmem:$0x1EB80] =	vst v63  }
0xea: {  	s18 =	sld [smem:$0x7F7]  }
0xeb: {  	[spmem:s29] =	stream.linear.scatter [tilespmem:s13], [sflag:$0x1], $0x800, $0x38;
	[tilespmem:$0x1EB80] =	vst v63  }
0xec: {  	s20 =	sld [smem:$0x7F8]  }
0xed: {  	[spmem:s18] =	stream.linear.scatter [tilespmem:s13], [sflag:$0x1], $0x800, $0x38;
	[tilespmem:$0x1EB80] =	vst v63  }
0xee: {  	s21 =	sld [smem:$0x7F9]  }
0xef: {  	[spmem:s20] =	stream.linear.scatter [tilespmem:s13], [sflag:$0x1], $0x800, $0x38;
	[tilespmem:$0x1EB80] =	vst v63  }
0xf0: {  	s25 =	sld [smem:$0x7FA]  }
0xf1: {  	[spmem:s21] =	stream.linear.scatter [tilespmem:s13], [sflag:$0x1], $0x800, $0x38;
	[tilespmem:$0x1EB80] =	vst v63  }
0xf2: {  	s26 =	sld [smem:$0x7FB]  }
0xf3: {  	[spmem:s25] =	stream.linear.scatter [tilespmem:s13], [sflag:$0x1], $0x800, $0x38;
	[tilespmem:$0x1EB80] =	vst v63  }
0xf4: {  	s29 =	sld [smem:$0x7FC]  }
0xf5: {  	[spmem:s26] =	stream.linear.scatter [tilespmem:s13], [sflag:$0x1], $0x800, $0x38;
	[tilespmem:$0x1EB80] =	vst v63  }
0xf6: {  	_ = 	snop  }
0xf7: {  	[spmem:s29] =	stream.linear.scatter [tilespmem:s13], [sflag:$0x1], $0x800, $0x38;
	[tilespmem:$0x1EB80] =	vst v63  }
0xf8: {  	_ =	swait.ge [sflag:s28], $0x800  }
0xf9: {  	s17 =	simm.s32 $0x26;
	[sflag:s28] =	ssyncset.done $0x0  }
.LBB2_6:
0xfa: {  	p1 =	sne.s32 s17, $0x1;
	s17 =	sadd.s32 $0xFFFFFFFF, s17;
	[sflag:s28] =	ssyncadd.s32 $0xFFFFF800  }
.Ltmp4:
0xfb: {  	(pc) =	sbr.rel @p1 .LBB2_6-.Ltmp4, $3  }
0xfc: {  	_ =	sdelay $0x1  }
0xfd: {  	_ =	swait.ge [sflag:s28], $0x800  }
0xfe: {  	[sflag:s28] =	ssyncset.done $0x0  }
0xff: {  	s17 =	sld [smem:$0x7D6];
	_ =	sdelay $0x1  }
0x100: {  	[sflag:s28] =	ssyncadd.s32 $0xFFFFF800  }
0x101: {  	[spmem:s17] =	stream.linear.scatter [tilespmem:s13], [sflag:$0xD], $0x400, $0x38;
	[tilespmem:$0x1EB80] =	vst v63  }
0x102: {  	_ =	swait.ge [sflag:s24], $0x400  }
0x103: {  	[sflag:s24] =	ssyncset.done $0x0  }
0x104: {  	s25 =	simm.s32 $0x5;
	[sflag:s24] =	ssyncadd.s32 $0xFFFFFC00  }
0x105: {  	_ =	swait.ge [sflag:s25], $0x40  }
0x106: {  	[sflag:s25] =	ssyncset.done $0x0  }
0x107: {  	[sflag:s25] =	ssyncadd.s32 $0xFFFFFFC0  }
0x108: {  	_ =	swait.ge [sflag:s25], $0x40  }
0x109: {  	[sflag:s25] =	ssyncset.done $0x0  }
0x10a: {  	s18 =	simm.s32 $0x6;
	s17 =	simm.s32 $0x0;
	[sflag:s25] =	ssyncadd.s32 $0xFFFFFFC0  }
0x10b: {  	[tilespmem:s13], [sflag:$0x1] =	stream.indirect.gather [hbm4b:s31+s19], $0x80, s17, s19, $0xb8;
	[tilespmem:$0x1EB80] =	vst v63  }
0x10c: {  	_ =	swait.ge [sflag:s18], $0x40  }
0x10d: {  	[sflag:s18] =	ssyncset.done $0x0  }
0x10e: {  	[sflag:s18] =	ssyncadd.s32 $0xFFFFFFC0  }
0x10f: {  	_ =	swait.ge [sflag:s18], $0x40  }
0x110: {  	[sflag:s18] =	ssyncset.done $0x0  }
0x111: {  	s26 =	simm.s32 $0x7;
	[sflag:s18] =	ssyncadd.s32 $0xFFFFFFC0  }
0x112: {  	[tilespmem:s0], [sflag:$0x2] =	stream.indirect.gather [hbm4b:s31+s19], $0x80, s22, s19, $0xb8;
	[tilespmem:$0x1EB80] =	vst v63  }
0x113: {  	_ =	swait.ge [sflag:s26], $0x40  }
0x114: {  	[sflag:s26] =	ssyncset.done $0x0  }
0x115: {  	[sflag:s26] =	ssyncadd.s32 $0xFFFFFFC0  }
0x116: {  	_ =	swait.ge [sflag:s26], $0x40  }
0x117: {  	[sflag:s26] =	ssyncset.done $0x0  }
0x118: {  	[sflag:s26] =	ssyncadd.s32 $0xFFFFFFC0  }
0x119: {  	[tilespmem:s10], [sflag:$0x3] =	stream.indirect.gather [hbm4b:s31+s19], $0x80, s23, s19, $0xb8;
	[tilespmem:$0x1EB80] =	vst v63  }
0x11a: {  	_ =	swait.ge [sflag:s14], $0x40  }
0x11b: {  	[sflag:s14] =	ssyncset.done $0x0  }
0x11c: {  	[sflag:s14] =	ssyncadd.s32 $0xFFFFFFC0  }
0x11d: {  	_ =	swait.ge [sflag:s14], $0x40  }
0x11e: {  	[sflag:s14] =	ssyncset.done $0x0  }
0x11f: {  	s29 =	simm.s32 $0x300;
	[sflag:s14] =	ssyncadd.s32 $0xFFFFFFC0  }
0x120: {  	[tilespmem:s11], [sflag:$0x4] =	stream.indirect.gather [hbm4b:s31+s19], $0x80, s29, s19, $0xb8;
	[tilespmem:$0x1EB80] =	vst v63  }
0x121: {  	s18 =	simm.s32 $0x0;
	[bflag:$0x0] =	sbarrier.arrive $0xFFFF  }
.LBB2_8:
0x122: {  	_ =	swait.ge [sflag:s28], $0x2000  }
0x123: {  	[sflag:s28] =	ssyncset.done $0x0  }
0x124: {  	s20 =	simm.s32 $0x80;
	[sflag:s28] =	ssyncadd.s32 $0xFFFFE000  }
0x125: {  	[spmem:s30] =	stream.indirect.scatter.add.f32 [tilespmem:s13], [sflag:$0x1], $0x80, s20, s19, $0xb8;
	[tilespmem:$0x1EB80] =	vst v63  }
0x126: {  	v2 =	vld [tilespmem:$0x80];
	_ =	sdelay $0x7  }
0x127: {  	[tilespmem:v2+s8+$0x0] =	vst.idx.add.f32.msk $0xffff, v1  }
0x128: {  	v2 =	vld [tilespmem:$0x90];
	_ =	sdelay $0x7  }
0x129: {  	[tilespmem:v2+s8+$0x0] =	vst.idx.add.f32.msk $0xffff, v1  }
0x12a: {  	v2 =	vld [tilespmem:$0xA0];
	_ =	sdelay $0x7  }
0x12b: {  	[tilespmem:v2+s8+$0x0] =	vst.idx.add.f32.msk $0xffff, v1  }
0x12c: {  	v2 =	vld [tilespmem:$0xB0];
	_ =	sdelay $0x6  }
0x12d: {  	p1 =	seq.s32 s17, $0x980;
	s20 =	rddreg [dreg:$0x6]  }
0x12e: {  	p3 =	seq.s32 @!p1 s20, $0x1F;
	[tilespmem:v2+s8+$0x0] =	vst.idx.add.f32.msk $0xffff, v1  }
0x12f: {  	p2 =	por !p3, p1;
	_ =	swait.ge [sflag:s28], $0x2000  }
0x130: {  	s26 =	sshll.u32 s18, $0x3;
	s29 =	sadd.s32 @!p2 s17, s4;
	[sflag:s28] =	ssyncset.done $0x0  }
0x131: {  	s20 =	simm.s32 @!p2 $0x0;
	s21 =	sadd.s32 @!p2 $0x80, s29;
	[sflag:s28] =	ssyncadd.s32 $0xFFFFE000  }
0x132: {  	[tilespmem:s20], [sflag:$0x5] =	stream.linear.gather @!p2 [hbm4b:s21+s20], $0x40, $0x38;
	[tilespmem:$0x1EB80] =	vst v63  }
0x133: {  	p3 =	por p3, p1;
	s22 =	rddreg [dreg:$0x13];
	s21 =	sadd.s32 $0x8, s26  }
0x134: {  	s23 =	sadd.s32 @!p3 s17, s22;
	s22 =	simm.s32 @!p3 $0x0;
	s21 =	sshll.u32 @!p2 s21, $0x4  }
0x135: {  	[tilespmem:s22], [sflag:$0x5] =	stream.linear.gather @!p3 [hbm4b:s23+s22], $0x40, $0x38;
	[tilespmem:$0x1EB80] =	vst v63  }
0x136: {  	s24 =	sadd.s32 @!p2 s21, s5;
	s21 =	sadd.s32 @!p3 $0x10, s23  }
0x137: {  	s23 =	simm.s32 @!p1 $0x80;
	s24 =	smov.u32 @p2 s21;
	s21 =	simm.s32 @!p1 $0x0  }
0x138: {  	[tilespmem:s23], [sflag:$0x5] =	stream.linear.gather @!p1 [hbm4b:s24+s21], $0x40, $0x38;
	[tilespmem:$0x1EB80] =	vst v63  }
0x139: {  	_ =	swait.ge [sflag:s3], $0x40  }
0x13a: {  	[sflag:s3] =	ssyncset.done $0x0  }
0x13b: {  	[sflag:s3] =	ssyncadd.s32 $0xFFFFFFC0  }
0x13c: {  	_ =	swait.ge [sflag:s3], $0x40  }
0x13d: {  	[sflag:s3] =	ssyncset.done $0x0  }
0x13e: {  	s25 =	simm.s32 $0x400;
	[sflag:s3] =	ssyncadd.s32 $0xFFFFFFC0  }
0x13f: {  	[tilespmem:s13], [sflag:$0x1] =	stream.indirect.gather [hbm4b:s31+s19], $0x80, s25, s19, $0xb8;
	[tilespmem:$0x1EB80] =	vst v63  }
0x140: {  	_ =	swait.ge [sflag:s7], $0x2000  }
0x141: {  	[sflag:s7] =	ssyncset.done $0x0  }
0x142: {  	s24 =	simm.s32 $0x180;
	[sflag:s7] =	ssyncadd.s32 $0xFFFFE000  }
0x143: {  	[spmem:s30] =	stream.indirect.scatter.add.f32 [tilespmem:s0], [sflag:$0x2], $0x80, s24, s19, $0xb8;
	[tilespmem:$0x1EB80] =	vst v63  }
0x144: {  	v2 =	vld [tilespmem:$0x180];
	_ =	sdelay $0x7  }
0x145: {  	[tilespmem:v2+s8+$0x0] =	vst.idx.add.f32.msk $0xffff, v1  }
0x146: {  	v2 =	vld [tilespmem:$0x190];
	_ =	sdelay $0x7  }
0x147: {  	[tilespmem:v2+s8+$0x0] =	vst.idx.add.f32.msk $0xffff, v1  }
0x148: {  	v2 =	vld [tilespmem:$0x1A0];
	_ =	sdelay $0x7  }
0x149: {  	[tilespmem:v2+s8+$0x0] =	vst.idx.add.f32.msk $0xffff, v1  }
0x14a: {  	v2 =	vld [tilespmem:$0x1B0];
	_ =	sdelay $0x7  }
0x14b: {  	[tilespmem:v2+s8+$0x0] =	vst.idx.add.f32.msk $0xffff, v1  }
0x14c: {  	_ =	swait.ge [sflag:s7], $0x2000  }
0x14d: {  	[sflag:s7] =	ssyncset.done $0x0  }
0x14e: {  	s25 =	simm.s32 @!p2 $0x100;
	s24 =	sadd.s32 @!p2 $0x88, s29;
	[sflag:s7] =	ssyncadd.s32 $0xFFFFE000  }
0x14f: {  	[tilespmem:s25], [sflag:$0x6] =	stream.linear.gather @!p2 [hbm4b:s24+s20], $0x40, $0x38;
	[tilespmem:$0x1EB80] =	vst v63  }
0x150: {  	s24 =	rddreg [dreg:$0x19]  }
0x151: {  	s23 =	sadd.s32 $0x9, s26;
	s25 =	simm.s32 @!p3 $0x100;
	s24 =	sadd.s32 @!p3 s17, s24  }
0x152: {  	[tilespmem:s25], [sflag:$0x6] =	stream.linear.gather @!p3 [hbm4b:s24+s22], $0x40, $0x38;
	[tilespmem:$0x1EB80] =	vst v63  }
0x153: {  	s23 =	sshll.u32 @!p2 s23, $0x4;
	s24 =	rddreg [dreg:$0x18]  }
0x154: {  	s23 =	sadd.s32 @!p2 s23, s6;
	s24 =	sadd.s32 @!p3 s17, s24  }
0x155: {  	s23 =	smov.u32 @p2 s24;
	s24 =	simm.s32 @!p1 $0x180  }
0x156: {  	[tilespmem:s24], [sflag:$0x6] =	stream.linear.gather @!p1 [hbm4b:s23+s21], $0x40, $0x38;
	[tilespmem:$0x1EB80] =	vst v63  }
0x157: {  	_ =	swait.ge [sflag:s12], $0x40  }
0x158: {  	[sflag:s12] =	ssyncset.done $0x0  }
0x159: {  	[sflag:s12] =	ssyncadd.s32 $0xFFFFFFC0  }
0x15a: {  	_ =	swait.ge [sflag:s12], $0x40  }
0x15b: {  	[sflag:s12] =	ssyncset.done $0x0  }
0x15c: {  	s25 =	simm.s32 $0x500;
	[sflag:s12] =	ssyncadd.s32 $0xFFFFFFC0  }
0x15d: {  	[tilespmem:s0], [sflag:$0x2] =	stream.indirect.gather [hbm4b:s31+s19], $0x80, s25, s19, $0xb8;
	[tilespmem:$0x1EB80] =	vst v63  }
0x15e: {  	_ =	swait.ge [sflag:s9], $0x2000  }
0x15f: {  	[sflag:s9] =	ssyncset.done $0x0  }
0x160: {  	s24 =	simm.s32 $0x280;
	[sflag:s9] =	ssyncadd.s32 $0xFFFFE000  }
0x161: {  	[spmem:s30] =	stream.indirect.scatter.add.f32 [tilespmem:s10], [sflag:$0x3], $0x80, s24, s19, $0xb8;
	[tilespmem:$0x1EB80] =	vst v63  }
0x162: {  	v2 =	vld [tilespmem:$0x280];
	_ =	sdelay $0x7  }
0x163: {  	[tilespmem:v2+s8+$0x0] =	vst.idx.add.f32.msk $0xffff, v1  }
0x164: {  	v2 =	vld [tilespmem:$0x290];
	_ =	sdelay $0x7  }
0x165: {  	[tilespmem:v2+s8+$0x0] =	vst.idx.add.f32.msk $0xffff, v1  }
0x166: {  	v2 =	vld [tilespmem:$0x2A0];
	_ =	sdelay $0x7  }
0x167: {  	[tilespmem:v2+s8+$0x0] =	vst.idx.add.f32.msk $0xffff, v1  }
0x168: {  	v2 =	vld [tilespmem:$0x2B0];
	_ =	sdelay $0x7  }
0x169: {  	[tilespmem:v2+s8+$0x0] =	vst.idx.add.f32.msk $0xffff, v1  }
0x16a: {  	_ =	swait.ge [sflag:s9], $0x2000  }
0x16b: {  	[sflag:s9] =	ssyncset.done $0x0  }
0x16c: {  	s25 =	simm.s32 @!p2 $0x200;
	s24 =	sadd.s32 @!p2 $0xA0, s29;
	[sflag:s9] =	ssyncadd.s32 $0xFFFFE000  }
0x16d: {  	[tilespmem:s25], [sflag:$0x7] =	stream.linear.gather @!p2 [hbm4b:s24+s20], $0x40, $0x38;
	[tilespmem:$0x1EB80] =	vst v63  }
0x16e: {  	s23 =	sadd.s32 $0xA, s26;
	s24 =	rddreg [dreg:$0x14]  }
0x16f: {  	s23 =	sshll.u32 @!p2 s23, $0x4;
	s25 =	simm.s32 @!p3 $0x200;
	s24 =	sadd.s32 @!p3 s17, s24  }
0x170: {  	[tilespmem:s25], [sflag:$0x7] =	stream.linear.gather @!p3 [hbm4b:s24+s22], $0x40, $0x38;
	[tilespmem:$0x1EB80] =	vst v63  }
0x171: {  	s23 =	sadd.s32 @!p2 s23, s5;
	s24 =	sadd.s32 @!p3 $0x10, s24  }
0x172: {  	s23 =	smov.u32 @p2 s24;
	s24 =	simm.s32 @!p1 $0x280  }
0x173: {  	[tilespmem:s24], [sflag:$0x7] =	stream.linear.gather @!p1 [hbm4b:s23+s21], $0x40, $0x38;
	[tilespmem:$0x1EB80] =	vst v63  }
0x174: {  	_ =	swait.ge [sflag:s1], $0x40  }
0x175: {  	[sflag:s1] =	ssyncset.done $0x0  }
0x176: {  	[sflag:s1] =	ssyncadd.s32 $0xFFFFFFC0  }
0x177: {  	_ =	swait.ge [sflag:s1], $0x40  }
0x178: {  	[sflag:s1] =	ssyncset.done $0x0  }
0x179: {  	s25 =	simm.s32 $0x600;
	[sflag:s1] =	ssyncadd.s32 $0xFFFFFFC0  }
0x17a: {  	[tilespmem:s10], [sflag:$0x3] =	stream.indirect.gather [hbm4b:s31+s19], $0x80, s25, s19, $0xb8;
	[tilespmem:$0x1EB80] =	vst v63  }
0x17b: {  	_ =	swait.ge [sflag:s15], $0x2000  }
0x17c: {  	[sflag:s15] =	ssyncset.done $0x0  }
0x17d: {  	s24 =	simm.s32 $0x380;
	[sflag:s15] =	ssyncadd.s32 $0xFFFFE000  }
0x17e: {  	[spmem:s30] =	stream.indirect.scatter.add.f32 [tilespmem:s11], [sflag:$0x4], $0x80, s24, s19, $0xb8;
	[tilespmem:$0x1EB80] =	vst v63  }
0x17f: {  	v2 =	vld [tilespmem:$0x380];
	_ =	sdelay $0x7  }
0x180: {  	[tilespmem:v2+s8+$0x0] =	vst.idx.add.f32.msk $0xffff, v1  }
0x181: {  	v2 =	vld [tilespmem:$0x390];
	_ =	sdelay $0x7  }
0x182: {  	[tilespmem:v2+s8+$0x0] =	vst.idx.add.f32.msk $0xffff, v1  }
0x183: {  	v2 =	vld [tilespmem:$0x3A0];
	_ =	sdelay $0x7  }
0x184: {  	[tilespmem:v2+s8+$0x0] =	vst.idx.add.f32.msk $0xffff, v1  }
0x185: {  	v2 =	vld [tilespmem:$0x3B0];
	_ =	sdelay $0x7  }
0x186: {  	[tilespmem:v2+s8+$0x0] =	vst.idx.add.f32.msk $0xffff, v1  }
0x187: {  	_ =	swait.ge [sflag:s15], $0x2000  }
0x188: {  	[sflag:s15] =	ssyncset.done $0x0  }
0x189: {  	s25 =	simm.s32 @!p2 $0x300;
	s24 =	sadd.s32 @!p2 $0xA8, s29;
	[sflag:s15] =	ssyncadd.s32 $0xFFFFE000  }
0x18a: {  	[tilespmem:s25], [sflag:$0x8] =	stream.linear.gather @!p2 [hbm4b:s24+s20], $0x40, $0x38;
	[tilespmem:$0x1EB80] =	vst v63  }
0x18b: {  	s24 =	rddreg [dreg:$0x1b]  }
0x18c: {  	s23 =	sadd.s32 $0xB, s26;
	s25 =	simm.s32 @!p3 $0x300;
	s24 =	sadd.s32 @!p3 s17, s24  }
0x18d: {  	[tilespmem:s25], [sflag:$0x8] =	stream.linear.gather @!p3 [hbm4b:s24+s22], $0x40, $0x38;
	[tilespmem:$0x1EB80] =	vst v63  }
0x18e: {  	s23 =	sshll.u32 @!p2 s23, $0x4;
	s24 =	rddreg [dreg:$0x1a]  }
0x18f: {  	s23 =	sadd.s32 @!p2 s23, s6;
	s24 =	sadd.s32 @!p3 s17, s24  }
0x190: {  	s23 =	smov.u32 @p2 s24;
	s24 =	simm.s32 @!p1 $0x380  }
0x191: {  	[tilespmem:s24], [sflag:$0x8] =	stream.linear.gather @!p1 [hbm4b:s23+s21], $0x40, $0x38;
	[tilespmem:$0x1EB80] =	vst v63  }
0x192: {  	_ =	swait.ge [sflag:s16], $0x40  }
0x193: {  	[sflag:s16] =	ssyncset.done $0x0  }
0x194: {  	[sflag:s16] =	ssyncadd.s32 $0xFFFFFFC0  }
0x195: {  	_ =	swait.ge [sflag:s16], $0x40  }
0x196: {  	[sflag:s16] =	ssyncset.done $0x0  }
0x197: {  	s25 =	simm.s32 $0x700;
	[sflag:s16] =	ssyncadd.s32 $0xFFFFFFC0  }
0x198: {  	[tilespmem:s11], [sflag:$0x4] =	stream.indirect.gather [hbm4b:s31+s19], $0x80, s25, s19, $0xb8;
	[tilespmem:$0x1EB80] =	vst v63  }
0x199: {  	_ =	swait.ge [sflag:s28], $0x2000  }
0x19a: {  	[sflag:s28] =	ssyncset.done $0x0  }
0x19b: {  	s24 =	simm.s32 $0x480;
	[sflag:s28] =	ssyncadd.s32 $0xFFFFE000  }
0x19c: {  	[spmem:s30] =	stream.indirect.scatter.add.f32 [tilespmem:s13], [sflag:$0x1], $0x80, s24, s19, $0xb8;
	[tilespmem:$0x1EB80] =	vst v63  }
0x19d: {  	v2 =	vld [tilespmem:$0x480];
	_ =	sdelay $0x7  }
0x19e: {  	[tilespmem:v2+s8+$0x0] =	vst.idx.add.f32.msk $0xffff, v1  }
0x19f: {  	v2 =	vld [tilespmem:$0x490];
	_ =	sdelay $0x7  }
0x1a0: {  	[tilespmem:v2+s8+$0x0] =	vst.idx.add.f32.msk $0xffff, v1  }
0x1a1: {  	v2 =	vld [tilespmem:$0x4A0];
	_ =	sdelay $0x7  }
0x1a2: {  	[tilespmem:v2+s8+$0x0] =	vst.idx.add.f32.msk $0xffff, v1  }
0x1a3: {  	v2 =	vld [tilespmem:$0x4B0];
	_ =	sdelay $0x7  }
0x1a4: {  	[tilespmem:v2+s8+$0x0] =	vst.idx.add.f32.msk $0xffff, v1  }
0x1a5: {  	_ =	swait.ge [sflag:s28], $0x2000  }
0x1a6: {  	[sflag:s28] =	ssyncset.done $0x0  }
0x1a7: {  	s25 =	simm.s32 @!p2 $0x400;
	s24 =	sadd.s32 @!p2 $0xC0, s29;
	[sflag:s28] =	ssyncadd.s32 $0xFFFFE000  }
0x1a8: {  	[tilespmem:s25], [sflag:$0x9] =	stream.linear.gather @!p2 [hbm4b:s24+s20], $0x40, $0x38;
	[tilespmem:$0x1EB80] =	vst v63  }
0x1a9: {  	s23 =	sadd.s32 $0xC, s26;
	s24 =	rddreg [dreg:$0x15]  }
0x1aa: {  	s23 =	sshll.u32 @!p2 s23, $0x4;
	s25 =	simm.s32 @!p3 $0x400;
	s24 =	sadd.s32 @!p3 s17, s24  }
0x1ab: {  	[tilespmem:s25], [sflag:$0x9] =	stream.linear.gather @!p3 [hbm4b:s24+s22], $0x40, $0x38;
	[tilespmem:$0x1EB80] =	vst v63  }
0x1ac: {  	s23 =	sadd.s32 @!p2 s23, s5;
	s24 =	sadd.s32 @!p3 $0x10, s24  }
0x1ad: {  	s23 =	smov.u32 @p2 s24;
	s24 =	simm.s32 @!p1 $0x480  }
0x1ae: {  	[tilespmem:s24], [sflag:$0x9] =	stream.linear.gather @!p1 [hbm4b:s23+s21], $0x40, $0x38;
	[tilespmem:$0x1EB80] =	vst v63  }
0x1af: {  	s23 =	simm.s32 @!p1 $0x5  }
0x1b0: {  	_ =	swait.ge @!p1 [sflag:s23], $0x40  }
0x1b1: {  	[sflag:s23] =	ssyncset.done @!p1 $0x0  }
0x1b2: {  	[sflag:s23] =	ssyncadd.s32 @!p1 $0xFFFFFFC0  }
0x1b3: {  	_ =	swait.ge @!p1 [sflag:s23], $0x40  }
0x1b4: {  	[sflag:s23] =	ssyncset.done @!p1 $0x0  }
0x1b5: {  	s24 =	simm.s32 @!p1 $0x800;
	[sflag:s23] =	ssyncadd.s32 @!p1 $0xFFFFFFC0;
	s23 =	simm.s32 @!p1 $0x40  }
0x1b6: {  	[tilespmem:s24], [sflag:$0x1] =	stream.indirect.gather @!p1 [hbm4b:s31+s23], $0x80, s21, s23, $0xb8;
	[tilespmem:$0x1EB80] =	vst v63  }
0x1b7: {  	_ =	swait.ge [sflag:s7], $0x2000  }
0x1b8: {  	[sflag:s7] =	ssyncset.done $0x0  }
0x1b9: {  	s25 =	simm.s32 $0x580;
	[sflag:s7] =	ssyncadd.s32 $0xFFFFE000  }
0x1ba: {  	[spmem:s30] =	stream.indirect.scatter.add.f32 [tilespmem:s0], [sflag:$0x2], $0x80, s25, s19, $0xb8;
	[tilespmem:$0x1EB80] =	vst v63  }
0x1bb: {  	v2 =	vld [tilespmem:$0x580];
	_ =	sdelay $0x7  }
0x1bc: {  	[tilespmem:v2+s8+$0x0] =	vst.idx.add.f32.msk $0xffff, v1  }
0x1bd: {  	v2 =	vld [tilespmem:$0x590];
	_ =	sdelay $0x7  }
0x1be: {  	[tilespmem:v2+s8+$0x0] =	vst.idx.add.f32.msk $0xffff, v1  }
0x1bf: {  	v2 =	vld [tilespmem:$0x5A0];
	_ =	sdelay $0x7  }
0x1c0: {  	[tilespmem:v2+s8+$0x0] =	vst.idx.add.f32.msk $0xffff, v1  }
0x1c1: {  	v2 =	vld [tilespmem:$0x5B0];
	_ =	sdelay $0x7  }
0x1c2: {  	[tilespmem:v2+s8+$0x0] =	vst.idx.add.f32.msk $0xffff, v1  }
0x1c3: {  	_ =	swait.ge [sflag:s7], $0x2000  }
0x1c4: {  	[sflag:s7] =	ssyncset.done $0x0  }
0x1c5: {  	s24 =	sadd.s32 @!p2 $0xC8, s29;
	s25 =	simm.s32 @!p2 $0x500;
	[sflag:s7] =	ssyncadd.s32 $0xFFFFE000  }
0x1c6: {  	[tilespmem:s25], [sflag:$0xA] =	stream.linear.gather @!p2 [hbm4b:s24+s20], $0x40, $0x38;
	[tilespmem:$0x1EB80] =	vst v63  }
0x1c7: {  	s24 =	rddreg [dreg:$0x1d]  }
0x1c8: {  	s25 =	simm.s32 @!p3 $0x500;
	s24 =	sadd.s32 @!p3 s17, s24  }
0x1c9: {  	[tilespmem:s25], [sflag:$0xA] =	stream.linear.gather @!p3 [hbm4b:s24+s22], $0x40, $0x38;
	[tilespmem:$0x1EB80] =	vst v63  }
0x1ca: {  	s24 =	sadd.s32 $0xD, s26  }
0x1cb: {  	s25 =	rddreg [dreg:$0x1c];
	s24 =	sshll.u32 @!p2 s24, $0x4  }
0x1cc: {  	s25 =	sadd.s32 @!p3 s17, s25;
	s24 =	sadd.s32 @!p2 s24, s6  }
0x1cd: {  	s24 =	smov.u32 @p2 s25;
	s25 =	simm.s32 @!p1 $0x580  }
0x1ce: {  	[tilespmem:s25], [sflag:$0xA] =	stream.linear.gather @!p1 [hbm4b:s24+s21], $0x40, $0x38;
	[tilespmem:$0x1EB80] =	vst v63  }
0x1cf: {  	s24 =	simm.s32 @!p1 $0x6  }
0x1d0: {  	_ =	swait.ge @!p1 [sflag:s24], $0x40  }
0x1d1: {  	[sflag:s24] =	ssyncset.done @!p1 $0x0  }
0x1d2: {  	[sflag:s24] =	ssyncadd.s32 @!p1 $0xFFFFFFC0  }
0x1d3: {  	_ =	swait.ge @!p1 [sflag:s24], $0x40  }
0x1d4: {  	[sflag:s24] =	ssyncset.done @!p1 $0x0  }
0x1d5: {  	s25 =	simm.s32 @!p1 $0x2800;
	[sflag:s24] =	ssyncadd.s32 @!p1 $0xFFFFFFC0;
	s24 =	simm.s32 @!p1 $0x100  }
0x1d6: {  	[tilespmem:s25], [sflag:$0x2] =	stream.indirect.gather @!p1 [hbm4b:s31+s23], $0x80, s24, s23, $0xb8;
	[tilespmem:$0x1EB80] =	vst v63  }
0x1d7: {  	_ =	swait.ge [sflag:s9], $0x2000  }
0x1d8: {  	[sflag:s9] =	ssyncset.done $0x0  }
0x1d9: {  	s25 =	simm.s32 $0x680;
	[sflag:s9] =	ssyncadd.s32 $0xFFFFE000  }
0x1da: {  	[spmem:s30] =	stream.indirect.scatter.add.f32 [tilespmem:s10], [sflag:$0x3], $0x80, s25, s19, $0xb8;
	[tilespmem:$0x1EB80] =	vst v63  }
0x1db: {  	v2 =	vld [tilespmem:$0x680];
	_ =	sdelay $0x7  }
0x1dc: {  	[tilespmem:v2+s8+$0x0] =	vst.idx.add.f32.msk $0xffff, v1  }
0x1dd: {  	v2 =	vld [tilespmem:$0x690];
	_ =	sdelay $0x7  }
0x1de: {  	[tilespmem:v2+s8+$0x0] =	vst.idx.add.f32.msk $0xffff, v1  }
0x1df: {  	v2 =	vld [tilespmem:$0x6A0];
	_ =	sdelay $0x7  }
0x1e0: {  	[tilespmem:v2+s8+$0x0] =	vst.idx.add.f32.msk $0xffff, v1  }
0x1e1: {  	v2 =	vld [tilespmem:$0x6B0];
	_ =	sdelay $0x7  }
0x1e2: {  	[tilespmem:v2+s8+$0x0] =	vst.idx.add.f32.msk $0xffff, v1  }
0x1e3: {  	_ =	swait.ge [sflag:s9], $0x2000  }
0x1e4: {  	[sflag:s9] =	ssyncset.done $0x0  }
0x1e5: {  	s24 =	sadd.s32 @!p2 $0xE0, s29;
	s25 =	simm.s32 @!p2 $0x600;
	[sflag:s9] =	ssyncadd.s32 $0xFFFFE000  }
0x1e6: {  	[tilespmem:s25], [sflag:$0xB] =	stream.linear.gather @!p2 [hbm4b:s24+s20], $0x40, $0x38;
	[tilespmem:$0x1EB80] =	vst v63  }
0x1e7: {  	s20 =	rddreg [dreg:$0x16]  }
0x1e8: {  	s24 =	simm.s32 @!p3 $0x600;
	s20 =	sadd.s32 @!p3 s17, s20  }
0x1e9: {  	[tilespmem:s24], [sflag:$0xB] =	stream.linear.gather @!p3 [hbm4b:s20+s22], $0x40, $0x38;
	[tilespmem:$0x1EB80] =	vst v63  }
0x1ea: {  	s22 =	sadd.s32 $0xE, s26  }
0x1eb: {  	s22 =	sshll.u32 @!p2 s22, $0x4  }
0x1ec: {  	s20 =	sadd.s32 @!p3 $0x10, s20;
	s22 =	sadd.s32 @!p2 s22, s5  }
0x1ed: {  	s22 =	smov.u32 @p2 s20;
	s20 =	simm.s32 @!p1 $0x680  }
0x1ee: {  	[tilespmem:s20], [sflag:$0xB] =	stream.linear.gather @!p1 [hbm4b:s22+s21], $0x40, $0x38;
	[tilespmem:$0x1EB80] =	vst v63  }
0x1ef: {  	s20 =	simm.s32 @!p1 $0x7  }
0x1f0: {  	_ =	swait.ge @!p1 [sflag:s20], $0x40  }
0x1f1: {  	[sflag:s20] =	ssyncset.done @!p1 $0x0  }
0x1f2: {  	[sflag:s20] =	ssyncadd.s32 @!p1 $0xFFFFFFC0  }
0x1f3: {  	_ =	swait.ge @!p1 [sflag:s20], $0x40  }
0x1f4: {  	[sflag:s20] =	ssyncset.done @!p1 $0x0  }
0x1f5: {  	s21 =	simm.s32 @!p1 $0x4800;
	[sflag:s20] =	ssyncadd.s32 @!p1 $0xFFFFFFC0;
	s20 =	simm.s32 @!p1 $0x200  }
0x1f6: {  	[tilespmem:s21], [sflag:$0x3] =	stream.indirect.gather @!p1 [hbm4b:s31+s23], $0x80, s20, s23, $0xb8;
	[tilespmem:$0x1EB80] =	vst v63  }
0x1f7: {  	_ =	swait.ge [sflag:s15], $0x2000  }
0x1f8: {  	[sflag:s15] =	ssyncset.done $0x0  }
0x1f9: {  	[sflag:s15] =	ssyncadd.s32 $0xFFFFE000  }
0x1fa: {  	[spmem:s30] =	stream.indirect.scatter.add.f32 [tilespmem:s11], [sflag:$0x4], $0x80, s2, s19, $0xb8;
	[tilespmem:$0x1EB80] =	vst v63  }
0x1fb: {  	v2 =	vld [tilespmem:$0x780];
	_ =	sdelay $0x7  }
0x1fc: {  	[tilespmem:v2+s8+$0x0] =	vst.idx.add.f32.msk $0xffff, v1  }
0x1fd: {  	v2 =	vld [tilespmem:$0x790];
	_ =	sdelay $0x7  }
0x1fe: {  	[tilespmem:v2+s8+$0x0] =	vst.idx.add.f32.msk $0xffff, v1  }
0x1ff: {  	v2 =	vld [tilespmem:$0x7A0];
	_ =	sdelay $0x7  }
0x200: {  	[tilespmem:v2+s8+$0x0] =	vst.idx.add.f32.msk $0xffff, v1  }
0x201: {  	v2 =	vld [tilespmem:$0x7B0];
	_ =	sdelay $0x6  }
.Ltmp5:
0x202: {  	_ = 	snop;
	(pc) =	sbr.rel @p1 .LBB2_10-.Ltmp5, $4  }
0x203: {  	[tilespmem:v2+s8+$0x0] =	vst.idx.add.f32.msk $0xffff, v1  }
0x204: {  	_ =	swait.ge [sflag:s15], $0x2000  }
0x205: {  	[sflag:s15] =	ssyncset.done $0x0  }
0x206: {  	[sflag:s15] =	ssyncadd.s32 $0xFFFFE000  }
0x207: {  	s21 =	sadd.s32 @p0 s17, s4  }
0x208: {  	s22 =	simm.s32 @p0 $0x0;
	s23 =	simm.s32 @p0 $0x700;
	s21 =	sadd.s32 @p0 $0xE8, s21  }
0x209: {  	[tilespmem:s23], [sflag:$0xC] =	stream.linear.gather @p0 [hbm4b:s21+s22], $0x40, $0x38;
	[tilespmem:$0x1EB80] =	vst v63  }
0x20a: {  	s21 =	sld [smem:$0x7D0];
	_ =	sdelay $0x1  }
0x20b: {  	s20 =	sadd.s32 $0xF, s26  }
0x20c: {  	s22 =	simm.s32 @!p0 $0x0;
	s23 =	simm.s32 @!p0 $0x700;
	s21 =	sadd.s32 @!p0 s17, s21  }
0x20d: {  	[tilespmem:s23], [sflag:$0xC] =	stream.linear.gather @!p0 [hbm4b:s21+s22], $0x40, $0x38;
	[tilespmem:$0x1EB80] =	vst v63  }
0x20e: {  	s20 =	sshll.u32 @p0 s20, $0x4;
	s21 =	rddreg [dreg:$0x1e]  }
0x20f: {  	s20 =	sadd.s32 @p0 s20, s6;
	s21 =	sadd.s32 @!p0 s17, s21  }
0x210: {  	s26 =	simm.s32 $0x0;
	s21 =	smov.u32 @p0 s20  }
0x211: {  	[tilespmem:s2], [sflag:$0xC] =	stream.linear.gather [hbm4b:s21+s26], $0x40, $0x38;
	[tilespmem:$0x1EB80] =	vst v63  }
0x212: {  	_ =	swait.ge [sflag:s14], $0x40  }
0x213: {  	[sflag:s14] =	ssyncset.done $0x0  }
.Ltmp6:
0x214: {  	[sflag:s14] =	ssyncadd.s32 $0xFFFFFFC0;
	(pc) =	sbr.rel .LBB2_8-.Ltmp6, $4  }
0x215: {  	_ =	swait.ge [sflag:s14], $0x40  }
0x216: {  	s29 =	simm.s32 $0x300;
	[sflag:s14] =	ssyncset.done $0x0  }
0x217: {  	s18 =	sadd.s32 $0x1, s18;
	s17 =	sadd.s32 $0x80, s17;
	[sflag:s14] =	ssyncadd.s32 $0xFFFFFFC0  }
0x218: {  	[tilespmem:s11], [sflag:$0x4] =	stream.indirect.gather [hbm4b:s31+s19], $0x80, s29, s19, $0xb8;
	[tilespmem:$0x1EB80] =	vst v63  }
.LBB2_11:
0x219: {  	_ =	sfence.sel $0x180000  }
0x21a: {  	[bflag:$0x0] =	sbarrier.arrive $0xFFFF  }
0x21b: {  	_ =	strace $0x90000047  }
0x21c: {  	s0 =	stileid.u32;
	[bflag:$0x2] =	sbarrier.arrive $0xFFFF  }
0x21d: {  	p0 =	sne.s32 s0, $0x0;
	s0 =	rddreg [dreg:$0x5]  }
0x21e: {  	s0 =	sadd.s32 @!p0 $0x100000, s0  }
0x21f: {  	[sflag:s0] =	ssyncadd.tile.s32 @!p0 $0x1;
	_ =	shalt  }
.Lfunc_end2:
_tile_overlayer_lowered:
.L_overlay_start_2:
0x220: {  	(tag) =	ssettag $0x2  }
0x221: {  	s0 =	rddreg [dreg:$0x0];
	s2 =	stileid.u32  }
0x222: {  	s1 =	rddreg [dreg:$0x1];
	p0 =	sne.s32 s2, $0x0  }
0x223: {  	s3 =	rddreg [dreg:$0x2];
	[bflag:$0x3] =	sbarrier.arrive $0xFFFF;
	s2 =	simm.s32 @!p0 $0x1C0D  }
0x224: {  	[timem:s3], [sflag:s2] =	dma.local @!p0 [hbm:s0], s1  }
0x225: {  	s0 =	simm.s32 @!p0 $0xD  }
0x226: {  	_ =	swait.ge @!p0 [sflag:s0], s1  }
0x227: {  	s1 =	ssub.s32 @!p0 $0x0, s1;
	[sflag:s0] =	ssyncset.done @!p0 $0x0  }
0x228: {  	[sflag:s0] =	ssyncadd.s32 @!p0 s1  }
0x229: {  	[bflag:$0x3] =	sbarrier.arrive $0xFFFF  }
0x22a: {  	_ =	shalt  }

</sc_bundles>
